<compile_context>
chip_gen: v7x
topology: tpu7x:2x2x1
jax: 0.10.2.dev20260603
libtpu: 0.0.44.dev20260713+nightly
codegen_flags: <defaults>
</compile_context>

<pallas_src>
import jax
import jax.numpy as jnp
from jax.experimental import pallas as pl

N_PRE = 6000
N_POST = 2000
PAD = 6144
B = 512
NB = PAD // B
OUT_PAD = 2048
OB = OUT_PAD // B
IOU_THR = 0.7


def _nms_kernel(ad_ref, out_ref):
    ad = ad_ref[...]
    y1 = ad[0:1, :]
    x1 = ad[1:2, :]
    y2 = ad[2:3, :]
    x2 = ad[3:4, :]
    area = ad[4:5, :]
    s = ad[5:6, :]

    def rowf(v, b):
        return v[:, b * B:(b + 1) * B]

    rows = [[rowf(v, b) for v in (y1, x1, y2, x2, area)] for b in range(NB)]
    cols = [[r.reshape(B, 1) for r in rows[b]] for b in range(NB)]

    def iou_mask(bi, bj):
        y1i, x1i, y2i, x2i, ai = cols[bi]
        y1j, x1j, y2j, x2j, aj = rows[bj]
        yy1 = jnp.maximum(y1i, y1j)
        xx1 = jnp.maximum(x1i, x1j)
        yy2 = jnp.minimum(y2i, y2j)
        xx2 = jnp.minimum(x2i, x2j)
        inter = jnp.maximum(yy2 - yy1, 0.0) * jnp.maximum(xx2 - xx1, 0.0)
        return (inter > IOU_THR * (ai + aj - inter + 1e-9)).astype(jnp.float32)

    sup = [jnp.zeros((1, B), jnp.float32) for _ in range(NB)]
    keeps = []
    ri = jax.lax.broadcasted_iota(jnp.int32, (B, B), 0)
    ci = jax.lax.broadcasted_iota(jnp.int32, (B, B), 1)
    upper = (ci > ri).astype(jnp.float32)
    for bi in range(NB):
        m = iou_mask(bi, bi) * upper

        sup0 = sup[bi]

        def step(cur):
            hit = jnp.dot(1.0 - cur, m, preferred_element_type=jnp.float32)
            return jnp.maximum(sup0, (hit > 0.0).astype(jnp.float32))

        def cond(carry):
            cur, prev = carry
            return jnp.sum(jnp.abs(cur - prev)) > 0.0

        def body(carry):
            cur, _ = carry
            return step(cur), cur

        supi, _ = jax.lax.while_loop(cond, body, (step(sup0), sup0))
        keep_i = 1.0 - supi
        keeps.append(keep_i)
        if bi + 1 < NB:
            start = (bi + 1) * B
            y1i, x1i, y2i, x2i, ai = cols[bi]
            y1t = y1[:, start:]
            x1t = x1[:, start:]
            y2t = y2[:, start:]
            x2t = x2[:, start:]
            at = area[:, start:]
            yy1 = jnp.maximum(y1i, y1t)
            xx1 = jnp.maximum(x1i, x1t)
            yy2 = jnp.minimum(y2i, y2t)
            xx2 = jnp.minimum(x2i, x2t)
            inter = jnp.maximum(yy2 - yy1, 0.0) * jnp.maximum(xx2 - xx1, 0.0)
            mask = (inter > IOU_THR * (ai + at - inter + 1e-9)).astype(jnp.float32)
            hitt = jnp.dot(keep_i, mask, preferred_element_type=jnp.float32)
            contrib = (hitt > 0.0).astype(jnp.float32)
            for bj in range(bi + 1, NB):
                c = contrib[:, (bj - bi - 1) * B:(bj - bi) * B]
                sup[bj] = jnp.maximum(sup[bj], c)

    keep = jnp.concatenate(keeps, axis=0)
    gidx = (jax.lax.broadcasted_iota(jnp.int32, (NB, B), 0) * B
            + jax.lax.broadcasted_iota(jnp.int32, (NB, B), 1))
    valid = (gidx < N_PRE).astype(jnp.float32)
    keepv = keep * valid
    supv = (1.0 - keep) * valid

    lower_inc = (ri <= ci).astype(jnp.float32)
    inc_k = jnp.dot(keepv, lower_inc, preferred_element_type=jnp.float32)
    inc_s = jnp.dot(supv, lower_inc, preferred_element_type=jnp.float32)
    tk = jnp.sum(keepv, axis=1, keepdims=True)
    ts = jnp.sum(supv, axis=1, keepdims=True)
    off_k = jnp.zeros((1, 1), jnp.float32)
    off_s = jnp.zeros((1, 1), jnp.float32)
    offk_rows = []
    offs_rows = []
    for b in range(NB):
        offk_rows.append(off_k)
        offs_rows.append(off_s)
        off_k = off_k + tk[b:b + 1, :]
        off_s = off_s + ts[b:b + 1, :]
    offk = jnp.concatenate(offk_rows, axis=0)
    offs = jnp.concatenate(offs_rows, axis=0)
    ecs_k = inc_k - keepv + offk
    ecs_s = inc_s - supv + offs
    total_k = off_k

    rank = jnp.where(keepv > 0.5, ecs_k,
                     jnp.where(supv > 0.5, total_k + ecs_s, 1e9))

    vals = jnp.concatenate(
        [y1, x1, y2, x2, s, jnp.zeros((3, PAD), jnp.float32)], axis=0)

    for ob in range(OB):
        acc = jnp.zeros((8, B), jnp.float32)
        prow = (jax.lax.broadcasted_iota(jnp.int32, (1, B), 1)
                + ob * B).astype(jnp.float32)
        for sb in range(NB):
            rrow = rank[sb:sb + 1, :]
            inrange = ((rrow >= float(ob * B)) &
                       (rrow < float((ob + 1) * B)))
            need = jnp.sum(inrange.astype(jnp.float32)) > 0.0

            def hit_tile(acc=acc, rrow=rrow, sb=sb):
                rcol = rrow.reshape(B, 1)
                eq = (rcol == prow).astype(jnp.float32)
                v = vals[:, sb * B:(sb + 1) * B]
                vhi = v.astype(jnp.bfloat16).astype(jnp.float32)
                vlo = v - vhi
                return (acc
                        + jnp.dot(vhi, eq, preferred_element_type=jnp.float32)
                        + jnp.dot(vlo, eq, preferred_element_type=jnp.float32))

            acc = jax.lax.cond(need, hit_tile, lambda acc=acc: acc)
        out_ref[:, ob * B:(ob + 1) * B] = acc


def kernel(encoded_bboxes, anchors, scores):
    ha = anchors[:, 2] - anchors[:, 0]
    wa = anchors[:, 3] - anchors[:, 1]
    cya = anchors[:, 0] + 0.5 * ha
    cxa = anchors[:, 1] + 0.5 * wa
    ty, tx, th, tw = (encoded_bboxes[:, 0], encoded_bboxes[:, 1],
                      encoded_bboxes[:, 2], encoded_bboxes[:, 3])
    cy = ty * ha + cya
    cx = tx * wa + cxa
    h = jnp.exp(th) * ha
    w = jnp.exp(tw) * wa
    decoded = jnp.stack([cy - 0.5 * h, cx - 0.5 * w,
                         cy + 0.5 * h, cx + 0.5 * w], axis=1)
    _, idx = jax.lax.top_k(scores, N_PRE)
    sc = jnp.take(scores, idx, axis=0)
    b = jnp.take(decoded, idx, axis=0)
    area = (jnp.maximum(b[:, 2] - b[:, 0], 0.0)
            * jnp.maximum(b[:, 3] - b[:, 1], 0.0))
    ad = jnp.concatenate(
        [b.T, area.reshape(1, N_PRE), sc.reshape(1, N_PRE),
         jnp.zeros((2, N_PRE), jnp.float32)], axis=0)
    ad = jnp.pad(ad, ((0, 0), (0, PAD - N_PRE)))
    out = pl.pallas_call(
        _nms_kernel,
        out_shape=jax.ShapeDtypeStruct((8, OUT_PAD), jnp.float32),
    )(ad)
    boxes = out[:4, :N_POST].T
    out_sc = out[4, :N_POST]
    return boxes, out_sc

# --- scband reference (transcript-rebuilt; emitter-appended) ---
"""Pipeline reference for scband-rpnproposal-21784074125319 (READ-ONLY COPY).

The authoritative reference and input builder live on the scoring server;
editing this copy changes nothing except your own understanding.
"""

import jax, jax.numpy as jnp
import numpy as np

NUM_PRE_NMS_TEST = 6000
NUM_POST_NMS_TEST = 2000
IOU_THR = 0.7
N = 20000


def setup_inputs(seed: int = 0) -> dict:
    key = jax.random.key(seed)
    k1, k2, k3, k4, k5 = jax.random.split(key, 5)
    cy = jax.random.uniform(k1, (N,), minval=0.0, maxval=800.0)
    cx = jax.random.uniform(k2, (N,), minval=0.0, maxval=1200.0)
    h = jax.random.uniform(k3, (N,), minval=16.0, maxval=256.0)
    w = jax.random.uniform(k4, (N,), minval=16.0, maxval=256.0)
    anchors = jnp.stack([cy - 0.5 * h, cx - 0.5 * w, cy + 0.5 * h, cx + 0.5 * w], axis=1).astype(jnp.float32)
    ke, ks = jax.random.split(k5)
    encoded_bboxes = (jax.random.normal(ke, (N, 4)) * 0.1).astype(jnp.float32)
    scores = jax.random.normal(ks, (N,)).astype(jnp.float32)
    return {"encoded_bboxes": encoded_bboxes, "anchors": anchors, "scores": scores}


def decode_bbox(anchors, deltas):
    ha = anchors[:, 2] - anchors[:, 0]
    wa = anchors[:, 3] - anchors[:, 1]
    cya = anchors[:, 0] + 0.5 * ha
    cxa = anchors[:, 1] + 0.5 * wa
    ty, tx, th, tw = deltas[:, 0], deltas[:, 1], deltas[:, 2], deltas[:, 3]
    cy = ty * ha + cya
    cx = tx * wa + cxa
    h = jnp.exp(th) * ha
    w = jnp.exp(tw) * wa
    return jnp.stack([cy - 0.5 * h, cx - 0.5 * w, cy + 0.5 * h, cx + 0.5 * w], axis=1)


def nms_select(boxes, scores, max_out, iou_thr):
    n = boxes.shape[0]
    order = jnp.argsort(-scores)
    b = boxes[order]
    s = scores[order]
    y1, x1, y2, x2 = b[:, 0], b[:, 1], b[:, 2], b[:, 3]
    areas = jnp.maximum(y2 - y1, 0.0) * jnp.maximum(x2 - x1, 0.0)
    idxs = jnp.arange(n)

    def body(i, keep):
        yy1 = jnp.maximum(y1[i], y1)
        xx1 = jnp.maximum(x1[i], x1)
        yy2 = jnp.minimum(y2[i], y2)
        xx2 = jnp.minimum(x2[i], x2)
        inter = jnp.maximum(yy2 - yy1, 0.0) * jnp.maximum(xx2 - xx1, 0.0)
        iou = inter / (areas[i] + areas - inter + 1e-9)
        sup = (iou > iou_thr) & (idxs > i) & keep[i]
        return keep & (~sup)

    keep = jax.lax.fori_loop(0, n, body, jnp.ones((n,), dtype=bool))
    masked = jnp.where(keep, s, -jnp.inf)
    _, kidx = jax.lax.top_k(masked, max_out)
    return order[kidx]


def reference(encoded_bboxes, anchors, scores):
    decoded = decode_bbox(anchors, encoded_bboxes)
    n = scores.shape[0]
    k_pre = min(NUM_PRE_NMS_TEST, n)
    _, idx = jax.lax.top_k(scores, k_pre)
    decoded = jnp.take(decoded, idx, axis=0)
    sc = jnp.take(scores, idx, axis=0)
    k_post = min(NUM_POST_NMS_TEST, k_pre)
    sel = nms_select(jax.lax.stop_gradient(decoded), jax.lax.stop_gradient(sc), k_post, IOU_THR)
    return jnp.take(decoded, sel, axis=0), jnp.take(sc, sel, axis=0)

if __name__ == "__main__":
    import jax
    _d = setup_inputs()
    print(jax.jit(kernel)(*tuple(_d.values())))

</pallas_src>

<mosaic_0001>
module attributes {stable_mosaic.version = 14 : i64} {
  func.func @_nms_kernel(%arg0: memref<8x6144xf32, #tpu.memory_space<vmem>>, %arg1: memref<8x2048xf32, #tpu.memory_space<vmem>>) attributes {dimension_semantics = [], scalar_prefetch = 0 : i64, scratch_operands = 0 : i64, tpu.core_type = #tpu.core_type<tc>} {
    %get3A = arith.constant 0 : index
    %get3A_0 = arith.constant 0 : index
    %get3A_1 = vector.load %arg0[%get3A, %get3A_0] : memref<8x6144xf32, #tpu.memory_space<vmem>>, vector<8x6144xf32>
    %slice3A = vector.extract_strided_slice %get3A_1 {offsets = [0, 0], sizes = [1, 6144], strides = [1, 1]} : vector<8x6144xf32> to vector<1x6144xf32>
    %slice3A_2 = vector.extract_strided_slice %get3A_1 {offsets = [1, 0], sizes = [1, 6144], strides = [1, 1]} : vector<8x6144xf32> to vector<1x6144xf32>
    %slice3A_3 = vector.extract_strided_slice %get3A_1 {offsets = [2, 0], sizes = [1, 6144], strides = [1, 1]} : vector<8x6144xf32> to vector<1x6144xf32>
    %slice3A_4 = vector.extract_strided_slice %get3A_1 {offsets = [3, 0], sizes = [1, 6144], strides = [1, 1]} : vector<8x6144xf32> to vector<1x6144xf32>
    %slice3A_5 = vector.extract_strided_slice %get3A_1 {offsets = [4, 0], sizes = [1, 6144], strides = [1, 1]} : vector<8x6144xf32> to vector<1x6144xf32>
    %slice3A_6 = vector.extract_strided_slice %get3A_1 {offsets = [5, 0], sizes = [1, 6144], strides = [1, 1]} : vector<8x6144xf32> to vector<1x6144xf32>
    %slice3A_7 = vector.extract_strided_slice %slice3A {offsets = [0, 0], sizes = [1, 512], strides = [1, 1]} : vector<1x6144xf32> to vector<1x512xf32>
    %slice3A_8 = vector.extract_strided_slice %slice3A_2 {offsets = [0, 0], sizes = [1, 512], strides = [1, 1]} : vector<1x6144xf32> to vector<1x512xf32>
    %slice3A_9 = vector.extract_strided_slice %slice3A_3 {offsets = [0, 0], sizes = [1, 512], strides = [1, 1]} : vector<1x6144xf32> to vector<1x512xf32>
    %slice3A_10 = vector.extract_strided_slice %slice3A_4 {offsets = [0, 0], sizes = [1, 512], strides = [1, 1]} : vector<1x6144xf32> to vector<1x512xf32>
    %slice3A_11 = vector.extract_strided_slice %slice3A_5 {offsets = [0, 0], sizes = [1, 512], strides = [1, 1]} : vector<1x6144xf32> to vector<1x512xf32>
    %slice3A_12 = vector.extract_strided_slice %slice3A {offsets = [0, 512], sizes = [1, 512], strides = [1, 1]} : vector<1x6144xf32> to vector<1x512xf32>
    %slice3A_13 = vector.extract_strided_slice %slice3A_2 {offsets = [0, 512], sizes = [1, 512], strides = [1, 1]} : vector<1x6144xf32> to vector<1x512xf32>
    %slice3A_14 = vector.extract_strided_slice %slice3A_3 {offsets = [0, 512], sizes = [1, 512], strides = [1, 1]} : vector<1x6144xf32> to vector<1x512xf32>
    %slice3A_15 = vector.extract_strided_slice %slice3A_4 {offsets = [0, 512], sizes = [1, 512], strides = [1, 1]} : vector<1x6144xf32> to vector<1x512xf32>
    %slice3A_16 = vector.extract_strided_slice %slice3A_5 {offsets = [0, 512], sizes = [1, 512], strides = [1, 1]} : vector<1x6144xf32> to vector<1x512xf32>
    %slice3A_17 = vector.extract_strided_slice %slice3A {offsets = [0, 1024], sizes = [1, 512], strides = [1, 1]} : vector<1x6144xf32> to vector<1x512xf32>
    %slice3A_18 = vector.extract_strided_slice %slice3A_2 {offsets = [0, 1024], sizes = [1, 512], strides = [1, 1]} : vector<1x6144xf32> to vector<1x512xf32>
    %slice3A_19 = vector.extract_strided_slice %slice3A_3 {offsets = [0, 1024], sizes = [1, 512], strides = [1, 1]} : vector<1x6144xf32> to vector<1x512xf32>
    %slice3A_20 = vector.extract_strided_slice %slice3A_4 {offsets = [0, 1024], sizes = [1, 512], strides = [1, 1]} : vector<1x6144xf32> to vector<1x512xf32>
    %slice3A_21 = vector.extract_strided_slice %slice3A_5 {offsets = [0, 1024], sizes = [1, 512], strides = [1, 1]} : vector<1x6144xf32> to vector<1x512xf32>
    %slice3A_22 = vector.extract_strided_slice %slice3A {offsets = [0, 1536], sizes = [1, 512], strides = [1, 1]} : vector<1x6144xf32> to vector<1x512xf32>
    %slice3A_23 = vector.extract_strided_slice %slice3A_2 {offsets = [0, 1536], sizes = [1, 512], strides = [1, 1]} : vector<1x6144xf32> to vector<1x512xf32>
    %slice3A_24 = vector.extract_strided_slice %slice3A_3 {offsets = [0, 1536], sizes = [1, 512], strides = [1, 1]} : vector<1x6144xf32> to vector<1x512xf32>
    %slice3A_25 = vector.extract_strided_slice %slice3A_4 {offsets = [0, 1536], sizes = [1, 512], strides = [1, 1]} : vector<1x6144xf32> to vector<1x512xf32>
    %slice3A_26 = vector.extract_strided_slice %slice3A_5 {offsets = [0, 1536], sizes = [1, 512], strides = [1, 1]} : vector<1x6144xf32> to vector<1x512xf32>
    %slice3A_27 = vector.extract_strided_slice %slice3A {offsets = [0, 2048], sizes = [1, 512], strides = [1, 1]} : vector<1x6144xf32> to vector<1x512xf32>
    %slice3A_28 = vector.extract_strided_slice %slice3A_2 {offsets = [0, 2048], sizes = [1, 512], strides = [1, 1]} : vector<1x6144xf32> to vector<1x512xf32>
    %slice3A_29 = vector.extract_strided_slice %slice3A_3 {offsets = [0, 2048], sizes = [1, 512], strides = [1, 1]} : vector<1x6144xf32> to vector<1x512xf32>
    %slice3A_30 = vector.extract_strided_slice %slice3A_4 {offsets = [0, 2048], sizes = [1, 512], strides = [1, 1]} : vector<1x6144xf32> to vector<1x512xf32>
    %slice3A_31 = vector.extract_strided_slice %slice3A_5 {offsets = [0, 2048], sizes = [1, 512], strides = [1, 1]} : vector<1x6144xf32> to vector<1x512xf32>
    %slice3A_32 = vector.extract_strided_slice %slice3A {offsets = [0, 2560], sizes = [1, 512], strides = [1, 1]} : vector<1x6144xf32> to vector<1x512xf32>
    %slice3A_33 = vector.extract_strided_slice %slice3A_2 {offsets = [0, 2560], sizes = [1, 512], strides = [1, 1]} : vector<1x6144xf32> to vector<1x512xf32>
    %slice3A_34 = vector.extract_strided_slice %slice3A_3 {offsets = [0, 2560], sizes = [1, 512], strides = [1, 1]} : vector<1x6144xf32> to vector<1x512xf32>
    %slice3A_35 = vector.extract_strided_slice %slice3A_4 {offsets = [0, 2560], sizes = [1, 512], strides = [1, 1]} : vector<1x6144xf32> to vector<1x512xf32>
    %slice3A_36 = vector.extract_strided_slice %slice3A_5 {offsets = [0, 2560], sizes = [1, 512], strides = [1, 1]} : vector<1x6144xf32> to vector<1x512xf32>
    %slice3A_37 = vector.extract_strided_slice %slice3A {offsets = [0, 3072], sizes = [1, 512], strides = [1, 1]} : vector<1x6144xf32> to vector<1x512xf32>
    %slice3A_38 = vector.extract_strided_slice %slice3A_2 {offsets = [0, 3072], sizes = [1, 512], strides = [1, 1]} : vector<1x6144xf32> to vector<1x512xf32>
    %slice3A_39 = vector.extract_strided_slice %slice3A_3 {offsets = [0, 3072], sizes = [1, 512], strides = [1, 1]} : vector<1x6144xf32> to vector<1x512xf32>
    %slice3A_40 = vector.extract_strided_slice %slice3A_4 {offsets = [0, 3072], sizes = [1, 512], strides = [1, 1]} : vector<1x6144xf32> to vector<1x512xf32>
    %slice3A_41 = vector.extract_strided_slice %slice3A_5 {offsets = [0, 3072], sizes = [1, 512], strides = [1, 1]} : vector<1x6144xf32> to vector<1x512xf32>
    %slice3A_42 = vector.extract_strided_slice %slice3A {offsets = [0, 3584], sizes = [1, 512], strides = [1, 1]} : vector<1x6144xf32> to vector<1x512xf32>
    %slice3A_43 = vector.extract_strided_slice %slice3A_2 {offsets = [0, 3584], sizes = [1, 512], strides = [1, 1]} : vector<1x6144xf32> to vector<1x512xf32>
    %slice3A_44 = vector.extract_strided_slice %slice3A_3 {offsets = [0, 3584], sizes = [1, 512], strides = [1, 1]} : vector<1x6144xf32> to vector<1x512xf32>
    %slice3A_45 = vector.extract_strided_slice %slice3A_4 {offsets = [0, 3584], sizes = [1, 512], strides = [1, 1]} : vector<1x6144xf32> to vector<1x512xf32>
    %slice3A_46 = vector.extract_strided_slice %slice3A_5 {offsets = [0, 3584], sizes = [1, 512], strides = [1, 1]} : vector<1x6144xf32> to vector<1x512xf32>
    %slice3A_47 = vector.extract_strided_slice %slice3A {offsets = [0, 4096], sizes = [1, 512], strides = [1, 1]} : vector<1x6144xf32> to vector<1x512xf32>
    %slice3A_48 = vector.extract_strided_slice %slice3A_2 {offsets = [0, 4096], sizes = [1, 512], strides = [1, 1]} : vector<1x6144xf32> to vector<1x512xf32>
    %slice3A_49 = vector.extract_strided_slice %slice3A_3 {offsets = [0, 4096], sizes = [1, 512], strides = [1, 1]} : vector<1x6144xf32> to vector<1x512xf32>
    %slice3A_50 = vector.extract_strided_slice %slice3A_4 {offsets = [0, 4096], sizes = [1, 512], strides = [1, 1]} : vector<1x6144xf32> to vector<1x512xf32>
    %slice3A_51 = vector.extract_strided_slice %slice3A_5 {offsets = [0, 4096], sizes = [1, 512], strides = [1, 1]} : vector<1x6144xf32> to vector<1x512xf32>
    %slice3A_52 = vector.extract_strided_slice %slice3A {offsets = [0, 4608], sizes = [1, 512], strides = [1, 1]} : vector<1x6144xf32> to vector<1x512xf32>
    %slice3A_53 = vector.extract_strided_slice %slice3A_2 {offsets = [0, 4608], sizes = [1, 512], strides = [1, 1]} : vector<1x6144xf32> to vector<1x512xf32>
    %slice3A_54 = vector.extract_strided_slice %slice3A_3 {offsets = [0, 4608], sizes = [1, 512], strides = [1, 1]} : vector<1x6144xf32> to vector<1x512xf32>
    %slice3A_55 = vector.extract_strided_slice %slice3A_4 {offsets = [0, 4608], sizes = [1, 512], strides = [1, 1]} : vector<1x6144xf32> to vector<1x512xf32>
    %slice3A_56 = vector.extract_strided_slice %slice3A_5 {offsets = [0, 4608], sizes = [1, 512], strides = [1, 1]} : vector<1x6144xf32> to vector<1x512xf32>
    %slice3A_57 = vector.extract_strided_slice %slice3A {offsets = [0, 5120], sizes = [1, 512], strides = [1, 1]} : vector<1x6144xf32> to vector<1x512xf32>
    %slice3A_58 = vector.extract_strided_slice %slice3A_2 {offsets = [0, 5120], sizes = [1, 512], strides = [1, 1]} : vector<1x6144xf32> to vector<1x512xf32>
    %slice3A_59 = vector.extract_strided_slice %slice3A_3 {offsets = [0, 5120], sizes = [1, 512], strides = [1, 1]} : vector<1x6144xf32> to vector<1x512xf32>
    %slice3A_60 = vector.extract_strided_slice %slice3A_4 {offsets = [0, 5120], sizes = [1, 512], strides = [1, 1]} : vector<1x6144xf32> to vector<1x512xf32>
    %slice3A_61 = vector.extract_strided_slice %slice3A_5 {offsets = [0, 5120], sizes = [1, 512], strides = [1, 1]} : vector<1x6144xf32> to vector<1x512xf32>
    %slice3A_62 = vector.extract_strided_slice %slice3A {offsets = [0, 5632], sizes = [1, 512], strides = [1, 1]} : vector<1x6144xf32> to vector<1x512xf32>
    %slice3A_63 = vector.extract_strided_slice %slice3A_2 {offsets = [0, 5632], sizes = [1, 512], strides = [1, 1]} : vector<1x6144xf32> to vector<1x512xf32>
    %slice3A_64 = vector.extract_strided_slice %slice3A_3 {offsets = [0, 5632], sizes = [1, 512], strides = [1, 1]} : vector<1x6144xf32> to vector<1x512xf32>
    %slice3A_65 = vector.extract_strided_slice %slice3A_4 {offsets = [0, 5632], sizes = [1, 512], strides = [1, 1]} : vector<1x6144xf32> to vector<1x512xf32>
    %slice3A_66 = vector.extract_strided_slice %slice3A_5 {offsets = [0, 5632], sizes = [1, 512], strides = [1, 1]} : vector<1x6144xf32> to vector<1x512xf32>
    %reshape3A = vector.shape_cast %slice3A_7 : vector<1x512xf32> to vector<512x1xf32>
    %reshape3A_67 = vector.shape_cast %slice3A_8 : vector<1x512xf32> to vector<512x1xf32>
    %reshape3A_68 = vector.shape_cast %slice3A_9 : vector<1x512xf32> to vector<512x1xf32>
    %reshape3A_69 = vector.shape_cast %slice3A_10 : vector<1x512xf32> to vector<512x1xf32>
    %reshape3A_70 = vector.shape_cast %slice3A_11 : vector<1x512xf32> to vector<512x1xf32>
    %reshape3A_71 = vector.shape_cast %slice3A_12 : vector<1x512xf32> to vector<512x1xf32>
    %reshape3A_72 = vector.shape_cast %slice3A_13 : vector<1x512xf32> to vector<512x1xf32>
    %reshape3A_73 = vector.shape_cast %slice3A_14 : vector<1x512xf32> to vector<512x1xf32>
    %reshape3A_74 = vector.shape_cast %slice3A_15 : vector<1x512xf32> to vector<512x1xf32>
    %reshape3A_75 = vector.shape_cast %slice3A_16 : vector<1x512xf32> to vector<512x1xf32>
    %reshape3A_76 = vector.shape_cast %slice3A_17 : vector<1x512xf32> to vector<512x1xf32>
    %reshape3A_77 = vector.shape_cast %slice3A_18 : vector<1x512xf32> to vector<512x1xf32>
    %reshape3A_78 = vector.shape_cast %slice3A_19 : vector<1x512xf32> to vector<512x1xf32>
    %reshape3A_79 = vector.shape_cast %slice3A_20 : vector<1x512xf32> to vector<512x1xf32>
    %reshape3A_80 = vector.shape_cast %slice3A_21 : vector<1x512xf32> to vector<512x1xf32>
    %reshape3A_81 = vector.shape_cast %slice3A_22 : vector<1x512xf32> to vector<512x1xf32>
    %reshape3A_82 = vector.shape_cast %slice3A_23 : vector<1x512xf32> to vector<512x1xf32>
    %reshape3A_83 = vector.shape_cast %slice3A_24 : vector<1x512xf32> to vector<512x1xf32>
    %reshape3A_84 = vector.shape_cast %slice3A_25 : vector<1x512xf32> to vector<512x1xf32>
    %reshape3A_85 = vector.shape_cast %slice3A_26 : vector<1x512xf32> to vector<512x1xf32>
    %reshape3A_86 = vector.shape_cast %slice3A_27 : vector<1x512xf32> to vector<512x1xf32>
    %reshape3A_87 = vector.shape_cast %slice3A_28 : vector<1x512xf32> to vector<512x1xf32>
    %reshape3A_88 = vector.shape_cast %slice3A_29 : vector<1x512xf32> to vector<512x1xf32>
    %reshape3A_89 = vector.shape_cast %slice3A_30 : vector<1x512xf32> to vector<512x1xf32>
    %reshape3A_90 = vector.shape_cast %slice3A_31 : vector<1x512xf32> to vector<512x1xf32>
    %reshape3A_91 = vector.shape_cast %slice3A_32 : vector<1x512xf32> to vector<512x1xf32>
    %reshape3A_92 = vector.shape_cast %slice3A_33 : vector<1x512xf32> to vector<512x1xf32>
    %reshape3A_93 = vector.shape_cast %slice3A_34 : vector<1x512xf32> to vector<512x1xf32>
    %reshape3A_94 = vector.shape_cast %slice3A_35 : vector<1x512xf32> to vector<512x1xf32>
    %reshape3A_95 = vector.shape_cast %slice3A_36 : vector<1x512xf32> to vector<512x1xf32>
    %reshape3A_96 = vector.shape_cast %slice3A_37 : vector<1x512xf32> to vector<512x1xf32>
    %reshape3A_97 = vector.shape_cast %slice3A_38 : vector<1x512xf32> to vector<512x1xf32>
    %reshape3A_98 = vector.shape_cast %slice3A_39 : vector<1x512xf32> to vector<512x1xf32>
    %reshape3A_99 = vector.shape_cast %slice3A_40 : vector<1x512xf32> to vector<512x1xf32>
    %reshape3A_100 = vector.shape_cast %slice3A_41 : vector<1x512xf32> to vector<512x1xf32>
    %reshape3A_101 = vector.shape_cast %slice3A_42 : vector<1x512xf32> to vector<512x1xf32>
    %reshape3A_102 = vector.shape_cast %slice3A_43 : vector<1x512xf32> to vector<512x1xf32>
    %reshape3A_103 = vector.shape_cast %slice3A_44 : vector<1x512xf32> to vector<512x1xf32>
    %reshape3A_104 = vector.shape_cast %slice3A_45 : vector<1x512xf32> to vector<512x1xf32>
    %reshape3A_105 = vector.shape_cast %slice3A_46 : vector<1x512xf32> to vector<512x1xf32>
    %reshape3A_106 = vector.shape_cast %slice3A_47 : vector<1x512xf32> to vector<512x1xf32>
    %reshape3A_107 = vector.shape_cast %slice3A_48 : vector<1x512xf32> to vector<512x1xf32>
    %reshape3A_108 = vector.shape_cast %slice3A_49 : vector<1x512xf32> to vector<512x1xf32>
    %reshape3A_109 = vector.shape_cast %slice3A_50 : vector<1x512xf32> to vector<512x1xf32>
    %reshape3A_110 = vector.shape_cast %slice3A_51 : vector<1x512xf32> to vector<512x1xf32>
    %reshape3A_111 = vector.shape_cast %slice3A_52 : vector<1x512xf32> to vector<512x1xf32>
    %reshape3A_112 = vector.shape_cast %slice3A_53 : vector<1x512xf32> to vector<512x1xf32>
    %reshape3A_113 = vector.shape_cast %slice3A_54 : vector<1x512xf32> to vector<512x1xf32>
    %reshape3A_114 = vector.shape_cast %slice3A_55 : vector<1x512xf32> to vector<512x1xf32>
    %reshape3A_115 = vector.shape_cast %slice3A_56 : vector<1x512xf32> to vector<512x1xf32>
    %reshape3A_116 = vector.shape_cast %slice3A_57 : vector<1x512xf32> to vector<512x1xf32>
    %reshape3A_117 = vector.shape_cast %slice3A_58 : vector<1x512xf32> to vector<512x1xf32>
    %reshape3A_118 = vector.shape_cast %slice3A_59 : vector<1x512xf32> to vector<512x1xf32>
    %reshape3A_119 = vector.shape_cast %slice3A_60 : vector<1x512xf32> to vector<512x1xf32>
    %reshape3A_120 = vector.shape_cast %slice3A_61 : vector<1x512xf32> to vector<512x1xf32>
    %reshape3A_121 = vector.shape_cast %slice3A_62 : vector<1x512xf32> to vector<512x1xf32>
    %reshape3A_122 = vector.shape_cast %slice3A_63 : vector<1x512xf32> to vector<512x1xf32>
    %reshape3A_123 = vector.shape_cast %slice3A_64 : vector<1x512xf32> to vector<512x1xf32>
    %reshape3A_124 = vector.shape_cast %slice3A_65 : vector<1x512xf32> to vector<512x1xf32>
    %reshape3A_125 = vector.shape_cast %slice3A_66 : vector<1x512xf32> to vector<512x1xf32>
    %broadcast_in_dim3A = arith.constant 0.000000e+00 : f32
    %broadcast_in_dim3A_126 = vector.broadcast %broadcast_in_dim3A : f32 to vector<1x512xf32>
    %broadcast_in_dim3A_127 = arith.constant 0.000000e+00 : f32
    %broadcast_in_dim3A_128 = vector.broadcast %broadcast_in_dim3A_127 : f32 to vector<1x512xf32>
    %broadcast_in_dim3A_129 = arith.constant 0.000000e+00 : f32
    %broadcast_in_dim3A_130 = vector.broadcast %broadcast_in_dim3A_129 : f32 to vector<1x512xf32>
    %broadcast_in_dim3A_131 = arith.constant 0.000000e+00 : f32
    %broadcast_in_dim3A_132 = vector.broadcast %broadcast_in_dim3A_131 : f32 to vector<1x512xf32>
    %broadcast_in_dim3A_133 = arith.constant 0.000000e+00 : f32
    %broadcast_in_dim3A_134 = vector.broadcast %broadcast_in_dim3A_133 : f32 to vector<1x512xf32>
    %broadcast_in_dim3A_135 = arith.constant 0.000000e+00 : f32
    %broadcast_in_dim3A_136 = vector.broadcast %broadcast_in_dim3A_135 : f32 to vector<1x512xf32>
    %broadcast_in_dim3A_137 = arith.constant 0.000000e+00 : f32
    %broadcast_in_dim3A_138 = vector.broadcast %broadcast_in_dim3A_137 : f32 to vector<1x512xf32>
    %broadcast_in_dim3A_139 = arith.constant 0.000000e+00 : f32
    %broadcast_in_dim3A_140 = vector.broadcast %broadcast_in_dim3A_139 : f32 to vector<1x512xf32>
    %broadcast_in_dim3A_141 = arith.constant 0.000000e+00 : f32
    %broadcast_in_dim3A_142 = vector.broadcast %broadcast_in_dim3A_141 : f32 to vector<1x512xf32>
    %broadcast_in_dim3A_143 = arith.constant 0.000000e+00 : f32
    %broadcast_in_dim3A_144 = vector.broadcast %broadcast_in_dim3A_143 : f32 to vector<1x512xf32>
    %broadcast_in_dim3A_145 = arith.constant 0.000000e+00 : f32
    %broadcast_in_dim3A_146 = vector.broadcast %broadcast_in_dim3A_145 : f32 to vector<1x512xf32>
    %broadcast_in_dim3A_147 = arith.constant 0.000000e+00 : f32
    %broadcast_in_dim3A_148 = vector.broadcast %broadcast_in_dim3A_147 : f32 to vector<1x512xf32>
    %iota3A = tpu.iota {dimensions = array<i32: 0>} : vector<512x512xi32>
    %iota3A_149 = tpu.iota {dimensions = array<i32: 1>} : vector<512x512xi32>
    %gt3A = arith.cmpi sgt, %iota3A_149, %iota3A : vector<512x512xi32>
    %convert_element_type3A = arith.extui %gt3A : vector<512x512xi1> to vector<512x512xi32>
    %convert_element_type3A_150 = arith.sitofp %convert_element_type3A : vector<512x512xi32> to vector<512x512xf32>
    %max3A = vector.broadcast %reshape3A : vector<512x1xf32> to vector<512x512xf32>
    %max3A_151 = vector.broadcast %slice3A_7 : vector<1x512xf32> to vector<512x512xf32>
    %max3A_152 = arith.maximumf %max3A, %max3A_151 : vector<512x512xf32>
    %max3A_153 = vector.broadcast %reshape3A_67 : vector<512x1xf32> to vector<512x512xf32>
    %max3A_154 = vector.broadcast %slice3A_8 : vector<1x512xf32> to vector<512x512xf32>
    %max3A_155 = arith.maximumf %max3A_153, %max3A_154 : vector<512x512xf32>
    %min3A = vector.broadcast %reshape3A_68 : vector<512x1xf32> to vector<512x512xf32>
    %min3A_156 = vector.broadcast %slice3A_9 : vector<1x512xf32> to vector<512x512xf32>
    %min3A_157 = arith.minimumf %min3A, %min3A_156 : vector<512x512xf32>
    %min3A_158 = vector.broadcast %reshape3A_69 : vector<512x1xf32> to vector<512x512xf32>
    %min3A_159 = vector.broadcast %slice3A_10 : vector<1x512xf32> to vector<512x512xf32>
    %min3A_160 = arith.minimumf %min3A_158, %min3A_159 : vector<512x512xf32>
    %sub3A = arith.subf %min3A_157, %max3A_152 : vector<512x512xf32>
    %max3A_161 = arith.constant 0.000000e+00 : f32
    %max3A_162 = vector.broadcast %max3A_161 : f32 to vector<512x512xf32>
    %max3A_163 = arith.maximumf %sub3A, %max3A_162 : vector<512x512xf32>
    %sub3A_164 = arith.subf %min3A_160, %max3A_155 : vector<512x512xf32>
    %max3A_165 = arith.constant 0.000000e+00 : f32
    %max3A_166 = vector.broadcast %max3A_165 : f32 to vector<512x512xf32>
    %max3A_167 = arith.maximumf %sub3A_164, %max3A_166 : vector<512x512xf32>
    %mul3A = arith.mulf %max3A_163, %max3A_167 : vector<512x512xf32>
    %add3A = vector.broadcast %reshape3A_70 : vector<512x1xf32> to vector<512x512xf32>
    %add3A_168 = vector.broadcast %slice3A_11 : vector<1x512xf32> to vector<512x512xf32>
    %add3A_169 = arith.addf %add3A, %add3A_168 : vector<512x512xf32>
    %sub3A_170 = arith.subf %add3A_169, %mul3A : vector<512x512xf32>
    %add3A_171 = arith.constant 9.99999971E-10 : f32
    %add3A_172 = vector.broadcast %add3A_171 : f32 to vector<512x512xf32>
    %add3A_173 = arith.addf %sub3A_170, %add3A_172 : vector<512x512xf32>
    %mul3A_174 = arith.constant 0.699999988 : f32
    %mul3A_175 = vector.broadcast %mul3A_174 : f32 to vector<512x512xf32>
    %mul3A_176 = arith.mulf %mul3A_175, %add3A_173 : vector<512x512xf32>
    %gt3A_177 = arith.cmpf ogt, %mul3A, %mul3A_176 : vector<512x512xf32>
    %convert_element_type3A_178 = arith.extui %gt3A_177 : vector<512x512xi1> to vector<512x512xi32>
    %convert_element_type3A_179 = arith.sitofp %convert_element_type3A_178 : vector<512x512xi32> to vector<512x512xf32>
    %mul3A_180 = arith.mulf %convert_element_type3A_179, %convert_element_type3A_150 : vector<512x512xf32>
    %sub3A_181 = arith.constant 1.000000e+00 : f32
    %sub3A_182 = vector.broadcast %sub3A_181 : f32 to vector<1x512xf32>
    %sub3A_183 = arith.subf %sub3A_182, %broadcast_in_dim3A_126 : vector<1x512xf32>
    %dot_general3A = arith.constant dense<0.000000e+00> : vector<1x512xf32>
    %dot_general3A_184 = tpu.matmul %sub3A_183, %mul3A_180, %dot_general3A {dimension_numbers = #tpu.dot_dimension_numbers<[1], [0], [0], [1], [0, 0, 1, 1], [], []>, transpose_lhs_hint = false} : vector<1x512xf32>, vector<512x512xf32>, vector<1x512xf32> -> vector<1x512xf32>
    %gt3A_185 = arith.constant 0.000000e+00 : f32
    %gt3A_186 = vector.broadcast %gt3A_185 : f32 to vector<1x512xf32>
    %gt3A_187 = arith.cmpf ogt, %dot_general3A_184, %gt3A_186 : vector<1x512xf32>
    %convert_element_type3A_188 = arith.extui %gt3A_187 : vector<1x512xi1> to vector<1x512xi32>
    %convert_element_type3A_189 = arith.sitofp %convert_element_type3A_188 : vector<1x512xi32> to vector<1x512xf32>
    %max3A_190 = arith.maximumf %broadcast_in_dim3A_126, %convert_element_type3A_189 : vector<1x512xf32>
    %while3A:2 = scf.while (%while3A_2522 = %max3A_190, %while3A_2523 = %broadcast_in_dim3A_126) : (vector<1x512xf32>, vector<1x512xf32>) -> (vector<1x512xf32>, vector<1x512xf32>) {
      %sub3A_2524 = arith.subf %while3A_2522, %while3A_2523 : vector<1x512xf32>
      %abs3A = math.absf %sub3A_2524 : vector<1x512xf32>
      %reduce_sum3A_2525 = vector.shape_cast %abs3A : vector<1x512xf32> to vector<1x1x512xf32>
      %reduce_sum3A_2526 = arith.constant dense<0.000000e+00> : vector<1xf32>
      %reduce_sum3A_2527 = vector.multi_reduction <add>, %reduce_sum3A_2525, %reduce_sum3A_2526 [1, 2] : vector<1x1x512xf32> to vector<1xf32>
      %reduce_sum3A_2528 = vector.shape_cast %reduce_sum3A_2527 : vector<1xf32> to vector<1x1x1xf32>
      %reduce_sum3A_2529 = vector.extract %reduce_sum3A_2528[0, 0, 0] : f32 from vector<1x1x1xf32>
      %gt3A_2530 = arith.constant 0.000000e+00 : f32
      %gt3A_2531 = arith.cmpf ogt, %reduce_sum3A_2529, %gt3A_2530 : f32
      scf.condition(%gt3A_2531) %while3A_2522, %while3A_2523 : vector<1x512xf32>, vector<1x512xf32>
    } do {
    ^bb0(%while3A_2522: vector<1x512xf32>, %while3A_2523: vector<1x512xf32>):
      %sub3A_2524 = arith.constant 1.000000e+00 : f32
      %sub3A_2525 = vector.broadcast %sub3A_2524 : f32 to vector<1x512xf32>
      %sub3A_2526 = arith.subf %sub3A_2525, %while3A_2522 : vector<1x512xf32>
      %dot_general3A_2527 = arith.constant dense<0.000000e+00> : vector<1x512xf32>
      %dot_general3A_2528 = tpu.matmul %sub3A_2526, %mul3A_180, %dot_general3A_2527 {dimension_numbers = #tpu.dot_dimension_numbers<[1], [0], [0], [1], [0, 0, 1, 1], [], []>, transpose_lhs_hint = false} : vector<1x512xf32>, vector<512x512xf32>, vector<1x512xf32> -> vector<1x512xf32>
      %gt3A_2529 = arith.constant 0.000000e+00 : f32
      %gt3A_2530 = vector.broadcast %gt3A_2529 : f32 to vector<1x512xf32>
      %gt3A_2531 = arith.cmpf ogt, %dot_general3A_2528, %gt3A_2530 : vector<1x512xf32>
      %convert_element_type3A_2532 = arith.extui %gt3A_2531 : vector<1x512xi1> to vector<1x512xi32>
      %convert_element_type3A_2533 = arith.sitofp %convert_element_type3A_2532 : vector<1x512xi32> to vector<1x512xf32>
      %max3A_2534 = arith.maximumf %broadcast_in_dim3A_126, %convert_element_type3A_2533 : vector<1x512xf32>
      scf.yield %max3A_2534, %while3A_2522 : vector<1x512xf32>, vector<1x512xf32>
    }
    %sub3A_191 = arith.constant 1.000000e+00 : f32
    %sub3A_192 = vector.broadcast %sub3A_191 : f32 to vector<1x512xf32>
    %sub3A_193 = arith.subf %sub3A_192, %while3A#0 : vector<1x512xf32>
    %slice3A_194 = vector.extract_strided_slice %slice3A {offsets = [0, 512], sizes = [1, 5632], strides = [1, 1]} : vector<1x6144xf32> to vector<1x5632xf32>
    %slice3A_195 = vector.extract_strided_slice %slice3A_2 {offsets = [0, 512], sizes = [1, 5632], strides = [1, 1]} : vector<1x6144xf32> to vector<1x5632xf32>
    %slice3A_196 = vector.extract_strided_slice %slice3A_3 {offsets = [0, 512], sizes = [1, 5632], strides = [1, 1]} : vector<1x6144xf32> to vector<1x5632xf32>
    %slice3A_197 = vector.extract_strided_slice %slice3A_4 {offsets = [0, 512], sizes = [1, 5632], strides = [1, 1]} : vector<1x6144xf32> to vector<1x5632xf32>
    %slice3A_198 = vector.extract_strided_slice %slice3A_5 {offsets = [0, 512], sizes = [1, 5632], strides = [1, 1]} : vector<1x6144xf32> to vector<1x5632xf32>
    %max3A_199 = vector.broadcast %reshape3A : vector<512x1xf32> to vector<512x5632xf32>
    %max3A_200 = vector.broadcast %slice3A_194 : vector<1x5632xf32> to vector<512x5632xf32>
    %max3A_201 = arith.maximumf %max3A_199, %max3A_200 : vector<512x5632xf32>
    %max3A_202 = vector.broadcast %reshape3A_67 : vector<512x1xf32> to vector<512x5632xf32>
    %max3A_203 = vector.broadcast %slice3A_195 : vector<1x5632xf32> to vector<512x5632xf32>
    %max3A_204 = arith.maximumf %max3A_202, %max3A_203 : vector<512x5632xf32>
    %min3A_205 = vector.broadcast %reshape3A_68 : vector<512x1xf32> to vector<512x5632xf32>
    %min3A_206 = vector.broadcast %slice3A_196 : vector<1x5632xf32> to vector<512x5632xf32>
    %min3A_207 = arith.minimumf %min3A_205, %min3A_206 : vector<512x5632xf32>
    %min3A_208 = vector.broadcast %reshape3A_69 : vector<512x1xf32> to vector<512x5632xf32>
    %min3A_209 = vector.broadcast %slice3A_197 : vector<1x5632xf32> to vector<512x5632xf32>
    %min3A_210 = arith.minimumf %min3A_208, %min3A_209 : vector<512x5632xf32>
    %sub3A_211 = arith.subf %min3A_207, %max3A_201 : vector<512x5632xf32>
    %max3A_212 = arith.constant 0.000000e+00 : f32
    %max3A_213 = vector.broadcast %max3A_212 : f32 to vector<512x5632xf32>
    %max3A_214 = arith.maximumf %sub3A_211, %max3A_213 : vector<512x5632xf32>
    %sub3A_215 = arith.subf %min3A_210, %max3A_204 : vector<512x5632xf32>
    %max3A_216 = arith.constant 0.000000e+00 : f32
    %max3A_217 = vector.broadcast %max3A_216 : f32 to vector<512x5632xf32>
    %max3A_218 = arith.maximumf %sub3A_215, %max3A_217 : vector<512x5632xf32>
    %mul3A_219 = arith.mulf %max3A_214, %max3A_218 : vector<512x5632xf32>
    %add3A_220 = vector.broadcast %reshape3A_70 : vector<512x1xf32> to vector<512x5632xf32>
    %add3A_221 = vector.broadcast %slice3A_198 : vector<1x5632xf32> to vector<512x5632xf32>
    %add3A_222 = arith.addf %add3A_220, %add3A_221 : vector<512x5632xf32>
    %sub3A_223 = arith.subf %add3A_222, %mul3A_219 : vector<512x5632xf32>
    %add3A_224 = arith.constant 9.99999971E-10 : f32
    %add3A_225 = vector.broadcast %add3A_224 : f32 to vector<512x5632xf32>
    %add3A_226 = arith.addf %sub3A_223, %add3A_225 : vector<512x5632xf32>
    %mul3A_227 = arith.constant 0.699999988 : f32
    %mul3A_228 = vector.broadcast %mul3A_227 : f32 to vector<512x5632xf32>
    %mul3A_229 = arith.mulf %mul3A_228, %add3A_226 : vector<512x5632xf32>
    %gt3A_230 = arith.cmpf ogt, %mul3A_219, %mul3A_229 : vector<512x5632xf32>
    %convert_element_type3A_231 = arith.extui %gt3A_230 : vector<512x5632xi1> to vector<512x5632xi32>
    %convert_element_type3A_232 = arith.sitofp %convert_element_type3A_231 : vector<512x5632xi32> to vector<512x5632xf32>
    %dot_general3A_233 = arith.constant dense<0.000000e+00> : vector<1x5632xf32>
    %dot_general3A_234 = tpu.matmul %sub3A_193, %convert_element_type3A_232, %dot_general3A_233 {dimension_numbers = #tpu.dot_dimension_numbers<[1], [0], [0], [1], [0, 0, 1, 1], [], []>, transpose_lhs_hint = false} : vector<1x512xf32>, vector<512x5632xf32>, vector<1x5632xf32> -> vector<1x5632xf32>
    %gt3A_235 = arith.constant 0.000000e+00 : f32
    %gt3A_236 = vector.broadcast %gt3A_235 : f32 to vector<1x5632xf32>
    %gt3A_237 = arith.cmpf ogt, %dot_general3A_234, %gt3A_236 : vector<1x5632xf32>
    %convert_element_type3A_238 = arith.extui %gt3A_237 : vector<1x5632xi1> to vector<1x5632xi32>
    %convert_element_type3A_239 = arith.sitofp %convert_element_type3A_238 : vector<1x5632xi32> to vector<1x5632xf32>
    %slice3A_240 = vector.extract_strided_slice %convert_element_type3A_239 {offsets = [0, 0], sizes = [1, 512], strides = [1, 1]} : vector<1x5632xf32> to vector<1x512xf32>
    %max3A_241 = arith.maximumf %broadcast_in_dim3A_128, %slice3A_240 : vector<1x512xf32>
    %slice3A_242 = vector.extract_strided_slice %convert_element_type3A_239 {offsets = [0, 512], sizes = [1, 512], strides = [1, 1]} : vector<1x5632xf32> to vector<1x512xf32>
    %max3A_243 = arith.maximumf %broadcast_in_dim3A_130, %slice3A_242 : vector<1x512xf32>
    %slice3A_244 = vector.extract_strided_slice %convert_element_type3A_239 {offsets = [0, 1024], sizes = [1, 512], strides = [1, 1]} : vector<1x5632xf32> to vector<1x512xf32>
    %max3A_245 = arith.maximumf %broadcast_in_dim3A_132, %slice3A_244 : vector<1x512xf32>
    %slice3A_246 = vector.extract_strided_slice %convert_element_type3A_239 {offsets = [0, 1536], sizes = [1, 512], strides = [1, 1]} : vector<1x5632xf32> to vector<1x512xf32>
    %max3A_247 = arith.maximumf %broadcast_in_dim3A_134, %slice3A_246 : vector<1x512xf32>
    %slice3A_248 = vector.extract_strided_slice %convert_element_type3A_239 {offsets = [0, 2048], sizes = [1, 512], strides = [1, 1]} : vector<1x5632xf32> to vector<1x512xf32>
    %max3A_249 = arith.maximumf %broadcast_in_dim3A_136, %slice3A_248 : vector<1x512xf32>
    %slice3A_250 = vector.extract_strided_slice %convert_element_type3A_239 {offsets = [0, 2560], sizes = [1, 512], strides = [1, 1]} : vector<1x5632xf32> to vector<1x512xf32>
    %max3A_251 = arith.maximumf %broadcast_in_dim3A_138, %slice3A_250 : vector<1x512xf32>
    %slice3A_252 = vector.extract_strided_slice %convert_element_type3A_239 {offsets = [0, 3072], sizes = [1, 512], strides = [1, 1]} : vector<1x5632xf32> to vector<1x512xf32>
    %max3A_253 = arith.maximumf %broadcast_in_dim3A_140, %slice3A_252 : vector<1x512xf32>
    %slice3A_254 = vector.extract_strided_slice %convert_element_type3A_239 {offsets = [0, 3584], sizes = [1, 512], strides = [1, 1]} : vector<1x5632xf32> to vector<1x512xf32>
    %max3A_255 = arith.maximumf %broadcast_in_dim3A_142, %slice3A_254 : vector<1x512xf32>
    %slice3A_256 = vector.extract_strided_slice %convert_element_type3A_239 {offsets = [0, 4096], sizes = [1, 512], strides = [1, 1]} : vector<1x5632xf32> to vector<1x512xf32>
    %max3A_257 = arith.maximumf %broadcast_in_dim3A_144, %slice3A_256 : vector<1x512xf32>
    %slice3A_258 = vector.extract_strided_slice %convert_element_type3A_239 {offsets = [0, 4608], sizes = [1, 512], strides = [1, 1]} : vector<1x5632xf32> to vector<1x512xf32>
    %max3A_259 = arith.maximumf %broadcast_in_dim3A_146, %slice3A_258 : vector<1x512xf32>
    %slice3A_260 = vector.extract_strided_slice %convert_element_type3A_239 {offsets = [0, 5120], sizes = [1, 512], strides = [1, 1]} : vector<1x5632xf32> to vector<1x512xf32>
    %max3A_261 = arith.maximumf %broadcast_in_dim3A_148, %slice3A_260 : vector<1x512xf32>
    %max3A_262 = vector.broadcast %reshape3A_71 : vector<512x1xf32> to vector<512x512xf32>
    %max3A_263 = vector.broadcast %slice3A_12 : vector<1x512xf32> to vector<512x512xf32>
    %max3A_264 = arith.maximumf %max3A_262, %max3A_263 : vector<512x512xf32>
    %max3A_265 = vector.broadcast %reshape3A_72 : vector<512x1xf32> to vector<512x512xf32>
    %max3A_266 = vector.broadcast %slice3A_13 : vector<1x512xf32> to vector<512x512xf32>
    %max3A_267 = arith.maximumf %max3A_265, %max3A_266 : vector<512x512xf32>
    %min3A_268 = vector.broadcast %reshape3A_73 : vector<512x1xf32> to vector<512x512xf32>
    %min3A_269 = vector.broadcast %slice3A_14 : vector<1x512xf32> to vector<512x512xf32>
    %min3A_270 = arith.minimumf %min3A_268, %min3A_269 : vector<512x512xf32>
    %min3A_271 = vector.broadcast %reshape3A_74 : vector<512x1xf32> to vector<512x512xf32>
    %min3A_272 = vector.broadcast %slice3A_15 : vector<1x512xf32> to vector<512x512xf32>
    %min3A_273 = arith.minimumf %min3A_271, %min3A_272 : vector<512x512xf32>
    %sub3A_274 = arith.subf %min3A_270, %max3A_264 : vector<512x512xf32>
    %max3A_275 = arith.constant 0.000000e+00 : f32
    %max3A_276 = vector.broadcast %max3A_275 : f32 to vector<512x512xf32>
    %max3A_277 = arith.maximumf %sub3A_274, %max3A_276 : vector<512x512xf32>
    %sub3A_278 = arith.subf %min3A_273, %max3A_267 : vector<512x512xf32>
    %max3A_279 = arith.constant 0.000000e+00 : f32
    %max3A_280 = vector.broadcast %max3A_279 : f32 to vector<512x512xf32>
    %max3A_281 = arith.maximumf %sub3A_278, %max3A_280 : vector<512x512xf32>
    %mul3A_282 = arith.mulf %max3A_277, %max3A_281 : vector<512x512xf32>
    %add3A_283 = vector.broadcast %reshape3A_75 : vector<512x1xf32> to vector<512x512xf32>
    %add3A_284 = vector.broadcast %slice3A_16 : vector<1x512xf32> to vector<512x512xf32>
    %add3A_285 = arith.addf %add3A_283, %add3A_284 : vector<512x512xf32>
    %sub3A_286 = arith.subf %add3A_285, %mul3A_282 : vector<512x512xf32>
    %add3A_287 = arith.constant 9.99999971E-10 : f32
    %add3A_288 = vector.broadcast %add3A_287 : f32 to vector<512x512xf32>
    %add3A_289 = arith.addf %sub3A_286, %add3A_288 : vector<512x512xf32>
    %mul3A_290 = arith.constant 0.699999988 : f32
    %mul3A_291 = vector.broadcast %mul3A_290 : f32 to vector<512x512xf32>
    %mul3A_292 = arith.mulf %mul3A_291, %add3A_289 : vector<512x512xf32>
    %gt3A_293 = arith.cmpf ogt, %mul3A_282, %mul3A_292 : vector<512x512xf32>
    %convert_element_type3A_294 = arith.extui %gt3A_293 : vector<512x512xi1> to vector<512x512xi32>
    %convert_element_type3A_295 = arith.sitofp %convert_element_type3A_294 : vector<512x512xi32> to vector<512x512xf32>
    %mul3A_296 = arith.mulf %convert_element_type3A_295, %convert_element_type3A_150 : vector<512x512xf32>
    %sub3A_297 = arith.constant 1.000000e+00 : f32
    %sub3A_298 = vector.broadcast %sub3A_297 : f32 to vector<1x512xf32>
    %sub3A_299 = arith.subf %sub3A_298, %max3A_241 : vector<1x512xf32>
    %dot_general3A_300 = arith.constant dense<0.000000e+00> : vector<1x512xf32>
    %dot_general3A_301 = tpu.matmul %sub3A_299, %mul3A_296, %dot_general3A_300 {dimension_numbers = #tpu.dot_dimension_numbers<[1], [0], [0], [1], [0, 0, 1, 1], [], []>, transpose_lhs_hint = false} : vector<1x512xf32>, vector<512x512xf32>, vector<1x512xf32> -> vector<1x512xf32>
    %gt3A_302 = arith.constant 0.000000e+00 : f32
    %gt3A_303 = vector.broadcast %gt3A_302 : f32 to vector<1x512xf32>
    %gt3A_304 = arith.cmpf ogt, %dot_general3A_301, %gt3A_303 : vector<1x512xf32>
    %convert_element_type3A_305 = arith.extui %gt3A_304 : vector<1x512xi1> to vector<1x512xi32>
    %convert_element_type3A_306 = arith.sitofp %convert_element_type3A_305 : vector<1x512xi32> to vector<1x512xf32>
    %max3A_307 = arith.maximumf %max3A_241, %convert_element_type3A_306 : vector<1x512xf32>
    %while3A_308:2 = scf.while (%while3A_2522 = %max3A_307, %while3A_2523 = %max3A_241) : (vector<1x512xf32>, vector<1x512xf32>) -> (vector<1x512xf32>, vector<1x512xf32>) {
      %sub3A_2524 = arith.subf %while3A_2522, %while3A_2523 : vector<1x512xf32>
      %abs3A = math.absf %sub3A_2524 : vector<1x512xf32>
      %reduce_sum3A_2525 = vector.shape_cast %abs3A : vector<1x512xf32> to vector<1x1x512xf32>
      %reduce_sum3A_2526 = arith.constant dense<0.000000e+00> : vector<1xf32>
      %reduce_sum3A_2527 = vector.multi_reduction <add>, %reduce_sum3A_2525, %reduce_sum3A_2526 [1, 2] : vector<1x1x512xf32> to vector<1xf32>
      %reduce_sum3A_2528 = vector.shape_cast %reduce_sum3A_2527 : vector<1xf32> to vector<1x1x1xf32>
      %reduce_sum3A_2529 = vector.extract %reduce_sum3A_2528[0, 0, 0] : f32 from vector<1x1x1xf32>
      %gt3A_2530 = arith.constant 0.000000e+00 : f32
      %gt3A_2531 = arith.cmpf ogt, %reduce_sum3A_2529, %gt3A_2530 : f32
      scf.condition(%gt3A_2531) %while3A_2522, %while3A_2523 : vector<1x512xf32>, vector<1x512xf32>
    } do {
    ^bb0(%while3A_2522: vector<1x512xf32>, %while3A_2523: vector<1x512xf32>):
      %sub3A_2524 = arith.constant 1.000000e+00 : f32
      %sub3A_2525 = vector.broadcast %sub3A_2524 : f32 to vector<1x512xf32>
      %sub3A_2526 = arith.subf %sub3A_2525, %while3A_2522 : vector<1x512xf32>
      %dot_general3A_2527 = arith.constant dense<0.000000e+00> : vector<1x512xf32>
      %dot_general3A_2528 = tpu.matmul %sub3A_2526, %mul3A_296, %dot_general3A_2527 {dimension_numbers = #tpu.dot_dimension_numbers<[1], [0], [0], [1], [0, 0, 1, 1], [], []>, transpose_lhs_hint = false} : vector<1x512xf32>, vector<512x512xf32>, vector<1x512xf32> -> vector<1x512xf32>
      %gt3A_2529 = arith.constant 0.000000e+00 : f32
      %gt3A_2530 = vector.broadcast %gt3A_2529 : f32 to vector<1x512xf32>
      %gt3A_2531 = arith.cmpf ogt, %dot_general3A_2528, %gt3A_2530 : vector<1x512xf32>
      %convert_element_type3A_2532 = arith.extui %gt3A_2531 : vector<1x512xi1> to vector<1x512xi32>
      %convert_element_type3A_2533 = arith.sitofp %convert_element_type3A_2532 : vector<1x512xi32> to vector<1x512xf32>
      %max3A_2534 = arith.maximumf %max3A_241, %convert_element_type3A_2533 : vector<1x512xf32>
      scf.yield %max3A_2534, %while3A_2522 : vector<1x512xf32>, vector<1x512xf32>
    }
    %sub3A_309 = arith.constant 1.000000e+00 : f32
    %sub3A_310 = vector.broadcast %sub3A_309 : f32 to vector<1x512xf32>
    %sub3A_311 = arith.subf %sub3A_310, %while3A_308#0 : vector<1x512xf32>
    %slice3A_312 = vector.extract_strided_slice %slice3A {offsets = [0, 1024], sizes = [1, 5120], strides = [1, 1]} : vector<1x6144xf32> to vector<1x5120xf32>
    %slice3A_313 = vector.extract_strided_slice %slice3A_2 {offsets = [0, 1024], sizes = [1, 5120], strides = [1, 1]} : vector<1x6144xf32> to vector<1x5120xf32>
    %slice3A_314 = vector.extract_strided_slice %slice3A_3 {offsets = [0, 1024], sizes = [1, 5120], strides = [1, 1]} : vector<1x6144xf32> to vector<1x5120xf32>
    %slice3A_315 = vector.extract_strided_slice %slice3A_4 {offsets = [0, 1024], sizes = [1, 5120], strides = [1, 1]} : vector<1x6144xf32> to vector<1x5120xf32>
    %slice3A_316 = vector.extract_strided_slice %slice3A_5 {offsets = [0, 1024], sizes = [1, 5120], strides = [1, 1]} : vector<1x6144xf32> to vector<1x5120xf32>
    %max3A_317 = vector.broadcast %reshape3A_71 : vector<512x1xf32> to vector<512x5120xf32>
    %max3A_318 = vector.broadcast %slice3A_312 : vector<1x5120xf32> to vector<512x5120xf32>
    %max3A_319 = arith.maximumf %max3A_317, %max3A_318 : vector<512x5120xf32>
    %max3A_320 = vector.broadcast %reshape3A_72 : vector<512x1xf32> to vector<512x5120xf32>
    %max3A_321 = vector.broadcast %slice3A_313 : vector<1x5120xf32> to vector<512x5120xf32>
    %max3A_322 = arith.maximumf %max3A_320, %max3A_321 : vector<512x5120xf32>
    %min3A_323 = vector.broadcast %reshape3A_73 : vector<512x1xf32> to vector<512x5120xf32>
    %min3A_324 = vector.broadcast %slice3A_314 : vector<1x5120xf32> to vector<512x5120xf32>
    %min3A_325 = arith.minimumf %min3A_323, %min3A_324 : vector<512x5120xf32>
    %min3A_326 = vector.broadcast %reshape3A_74 : vector<512x1xf32> to vector<512x5120xf32>
    %min3A_327 = vector.broadcast %slice3A_315 : vector<1x5120xf32> to vector<512x5120xf32>
    %min3A_328 = arith.minimumf %min3A_326, %min3A_327 : vector<512x5120xf32>
    %sub3A_329 = arith.subf %min3A_325, %max3A_319 : vector<512x5120xf32>
    %max3A_330 = arith.constant 0.000000e+00 : f32
    %max3A_331 = vector.broadcast %max3A_330 : f32 to vector<512x5120xf32>
    %max3A_332 = arith.maximumf %sub3A_329, %max3A_331 : vector<512x5120xf32>
    %sub3A_333 = arith.subf %min3A_328, %max3A_322 : vector<512x5120xf32>
    %max3A_334 = arith.constant 0.000000e+00 : f32
    %max3A_335 = vector.broadcast %max3A_334 : f32 to vector<512x5120xf32>
    %max3A_336 = arith.maximumf %sub3A_333, %max3A_335 : vector<512x5120xf32>
    %mul3A_337 = arith.mulf %max3A_332, %max3A_336 : vector<512x5120xf32>
    %add3A_338 = vector.broadcast %reshape3A_75 : vector<512x1xf32> to vector<512x5120xf32>
    %add3A_339 = vector.broadcast %slice3A_316 : vector<1x5120xf32> to vector<512x5120xf32>
    %add3A_340 = arith.addf %add3A_338, %add3A_339 : vector<512x5120xf32>
    %sub3A_341 = arith.subf %add3A_340, %mul3A_337 : vector<512x5120xf32>
    %add3A_342 = arith.constant 9.99999971E-10 : f32
    %add3A_343 = vector.broadcast %add3A_342 : f32 to vector<512x5120xf32>
    %add3A_344 = arith.addf %sub3A_341, %add3A_343 : vector<512x5120xf32>
    %mul3A_345 = arith.constant 0.699999988 : f32
    %mul3A_346 = vector.broadcast %mul3A_345 : f32 to vector<512x5120xf32>
    %mul3A_347 = arith.mulf %mul3A_346, %add3A_344 : vector<512x5120xf32>
    %gt3A_348 = arith.cmpf ogt, %mul3A_337, %mul3A_347 : vector<512x5120xf32>
    %convert_element_type3A_349 = arith.extui %gt3A_348 : vector<512x5120xi1> to vector<512x5120xi32>
    %convert_element_type3A_350 = arith.sitofp %convert_element_type3A_349 : vector<512x5120xi32> to vector<512x5120xf32>
    %dot_general3A_351 = arith.constant dense<0.000000e+00> : vector<1x5120xf32>
    %dot_general3A_352 = tpu.matmul %sub3A_311, %convert_element_type3A_350, %dot_general3A_351 {dimension_numbers = #tpu.dot_dimension_numbers<[1], [0], [0], [1], [0, 0, 1, 1], [], []>, transpose_lhs_hint = false} : vector<1x512xf32>, vector<512x5120xf32>, vector<1x5120xf32> -> vector<1x5120xf32>
    %gt3A_353 = arith.constant 0.000000e+00 : f32
    %gt3A_354 = vector.broadcast %gt3A_353 : f32 to vector<1x5120xf32>
    %gt3A_355 = arith.cmpf ogt, %dot_general3A_352, %gt3A_354 : vector<1x5120xf32>
    %convert_element_type3A_356 = arith.extui %gt3A_355 : vector<1x5120xi1> to vector<1x5120xi32>
    %convert_element_type3A_357 = arith.sitofp %convert_element_type3A_356 : vector<1x5120xi32> to vector<1x5120xf32>
    %slice3A_358 = vector.extract_strided_slice %convert_element_type3A_357 {offsets = [0, 0], sizes = [1, 512], strides = [1, 1]} : vector<1x5120xf32> to vector<1x512xf32>
    %max3A_359 = arith.maximumf %max3A_243, %slice3A_358 : vector<1x512xf32>
    %slice3A_360 = vector.extract_strided_slice %convert_element_type3A_357 {offsets = [0, 512], sizes = [1, 512], strides = [1, 1]} : vector<1x5120xf32> to vector<1x512xf32>
    %max3A_361 = arith.maximumf %max3A_245, %slice3A_360 : vector<1x512xf32>
    %slice3A_362 = vector.extract_strided_slice %convert_element_type3A_357 {offsets = [0, 1024], sizes = [1, 512], strides = [1, 1]} : vector<1x5120xf32> to vector<1x512xf32>
    %max3A_363 = arith.maximumf %max3A_247, %slice3A_362 : vector<1x512xf32>
    %slice3A_364 = vector.extract_strided_slice %convert_element_type3A_357 {offsets = [0, 1536], sizes = [1, 512], strides = [1, 1]} : vector<1x5120xf32> to vector<1x512xf32>
    %max3A_365 = arith.maximumf %max3A_249, %slice3A_364 : vector<1x512xf32>
    %slice3A_366 = vector.extract_strided_slice %convert_element_type3A_357 {offsets = [0, 2048], sizes = [1, 512], strides = [1, 1]} : vector<1x5120xf32> to vector<1x512xf32>
    %max3A_367 = arith.maximumf %max3A_251, %slice3A_366 : vector<1x512xf32>
    %slice3A_368 = vector.extract_strided_slice %convert_element_type3A_357 {offsets = [0, 2560], sizes = [1, 512], strides = [1, 1]} : vector<1x5120xf32> to vector<1x512xf32>
    %max3A_369 = arith.maximumf %max3A_253, %slice3A_368 : vector<1x512xf32>
    %slice3A_370 = vector.extract_strided_slice %convert_element_type3A_357 {offsets = [0, 3072], sizes = [1, 512], strides = [1, 1]} : vector<1x5120xf32> to vector<1x512xf32>
    %max3A_371 = arith.maximumf %max3A_255, %slice3A_370 : vector<1x512xf32>
    %slice3A_372 = vector.extract_strided_slice %convert_element_type3A_357 {offsets = [0, 3584], sizes = [1, 512], strides = [1, 1]} : vector<1x5120xf32> to vector<1x512xf32>
    %max3A_373 = arith.maximumf %max3A_257, %slice3A_372 : vector<1x512xf32>
    %slice3A_374 = vector.extract_strided_slice %convert_element_type3A_357 {offsets = [0, 4096], sizes = [1, 512], strides = [1, 1]} : vector<1x5120xf32> to vector<1x512xf32>
    %max3A_375 = arith.maximumf %max3A_259, %slice3A_374 : vector<1x512xf32>
    %slice3A_376 = vector.extract_strided_slice %convert_element_type3A_357 {offsets = [0, 4608], sizes = [1, 512], strides = [1, 1]} : vector<1x5120xf32> to vector<1x512xf32>
    %max3A_377 = arith.maximumf %max3A_261, %slice3A_376 : vector<1x512xf32>
    %max3A_378 = vector.broadcast %reshape3A_76 : vector<512x1xf32> to vector<512x512xf32>
    %max3A_379 = vector.broadcast %slice3A_17 : vector<1x512xf32> to vector<512x512xf32>
    %max3A_380 = arith.maximumf %max3A_378, %max3A_379 : vector<512x512xf32>
    %max3A_381 = vector.broadcast %reshape3A_77 : vector<512x1xf32> to vector<512x512xf32>
    %max3A_382 = vector.broadcast %slice3A_18 : vector<1x512xf32> to vector<512x512xf32>
    %max3A_383 = arith.maximumf %max3A_381, %max3A_382 : vector<512x512xf32>
    %min3A_384 = vector.broadcast %reshape3A_78 : vector<512x1xf32> to vector<512x512xf32>
    %min3A_385 = vector.broadcast %slice3A_19 : vector<1x512xf32> to vector<512x512xf32>
    %min3A_386 = arith.minimumf %min3A_384, %min3A_385 : vector<512x512xf32>
    %min3A_387 = vector.broadcast %reshape3A_79 : vector<512x1xf32> to vector<512x512xf32>
    %min3A_388 = vector.broadcast %slice3A_20 : vector<1x512xf32> to vector<512x512xf32>
    %min3A_389 = arith.minimumf %min3A_387, %min3A_388 : vector<512x512xf32>
    %sub3A_390 = arith.subf %min3A_386, %max3A_380 : vector<512x512xf32>
    %max3A_391 = arith.constant 0.000000e+00 : f32
    %max3A_392 = vector.broadcast %max3A_391 : f32 to vector<512x512xf32>
    %max3A_393 = arith.maximumf %sub3A_390, %max3A_392 : vector<512x512xf32>
    %sub3A_394 = arith.subf %min3A_389, %max3A_383 : vector<512x512xf32>
    %max3A_395 = arith.constant 0.000000e+00 : f32
    %max3A_396 = vector.broadcast %max3A_395 : f32 to vector<512x512xf32>
    %max3A_397 = arith.maximumf %sub3A_394, %max3A_396 : vector<512x512xf32>
    %mul3A_398 = arith.mulf %max3A_393, %max3A_397 : vector<512x512xf32>
    %add3A_399 = vector.broadcast %reshape3A_80 : vector<512x1xf32> to vector<512x512xf32>
    %add3A_400 = vector.broadcast %slice3A_21 : vector<1x512xf32> to vector<512x512xf32>
    %add3A_401 = arith.addf %add3A_399, %add3A_400 : vector<512x512xf32>
    %sub3A_402 = arith.subf %add3A_401, %mul3A_398 : vector<512x512xf32>
    %add3A_403 = arith.constant 9.99999971E-10 : f32
    %add3A_404 = vector.broadcast %add3A_403 : f32 to vector<512x512xf32>
    %add3A_405 = arith.addf %sub3A_402, %add3A_404 : vector<512x512xf32>
    %mul3A_406 = arith.constant 0.699999988 : f32
    %mul3A_407 = vector.broadcast %mul3A_406 : f32 to vector<512x512xf32>
    %mul3A_408 = arith.mulf %mul3A_407, %add3A_405 : vector<512x512xf32>
    %gt3A_409 = arith.cmpf ogt, %mul3A_398, %mul3A_408 : vector<512x512xf32>
    %convert_element_type3A_410 = arith.extui %gt3A_409 : vector<512x512xi1> to vector<512x512xi32>
    %convert_element_type3A_411 = arith.sitofp %convert_element_type3A_410 : vector<512x512xi32> to vector<512x512xf32>
    %mul3A_412 = arith.mulf %convert_element_type3A_411, %convert_element_type3A_150 : vector<512x512xf32>
    %sub3A_413 = arith.constant 1.000000e+00 : f32
    %sub3A_414 = vector.broadcast %sub3A_413 : f32 to vector<1x512xf32>
    %sub3A_415 = arith.subf %sub3A_414, %max3A_359 : vector<1x512xf32>
    %dot_general3A_416 = arith.constant dense<0.000000e+00> : vector<1x512xf32>
    %dot_general3A_417 = tpu.matmul %sub3A_415, %mul3A_412, %dot_general3A_416 {dimension_numbers = #tpu.dot_dimension_numbers<[1], [0], [0], [1], [0, 0, 1, 1], [], []>, transpose_lhs_hint = false} : vector<1x512xf32>, vector<512x512xf32>, vector<1x512xf32> -> vector<1x512xf32>
    %gt3A_418 = arith.constant 0.000000e+00 : f32
    %gt3A_419 = vector.broadcast %gt3A_418 : f32 to vector<1x512xf32>
    %gt3A_420 = arith.cmpf ogt, %dot_general3A_417, %gt3A_419 : vector<1x512xf32>
    %convert_element_type3A_421 = arith.extui %gt3A_420 : vector<1x512xi1> to vector<1x512xi32>
    %convert_element_type3A_422 = arith.sitofp %convert_element_type3A_421 : vector<1x512xi32> to vector<1x512xf32>
    %max3A_423 = arith.maximumf %max3A_359, %convert_element_type3A_422 : vector<1x512xf32>
    %while3A_424:2 = scf.while (%while3A_2522 = %max3A_423, %while3A_2523 = %max3A_359) : (vector<1x512xf32>, vector<1x512xf32>) -> (vector<1x512xf32>, vector<1x512xf32>) {
      %sub3A_2524 = arith.subf %while3A_2522, %while3A_2523 : vector<1x512xf32>
      %abs3A = math.absf %sub3A_2524 : vector<1x512xf32>
      %reduce_sum3A_2525 = vector.shape_cast %abs3A : vector<1x512xf32> to vector<1x1x512xf32>
      %reduce_sum3A_2526 = arith.constant dense<0.000000e+00> : vector<1xf32>
      %reduce_sum3A_2527 = vector.multi_reduction <add>, %reduce_sum3A_2525, %reduce_sum3A_2526 [1, 2] : vector<1x1x512xf32> to vector<1xf32>
      %reduce_sum3A_2528 = vector.shape_cast %reduce_sum3A_2527 : vector<1xf32> to vector<1x1x1xf32>
      %reduce_sum3A_2529 = vector.extract %reduce_sum3A_2528[0, 0, 0] : f32 from vector<1x1x1xf32>
      %gt3A_2530 = arith.constant 0.000000e+00 : f32
      %gt3A_2531 = arith.cmpf ogt, %reduce_sum3A_2529, %gt3A_2530 : f32
      scf.condition(%gt3A_2531) %while3A_2522, %while3A_2523 : vector<1x512xf32>, vector<1x512xf32>
    } do {
    ^bb0(%while3A_2522: vector<1x512xf32>, %while3A_2523: vector<1x512xf32>):
      %sub3A_2524 = arith.constant 1.000000e+00 : f32
      %sub3A_2525 = vector.broadcast %sub3A_2524 : f32 to vector<1x512xf32>
      %sub3A_2526 = arith.subf %sub3A_2525, %while3A_2522 : vector<1x512xf32>
      %dot_general3A_2527 = arith.constant dense<0.000000e+00> : vector<1x512xf32>
      %dot_general3A_2528 = tpu.matmul %sub3A_2526, %mul3A_412, %dot_general3A_2527 {dimension_numbers = #tpu.dot_dimension_numbers<[1], [0], [0], [1], [0, 0, 1, 1], [], []>, transpose_lhs_hint = false} : vector<1x512xf32>, vector<512x512xf32>, vector<1x512xf32> -> vector<1x512xf32>
      %gt3A_2529 = arith.constant 0.000000e+00 : f32
      %gt3A_2530 = vector.broadcast %gt3A_2529 : f32 to vector<1x512xf32>
      %gt3A_2531 = arith.cmpf ogt, %dot_general3A_2528, %gt3A_2530 : vector<1x512xf32>
      %convert_element_type3A_2532 = arith.extui %gt3A_2531 : vector<1x512xi1> to vector<1x512xi32>
      %convert_element_type3A_2533 = arith.sitofp %convert_element_type3A_2532 : vector<1x512xi32> to vector<1x512xf32>
      %max3A_2534 = arith.maximumf %max3A_359, %convert_element_type3A_2533 : vector<1x512xf32>
      scf.yield %max3A_2534, %while3A_2522 : vector<1x512xf32>, vector<1x512xf32>
    }
    %sub3A_425 = arith.constant 1.000000e+00 : f32
    %sub3A_426 = vector.broadcast %sub3A_425 : f32 to vector<1x512xf32>
    %sub3A_427 = arith.subf %sub3A_426, %while3A_424#0 : vector<1x512xf32>
    %slice3A_428 = vector.extract_strided_slice %slice3A {offsets = [0, 1536], sizes = [1, 4608], strides = [1, 1]} : vector<1x6144xf32> to vector<1x4608xf32>
    %slice3A_429 = vector.extract_strided_slice %slice3A_2 {offsets = [0, 1536], sizes = [1, 4608], strides = [1, 1]} : vector<1x6144xf32> to vector<1x4608xf32>
    %slice3A_430 = vector.extract_strided_slice %slice3A_3 {offsets = [0, 1536], sizes = [1, 4608], strides = [1, 1]} : vector<1x6144xf32> to vector<1x4608xf32>
    %slice3A_431 = vector.extract_strided_slice %slice3A_4 {offsets = [0, 1536], sizes = [1, 4608], strides = [1, 1]} : vector<1x6144xf32> to vector<1x4608xf32>
    %slice3A_432 = vector.extract_strided_slice %slice3A_5 {offsets = [0, 1536], sizes = [1, 4608], strides = [1, 1]} : vector<1x6144xf32> to vector<1x4608xf32>
    %max3A_433 = vector.broadcast %reshape3A_76 : vector<512x1xf32> to vector<512x4608xf32>
    %max3A_434 = vector.broadcast %slice3A_428 : vector<1x4608xf32> to vector<512x4608xf32>
    %max3A_435 = arith.maximumf %max3A_433, %max3A_434 : vector<512x4608xf32>
    %max3A_436 = vector.broadcast %reshape3A_77 : vector<512x1xf32> to vector<512x4608xf32>
    %max3A_437 = vector.broadcast %slice3A_429 : vector<1x4608xf32> to vector<512x4608xf32>
    %max3A_438 = arith.maximumf %max3A_436, %max3A_437 : vector<512x4608xf32>
    %min3A_439 = vector.broadcast %reshape3A_78 : vector<512x1xf32> to vector<512x4608xf32>
    %min3A_440 = vector.broadcast %slice3A_430 : vector<1x4608xf32> to vector<512x4608xf32>
    %min3A_441 = arith.minimumf %min3A_439, %min3A_440 : vector<512x4608xf32>
    %min3A_442 = vector.broadcast %reshape3A_79 : vector<512x1xf32> to vector<512x4608xf32>
    %min3A_443 = vector.broadcast %slice3A_431 : vector<1x4608xf32> to vector<512x4608xf32>
    %min3A_444 = arith.minimumf %min3A_442, %min3A_443 : vector<512x4608xf32>
    %sub3A_445 = arith.subf %min3A_441, %max3A_435 : vector<512x4608xf32>
    %max3A_446 = arith.constant 0.000000e+00 : f32
    %max3A_447 = vector.broadcast %max3A_446 : f32 to vector<512x4608xf32>
    %max3A_448 = arith.maximumf %sub3A_445, %max3A_447 : vector<512x4608xf32>
    %sub3A_449 = arith.subf %min3A_444, %max3A_438 : vector<512x4608xf32>
    %max3A_450 = arith.constant 0.000000e+00 : f32
    %max3A_451 = vector.broadcast %max3A_450 : f32 to vector<512x4608xf32>
    %max3A_452 = arith.maximumf %sub3A_449, %max3A_451 : vector<512x4608xf32>
    %mul3A_453 = arith.mulf %max3A_448, %max3A_452 : vector<512x4608xf32>
    %add3A_454 = vector.broadcast %reshape3A_80 : vector<512x1xf32> to vector<512x4608xf32>
    %add3A_455 = vector.broadcast %slice3A_432 : vector<1x4608xf32> to vector<512x4608xf32>
    %add3A_456 = arith.addf %add3A_454, %add3A_455 : vector<512x4608xf32>
    %sub3A_457 = arith.subf %add3A_456, %mul3A_453 : vector<512x4608xf32>
    %add3A_458 = arith.constant 9.99999971E-10 : f32
    %add3A_459 = vector.broadcast %add3A_458 : f32 to vector<512x4608xf32>
    %add3A_460 = arith.addf %sub3A_457, %add3A_459 : vector<512x4608xf32>
    %mul3A_461 = arith.constant 0.699999988 : f32
    %mul3A_462 = vector.broadcast %mul3A_461 : f32 to vector<512x4608xf32>
    %mul3A_463 = arith.mulf %mul3A_462, %add3A_460 : vector<512x4608xf32>
    %gt3A_464 = arith.cmpf ogt, %mul3A_453, %mul3A_463 : vector<512x4608xf32>
    %convert_element_type3A_465 = arith.extui %gt3A_464 : vector<512x4608xi1> to vector<512x4608xi32>
    %convert_element_type3A_466 = arith.sitofp %convert_element_type3A_465 : vector<512x4608xi32> to vector<512x4608xf32>
    %dot_general3A_467 = arith.constant dense<0.000000e+00> : vector<1x4608xf32>
    %dot_general3A_468 = tpu.matmul %sub3A_427, %convert_element_type3A_466, %dot_general3A_467 {dimension_numbers = #tpu.dot_dimension_numbers<[1], [0], [0], [1], [0, 0, 1, 1], [], []>, transpose_lhs_hint = false} : vector<1x512xf32>, vector<512x4608xf32>, vector<1x4608xf32> -> vector<1x4608xf32>
    %gt3A_469 = arith.constant 0.000000e+00 : f32
    %gt3A_470 = vector.broadcast %gt3A_469 : f32 to vector<1x4608xf32>
    %gt3A_471 = arith.cmpf ogt, %dot_general3A_468, %gt3A_470 : vector<1x4608xf32>
    %convert_element_type3A_472 = arith.extui %gt3A_471 : vector<1x4608xi1> to vector<1x4608xi32>
    %convert_element_type3A_473 = arith.sitofp %convert_element_type3A_472 : vector<1x4608xi32> to vector<1x4608xf32>
    %slice3A_474 = vector.extract_strided_slice %convert_element_type3A_473 {offsets = [0, 0], sizes = [1, 512], strides = [1, 1]} : vector<1x4608xf32> to vector<1x512xf32>
    %max3A_475 = arith.maximumf %max3A_361, %slice3A_474 : vector<1x512xf32>
    %slice3A_476 = vector.extract_strided_slice %convert_element_type3A_473 {offsets = [0, 512], sizes = [1, 512], strides = [1, 1]} : vector<1x4608xf32> to vector<1x512xf32>
    %max3A_477 = arith.maximumf %max3A_363, %slice3A_476 : vector<1x512xf32>
    %slice3A_478 = vector.extract_strided_slice %convert_element_type3A_473 {offsets = [0, 1024], sizes = [1, 512], strides = [1, 1]} : vector<1x4608xf32> to vector<1x512xf32>
    %max3A_479 = arith.maximumf %max3A_365, %slice3A_478 : vector<1x512xf32>
    %slice3A_480 = vector.extract_strided_slice %convert_element_type3A_473 {offsets = [0, 1536], sizes = [1, 512], strides = [1, 1]} : vector<1x4608xf32> to vector<1x512xf32>
    %max3A_481 = arith.maximumf %max3A_367, %slice3A_480 : vector<1x512xf32>
    %slice3A_482 = vector.extract_strided_slice %convert_element_type3A_473 {offsets = [0, 2048], sizes = [1, 512], strides = [1, 1]} : vector<1x4608xf32> to vector<1x512xf32>
    %max3A_483 = arith.maximumf %max3A_369, %slice3A_482 : vector<1x512xf32>
    %slice3A_484 = vector.extract_strided_slice %convert_element_type3A_473 {offsets = [0, 2560], sizes = [1, 512], strides = [1, 1]} : vector<1x4608xf32> to vector<1x512xf32>
    %max3A_485 = arith.maximumf %max3A_371, %slice3A_484 : vector<1x512xf32>
    %slice3A_486 = vector.extract_strided_slice %convert_element_type3A_473 {offsets = [0, 3072], sizes = [1, 512], strides = [1, 1]} : vector<1x4608xf32> to vector<1x512xf32>
    %max3A_487 = arith.maximumf %max3A_373, %slice3A_486 : vector<1x512xf32>
    %slice3A_488 = vector.extract_strided_slice %convert_element_type3A_473 {offsets = [0, 3584], sizes = [1, 512], strides = [1, 1]} : vector<1x4608xf32> to vector<1x512xf32>
    %max3A_489 = arith.maximumf %max3A_375, %slice3A_488 : vector<1x512xf32>
    %slice3A_490 = vector.extract_strided_slice %convert_element_type3A_473 {offsets = [0, 4096], sizes = [1, 512], strides = [1, 1]} : vector<1x4608xf32> to vector<1x512xf32>
    %max3A_491 = arith.maximumf %max3A_377, %slice3A_490 : vector<1x512xf32>
    %max3A_492 = vector.broadcast %reshape3A_81 : vector<512x1xf32> to vector<512x512xf32>
    %max3A_493 = vector.broadcast %slice3A_22 : vector<1x512xf32> to vector<512x512xf32>
    %max3A_494 = arith.maximumf %max3A_492, %max3A_493 : vector<512x512xf32>
    %max3A_495 = vector.broadcast %reshape3A_82 : vector<512x1xf32> to vector<512x512xf32>
    %max3A_496 = vector.broadcast %slice3A_23 : vector<1x512xf32> to vector<512x512xf32>
    %max3A_497 = arith.maximumf %max3A_495, %max3A_496 : vector<512x512xf32>
    %min3A_498 = vector.broadcast %reshape3A_83 : vector<512x1xf32> to vector<512x512xf32>
    %min3A_499 = vector.broadcast %slice3A_24 : vector<1x512xf32> to vector<512x512xf32>
    %min3A_500 = arith.minimumf %min3A_498, %min3A_499 : vector<512x512xf32>
    %min3A_501 = vector.broadcast %reshape3A_84 : vector<512x1xf32> to vector<512x512xf32>
    %min3A_502 = vector.broadcast %slice3A_25 : vector<1x512xf32> to vector<512x512xf32>
    %min3A_503 = arith.minimumf %min3A_501, %min3A_502 : vector<512x512xf32>
    %sub3A_504 = arith.subf %min3A_500, %max3A_494 : vector<512x512xf32>
    %max3A_505 = arith.constant 0.000000e+00 : f32
    %max3A_506 = vector.broadcast %max3A_505 : f32 to vector<512x512xf32>
    %max3A_507 = arith.maximumf %sub3A_504, %max3A_506 : vector<512x512xf32>
    %sub3A_508 = arith.subf %min3A_503, %max3A_497 : vector<512x512xf32>
    %max3A_509 = arith.constant 0.000000e+00 : f32
    %max3A_510 = vector.broadcast %max3A_509 : f32 to vector<512x512xf32>
    %max3A_511 = arith.maximumf %sub3A_508, %max3A_510 : vector<512x512xf32>
    %mul3A_512 = arith.mulf %max3A_507, %max3A_511 : vector<512x512xf32>
    %add3A_513 = vector.broadcast %reshape3A_85 : vector<512x1xf32> to vector<512x512xf32>
    %add3A_514 = vector.broadcast %slice3A_26 : vector<1x512xf32> to vector<512x512xf32>
    %add3A_515 = arith.addf %add3A_513, %add3A_514 : vector<512x512xf32>
    %sub3A_516 = arith.subf %add3A_515, %mul3A_512 : vector<512x512xf32>
    %add3A_517 = arith.constant 9.99999971E-10 : f32
    %add3A_518 = vector.broadcast %add3A_517 : f32 to vector<512x512xf32>
    %add3A_519 = arith.addf %sub3A_516, %add3A_518 : vector<512x512xf32>
    %mul3A_520 = arith.constant 0.699999988 : f32
    %mul3A_521 = vector.broadcast %mul3A_520 : f32 to vector<512x512xf32>
    %mul3A_522 = arith.mulf %mul3A_521, %add3A_519 : vector<512x512xf32>
    %gt3A_523 = arith.cmpf ogt, %mul3A_512, %mul3A_522 : vector<512x512xf32>
    %convert_element_type3A_524 = arith.extui %gt3A_523 : vector<512x512xi1> to vector<512x512xi32>
    %convert_element_type3A_525 = arith.sitofp %convert_element_type3A_524 : vector<512x512xi32> to vector<512x512xf32>
    %mul3A_526 = arith.mulf %convert_element_type3A_525, %convert_element_type3A_150 : vector<512x512xf32>
    %sub3A_527 = arith.constant 1.000000e+00 : f32
    %sub3A_528 = vector.broadcast %sub3A_527 : f32 to vector<1x512xf32>
    %sub3A_529 = arith.subf %sub3A_528, %max3A_475 : vector<1x512xf32>
    %dot_general3A_530 = arith.constant dense<0.000000e+00> : vector<1x512xf32>
    %dot_general3A_531 = tpu.matmul %sub3A_529, %mul3A_526, %dot_general3A_530 {dimension_numbers = #tpu.dot_dimension_numbers<[1], [0], [0], [1], [0, 0, 1, 1], [], []>, transpose_lhs_hint = false} : vector<1x512xf32>, vector<512x512xf32>, vector<1x512xf32> -> vector<1x512xf32>
    %gt3A_532 = arith.constant 0.000000e+00 : f32
    %gt3A_533 = vector.broadcast %gt3A_532 : f32 to vector<1x512xf32>
    %gt3A_534 = arith.cmpf ogt, %dot_general3A_531, %gt3A_533 : vector<1x512xf32>
    %convert_element_type3A_535 = arith.extui %gt3A_534 : vector<1x512xi1> to vector<1x512xi32>
    %convert_element_type3A_536 = arith.sitofp %convert_element_type3A_535 : vector<1x512xi32> to vector<1x512xf32>
    %max3A_537 = arith.maximumf %max3A_475, %convert_element_type3A_536 : vector<1x512xf32>
    %while3A_538:2 = scf.while (%while3A_2522 = %max3A_537, %while3A_2523 = %max3A_475) : (vector<1x512xf32>, vector<1x512xf32>) -> (vector<1x512xf32>, vector<1x512xf32>) {
      %sub3A_2524 = arith.subf %while3A_2522, %while3A_2523 : vector<1x512xf32>
      %abs3A = math.absf %sub3A_2524 : vector<1x512xf32>
      %reduce_sum3A_2525 = vector.shape_cast %abs3A : vector<1x512xf32> to vector<1x1x512xf32>
      %reduce_sum3A_2526 = arith.constant dense<0.000000e+00> : vector<1xf32>
      %reduce_sum3A_2527 = vector.multi_reduction <add>, %reduce_sum3A_2525, %reduce_sum3A_2526 [1, 2] : vector<1x1x512xf32> to vector<1xf32>
      %reduce_sum3A_2528 = vector.shape_cast %reduce_sum3A_2527 : vector<1xf32> to vector<1x1x1xf32>
      %reduce_sum3A_2529 = vector.extract %reduce_sum3A_2528[0, 0, 0] : f32 from vector<1x1x1xf32>
      %gt3A_2530 = arith.constant 0.000000e+00 : f32
      %gt3A_2531 = arith.cmpf ogt, %reduce_sum3A_2529, %gt3A_2530 : f32
      scf.condition(%gt3A_2531) %while3A_2522, %while3A_2523 : vector<1x512xf32>, vector<1x512xf32>
    } do {
    ^bb0(%while3A_2522: vector<1x512xf32>, %while3A_2523: vector<1x512xf32>):
      %sub3A_2524 = arith.constant 1.000000e+00 : f32
      %sub3A_2525 = vector.broadcast %sub3A_2524 : f32 to vector<1x512xf32>
      %sub3A_2526 = arith.subf %sub3A_2525, %while3A_2522 : vector<1x512xf32>
      %dot_general3A_2527 = arith.constant dense<0.000000e+00> : vector<1x512xf32>
      %dot_general3A_2528 = tpu.matmul %sub3A_2526, %mul3A_526, %dot_general3A_2527 {dimension_numbers = #tpu.dot_dimension_numbers<[1], [0], [0], [1], [0, 0, 1, 1], [], []>, transpose_lhs_hint = false} : vector<1x512xf32>, vector<512x512xf32>, vector<1x512xf32> -> vector<1x512xf32>
      %gt3A_2529 = arith.constant 0.000000e+00 : f32
      %gt3A_2530 = vector.broadcast %gt3A_2529 : f32 to vector<1x512xf32>
      %gt3A_2531 = arith.cmpf ogt, %dot_general3A_2528, %gt3A_2530 : vector<1x512xf32>
      %convert_element_type3A_2532 = arith.extui %gt3A_2531 : vector<1x512xi1> to vector<1x512xi32>
      %convert_element_type3A_2533 = arith.sitofp %convert_element_type3A_2532 : vector<1x512xi32> to vector<1x512xf32>
      %max3A_2534 = arith.maximumf %max3A_475, %convert_element_type3A_2533 : vector<1x512xf32>
      scf.yield %max3A_2534, %while3A_2522 : vector<1x512xf32>, vector<1x512xf32>
    }
    %sub3A_539 = arith.constant 1.000000e+00 : f32
    %sub3A_540 = vector.broadcast %sub3A_539 : f32 to vector<1x512xf32>
    %sub3A_541 = arith.subf %sub3A_540, %while3A_538#0 : vector<1x512xf32>
    %slice3A_542 = vector.extract_strided_slice %slice3A {offsets = [0, 2048], sizes = [1, 4096], strides = [1, 1]} : vector<1x6144xf32> to vector<1x4096xf32>
    %slice3A_543 = vector.extract_strided_slice %slice3A_2 {offsets = [0, 2048], sizes = [1, 4096], strides = [1, 1]} : vector<1x6144xf32> to vector<1x4096xf32>
    %slice3A_544 = vector.extract_strided_slice %slice3A_3 {offsets = [0, 2048], sizes = [1, 4096], strides = [1, 1]} : vector<1x6144xf32> to vector<1x4096xf32>
    %slice3A_545 = vector.extract_strided_slice %slice3A_4 {offsets = [0, 2048], sizes = [1, 4096], strides = [1, 1]} : vector<1x6144xf32> to vector<1x4096xf32>
    %slice3A_546 = vector.extract_strided_slice %slice3A_5 {offsets = [0, 2048], sizes = [1, 4096], strides = [1, 1]} : vector<1x6144xf32> to vector<1x4096xf32>
    %max3A_547 = vector.broadcast %reshape3A_81 : vector<512x1xf32> to vector<512x4096xf32>
    %max3A_548 = vector.broadcast %slice3A_542 : vector<1x4096xf32> to vector<512x4096xf32>
    %max3A_549 = arith.maximumf %max3A_547, %max3A_548 : vector<512x4096xf32>
    %max3A_550 = vector.broadcast %reshape3A_82 : vector<512x1xf32> to vector<512x4096xf32>
    %max3A_551 = vector.broadcast %slice3A_543 : vector<1x4096xf32> to vector<512x4096xf32>
    %max3A_552 = arith.maximumf %max3A_550, %max3A_551 : vector<512x4096xf32>
    %min3A_553 = vector.broadcast %reshape3A_83 : vector<512x1xf32> to vector<512x4096xf32>
    %min3A_554 = vector.broadcast %slice3A_544 : vector<1x4096xf32> to vector<512x4096xf32>
    %min3A_555 = arith.minimumf %min3A_553, %min3A_554 : vector<512x4096xf32>
    %min3A_556 = vector.broadcast %reshape3A_84 : vector<512x1xf32> to vector<512x4096xf32>
    %min3A_557 = vector.broadcast %slice3A_545 : vector<1x4096xf32> to vector<512x4096xf32>
    %min3A_558 = arith.minimumf %min3A_556, %min3A_557 : vector<512x4096xf32>
    %sub3A_559 = arith.subf %min3A_555, %max3A_549 : vector<512x4096xf32>
    %max3A_560 = arith.constant 0.000000e+00 : f32
    %max3A_561 = vector.broadcast %max3A_560 : f32 to vector<512x4096xf32>
    %max3A_562 = arith.maximumf %sub3A_559, %max3A_561 : vector<512x4096xf32>
    %sub3A_563 = arith.subf %min3A_558, %max3A_552 : vector<512x4096xf32>
    %max3A_564 = arith.constant 0.000000e+00 : f32
    %max3A_565 = vector.broadcast %max3A_564 : f32 to vector<512x4096xf32>
    %max3A_566 = arith.maximumf %sub3A_563, %max3A_565 : vector<512x4096xf32>
    %mul3A_567 = arith.mulf %max3A_562, %max3A_566 : vector<512x4096xf32>
    %add3A_568 = vector.broadcast %reshape3A_85 : vector<512x1xf32> to vector<512x4096xf32>
    %add3A_569 = vector.broadcast %slice3A_546 : vector<1x4096xf32> to vector<512x4096xf32>
    %add3A_570 = arith.addf %add3A_568, %add3A_569 : vector<512x4096xf32>
    %sub3A_571 = arith.subf %add3A_570, %mul3A_567 : vector<512x4096xf32>
    %add3A_572 = arith.constant 9.99999971E-10 : f32
    %add3A_573 = vector.broadcast %add3A_572 : f32 to vector<512x4096xf32>
    %add3A_574 = arith.addf %sub3A_571, %add3A_573 : vector<512x4096xf32>
    %mul3A_575 = arith.constant 0.699999988 : f32
    %mul3A_576 = vector.broadcast %mul3A_575 : f32 to vector<512x4096xf32>
    %mul3A_577 = arith.mulf %mul3A_576, %add3A_574 : vector<512x4096xf32>
    %gt3A_578 = arith.cmpf ogt, %mul3A_567, %mul3A_577 : vector<512x4096xf32>
    %convert_element_type3A_579 = arith.extui %gt3A_578 : vector<512x4096xi1> to vector<512x4096xi32>
    %convert_element_type3A_580 = arith.sitofp %convert_element_type3A_579 : vector<512x4096xi32> to vector<512x4096xf32>
    %dot_general3A_581 = arith.constant dense<0.000000e+00> : vector<1x4096xf32>
    %dot_general3A_582 = tpu.matmul %sub3A_541, %convert_element_type3A_580, %dot_general3A_581 {dimension_numbers = #tpu.dot_dimension_numbers<[1], [0], [0], [1], [0, 0, 1, 1], [], []>, transpose_lhs_hint = false} : vector<1x512xf32>, vector<512x4096xf32>, vector<1x4096xf32> -> vector<1x4096xf32>
    %gt3A_583 = arith.constant 0.000000e+00 : f32
    %gt3A_584 = vector.broadcast %gt3A_583 : f32 to vector<1x4096xf32>
    %gt3A_585 = arith.cmpf ogt, %dot_general3A_582, %gt3A_584 : vector<1x4096xf32>
    %convert_element_type3A_586 = arith.extui %gt3A_585 : vector<1x4096xi1> to vector<1x4096xi32>
    %convert_element_type3A_587 = arith.sitofp %convert_element_type3A_586 : vector<1x4096xi32> to vector<1x4096xf32>
    %slice3A_588 = vector.extract_strided_slice %convert_element_type3A_587 {offsets = [0, 0], sizes = [1, 512], strides = [1, 1]} : vector<1x4096xf32> to vector<1x512xf32>
    %max3A_589 = arith.maximumf %max3A_477, %slice3A_588 : vector<1x512xf32>
    %slice3A_590 = vector.extract_strided_slice %convert_element_type3A_587 {offsets = [0, 512], sizes = [1, 512], strides = [1, 1]} : vector<1x4096xf32> to vector<1x512xf32>
    %max3A_591 = arith.maximumf %max3A_479, %slice3A_590 : vector<1x512xf32>
    %slice3A_592 = vector.extract_strided_slice %convert_element_type3A_587 {offsets = [0, 1024], sizes = [1, 512], strides = [1, 1]} : vector<1x4096xf32> to vector<1x512xf32>
    %max3A_593 = arith.maximumf %max3A_481, %slice3A_592 : vector<1x512xf32>
    %slice3A_594 = vector.extract_strided_slice %convert_element_type3A_587 {offsets = [0, 1536], sizes = [1, 512], strides = [1, 1]} : vector<1x4096xf32> to vector<1x512xf32>
    %max3A_595 = arith.maximumf %max3A_483, %slice3A_594 : vector<1x512xf32>
    %slice3A_596 = vector.extract_strided_slice %convert_element_type3A_587 {offsets = [0, 2048], sizes = [1, 512], strides = [1, 1]} : vector<1x4096xf32> to vector<1x512xf32>
    %max3A_597 = arith.maximumf %max3A_485, %slice3A_596 : vector<1x512xf32>
    %slice3A_598 = vector.extract_strided_slice %convert_element_type3A_587 {offsets = [0, 2560], sizes = [1, 512], strides = [1, 1]} : vector<1x4096xf32> to vector<1x512xf32>
    %max3A_599 = arith.maximumf %max3A_487, %slice3A_598 : vector<1x512xf32>
    %slice3A_600 = vector.extract_strided_slice %convert_element_type3A_587 {offsets = [0, 3072], sizes = [1, 512], strides = [1, 1]} : vector<1x4096xf32> to vector<1x512xf32>
    %max3A_601 = arith.maximumf %max3A_489, %slice3A_600 : vector<1x512xf32>
    %slice3A_602 = vector.extract_strided_slice %convert_element_type3A_587 {offsets = [0, 3584], sizes = [1, 512], strides = [1, 1]} : vector<1x4096xf32> to vector<1x512xf32>
    %max3A_603 = arith.maximumf %max3A_491, %slice3A_602 : vector<1x512xf32>
    %max3A_604 = vector.broadcast %reshape3A_86 : vector<512x1xf32> to vector<512x512xf32>
    %max3A_605 = vector.broadcast %slice3A_27 : vector<1x512xf32> to vector<512x512xf32>
    %max3A_606 = arith.maximumf %max3A_604, %max3A_605 : vector<512x512xf32>
    %max3A_607 = vector.broadcast %reshape3A_87 : vector<512x1xf32> to vector<512x512xf32>
    %max3A_608 = vector.broadcast %slice3A_28 : vector<1x512xf32> to vector<512x512xf32>
    %max3A_609 = arith.maximumf %max3A_607, %max3A_608 : vector<512x512xf32>
    %min3A_610 = vector.broadcast %reshape3A_88 : vector<512x1xf32> to vector<512x512xf32>
    %min3A_611 = vector.broadcast %slice3A_29 : vector<1x512xf32> to vector<512x512xf32>
    %min3A_612 = arith.minimumf %min3A_610, %min3A_611 : vector<512x512xf32>
    %min3A_613 = vector.broadcast %reshape3A_89 : vector<512x1xf32> to vector<512x512xf32>
    %min3A_614 = vector.broadcast %slice3A_30 : vector<1x512xf32> to vector<512x512xf32>
    %min3A_615 = arith.minimumf %min3A_613, %min3A_614 : vector<512x512xf32>
    %sub3A_616 = arith.subf %min3A_612, %max3A_606 : vector<512x512xf32>
    %max3A_617 = arith.constant 0.000000e+00 : f32
    %max3A_618 = vector.broadcast %max3A_617 : f32 to vector<512x512xf32>
    %max3A_619 = arith.maximumf %sub3A_616, %max3A_618 : vector<512x512xf32>
    %sub3A_620 = arith.subf %min3A_615, %max3A_609 : vector<512x512xf32>
    %max3A_621 = arith.constant 0.000000e+00 : f32
    %max3A_622 = vector.broadcast %max3A_621 : f32 to vector<512x512xf32>
    %max3A_623 = arith.maximumf %sub3A_620, %max3A_622 : vector<512x512xf32>
    %mul3A_624 = arith.mulf %max3A_619, %max3A_623 : vector<512x512xf32>
    %add3A_625 = vector.broadcast %reshape3A_90 : vector<512x1xf32> to vector<512x512xf32>
    %add3A_626 = vector.broadcast %slice3A_31 : vector<1x512xf32> to vector<512x512xf32>
    %add3A_627 = arith.addf %add3A_625, %add3A_626 : vector<512x512xf32>
    %sub3A_628 = arith.subf %add3A_627, %mul3A_624 : vector<512x512xf32>
    %add3A_629 = arith.constant 9.99999971E-10 : f32
    %add3A_630 = vector.broadcast %add3A_629 : f32 to vector<512x512xf32>
    %add3A_631 = arith.addf %sub3A_628, %add3A_630 : vector<512x512xf32>
    %mul3A_632 = arith.constant 0.699999988 : f32
    %mul3A_633 = vector.broadcast %mul3A_632 : f32 to vector<512x512xf32>
    %mul3A_634 = arith.mulf %mul3A_633, %add3A_631 : vector<512x512xf32>
    %gt3A_635 = arith.cmpf ogt, %mul3A_624, %mul3A_634 : vector<512x512xf32>
    %convert_element_type3A_636 = arith.extui %gt3A_635 : vector<512x512xi1> to vector<512x512xi32>
    %convert_element_type3A_637 = arith.sitofp %convert_element_type3A_636 : vector<512x512xi32> to vector<512x512xf32>
    %mul3A_638 = arith.mulf %convert_element_type3A_637, %convert_element_type3A_150 : vector<512x512xf32>
    %sub3A_639 = arith.constant 1.000000e+00 : f32
    %sub3A_640 = vector.broadcast %sub3A_639 : f32 to vector<1x512xf32>
    %sub3A_641 = arith.subf %sub3A_640, %max3A_589 : vector<1x512xf32>
    %dot_general3A_642 = arith.constant dense<0.000000e+00> : vector<1x512xf32>
    %dot_general3A_643 = tpu.matmul %sub3A_641, %mul3A_638, %dot_general3A_642 {dimension_numbers = #tpu.dot_dimension_numbers<[1], [0], [0], [1], [0, 0, 1, 1], [], []>, transpose_lhs_hint = false} : vector<1x512xf32>, vector<512x512xf32>, vector<1x512xf32> -> vector<1x512xf32>
    %gt3A_644 = arith.constant 0.000000e+00 : f32
    %gt3A_645 = vector.broadcast %gt3A_644 : f32 to vector<1x512xf32>
    %gt3A_646 = arith.cmpf ogt, %dot_general3A_643, %gt3A_645 : vector<1x512xf32>
    %convert_element_type3A_647 = arith.extui %gt3A_646 : vector<1x512xi1> to vector<1x512xi32>
    %convert_element_type3A_648 = arith.sitofp %convert_element_type3A_647 : vector<1x512xi32> to vector<1x512xf32>
    %max3A_649 = arith.maximumf %max3A_589, %convert_element_type3A_648 : vector<1x512xf32>
    %while3A_650:2 = scf.while (%while3A_2522 = %max3A_649, %while3A_2523 = %max3A_589) : (vector<1x512xf32>, vector<1x512xf32>) -> (vector<1x512xf32>, vector<1x512xf32>) {
      %sub3A_2524 = arith.subf %while3A_2522, %while3A_2523 : vector<1x512xf32>
      %abs3A = math.absf %sub3A_2524 : vector<1x512xf32>
      %reduce_sum3A_2525 = vector.shape_cast %abs3A : vector<1x512xf32> to vector<1x1x512xf32>
      %reduce_sum3A_2526 = arith.constant dense<0.000000e+00> : vector<1xf32>
      %reduce_sum3A_2527 = vector.multi_reduction <add>, %reduce_sum3A_2525, %reduce_sum3A_2526 [1, 2] : vector<1x1x512xf32> to vector<1xf32>
      %reduce_sum3A_2528 = vector.shape_cast %reduce_sum3A_2527 : vector<1xf32> to vector<1x1x1xf32>
      %reduce_sum3A_2529 = vector.extract %reduce_sum3A_2528[0, 0, 0] : f32 from vector<1x1x1xf32>
      %gt3A_2530 = arith.constant 0.000000e+00 : f32
      %gt3A_2531 = arith.cmpf ogt, %reduce_sum3A_2529, %gt3A_2530 : f32
      scf.condition(%gt3A_2531) %while3A_2522, %while3A_2523 : vector<1x512xf32>, vector<1x512xf32>
    } do {
    ^bb0(%while3A_2522: vector<1x512xf32>, %while3A_2523: vector<1x512xf32>):
      %sub3A_2524 = arith.constant 1.000000e+00 : f32
      %sub3A_2525 = vector.broadcast %sub3A_2524 : f32 to vector<1x512xf32>
      %sub3A_2526 = arith.subf %sub3A_2525, %while3A_2522 : vector<1x512xf32>
      %dot_general3A_2527 = arith.constant dense<0.000000e+00> : vector<1x512xf32>
      %dot_general3A_2528 = tpu.matmul %sub3A_2526, %mul3A_638, %dot_general3A_2527 {dimension_numbers = #tpu.dot_dimension_numbers<[1], [0], [0], [1], [0, 0, 1, 1], [], []>, transpose_lhs_hint = false} : vector<1x512xf32>, vector<512x512xf32>, vector<1x512xf32> -> vector<1x512xf32>
      %gt3A_2529 = arith.constant 0.000000e+00 : f32
      %gt3A_2530 = vector.broadcast %gt3A_2529 : f32 to vector<1x512xf32>
      %gt3A_2531 = arith.cmpf ogt, %dot_general3A_2528, %gt3A_2530 : vector<1x512xf32>
      %convert_element_type3A_2532 = arith.extui %gt3A_2531 : vector<1x512xi1> to vector<1x512xi32>
      %convert_element_type3A_2533 = arith.sitofp %convert_element_type3A_2532 : vector<1x512xi32> to vector<1x512xf32>
      %max3A_2534 = arith.maximumf %max3A_589, %convert_element_type3A_2533 : vector<1x512xf32>
      scf.yield %max3A_2534, %while3A_2522 : vector<1x512xf32>, vector<1x512xf32>
    }
    %sub3A_651 = arith.constant 1.000000e+00 : f32
    %sub3A_652 = vector.broadcast %sub3A_651 : f32 to vector<1x512xf32>
    %sub3A_653 = arith.subf %sub3A_652, %while3A_650#0 : vector<1x512xf32>
    %slice3A_654 = vector.extract_strided_slice %slice3A {offsets = [0, 2560], sizes = [1, 3584], strides = [1, 1]} : vector<1x6144xf32> to vector<1x3584xf32>
    %slice3A_655 = vector.extract_strided_slice %slice3A_2 {offsets = [0, 2560], sizes = [1, 3584], strides = [1, 1]} : vector<1x6144xf32> to vector<1x3584xf32>
    %slice3A_656 = vector.extract_strided_slice %slice3A_3 {offsets = [0, 2560], sizes = [1, 3584], strides = [1, 1]} : vector<1x6144xf32> to vector<1x3584xf32>
    %slice3A_657 = vector.extract_strided_slice %slice3A_4 {offsets = [0, 2560], sizes = [1, 3584], strides = [1, 1]} : vector<1x6144xf32> to vector<1x3584xf32>
    %slice3A_658 = vector.extract_strided_slice %slice3A_5 {offsets = [0, 2560], sizes = [1, 3584], strides = [1, 1]} : vector<1x6144xf32> to vector<1x3584xf32>
    %max3A_659 = vector.broadcast %reshape3A_86 : vector<512x1xf32> to vector<512x3584xf32>
    %max3A_660 = vector.broadcast %slice3A_654 : vector<1x3584xf32> to vector<512x3584xf32>
    %max3A_661 = arith.maximumf %max3A_659, %max3A_660 : vector<512x3584xf32>
    %max3A_662 = vector.broadcast %reshape3A_87 : vector<512x1xf32> to vector<512x3584xf32>
    %max3A_663 = vector.broadcast %slice3A_655 : vector<1x3584xf32> to vector<512x3584xf32>
    %max3A_664 = arith.maximumf %max3A_662, %max3A_663 : vector<512x3584xf32>
    %min3A_665 = vector.broadcast %reshape3A_88 : vector<512x1xf32> to vector<512x3584xf32>
    %min3A_666 = vector.broadcast %slice3A_656 : vector<1x3584xf32> to vector<512x3584xf32>
    %min3A_667 = arith.minimumf %min3A_665, %min3A_666 : vector<512x3584xf32>
    %min3A_668 = vector.broadcast %reshape3A_89 : vector<512x1xf32> to vector<512x3584xf32>
    %min3A_669 = vector.broadcast %slice3A_657 : vector<1x3584xf32> to vector<512x3584xf32>
    %min3A_670 = arith.minimumf %min3A_668, %min3A_669 : vector<512x3584xf32>
    %sub3A_671 = arith.subf %min3A_667, %max3A_661 : vector<512x3584xf32>
    %max3A_672 = arith.constant 0.000000e+00 : f32
    %max3A_673 = vector.broadcast %max3A_672 : f32 to vector<512x3584xf32>
    %max3A_674 = arith.maximumf %sub3A_671, %max3A_673 : vector<512x3584xf32>
    %sub3A_675 = arith.subf %min3A_670, %max3A_664 : vector<512x3584xf32>
    %max3A_676 = arith.constant 0.000000e+00 : f32
    %max3A_677 = vector.broadcast %max3A_676 : f32 to vector<512x3584xf32>
    %max3A_678 = arith.maximumf %sub3A_675, %max3A_677 : vector<512x3584xf32>
    %mul3A_679 = arith.mulf %max3A_674, %max3A_678 : vector<512x3584xf32>
    %add3A_680 = vector.broadcast %reshape3A_90 : vector<512x1xf32> to vector<512x3584xf32>
    %add3A_681 = vector.broadcast %slice3A_658 : vector<1x3584xf32> to vector<512x3584xf32>
    %add3A_682 = arith.addf %add3A_680, %add3A_681 : vector<512x3584xf32>
    %sub3A_683 = arith.subf %add3A_682, %mul3A_679 : vector<512x3584xf32>
    %add3A_684 = arith.constant 9.99999971E-10 : f32
    %add3A_685 = vector.broadcast %add3A_684 : f32 to vector<512x3584xf32>
    %add3A_686 = arith.addf %sub3A_683, %add3A_685 : vector<512x3584xf32>
    %mul3A_687 = arith.constant 0.699999988 : f32
    %mul3A_688 = vector.broadcast %mul3A_687 : f32 to vector<512x3584xf32>
    %mul3A_689 = arith.mulf %mul3A_688, %add3A_686 : vector<512x3584xf32>
    %gt3A_690 = arith.cmpf ogt, %mul3A_679, %mul3A_689 : vector<512x3584xf32>
    %convert_element_type3A_691 = arith.extui %gt3A_690 : vector<512x3584xi1> to vector<512x3584xi32>
    %convert_element_type3A_692 = arith.sitofp %convert_element_type3A_691 : vector<512x3584xi32> to vector<512x3584xf32>
    %dot_general3A_693 = arith.constant dense<0.000000e+00> : vector<1x3584xf32>
    %dot_general3A_694 = tpu.matmul %sub3A_653, %convert_element_type3A_692, %dot_general3A_693 {dimension_numbers = #tpu.dot_dimension_numbers<[1], [0], [0], [1], [0, 0, 1, 1], [], []>, transpose_lhs_hint = false} : vector<1x512xf32>, vector<512x3584xf32>, vector<1x3584xf32> -> vector<1x3584xf32>
    %gt3A_695 = arith.constant 0.000000e+00 : f32
    %gt3A_696 = vector.broadcast %gt3A_695 : f32 to vector<1x3584xf32>
    %gt3A_697 = arith.cmpf ogt, %dot_general3A_694, %gt3A_696 : vector<1x3584xf32>
    %convert_element_type3A_698 = arith.extui %gt3A_697 : vector<1x3584xi1> to vector<1x3584xi32>
    %convert_element_type3A_699 = arith.sitofp %convert_element_type3A_698 : vector<1x3584xi32> to vector<1x3584xf32>
    %slice3A_700 = vector.extract_strided_slice %convert_element_type3A_699 {offsets = [0, 0], sizes = [1, 512], strides = [1, 1]} : vector<1x3584xf32> to vector<1x512xf32>
    %max3A_701 = arith.maximumf %max3A_591, %slice3A_700 : vector<1x512xf32>
    %slice3A_702 = vector.extract_strided_slice %convert_element_type3A_699 {offsets = [0, 512], sizes = [1, 512], strides = [1, 1]} : vector<1x3584xf32> to vector<1x512xf32>
    %max3A_703 = arith.maximumf %max3A_593, %slice3A_702 : vector<1x512xf32>
    %slice3A_704 = vector.extract_strided_slice %convert_element_type3A_699 {offsets = [0, 1024], sizes = [1, 512], strides = [1, 1]} : vector<1x3584xf32> to vector<1x512xf32>
    %max3A_705 = arith.maximumf %max3A_595, %slice3A_704 : vector<1x512xf32>
    %slice3A_706 = vector.extract_strided_slice %convert_element_type3A_699 {offsets = [0, 1536], sizes = [1, 512], strides = [1, 1]} : vector<1x3584xf32> to vector<1x512xf32>
    %max3A_707 = arith.maximumf %max3A_597, %slice3A_706 : vector<1x512xf32>
    %slice3A_708 = vector.extract_strided_slice %convert_element_type3A_699 {offsets = [0, 2048], sizes = [1, 512], strides = [1, 1]} : vector<1x3584xf32> to vector<1x512xf32>
    %max3A_709 = arith.maximumf %max3A_599, %slice3A_708 : vector<1x512xf32>
    %slice3A_710 = vector.extract_strided_slice %convert_element_type3A_699 {offsets = [0, 2560], sizes = [1, 512], strides = [1, 1]} : vector<1x3584xf32> to vector<1x512xf32>
    %max3A_711 = arith.maximumf %max3A_601, %slice3A_710 : vector<1x512xf32>
    %slice3A_712 = vector.extract_strided_slice %convert_element_type3A_699 {offsets = [0, 3072], sizes = [1, 512], strides = [1, 1]} : vector<1x3584xf32> to vector<1x512xf32>
    %max3A_713 = arith.maximumf %max3A_603, %slice3A_712 : vector<1x512xf32>
    %max3A_714 = vector.broadcast %reshape3A_91 : vector<512x1xf32> to vector<512x512xf32>
    %max3A_715 = vector.broadcast %slice3A_32 : vector<1x512xf32> to vector<512x512xf32>
    %max3A_716 = arith.maximumf %max3A_714, %max3A_715 : vector<512x512xf32>
    %max3A_717 = vector.broadcast %reshape3A_92 : vector<512x1xf32> to vector<512x512xf32>
    %max3A_718 = vector.broadcast %slice3A_33 : vector<1x512xf32> to vector<512x512xf32>
    %max3A_719 = arith.maximumf %max3A_717, %max3A_718 : vector<512x512xf32>
    %min3A_720 = vector.broadcast %reshape3A_93 : vector<512x1xf32> to vector<512x512xf32>
    %min3A_721 = vector.broadcast %slice3A_34 : vector<1x512xf32> to vector<512x512xf32>
    %min3A_722 = arith.minimumf %min3A_720, %min3A_721 : vector<512x512xf32>
    %min3A_723 = vector.broadcast %reshape3A_94 : vector<512x1xf32> to vector<512x512xf32>
    %min3A_724 = vector.broadcast %slice3A_35 : vector<1x512xf32> to vector<512x512xf32>
    %min3A_725 = arith.minimumf %min3A_723, %min3A_724 : vector<512x512xf32>
    %sub3A_726 = arith.subf %min3A_722, %max3A_716 : vector<512x512xf32>
    %max3A_727 = arith.constant 0.000000e+00 : f32
    %max3A_728 = vector.broadcast %max3A_727 : f32 to vector<512x512xf32>
    %max3A_729 = arith.maximumf %sub3A_726, %max3A_728 : vector<512x512xf32>
    %sub3A_730 = arith.subf %min3A_725, %max3A_719 : vector<512x512xf32>
    %max3A_731 = arith.constant 0.000000e+00 : f32
    %max3A_732 = vector.broadcast %max3A_731 : f32 to vector<512x512xf32>
    %max3A_733 = arith.maximumf %sub3A_730, %max3A_732 : vector<512x512xf32>
    %mul3A_734 = arith.mulf %max3A_729, %max3A_733 : vector<512x512xf32>
    %add3A_735 = vector.broadcast %reshape3A_95 : vector<512x1xf32> to vector<512x512xf32>
    %add3A_736 = vector.broadcast %slice3A_36 : vector<1x512xf32> to vector<512x512xf32>
    %add3A_737 = arith.addf %add3A_735, %add3A_736 : vector<512x512xf32>
    %sub3A_738 = arith.subf %add3A_737, %mul3A_734 : vector<512x512xf32>
    %add3A_739 = arith.constant 9.99999971E-10 : f32
    %add3A_740 = vector.broadcast %add3A_739 : f32 to vector<512x512xf32>
    %add3A_741 = arith.addf %sub3A_738, %add3A_740 : vector<512x512xf32>
    %mul3A_742 = arith.constant 0.699999988 : f32
    %mul3A_743 = vector.broadcast %mul3A_742 : f32 to vector<512x512xf32>
    %mul3A_744 = arith.mulf %mul3A_743, %add3A_741 : vector<512x512xf32>
    %gt3A_745 = arith.cmpf ogt, %mul3A_734, %mul3A_744 : vector<512x512xf32>
    %convert_element_type3A_746 = arith.extui %gt3A_745 : vector<512x512xi1> to vector<512x512xi32>
    %convert_element_type3A_747 = arith.sitofp %convert_element_type3A_746 : vector<512x512xi32> to vector<512x512xf32>
    %mul3A_748 = arith.mulf %convert_element_type3A_747, %convert_element_type3A_150 : vector<512x512xf32>
    %sub3A_749 = arith.constant 1.000000e+00 : f32
    %sub3A_750 = vector.broadcast %sub3A_749 : f32 to vector<1x512xf32>
    %sub3A_751 = arith.subf %sub3A_750, %max3A_701 : vector<1x512xf32>
    %dot_general3A_752 = arith.constant dense<0.000000e+00> : vector<1x512xf32>
    %dot_general3A_753 = tpu.matmul %sub3A_751, %mul3A_748, %dot_general3A_752 {dimension_numbers = #tpu.dot_dimension_numbers<[1], [0], [0], [1], [0, 0, 1, 1], [], []>, transpose_lhs_hint = false} : vector<1x512xf32>, vector<512x512xf32>, vector<1x512xf32> -> vector<1x512xf32>
    %gt3A_754 = arith.constant 0.000000e+00 : f32
    %gt3A_755 = vector.broadcast %gt3A_754 : f32 to vector<1x512xf32>
    %gt3A_756 = arith.cmpf ogt, %dot_general3A_753, %gt3A_755 : vector<1x512xf32>
    %convert_element_type3A_757 = arith.extui %gt3A_756 : vector<1x512xi1> to vector<1x512xi32>
    %convert_element_type3A_758 = arith.sitofp %convert_element_type3A_757 : vector<1x512xi32> to vector<1x512xf32>
    %max3A_759 = arith.maximumf %max3A_701, %convert_element_type3A_758 : vector<1x512xf32>
    %while3A_760:2 = scf.while (%while3A_2522 = %max3A_759, %while3A_2523 = %max3A_701) : (vector<1x512xf32>, vector<1x512xf32>) -> (vector<1x512xf32>, vector<1x512xf32>) {
      %sub3A_2524 = arith.subf %while3A_2522, %while3A_2523 : vector<1x512xf32>
      %abs3A = math.absf %sub3A_2524 : vector<1x512xf32>
      %reduce_sum3A_2525 = vector.shape_cast %abs3A : vector<1x512xf32> to vector<1x1x512xf32>
      %reduce_sum3A_2526 = arith.constant dense<0.000000e+00> : vector<1xf32>
      %reduce_sum3A_2527 = vector.multi_reduction <add>, %reduce_sum3A_2525, %reduce_sum3A_2526 [1, 2] : vector<1x1x512xf32> to vector<1xf32>
      %reduce_sum3A_2528 = vector.shape_cast %reduce_sum3A_2527 : vector<1xf32> to vector<1x1x1xf32>
      %reduce_sum3A_2529 = vector.extract %reduce_sum3A_2528[0, 0, 0] : f32 from vector<1x1x1xf32>
      %gt3A_2530 = arith.constant 0.000000e+00 : f32
      %gt3A_2531 = arith.cmpf ogt, %reduce_sum3A_2529, %gt3A_2530 : f32
      scf.condition(%gt3A_2531) %while3A_2522, %while3A_2523 : vector<1x512xf32>, vector<1x512xf32>
    } do {
    ^bb0(%while3A_2522: vector<1x512xf32>, %while3A_2523: vector<1x512xf32>):
      %sub3A_2524 = arith.constant 1.000000e+00 : f32
      %sub3A_2525 = vector.broadcast %sub3A_2524 : f32 to vector<1x512xf32>
      %sub3A_2526 = arith.subf %sub3A_2525, %while3A_2522 : vector<1x512xf32>
      %dot_general3A_2527 = arith.constant dense<0.000000e+00> : vector<1x512xf32>
      %dot_general3A_2528 = tpu.matmul %sub3A_2526, %mul3A_748, %dot_general3A_2527 {dimension_numbers = #tpu.dot_dimension_numbers<[1], [0], [0], [1], [0, 0, 1, 1], [], []>, transpose_lhs_hint = false} : vector<1x512xf32>, vector<512x512xf32>, vector<1x512xf32> -> vector<1x512xf32>
      %gt3A_2529 = arith.constant 0.000000e+00 : f32
      %gt3A_2530 = vector.broadcast %gt3A_2529 : f32 to vector<1x512xf32>
      %gt3A_2531 = arith.cmpf ogt, %dot_general3A_2528, %gt3A_2530 : vector<1x512xf32>
      %convert_element_type3A_2532 = arith.extui %gt3A_2531 : vector<1x512xi1> to vector<1x512xi32>
      %convert_element_type3A_2533 = arith.sitofp %convert_element_type3A_2532 : vector<1x512xi32> to vector<1x512xf32>
      %max3A_2534 = arith.maximumf %max3A_701, %convert_element_type3A_2533 : vector<1x512xf32>
      scf.yield %max3A_2534, %while3A_2522 : vector<1x512xf32>, vector<1x512xf32>
    }
    %sub3A_761 = arith.constant 1.000000e+00 : f32
    %sub3A_762 = vector.broadcast %sub3A_761 : f32 to vector<1x512xf32>
    %sub3A_763 = arith.subf %sub3A_762, %while3A_760#0 : vector<1x512xf32>
    %slice3A_764 = vector.extract_strided_slice %slice3A {offsets = [0, 3072], sizes = [1, 3072], strides = [1, 1]} : vector<1x6144xf32> to vector<1x3072xf32>
    %slice3A_765 = vector.extract_strided_slice %slice3A_2 {offsets = [0, 3072], sizes = [1, 3072], strides = [1, 1]} : vector<1x6144xf32> to vector<1x3072xf32>
    %slice3A_766 = vector.extract_strided_slice %slice3A_3 {offsets = [0, 3072], sizes = [1, 3072], strides = [1, 1]} : vector<1x6144xf32> to vector<1x3072xf32>
    %slice3A_767 = vector.extract_strided_slice %slice3A_4 {offsets = [0, 3072], sizes = [1, 3072], strides = [1, 1]} : vector<1x6144xf32> to vector<1x3072xf32>
    %slice3A_768 = vector.extract_strided_slice %slice3A_5 {offsets = [0, 3072], sizes = [1, 3072], strides = [1, 1]} : vector<1x6144xf32> to vector<1x3072xf32>
    %max3A_769 = vector.broadcast %reshape3A_91 : vector<512x1xf32> to vector<512x3072xf32>
    %max3A_770 = vector.broadcast %slice3A_764 : vector<1x3072xf32> to vector<512x3072xf32>
    %max3A_771 = arith.maximumf %max3A_769, %max3A_770 : vector<512x3072xf32>
    %max3A_772 = vector.broadcast %reshape3A_92 : vector<512x1xf32> to vector<512x3072xf32>
    %max3A_773 = vector.broadcast %slice3A_765 : vector<1x3072xf32> to vector<512x3072xf32>
    %max3A_774 = arith.maximumf %max3A_772, %max3A_773 : vector<512x3072xf32>
    %min3A_775 = vector.broadcast %reshape3A_93 : vector<512x1xf32> to vector<512x3072xf32>
    %min3A_776 = vector.broadcast %slice3A_766 : vector<1x3072xf32> to vector<512x3072xf32>
    %min3A_777 = arith.minimumf %min3A_775, %min3A_776 : vector<512x3072xf32>
    %min3A_778 = vector.broadcast %reshape3A_94 : vector<512x1xf32> to vector<512x3072xf32>
    %min3A_779 = vector.broadcast %slice3A_767 : vector<1x3072xf32> to vector<512x3072xf32>
    %min3A_780 = arith.minimumf %min3A_778, %min3A_779 : vector<512x3072xf32>
    %sub3A_781 = arith.subf %min3A_777, %max3A_771 : vector<512x3072xf32>
    %max3A_782 = arith.constant 0.000000e+00 : f32
    %max3A_783 = vector.broadcast %max3A_782 : f32 to vector<512x3072xf32>
    %max3A_784 = arith.maximumf %sub3A_781, %max3A_783 : vector<512x3072xf32>
    %sub3A_785 = arith.subf %min3A_780, %max3A_774 : vector<512x3072xf32>
    %max3A_786 = arith.constant 0.000000e+00 : f32
    %max3A_787 = vector.broadcast %max3A_786 : f32 to vector<512x3072xf32>
    %max3A_788 = arith.maximumf %sub3A_785, %max3A_787 : vector<512x3072xf32>
    %mul3A_789 = arith.mulf %max3A_784, %max3A_788 : vector<512x3072xf32>
    %add3A_790 = vector.broadcast %reshape3A_95 : vector<512x1xf32> to vector<512x3072xf32>
    %add3A_791 = vector.broadcast %slice3A_768 : vector<1x3072xf32> to vector<512x3072xf32>
    %add3A_792 = arith.addf %add3A_790, %add3A_791 : vector<512x3072xf32>
    %sub3A_793 = arith.subf %add3A_792, %mul3A_789 : vector<512x3072xf32>
    %add3A_794 = arith.constant 9.99999971E-10 : f32
    %add3A_795 = vector.broadcast %add3A_794 : f32 to vector<512x3072xf32>
    %add3A_796 = arith.addf %sub3A_793, %add3A_795 : vector<512x3072xf32>
    %mul3A_797 = arith.constant 0.699999988 : f32
    %mul3A_798 = vector.broadcast %mul3A_797 : f32 to vector<512x3072xf32>
    %mul3A_799 = arith.mulf %mul3A_798, %add3A_796 : vector<512x3072xf32>
    %gt3A_800 = arith.cmpf ogt, %mul3A_789, %mul3A_799 : vector<512x3072xf32>
    %convert_element_type3A_801 = arith.extui %gt3A_800 : vector<512x3072xi1> to vector<512x3072xi32>
    %convert_element_type3A_802 = arith.sitofp %convert_element_type3A_801 : vector<512x3072xi32> to vector<512x3072xf32>
    %dot_general3A_803 = arith.constant dense<0.000000e+00> : vector<1x3072xf32>
    %dot_general3A_804 = tpu.matmul %sub3A_763, %convert_element_type3A_802, %dot_general3A_803 {dimension_numbers = #tpu.dot_dimension_numbers<[1], [0], [0], [1], [0, 0, 1, 1], [], []>, transpose_lhs_hint = false} : vector<1x512xf32>, vector<512x3072xf32>, vector<1x3072xf32> -> vector<1x3072xf32>
    %gt3A_805 = arith.constant 0.000000e+00 : f32
    %gt3A_806 = vector.broadcast %gt3A_805 : f32 to vector<1x3072xf32>
    %gt3A_807 = arith.cmpf ogt, %dot_general3A_804, %gt3A_806 : vector<1x3072xf32>
    %convert_element_type3A_808 = arith.extui %gt3A_807 : vector<1x3072xi1> to vector<1x3072xi32>
    %convert_element_type3A_809 = arith.sitofp %convert_element_type3A_808 : vector<1x3072xi32> to vector<1x3072xf32>
    %slice3A_810 = vector.extract_strided_slice %convert_element_type3A_809 {offsets = [0, 0], sizes = [1, 512], strides = [1, 1]} : vector<1x3072xf32> to vector<1x512xf32>
    %max3A_811 = arith.maximumf %max3A_703, %slice3A_810 : vector<1x512xf32>
    %slice3A_812 = vector.extract_strided_slice %convert_element_type3A_809 {offsets = [0, 512], sizes = [1, 512], strides = [1, 1]} : vector<1x3072xf32> to vector<1x512xf32>
    %max3A_813 = arith.maximumf %max3A_705, %slice3A_812 : vector<1x512xf32>
    %slice3A_814 = vector.extract_strided_slice %convert_element_type3A_809 {offsets = [0, 1024], sizes = [1, 512], strides = [1, 1]} : vector<1x3072xf32> to vector<1x512xf32>
    %max3A_815 = arith.maximumf %max3A_707, %slice3A_814 : vector<1x512xf32>
    %slice3A_816 = vector.extract_strided_slice %convert_element_type3A_809 {offsets = [0, 1536], sizes = [1, 512], strides = [1, 1]} : vector<1x3072xf32> to vector<1x512xf32>
    %max3A_817 = arith.maximumf %max3A_709, %slice3A_816 : vector<1x512xf32>
    %slice3A_818 = vector.extract_strided_slice %convert_element_type3A_809 {offsets = [0, 2048], sizes = [1, 512], strides = [1, 1]} : vector<1x3072xf32> to vector<1x512xf32>
    %max3A_819 = arith.maximumf %max3A_711, %slice3A_818 : vector<1x512xf32>
    %slice3A_820 = vector.extract_strided_slice %convert_element_type3A_809 {offsets = [0, 2560], sizes = [1, 512], strides = [1, 1]} : vector<1x3072xf32> to vector<1x512xf32>
    %max3A_821 = arith.maximumf %max3A_713, %slice3A_820 : vector<1x512xf32>
    %max3A_822 = vector.broadcast %reshape3A_96 : vector<512x1xf32> to vector<512x512xf32>
    %max3A_823 = vector.broadcast %slice3A_37 : vector<1x512xf32> to vector<512x512xf32>
    %max3A_824 = arith.maximumf %max3A_822, %max3A_823 : vector<512x512xf32>
    %max3A_825 = vector.broadcast %reshape3A_97 : vector<512x1xf32> to vector<512x512xf32>
    %max3A_826 = vector.broadcast %slice3A_38 : vector<1x512xf32> to vector<512x512xf32>
    %max3A_827 = arith.maximumf %max3A_825, %max3A_826 : vector<512x512xf32>
    %min3A_828 = vector.broadcast %reshape3A_98 : vector<512x1xf32> to vector<512x512xf32>
    %min3A_829 = vector.broadcast %slice3A_39 : vector<1x512xf32> to vector<512x512xf32>
    %min3A_830 = arith.minimumf %min3A_828, %min3A_829 : vector<512x512xf32>
    %min3A_831 = vector.broadcast %reshape3A_99 : vector<512x1xf32> to vector<512x512xf32>
    %min3A_832 = vector.broadcast %slice3A_40 : vector<1x512xf32> to vector<512x512xf32>
    %min3A_833 = arith.minimumf %min3A_831, %min3A_832 : vector<512x512xf32>
    %sub3A_834 = arith.subf %min3A_830, %max3A_824 : vector<512x512xf32>
    %max3A_835 = arith.constant 0.000000e+00 : f32
    %max3A_836 = vector.broadcast %max3A_835 : f32 to vector<512x512xf32>
    %max3A_837 = arith.maximumf %sub3A_834, %max3A_836 : vector<512x512xf32>
    %sub3A_838 = arith.subf %min3A_833, %max3A_827 : vector<512x512xf32>
    %max3A_839 = arith.constant 0.000000e+00 : f32
    %max3A_840 = vector.broadcast %max3A_839 : f32 to vector<512x512xf32>
    %max3A_841 = arith.maximumf %sub3A_838, %max3A_840 : vector<512x512xf32>
    %mul3A_842 = arith.mulf %max3A_837, %max3A_841 : vector<512x512xf32>
    %add3A_843 = vector.broadcast %reshape3A_100 : vector<512x1xf32> to vector<512x512xf32>
    %add3A_844 = vector.broadcast %slice3A_41 : vector<1x512xf32> to vector<512x512xf32>
    %add3A_845 = arith.addf %add3A_843, %add3A_844 : vector<512x512xf32>
    %sub3A_846 = arith.subf %add3A_845, %mul3A_842 : vector<512x512xf32>
    %add3A_847 = arith.constant 9.99999971E-10 : f32
    %add3A_848 = vector.broadcast %add3A_847 : f32 to vector<512x512xf32>
    %add3A_849 = arith.addf %sub3A_846, %add3A_848 : vector<512x512xf32>
    %mul3A_850 = arith.constant 0.699999988 : f32
    %mul3A_851 = vector.broadcast %mul3A_850 : f32 to vector<512x512xf32>
    %mul3A_852 = arith.mulf %mul3A_851, %add3A_849 : vector<512x512xf32>
    %gt3A_853 = arith.cmpf ogt, %mul3A_842, %mul3A_852 : vector<512x512xf32>
    %convert_element_type3A_854 = arith.extui %gt3A_853 : vector<512x512xi1> to vector<512x512xi32>
    %convert_element_type3A_855 = arith.sitofp %convert_element_type3A_854 : vector<512x512xi32> to vector<512x512xf32>
    %mul3A_856 = arith.mulf %convert_element_type3A_855, %convert_element_type3A_150 : vector<512x512xf32>
    %sub3A_857 = arith.constant 1.000000e+00 : f32
    %sub3A_858 = vector.broadcast %sub3A_857 : f32 to vector<1x512xf32>
    %sub3A_859 = arith.subf %sub3A_858, %max3A_811 : vector<1x512xf32>
    %dot_general3A_860 = arith.constant dense<0.000000e+00> : vector<1x512xf32>
    %dot_general3A_861 = tpu.matmul %sub3A_859, %mul3A_856, %dot_general3A_860 {dimension_numbers = #tpu.dot_dimension_numbers<[1], [0], [0], [1], [0, 0, 1, 1], [], []>, transpose_lhs_hint = false} : vector<1x512xf32>, vector<512x512xf32>, vector<1x512xf32> -> vector<1x512xf32>
    %gt3A_862 = arith.constant 0.000000e+00 : f32
    %gt3A_863 = vector.broadcast %gt3A_862 : f32 to vector<1x512xf32>
    %gt3A_864 = arith.cmpf ogt, %dot_general3A_861, %gt3A_863 : vector<1x512xf32>
    %convert_element_type3A_865 = arith.extui %gt3A_864 : vector<1x512xi1> to vector<1x512xi32>
    %convert_element_type3A_866 = arith.sitofp %convert_element_type3A_865 : vector<1x512xi32> to vector<1x512xf32>
    %max3A_867 = arith.maximumf %max3A_811, %convert_element_type3A_866 : vector<1x512xf32>
    %while3A_868:2 = scf.while (%while3A_2522 = %max3A_867, %while3A_2523 = %max3A_811) : (vector<1x512xf32>, vector<1x512xf32>) -> (vector<1x512xf32>, vector<1x512xf32>) {
      %sub3A_2524 = arith.subf %while3A_2522, %while3A_2523 : vector<1x512xf32>
      %abs3A = math.absf %sub3A_2524 : vector<1x512xf32>
      %reduce_sum3A_2525 = vector.shape_cast %abs3A : vector<1x512xf32> to vector<1x1x512xf32>
      %reduce_sum3A_2526 = arith.constant dense<0.000000e+00> : vector<1xf32>
      %reduce_sum3A_2527 = vector.multi_reduction <add>, %reduce_sum3A_2525, %reduce_sum3A_2526 [1, 2] : vector<1x1x512xf32> to vector<1xf32>
      %reduce_sum3A_2528 = vector.shape_cast %reduce_sum3A_2527 : vector<1xf32> to vector<1x1x1xf32>
      %reduce_sum3A_2529 = vector.extract %reduce_sum3A_2528[0, 0, 0] : f32 from vector<1x1x1xf32>
      %gt3A_2530 = arith.constant 0.000000e+00 : f32
      %gt3A_2531 = arith.cmpf ogt, %reduce_sum3A_2529, %gt3A_2530 : f32
      scf.condition(%gt3A_2531) %while3A_2522, %while3A_2523 : vector<1x512xf32>, vector<1x512xf32>
    } do {
    ^bb0(%while3A_2522: vector<1x512xf32>, %while3A_2523: vector<1x512xf32>):
      %sub3A_2524 = arith.constant 1.000000e+00 : f32
      %sub3A_2525 = vector.broadcast %sub3A_2524 : f32 to vector<1x512xf32>
      %sub3A_2526 = arith.subf %sub3A_2525, %while3A_2522 : vector<1x512xf32>
      %dot_general3A_2527 = arith.constant dense<0.000000e+00> : vector<1x512xf32>
      %dot_general3A_2528 = tpu.matmul %sub3A_2526, %mul3A_856, %dot_general3A_2527 {dimension_numbers = #tpu.dot_dimension_numbers<[1], [0], [0], [1], [0, 0, 1, 1], [], []>, transpose_lhs_hint = false} : vector<1x512xf32>, vector<512x512xf32>, vector<1x512xf32> -> vector<1x512xf32>
      %gt3A_2529 = arith.constant 0.000000e+00 : f32
      %gt3A_2530 = vector.broadcast %gt3A_2529 : f32 to vector<1x512xf32>
      %gt3A_2531 = arith.cmpf ogt, %dot_general3A_2528, %gt3A_2530 : vector<1x512xf32>
      %convert_element_type3A_2532 = arith.extui %gt3A_2531 : vector<1x512xi1> to vector<1x512xi32>
      %convert_element_type3A_2533 = arith.sitofp %convert_element_type3A_2532 : vector<1x512xi32> to vector<1x512xf32>
      %max3A_2534 = arith.maximumf %max3A_811, %convert_element_type3A_2533 : vector<1x512xf32>
      scf.yield %max3A_2534, %while3A_2522 : vector<1x512xf32>, vector<1x512xf32>
    }
    %sub3A_869 = arith.constant 1.000000e+00 : f32
    %sub3A_870 = vector.broadcast %sub3A_869 : f32 to vector<1x512xf32>
    %sub3A_871 = arith.subf %sub3A_870, %while3A_868#0 : vector<1x512xf32>
    %slice3A_872 = vector.extract_strided_slice %slice3A {offsets = [0, 3584], sizes = [1, 2560], strides = [1, 1]} : vector<1x6144xf32> to vector<1x2560xf32>
    %slice3A_873 = vector.extract_strided_slice %slice3A_2 {offsets = [0, 3584], sizes = [1, 2560], strides = [1, 1]} : vector<1x6144xf32> to vector<1x2560xf32>
    %slice3A_874 = vector.extract_strided_slice %slice3A_3 {offsets = [0, 3584], sizes = [1, 2560], strides = [1, 1]} : vector<1x6144xf32> to vector<1x2560xf32>
    %slice3A_875 = vector.extract_strided_slice %slice3A_4 {offsets = [0, 3584], sizes = [1, 2560], strides = [1, 1]} : vector<1x6144xf32> to vector<1x2560xf32>
    %slice3A_876 = vector.extract_strided_slice %slice3A_5 {offsets = [0, 3584], sizes = [1, 2560], strides = [1, 1]} : vector<1x6144xf32> to vector<1x2560xf32>
    %max3A_877 = vector.broadcast %reshape3A_96 : vector<512x1xf32> to vector<512x2560xf32>
    %max3A_878 = vector.broadcast %slice3A_872 : vector<1x2560xf32> to vector<512x2560xf32>
    %max3A_879 = arith.maximumf %max3A_877, %max3A_878 : vector<512x2560xf32>
    %max3A_880 = vector.broadcast %reshape3A_97 : vector<512x1xf32> to vector<512x2560xf32>
    %max3A_881 = vector.broadcast %slice3A_873 : vector<1x2560xf32> to vector<512x2560xf32>
    %max3A_882 = arith.maximumf %max3A_880, %max3A_881 : vector<512x2560xf32>
    %min3A_883 = vector.broadcast %reshape3A_98 : vector<512x1xf32> to vector<512x2560xf32>
    %min3A_884 = vector.broadcast %slice3A_874 : vector<1x2560xf32> to vector<512x2560xf32>
    %min3A_885 = arith.minimumf %min3A_883, %min3A_884 : vector<512x2560xf32>
    %min3A_886 = vector.broadcast %reshape3A_99 : vector<512x1xf32> to vector<512x2560xf32>
    %min3A_887 = vector.broadcast %slice3A_875 : vector<1x2560xf32> to vector<512x2560xf32>
    %min3A_888 = arith.minimumf %min3A_886, %min3A_887 : vector<512x2560xf32>
    %sub3A_889 = arith.subf %min3A_885, %max3A_879 : vector<512x2560xf32>
    %max3A_890 = arith.constant 0.000000e+00 : f32
    %max3A_891 = vector.broadcast %max3A_890 : f32 to vector<512x2560xf32>
    %max3A_892 = arith.maximumf %sub3A_889, %max3A_891 : vector<512x2560xf32>
    %sub3A_893 = arith.subf %min3A_888, %max3A_882 : vector<512x2560xf32>
    %max3A_894 = arith.constant 0.000000e+00 : f32
    %max3A_895 = vector.broadcast %max3A_894 : f32 to vector<512x2560xf32>
    %max3A_896 = arith.maximumf %sub3A_893, %max3A_895 : vector<512x2560xf32>
    %mul3A_897 = arith.mulf %max3A_892, %max3A_896 : vector<512x2560xf32>
    %add3A_898 = vector.broadcast %reshape3A_100 : vector<512x1xf32> to vector<512x2560xf32>
    %add3A_899 = vector.broadcast %slice3A_876 : vector<1x2560xf32> to vector<512x2560xf32>
    %add3A_900 = arith.addf %add3A_898, %add3A_899 : vector<512x2560xf32>
    %sub3A_901 = arith.subf %add3A_900, %mul3A_897 : vector<512x2560xf32>
    %add3A_902 = arith.constant 9.99999971E-10 : f32
    %add3A_903 = vector.broadcast %add3A_902 : f32 to vector<512x2560xf32>
    %add3A_904 = arith.addf %sub3A_901, %add3A_903 : vector<512x2560xf32>
    %mul3A_905 = arith.constant 0.699999988 : f32
    %mul3A_906 = vector.broadcast %mul3A_905 : f32 to vector<512x2560xf32>
    %mul3A_907 = arith.mulf %mul3A_906, %add3A_904 : vector<512x2560xf32>
    %gt3A_908 = arith.cmpf ogt, %mul3A_897, %mul3A_907 : vector<512x2560xf32>
    %convert_element_type3A_909 = arith.extui %gt3A_908 : vector<512x2560xi1> to vector<512x2560xi32>
    %convert_element_type3A_910 = arith.sitofp %convert_element_type3A_909 : vector<512x2560xi32> to vector<512x2560xf32>
    %dot_general3A_911 = arith.constant dense<0.000000e+00> : vector<1x2560xf32>
    %dot_general3A_912 = tpu.matmul %sub3A_871, %convert_element_type3A_910, %dot_general3A_911 {dimension_numbers = #tpu.dot_dimension_numbers<[1], [0], [0], [1], [0, 0, 1, 1], [], []>, transpose_lhs_hint = false} : vector<1x512xf32>, vector<512x2560xf32>, vector<1x2560xf32> -> vector<1x2560xf32>
    %gt3A_913 = arith.constant 0.000000e+00 : f32
    %gt3A_914 = vector.broadcast %gt3A_913 : f32 to vector<1x2560xf32>
    %gt3A_915 = arith.cmpf ogt, %dot_general3A_912, %gt3A_914 : vector<1x2560xf32>
    %convert_element_type3A_916 = arith.extui %gt3A_915 : vector<1x2560xi1> to vector<1x2560xi32>
    %convert_element_type3A_917 = arith.sitofp %convert_element_type3A_916 : vector<1x2560xi32> to vector<1x2560xf32>
    %slice3A_918 = vector.extract_strided_slice %convert_element_type3A_917 {offsets = [0, 0], sizes = [1, 512], strides = [1, 1]} : vector<1x2560xf32> to vector<1x512xf32>
    %max3A_919 = arith.maximumf %max3A_813, %slice3A_918 : vector<1x512xf32>
    %slice3A_920 = vector.extract_strided_slice %convert_element_type3A_917 {offsets = [0, 512], sizes = [1, 512], strides = [1, 1]} : vector<1x2560xf32> to vector<1x512xf32>
    %max3A_921 = arith.maximumf %max3A_815, %slice3A_920 : vector<1x512xf32>
    %slice3A_922 = vector.extract_strided_slice %convert_element_type3A_917 {offsets = [0, 1024], sizes = [1, 512], strides = [1, 1]} : vector<1x2560xf32> to vector<1x512xf32>
    %max3A_923 = arith.maximumf %max3A_817, %slice3A_922 : vector<1x512xf32>
    %slice3A_924 = vector.extract_strided_slice %convert_element_type3A_917 {offsets = [0, 1536], sizes = [1, 512], strides = [1, 1]} : vector<1x2560xf32> to vector<1x512xf32>
    %max3A_925 = arith.maximumf %max3A_819, %slice3A_924 : vector<1x512xf32>
    %slice3A_926 = vector.extract_strided_slice %convert_element_type3A_917 {offsets = [0, 2048], sizes = [1, 512], strides = [1, 1]} : vector<1x2560xf32> to vector<1x512xf32>
    %max3A_927 = arith.maximumf %max3A_821, %slice3A_926 : vector<1x512xf32>
    %max3A_928 = vector.broadcast %reshape3A_101 : vector<512x1xf32> to vector<512x512xf32>
    %max3A_929 = vector.broadcast %slice3A_42 : vector<1x512xf32> to vector<512x512xf32>
    %max3A_930 = arith.maximumf %max3A_928, %max3A_929 : vector<512x512xf32>
    %max3A_931 = vector.broadcast %reshape3A_102 : vector<512x1xf32> to vector<512x512xf32>
    %max3A_932 = vector.broadcast %slice3A_43 : vector<1x512xf32> to vector<512x512xf32>
    %max3A_933 = arith.maximumf %max3A_931, %max3A_932 : vector<512x512xf32>
    %min3A_934 = vector.broadcast %reshape3A_103 : vector<512x1xf32> to vector<512x512xf32>
    %min3A_935 = vector.broadcast %slice3A_44 : vector<1x512xf32> to vector<512x512xf32>
    %min3A_936 = arith.minimumf %min3A_934, %min3A_935 : vector<512x512xf32>
    %min3A_937 = vector.broadcast %reshape3A_104 : vector<512x1xf32> to vector<512x512xf32>
    %min3A_938 = vector.broadcast %slice3A_45 : vector<1x512xf32> to vector<512x512xf32>
    %min3A_939 = arith.minimumf %min3A_937, %min3A_938 : vector<512x512xf32>
    %sub3A_940 = arith.subf %min3A_936, %max3A_930 : vector<512x512xf32>
    %max3A_941 = arith.constant 0.000000e+00 : f32
    %max3A_942 = vector.broadcast %max3A_941 : f32 to vector<512x512xf32>
    %max3A_943 = arith.maximumf %sub3A_940, %max3A_942 : vector<512x512xf32>
    %sub3A_944 = arith.subf %min3A_939, %max3A_933 : vector<512x512xf32>
    %max3A_945 = arith.constant 0.000000e+00 : f32
    %max3A_946 = vector.broadcast %max3A_945 : f32 to vector<512x512xf32>
    %max3A_947 = arith.maximumf %sub3A_944, %max3A_946 : vector<512x512xf32>
    %mul3A_948 = arith.mulf %max3A_943, %max3A_947 : vector<512x512xf32>
    %add3A_949 = vector.broadcast %reshape3A_105 : vector<512x1xf32> to vector<512x512xf32>
    %add3A_950 = vector.broadcast %slice3A_46 : vector<1x512xf32> to vector<512x512xf32>
    %add3A_951 = arith.addf %add3A_949, %add3A_950 : vector<512x512xf32>
    %sub3A_952 = arith.subf %add3A_951, %mul3A_948 : vector<512x512xf32>
    %add3A_953 = arith.constant 9.99999971E-10 : f32
    %add3A_954 = vector.broadcast %add3A_953 : f32 to vector<512x512xf32>
    %add3A_955 = arith.addf %sub3A_952, %add3A_954 : vector<512x512xf32>
    %mul3A_956 = arith.constant 0.699999988 : f32
    %mul3A_957 = vector.broadcast %mul3A_956 : f32 to vector<512x512xf32>
    %mul3A_958 = arith.mulf %mul3A_957, %add3A_955 : vector<512x512xf32>
    %gt3A_959 = arith.cmpf ogt, %mul3A_948, %mul3A_958 : vector<512x512xf32>
    %convert_element_type3A_960 = arith.extui %gt3A_959 : vector<512x512xi1> to vector<512x512xi32>
    %convert_element_type3A_961 = arith.sitofp %convert_element_type3A_960 : vector<512x512xi32> to vector<512x512xf32>
    %mul3A_962 = arith.mulf %convert_element_type3A_961, %convert_element_type3A_150 : vector<512x512xf32>
    %sub3A_963 = arith.constant 1.000000e+00 : f32
    %sub3A_964 = vector.broadcast %sub3A_963 : f32 to vector<1x512xf32>
    %sub3A_965 = arith.subf %sub3A_964, %max3A_919 : vector<1x512xf32>
    %dot_general3A_966 = arith.constant dense<0.000000e+00> : vector<1x512xf32>
    %dot_general3A_967 = tpu.matmul %sub3A_965, %mul3A_962, %dot_general3A_966 {dimension_numbers = #tpu.dot_dimension_numbers<[1], [0], [0], [1], [0, 0, 1, 1], [], []>, transpose_lhs_hint = false} : vector<1x512xf32>, vector<512x512xf32>, vector<1x512xf32> -> vector<1x512xf32>
    %gt3A_968 = arith.constant 0.000000e+00 : f32
    %gt3A_969 = vector.broadcast %gt3A_968 : f32 to vector<1x512xf32>
    %gt3A_970 = arith.cmpf ogt, %dot_general3A_967, %gt3A_969 : vector<1x512xf32>
    %convert_element_type3A_971 = arith.extui %gt3A_970 : vector<1x512xi1> to vector<1x512xi32>
    %convert_element_type3A_972 = arith.sitofp %convert_element_type3A_971 : vector<1x512xi32> to vector<1x512xf32>
    %max3A_973 = arith.maximumf %max3A_919, %convert_element_type3A_972 : vector<1x512xf32>
    %while3A_974:2 = scf.while (%while3A_2522 = %max3A_973, %while3A_2523 = %max3A_919) : (vector<1x512xf32>, vector<1x512xf32>) -> (vector<1x512xf32>, vector<1x512xf32>) {
      %sub3A_2524 = arith.subf %while3A_2522, %while3A_2523 : vector<1x512xf32>
      %abs3A = math.absf %sub3A_2524 : vector<1x512xf32>
      %reduce_sum3A_2525 = vector.shape_cast %abs3A : vector<1x512xf32> to vector<1x1x512xf32>
      %reduce_sum3A_2526 = arith.constant dense<0.000000e+00> : vector<1xf32>
      %reduce_sum3A_2527 = vector.multi_reduction <add>, %reduce_sum3A_2525, %reduce_sum3A_2526 [1, 2] : vector<1x1x512xf32> to vector<1xf32>
      %reduce_sum3A_2528 = vector.shape_cast %reduce_sum3A_2527 : vector<1xf32> to vector<1x1x1xf32>
      %reduce_sum3A_2529 = vector.extract %reduce_sum3A_2528[0, 0, 0] : f32 from vector<1x1x1xf32>
      %gt3A_2530 = arith.constant 0.000000e+00 : f32
      %gt3A_2531 = arith.cmpf ogt, %reduce_sum3A_2529, %gt3A_2530 : f32
      scf.condition(%gt3A_2531) %while3A_2522, %while3A_2523 : vector<1x512xf32>, vector<1x512xf32>
    } do {
    ^bb0(%while3A_2522: vector<1x512xf32>, %while3A_2523: vector<1x512xf32>):
      %sub3A_2524 = arith.constant 1.000000e+00 : f32
      %sub3A_2525 = vector.broadcast %sub3A_2524 : f32 to vector<1x512xf32>
      %sub3A_2526 = arith.subf %sub3A_2525, %while3A_2522 : vector<1x512xf32>
      %dot_general3A_2527 = arith.constant dense<0.000000e+00> : vector<1x512xf32>
      %dot_general3A_2528 = tpu.matmul %sub3A_2526, %mul3A_962, %dot_general3A_2527 {dimension_numbers = #tpu.dot_dimension_numbers<[1], [0], [0], [1], [0, 0, 1, 1], [], []>, transpose_lhs_hint = false} : vector<1x512xf32>, vector<512x512xf32>, vector<1x512xf32> -> vector<1x512xf32>
      %gt3A_2529 = arith.constant 0.000000e+00 : f32
      %gt3A_2530 = vector.broadcast %gt3A_2529 : f32 to vector<1x512xf32>
      %gt3A_2531 = arith.cmpf ogt, %dot_general3A_2528, %gt3A_2530 : vector<1x512xf32>
      %convert_element_type3A_2532 = arith.extui %gt3A_2531 : vector<1x512xi1> to vector<1x512xi32>
      %convert_element_type3A_2533 = arith.sitofp %convert_element_type3A_2532 : vector<1x512xi32> to vector<1x512xf32>
      %max3A_2534 = arith.maximumf %max3A_919, %convert_element_type3A_2533 : vector<1x512xf32>
      scf.yield %max3A_2534, %while3A_2522 : vector<1x512xf32>, vector<1x512xf32>
    }
    %sub3A_975 = arith.constant 1.000000e+00 : f32
    %sub3A_976 = vector.broadcast %sub3A_975 : f32 to vector<1x512xf32>
    %sub3A_977 = arith.subf %sub3A_976, %while3A_974#0 : vector<1x512xf32>
    %slice3A_978 = vector.extract_strided_slice %slice3A {offsets = [0, 4096], sizes = [1, 2048], strides = [1, 1]} : vector<1x6144xf32> to vector<1x2048xf32>
    %slice3A_979 = vector.extract_strided_slice %slice3A_2 {offsets = [0, 4096], sizes = [1, 2048], strides = [1, 1]} : vector<1x6144xf32> to vector<1x2048xf32>
    %slice3A_980 = vector.extract_strided_slice %slice3A_3 {offsets = [0, 4096], sizes = [1, 2048], strides = [1, 1]} : vector<1x6144xf32> to vector<1x2048xf32>
    %slice3A_981 = vector.extract_strided_slice %slice3A_4 {offsets = [0, 4096], sizes = [1, 2048], strides = [1, 1]} : vector<1x6144xf32> to vector<1x2048xf32>
    %slice3A_982 = vector.extract_strided_slice %slice3A_5 {offsets = [0, 4096], sizes = [1, 2048], strides = [1, 1]} : vector<1x6144xf32> to vector<1x2048xf32>
    %max3A_983 = vector.broadcast %reshape3A_101 : vector<512x1xf32> to vector<512x2048xf32>
    %max3A_984 = vector.broadcast %slice3A_978 : vector<1x2048xf32> to vector<512x2048xf32>
    %max3A_985 = arith.maximumf %max3A_983, %max3A_984 : vector<512x2048xf32>
    %max3A_986 = vector.broadcast %reshape3A_102 : vector<512x1xf32> to vector<512x2048xf32>
    %max3A_987 = vector.broadcast %slice3A_979 : vector<1x2048xf32> to vector<512x2048xf32>
    %max3A_988 = arith.maximumf %max3A_986, %max3A_987 : vector<512x2048xf32>
    %min3A_989 = vector.broadcast %reshape3A_103 : vector<512x1xf32> to vector<512x2048xf32>
    %min3A_990 = vector.broadcast %slice3A_980 : vector<1x2048xf32> to vector<512x2048xf32>
    %min3A_991 = arith.minimumf %min3A_989, %min3A_990 : vector<512x2048xf32>
    %min3A_992 = vector.broadcast %reshape3A_104 : vector<512x1xf32> to vector<512x2048xf32>
    %min3A_993 = vector.broadcast %slice3A_981 : vector<1x2048xf32> to vector<512x2048xf32>
    %min3A_994 = arith.minimumf %min3A_992, %min3A_993 : vector<512x2048xf32>
    %sub3A_995 = arith.subf %min3A_991, %max3A_985 : vector<512x2048xf32>
    %max3A_996 = arith.constant 0.000000e+00 : f32
    %max3A_997 = vector.broadcast %max3A_996 : f32 to vector<512x2048xf32>
    %max3A_998 = arith.maximumf %sub3A_995, %max3A_997 : vector<512x2048xf32>
    %sub3A_999 = arith.subf %min3A_994, %max3A_988 : vector<512x2048xf32>
    %max3A_1000 = arith.constant 0.000000e+00 : f32
    %max3A_1001 = vector.broadcast %max3A_1000 : f32 to vector<512x2048xf32>
    %max3A_1002 = arith.maximumf %sub3A_999, %max3A_1001 : vector<512x2048xf32>
    %mul3A_1003 = arith.mulf %max3A_998, %max3A_1002 : vector<512x2048xf32>
    %add3A_1004 = vector.broadcast %reshape3A_105 : vector<512x1xf32> to vector<512x2048xf32>
    %add3A_1005 = vector.broadcast %slice3A_982 : vector<1x2048xf32> to vector<512x2048xf32>
    %add3A_1006 = arith.addf %add3A_1004, %add3A_1005 : vector<512x2048xf32>
    %sub3A_1007 = arith.subf %add3A_1006, %mul3A_1003 : vector<512x2048xf32>
    %add3A_1008 = arith.constant 9.99999971E-10 : f32
    %add3A_1009 = vector.broadcast %add3A_1008 : f32 to vector<512x2048xf32>
    %add3A_1010 = arith.addf %sub3A_1007, %add3A_1009 : vector<512x2048xf32>
    %mul3A_1011 = arith.constant 0.699999988 : f32
    %mul3A_1012 = vector.broadcast %mul3A_1011 : f32 to vector<512x2048xf32>
    %mul3A_1013 = arith.mulf %mul3A_1012, %add3A_1010 : vector<512x2048xf32>
    %gt3A_1014 = arith.cmpf ogt, %mul3A_1003, %mul3A_1013 : vector<512x2048xf32>
    %convert_element_type3A_1015 = arith.extui %gt3A_1014 : vector<512x2048xi1> to vector<512x2048xi32>
    %convert_element_type3A_1016 = arith.sitofp %convert_element_type3A_1015 : vector<512x2048xi32> to vector<512x2048xf32>
    %dot_general3A_1017 = arith.constant dense<0.000000e+00> : vector<1x2048xf32>
    %dot_general3A_1018 = tpu.matmul %sub3A_977, %convert_element_type3A_1016, %dot_general3A_1017 {dimension_numbers = #tpu.dot_dimension_numbers<[1], [0], [0], [1], [0, 0, 1, 1], [], []>, transpose_lhs_hint = false} : vector<1x512xf32>, vector<512x2048xf32>, vector<1x2048xf32> -> vector<1x2048xf32>
    %gt3A_1019 = arith.constant 0.000000e+00 : f32
    %gt3A_1020 = vector.broadcast %gt3A_1019 : f32 to vector<1x2048xf32>
    %gt3A_1021 = arith.cmpf ogt, %dot_general3A_1018, %gt3A_1020 : vector<1x2048xf32>
    %convert_element_type3A_1022 = arith.extui %gt3A_1021 : vector<1x2048xi1> to vector<1x2048xi32>
    %convert_element_type3A_1023 = arith.sitofp %convert_element_type3A_1022 : vector<1x2048xi32> to vector<1x2048xf32>
    %slice3A_1024 = vector.extract_strided_slice %convert_element_type3A_1023 {offsets = [0, 0], sizes = [1, 512], strides = [1, 1]} : vector<1x2048xf32> to vector<1x512xf32>
    %max3A_1025 = arith.maximumf %max3A_921, %slice3A_1024 : vector<1x512xf32>
    %slice3A_1026 = vector.extract_strided_slice %convert_element_type3A_1023 {offsets = [0, 512], sizes = [1, 512], strides = [1, 1]} : vector<1x2048xf32> to vector<1x512xf32>
    %max3A_1027 = arith.maximumf %max3A_923, %slice3A_1026 : vector<1x512xf32>
    %slice3A_1028 = vector.extract_strided_slice %convert_element_type3A_1023 {offsets = [0, 1024], sizes = [1, 512], strides = [1, 1]} : vector<1x2048xf32> to vector<1x512xf32>
    %max3A_1029 = arith.maximumf %max3A_925, %slice3A_1028 : vector<1x512xf32>
    %slice3A_1030 = vector.extract_strided_slice %convert_element_type3A_1023 {offsets = [0, 1536], sizes = [1, 512], strides = [1, 1]} : vector<1x2048xf32> to vector<1x512xf32>
    %max3A_1031 = arith.maximumf %max3A_927, %slice3A_1030 : vector<1x512xf32>
    %max3A_1032 = vector.broadcast %reshape3A_106 : vector<512x1xf32> to vector<512x512xf32>
    %max3A_1033 = vector.broadcast %slice3A_47 : vector<1x512xf32> to vector<512x512xf32>
    %max3A_1034 = arith.maximumf %max3A_1032, %max3A_1033 : vector<512x512xf32>
    %max3A_1035 = vector.broadcast %reshape3A_107 : vector<512x1xf32> to vector<512x512xf32>
    %max3A_1036 = vector.broadcast %slice3A_48 : vector<1x512xf32> to vector<512x512xf32>
    %max3A_1037 = arith.maximumf %max3A_1035, %max3A_1036 : vector<512x512xf32>
    %min3A_1038 = vector.broadcast %reshape3A_108 : vector<512x1xf32> to vector<512x512xf32>
    %min3A_1039 = vector.broadcast %slice3A_49 : vector<1x512xf32> to vector<512x512xf32>
    %min3A_1040 = arith.minimumf %min3A_1038, %min3A_1039 : vector<512x512xf32>
    %min3A_1041 = vector.broadcast %reshape3A_109 : vector<512x1xf32> to vector<512x512xf32>
    %min3A_1042 = vector.broadcast %slice3A_50 : vector<1x512xf32> to vector<512x512xf32>
    %min3A_1043 = arith.minimumf %min3A_1041, %min3A_1042 : vector<512x512xf32>
    %sub3A_1044 = arith.subf %min3A_1040, %max3A_1034 : vector<512x512xf32>
    %max3A_1045 = arith.constant 0.000000e+00 : f32
    %max3A_1046 = vector.broadcast %max3A_1045 : f32 to vector<512x512xf32>
    %max3A_1047 = arith.maximumf %sub3A_1044, %max3A_1046 : vector<512x512xf32>
    %sub3A_1048 = arith.subf %min3A_1043, %max3A_1037 : vector<512x512xf32>
    %max3A_1049 = arith.constant 0.000000e+00 : f32
    %max3A_1050 = vector.broadcast %max3A_1049 : f32 to vector<512x512xf32>
    %max3A_1051 = arith.maximumf %sub3A_1048, %max3A_1050 : vector<512x512xf32>
    %mul3A_1052 = arith.mulf %max3A_1047, %max3A_1051 : vector<512x512xf32>
    %add3A_1053 = vector.broadcast %reshape3A_110 : vector<512x1xf32> to vector<512x512xf32>
    %add3A_1054 = vector.broadcast %slice3A_51 : vector<1x512xf32> to vector<512x512xf32>
    %add3A_1055 = arith.addf %add3A_1053, %add3A_1054 : vector<512x512xf32>
    %sub3A_1056 = arith.subf %add3A_1055, %mul3A_1052 : vector<512x512xf32>
    %add3A_1057 = arith.constant 9.99999971E-10 : f32
    %add3A_1058 = vector.broadcast %add3A_1057 : f32 to vector<512x512xf32>
    %add3A_1059 = arith.addf %sub3A_1056, %add3A_1058 : vector<512x512xf32>
    %mul3A_1060 = arith.constant 0.699999988 : f32
    %mul3A_1061 = vector.broadcast %mul3A_1060 : f32 to vector<512x512xf32>
    %mul3A_1062 = arith.mulf %mul3A_1061, %add3A_1059 : vector<512x512xf32>
    %gt3A_1063 = arith.cmpf ogt, %mul3A_1052, %mul3A_1062 : vector<512x512xf32>
    %convert_element_type3A_1064 = arith.extui %gt3A_1063 : vector<512x512xi1> to vector<512x512xi32>
    %convert_element_type3A_1065 = arith.sitofp %convert_element_type3A_1064 : vector<512x512xi32> to vector<512x512xf32>
    %mul3A_1066 = arith.mulf %convert_element_type3A_1065, %convert_element_type3A_150 : vector<512x512xf32>
    %sub3A_1067 = arith.constant 1.000000e+00 : f32
    %sub3A_1068 = vector.broadcast %sub3A_1067 : f32 to vector<1x512xf32>
    %sub3A_1069 = arith.subf %sub3A_1068, %max3A_1025 : vector<1x512xf32>
    %dot_general3A_1070 = arith.constant dense<0.000000e+00> : vector<1x512xf32>
    %dot_general3A_1071 = tpu.matmul %sub3A_1069, %mul3A_1066, %dot_general3A_1070 {dimension_numbers = #tpu.dot_dimension_numbers<[1], [0], [0], [1], [0, 0, 1, 1], [], []>, transpose_lhs_hint = false} : vector<1x512xf32>, vector<512x512xf32>, vector<1x512xf32> -> vector<1x512xf32>
    %gt3A_1072 = arith.constant 0.000000e+00 : f32
    %gt3A_1073 = vector.broadcast %gt3A_1072 : f32 to vector<1x512xf32>
    %gt3A_1074 = arith.cmpf ogt, %dot_general3A_1071, %gt3A_1073 : vector<1x512xf32>
    %convert_element_type3A_1075 = arith.extui %gt3A_1074 : vector<1x512xi1> to vector<1x512xi32>
    %convert_element_type3A_1076 = arith.sitofp %convert_element_type3A_1075 : vector<1x512xi32> to vector<1x512xf32>
    %max3A_1077 = arith.maximumf %max3A_1025, %convert_element_type3A_1076 : vector<1x512xf32>
    %while3A_1078:2 = scf.while (%while3A_2522 = %max3A_1077, %while3A_2523 = %max3A_1025) : (vector<1x512xf32>, vector<1x512xf32>) -> (vector<1x512xf32>, vector<1x512xf32>) {
      %sub3A_2524 = arith.subf %while3A_2522, %while3A_2523 : vector<1x512xf32>
      %abs3A = math.absf %sub3A_2524 : vector<1x512xf32>
      %reduce_sum3A_2525 = vector.shape_cast %abs3A : vector<1x512xf32> to vector<1x1x512xf32>
      %reduce_sum3A_2526 = arith.constant dense<0.000000e+00> : vector<1xf32>
      %reduce_sum3A_2527 = vector.multi_reduction <add>, %reduce_sum3A_2525, %reduce_sum3A_2526 [1, 2] : vector<1x1x512xf32> to vector<1xf32>
      %reduce_sum3A_2528 = vector.shape_cast %reduce_sum3A_2527 : vector<1xf32> to vector<1x1x1xf32>
      %reduce_sum3A_2529 = vector.extract %reduce_sum3A_2528[0, 0, 0] : f32 from vector<1x1x1xf32>
      %gt3A_2530 = arith.constant 0.000000e+00 : f32
      %gt3A_2531 = arith.cmpf ogt, %reduce_sum3A_2529, %gt3A_2530 : f32
      scf.condition(%gt3A_2531) %while3A_2522, %while3A_2523 : vector<1x512xf32>, vector<1x512xf32>
    } do {
    ^bb0(%while3A_2522: vector<1x512xf32>, %while3A_2523: vector<1x512xf32>):
      %sub3A_2524 = arith.constant 1.000000e+00 : f32
      %sub3A_2525 = vector.broadcast %sub3A_2524 : f32 to vector<1x512xf32>
      %sub3A_2526 = arith.subf %sub3A_2525, %while3A_2522 : vector<1x512xf32>
      %dot_general3A_2527 = arith.constant dense<0.000000e+00> : vector<1x512xf32>
      %dot_general3A_2528 = tpu.matmul %sub3A_2526, %mul3A_1066, %dot_general3A_2527 {dimension_numbers = #tpu.dot_dimension_numbers<[1], [0], [0], [1], [0, 0, 1, 1], [], []>, transpose_lhs_hint = false} : vector<1x512xf32>, vector<512x512xf32>, vector<1x512xf32> -> vector<1x512xf32>
      %gt3A_2529 = arith.constant 0.000000e+00 : f32
      %gt3A_2530 = vector.broadcast %gt3A_2529 : f32 to vector<1x512xf32>
      %gt3A_2531 = arith.cmpf ogt, %dot_general3A_2528, %gt3A_2530 : vector<1x512xf32>
      %convert_element_type3A_2532 = arith.extui %gt3A_2531 : vector<1x512xi1> to vector<1x512xi32>
      %convert_element_type3A_2533 = arith.sitofp %convert_element_type3A_2532 : vector<1x512xi32> to vector<1x512xf32>
      %max3A_2534 = arith.maximumf %max3A_1025, %convert_element_type3A_2533 : vector<1x512xf32>
      scf.yield %max3A_2534, %while3A_2522 : vector<1x512xf32>, vector<1x512xf32>
    }
    %sub3A_1079 = arith.constant 1.000000e+00 : f32
    %sub3A_1080 = vector.broadcast %sub3A_1079 : f32 to vector<1x512xf32>
    %sub3A_1081 = arith.subf %sub3A_1080, %while3A_1078#0 : vector<1x512xf32>
    %slice3A_1082 = vector.extract_strided_slice %slice3A {offsets = [0, 4608], sizes = [1, 1536], strides = [1, 1]} : vector<1x6144xf32> to vector<1x1536xf32>
    %slice3A_1083 = vector.extract_strided_slice %slice3A_2 {offsets = [0, 4608], sizes = [1, 1536], strides = [1, 1]} : vector<1x6144xf32> to vector<1x1536xf32>
    %slice3A_1084 = vector.extract_strided_slice %slice3A_3 {offsets = [0, 4608], sizes = [1, 1536], strides = [1, 1]} : vector<1x6144xf32> to vector<1x1536xf32>
    %slice3A_1085 = vector.extract_strided_slice %slice3A_4 {offsets = [0, 4608], sizes = [1, 1536], strides = [1, 1]} : vector<1x6144xf32> to vector<1x1536xf32>
    %slice3A_1086 = vector.extract_strided_slice %slice3A_5 {offsets = [0, 4608], sizes = [1, 1536], strides = [1, 1]} : vector<1x6144xf32> to vector<1x1536xf32>
    %max3A_1087 = vector.broadcast %reshape3A_106 : vector<512x1xf32> to vector<512x1536xf32>
    %max3A_1088 = vector.broadcast %slice3A_1082 : vector<1x1536xf32> to vector<512x1536xf32>
    %max3A_1089 = arith.maximumf %max3A_1087, %max3A_1088 : vector<512x1536xf32>
    %max3A_1090 = vector.broadcast %reshape3A_107 : vector<512x1xf32> to vector<512x1536xf32>
    %max3A_1091 = vector.broadcast %slice3A_1083 : vector<1x1536xf32> to vector<512x1536xf32>
    %max3A_1092 = arith.maximumf %max3A_1090, %max3A_1091 : vector<512x1536xf32>
    %min3A_1093 = vector.broadcast %reshape3A_108 : vector<512x1xf32> to vector<512x1536xf32>
    %min3A_1094 = vector.broadcast %slice3A_1084 : vector<1x1536xf32> to vector<512x1536xf32>
    %min3A_1095 = arith.minimumf %min3A_1093, %min3A_1094 : vector<512x1536xf32>
    %min3A_1096 = vector.broadcast %reshape3A_109 : vector<512x1xf32> to vector<512x1536xf32>
    %min3A_1097 = vector.broadcast %slice3A_1085 : vector<1x1536xf32> to vector<512x1536xf32>
    %min3A_1098 = arith.minimumf %min3A_1096, %min3A_1097 : vector<512x1536xf32>
    %sub3A_1099 = arith.subf %min3A_1095, %max3A_1089 : vector<512x1536xf32>
    %max3A_1100 = arith.constant 0.000000e+00 : f32
    %max3A_1101 = vector.broadcast %max3A_1100 : f32 to vector<512x1536xf32>
    %max3A_1102 = arith.maximumf %sub3A_1099, %max3A_1101 : vector<512x1536xf32>
    %sub3A_1103 = arith.subf %min3A_1098, %max3A_1092 : vector<512x1536xf32>
    %max3A_1104 = arith.constant 0.000000e+00 : f32
    %max3A_1105 = vector.broadcast %max3A_1104 : f32 to vector<512x1536xf32>
    %max3A_1106 = arith.maximumf %sub3A_1103, %max3A_1105 : vector<512x1536xf32>
    %mul3A_1107 = arith.mulf %max3A_1102, %max3A_1106 : vector<512x1536xf32>
    %add3A_1108 = vector.broadcast %reshape3A_110 : vector<512x1xf32> to vector<512x1536xf32>
    %add3A_1109 = vector.broadcast %slice3A_1086 : vector<1x1536xf32> to vector<512x1536xf32>
    %add3A_1110 = arith.addf %add3A_1108, %add3A_1109 : vector<512x1536xf32>
    %sub3A_1111 = arith.subf %add3A_1110, %mul3A_1107 : vector<512x1536xf32>
    %add3A_1112 = arith.constant 9.99999971E-10 : f32
    %add3A_1113 = vector.broadcast %add3A_1112 : f32 to vector<512x1536xf32>
    %add3A_1114 = arith.addf %sub3A_1111, %add3A_1113 : vector<512x1536xf32>
    %mul3A_1115 = arith.constant 0.699999988 : f32
    %mul3A_1116 = vector.broadcast %mul3A_1115 : f32 to vector<512x1536xf32>
    %mul3A_1117 = arith.mulf %mul3A_1116, %add3A_1114 : vector<512x1536xf32>
    %gt3A_1118 = arith.cmpf ogt, %mul3A_1107, %mul3A_1117 : vector<512x1536xf32>
    %convert_element_type3A_1119 = arith.extui %gt3A_1118 : vector<512x1536xi1> to vector<512x1536xi32>
    %convert_element_type3A_1120 = arith.sitofp %convert_element_type3A_1119 : vector<512x1536xi32> to vector<512x1536xf32>
    %dot_general3A_1121 = arith.constant dense<0.000000e+00> : vector<1x1536xf32>
    %dot_general3A_1122 = tpu.matmul %sub3A_1081, %convert_element_type3A_1120, %dot_general3A_1121 {dimension_numbers = #tpu.dot_dimension_numbers<[1], [0], [0], [1], [0, 0, 1, 1], [], []>, transpose_lhs_hint = false} : vector<1x512xf32>, vector<512x1536xf32>, vector<1x1536xf32> -> vector<1x1536xf32>
    %gt3A_1123 = arith.constant 0.000000e+00 : f32
    %gt3A_1124 = vector.broadcast %gt3A_1123 : f32 to vector<1x1536xf32>
    %gt3A_1125 = arith.cmpf ogt, %dot_general3A_1122, %gt3A_1124 : vector<1x1536xf32>
    %convert_element_type3A_1126 = arith.extui %gt3A_1125 : vector<1x1536xi1> to vector<1x1536xi32>
    %convert_element_type3A_1127 = arith.sitofp %convert_element_type3A_1126 : vector<1x1536xi32> to vector<1x1536xf32>
    %slice3A_1128 = vector.extract_strided_slice %convert_element_type3A_1127 {offsets = [0, 0], sizes = [1, 512], strides = [1, 1]} : vector<1x1536xf32> to vector<1x512xf32>
    %max3A_1129 = arith.maximumf %max3A_1027, %slice3A_1128 : vector<1x512xf32>
    %slice3A_1130 = vector.extract_strided_slice %convert_element_type3A_1127 {offsets = [0, 512], sizes = [1, 512], strides = [1, 1]} : vector<1x1536xf32> to vector<1x512xf32>
    %max3A_1131 = arith.maximumf %max3A_1029, %slice3A_1130 : vector<1x512xf32>
    %slice3A_1132 = vector.extract_strided_slice %convert_element_type3A_1127 {offsets = [0, 1024], sizes = [1, 512], strides = [1, 1]} : vector<1x1536xf32> to vector<1x512xf32>
    %max3A_1133 = arith.maximumf %max3A_1031, %slice3A_1132 : vector<1x512xf32>
    %max3A_1134 = vector.broadcast %reshape3A_111 : vector<512x1xf32> to vector<512x512xf32>
    %max3A_1135 = vector.broadcast %slice3A_52 : vector<1x512xf32> to vector<512x512xf32>
    %max3A_1136 = arith.maximumf %max3A_1134, %max3A_1135 : vector<512x512xf32>
    %max3A_1137 = vector.broadcast %reshape3A_112 : vector<512x1xf32> to vector<512x512xf32>
    %max3A_1138 = vector.broadcast %slice3A_53 : vector<1x512xf32> to vector<512x512xf32>
    %max3A_1139 = arith.maximumf %max3A_1137, %max3A_1138 : vector<512x512xf32>
    %min3A_1140 = vector.broadcast %reshape3A_113 : vector<512x1xf32> to vector<512x512xf32>
    %min3A_1141 = vector.broadcast %slice3A_54 : vector<1x512xf32> to vector<512x512xf32>
    %min3A_1142 = arith.minimumf %min3A_1140, %min3A_1141 : vector<512x512xf32>
    %min3A_1143 = vector.broadcast %reshape3A_114 : vector<512x1xf32> to vector<512x512xf32>
    %min3A_1144 = vector.broadcast %slice3A_55 : vector<1x512xf32> to vector<512x512xf32>
    %min3A_1145 = arith.minimumf %min3A_1143, %min3A_1144 : vector<512x512xf32>
    %sub3A_1146 = arith.subf %min3A_1142, %max3A_1136 : vector<512x512xf32>
    %max3A_1147 = arith.constant 0.000000e+00 : f32
    %max3A_1148 = vector.broadcast %max3A_1147 : f32 to vector<512x512xf32>
    %max3A_1149 = arith.maximumf %sub3A_1146, %max3A_1148 : vector<512x512xf32>
    %sub3A_1150 = arith.subf %min3A_1145, %max3A_1139 : vector<512x512xf32>
    %max3A_1151 = arith.constant 0.000000e+00 : f32
    %max3A_1152 = vector.broadcast %max3A_1151 : f32 to vector<512x512xf32>
    %max3A_1153 = arith.maximumf %sub3A_1150, %max3A_1152 : vector<512x512xf32>
    %mul3A_1154 = arith.mulf %max3A_1149, %max3A_1153 : vector<512x512xf32>
    %add3A_1155 = vector.broadcast %reshape3A_115 : vector<512x1xf32> to vector<512x512xf32>
    %add3A_1156 = vector.broadcast %slice3A_56 : vector<1x512xf32> to vector<512x512xf32>
    %add3A_1157 = arith.addf %add3A_1155, %add3A_1156 : vector<512x512xf32>
    %sub3A_1158 = arith.subf %add3A_1157, %mul3A_1154 : vector<512x512xf32>
    %add3A_1159 = arith.constant 9.99999971E-10 : f32
    %add3A_1160 = vector.broadcast %add3A_1159 : f32 to vector<512x512xf32>
    %add3A_1161 = arith.addf %sub3A_1158, %add3A_1160 : vector<512x512xf32>
    %mul3A_1162 = arith.constant 0.699999988 : f32
    %mul3A_1163 = vector.broadcast %mul3A_1162 : f32 to vector<512x512xf32>
    %mul3A_1164 = arith.mulf %mul3A_1163, %add3A_1161 : vector<512x512xf32>
    %gt3A_1165 = arith.cmpf ogt, %mul3A_1154, %mul3A_1164 : vector<512x512xf32>
    %convert_element_type3A_1166 = arith.extui %gt3A_1165 : vector<512x512xi1> to vector<512x512xi32>
    %convert_element_type3A_1167 = arith.sitofp %convert_element_type3A_1166 : vector<512x512xi32> to vector<512x512xf32>
    %mul3A_1168 = arith.mulf %convert_element_type3A_1167, %convert_element_type3A_150 : vector<512x512xf32>
    %sub3A_1169 = arith.constant 1.000000e+00 : f32
    %sub3A_1170 = vector.broadcast %sub3A_1169 : f32 to vector<1x512xf32>
    %sub3A_1171 = arith.subf %sub3A_1170, %max3A_1129 : vector<1x512xf32>
    %dot_general3A_1172 = arith.constant dense<0.000000e+00> : vector<1x512xf32>
    %dot_general3A_1173 = tpu.matmul %sub3A_1171, %mul3A_1168, %dot_general3A_1172 {dimension_numbers = #tpu.dot_dimension_numbers<[1], [0], [0], [1], [0, 0, 1, 1], [], []>, transpose_lhs_hint = false} : vector<1x512xf32>, vector<512x512xf32>, vector<1x512xf32> -> vector<1x512xf32>
    %gt3A_1174 = arith.constant 0.000000e+00 : f32
    %gt3A_1175 = vector.broadcast %gt3A_1174 : f32 to vector<1x512xf32>
    %gt3A_1176 = arith.cmpf ogt, %dot_general3A_1173, %gt3A_1175 : vector<1x512xf32>
    %convert_element_type3A_1177 = arith.extui %gt3A_1176 : vector<1x512xi1> to vector<1x512xi32>
    %convert_element_type3A_1178 = arith.sitofp %convert_element_type3A_1177 : vector<1x512xi32> to vector<1x512xf32>
    %max3A_1179 = arith.maximumf %max3A_1129, %convert_element_type3A_1178 : vector<1x512xf32>
    %while3A_1180:2 = scf.while (%while3A_2522 = %max3A_1179, %while3A_2523 = %max3A_1129) : (vector<1x512xf32>, vector<1x512xf32>) -> (vector<1x512xf32>, vector<1x512xf32>) {
      %sub3A_2524 = arith.subf %while3A_2522, %while3A_2523 : vector<1x512xf32>
      %abs3A = math.absf %sub3A_2524 : vector<1x512xf32>
      %reduce_sum3A_2525 = vector.shape_cast %abs3A : vector<1x512xf32> to vector<1x1x512xf32>
      %reduce_sum3A_2526 = arith.constant dense<0.000000e+00> : vector<1xf32>
      %reduce_sum3A_2527 = vector.multi_reduction <add>, %reduce_sum3A_2525, %reduce_sum3A_2526 [1, 2] : vector<1x1x512xf32> to vector<1xf32>
      %reduce_sum3A_2528 = vector.shape_cast %reduce_sum3A_2527 : vector<1xf32> to vector<1x1x1xf32>
      %reduce_sum3A_2529 = vector.extract %reduce_sum3A_2528[0, 0, 0] : f32 from vector<1x1x1xf32>
      %gt3A_2530 = arith.constant 0.000000e+00 : f32
      %gt3A_2531 = arith.cmpf ogt, %reduce_sum3A_2529, %gt3A_2530 : f32
      scf.condition(%gt3A_2531) %while3A_2522, %while3A_2523 : vector<1x512xf32>, vector<1x512xf32>
    } do {
    ^bb0(%while3A_2522: vector<1x512xf32>, %while3A_2523: vector<1x512xf32>):
      %sub3A_2524 = arith.constant 1.000000e+00 : f32
      %sub3A_2525 = vector.broadcast %sub3A_2524 : f32 to vector<1x512xf32>
      %sub3A_2526 = arith.subf %sub3A_2525, %while3A_2522 : vector<1x512xf32>
      %dot_general3A_2527 = arith.constant dense<0.000000e+00> : vector<1x512xf32>
      %dot_general3A_2528 = tpu.matmul %sub3A_2526, %mul3A_1168, %dot_general3A_2527 {dimension_numbers = #tpu.dot_dimension_numbers<[1], [0], [0], [1], [0, 0, 1, 1], [], []>, transpose_lhs_hint = false} : vector<1x512xf32>, vector<512x512xf32>, vector<1x512xf32> -> vector<1x512xf32>
      %gt3A_2529 = arith.constant 0.000000e+00 : f32
      %gt3A_2530 = vector.broadcast %gt3A_2529 : f32 to vector<1x512xf32>
      %gt3A_2531 = arith.cmpf ogt, %dot_general3A_2528, %gt3A_2530 : vector<1x512xf32>
      %convert_element_type3A_2532 = arith.extui %gt3A_2531 : vector<1x512xi1> to vector<1x512xi32>
      %convert_element_type3A_2533 = arith.sitofp %convert_element_type3A_2532 : vector<1x512xi32> to vector<1x512xf32>
      %max3A_2534 = arith.maximumf %max3A_1129, %convert_element_type3A_2533 : vector<1x512xf32>
      scf.yield %max3A_2534, %while3A_2522 : vector<1x512xf32>, vector<1x512xf32>
    }
    %sub3A_1181 = arith.constant 1.000000e+00 : f32
    %sub3A_1182 = vector.broadcast %sub3A_1181 : f32 to vector<1x512xf32>
    %sub3A_1183 = arith.subf %sub3A_1182, %while3A_1180#0 : vector<1x512xf32>
    %slice3A_1184 = vector.extract_strided_slice %slice3A {offsets = [0, 5120], sizes = [1, 1024], strides = [1, 1]} : vector<1x6144xf32> to vector<1x1024xf32>
    %slice3A_1185 = vector.extract_strided_slice %slice3A_2 {offsets = [0, 5120], sizes = [1, 1024], strides = [1, 1]} : vector<1x6144xf32> to vector<1x1024xf32>
    %slice3A_1186 = vector.extract_strided_slice %slice3A_3 {offsets = [0, 5120], sizes = [1, 1024], strides = [1, 1]} : vector<1x6144xf32> to vector<1x1024xf32>
    %slice3A_1187 = vector.extract_strided_slice %slice3A_4 {offsets = [0, 5120], sizes = [1, 1024], strides = [1, 1]} : vector<1x6144xf32> to vector<1x1024xf32>
    %slice3A_1188 = vector.extract_strided_slice %slice3A_5 {offsets = [0, 5120], sizes = [1, 1024], strides = [1, 1]} : vector<1x6144xf32> to vector<1x1024xf32>
    %max3A_1189 = vector.broadcast %reshape3A_111 : vector<512x1xf32> to vector<512x1024xf32>
    %max3A_1190 = vector.broadcast %slice3A_1184 : vector<1x1024xf32> to vector<512x1024xf32>
    %max3A_1191 = arith.maximumf %max3A_1189, %max3A_1190 : vector<512x1024xf32>
    %max3A_1192 = vector.broadcast %reshape3A_112 : vector<512x1xf32> to vector<512x1024xf32>
    %max3A_1193 = vector.broadcast %slice3A_1185 : vector<1x1024xf32> to vector<512x1024xf32>
    %max3A_1194 = arith.maximumf %max3A_1192, %max3A_1193 : vector<512x1024xf32>
    %min3A_1195 = vector.broadcast %reshape3A_113 : vector<512x1xf32> to vector<512x1024xf32>
    %min3A_1196 = vector.broadcast %slice3A_1186 : vector<1x1024xf32> to vector<512x1024xf32>
    %min3A_1197 = arith.minimumf %min3A_1195, %min3A_1196 : vector<512x1024xf32>
    %min3A_1198 = vector.broadcast %reshape3A_114 : vector<512x1xf32> to vector<512x1024xf32>
    %min3A_1199 = vector.broadcast %slice3A_1187 : vector<1x1024xf32> to vector<512x1024xf32>
    %min3A_1200 = arith.minimumf %min3A_1198, %min3A_1199 : vector<512x1024xf32>
    %sub3A_1201 = arith.subf %min3A_1197, %max3A_1191 : vector<512x1024xf32>
    %max3A_1202 = arith.constant 0.000000e+00 : f32
    %max3A_1203 = vector.broadcast %max3A_1202 : f32 to vector<512x1024xf32>
    %max3A_1204 = arith.maximumf %sub3A_1201, %max3A_1203 : vector<512x1024xf32>
    %sub3A_1205 = arith.subf %min3A_1200, %max3A_1194 : vector<512x1024xf32>
    %max3A_1206 = arith.constant 0.000000e+00 : f32
    %max3A_1207 = vector.broadcast %max3A_1206 : f32 to vector<512x1024xf32>
    %max3A_1208 = arith.maximumf %sub3A_1205, %max3A_1207 : vector<512x1024xf32>
    %mul3A_1209 = arith.mulf %max3A_1204, %max3A_1208 : vector<512x1024xf32>
    %add3A_1210 = vector.broadcast %reshape3A_115 : vector<512x1xf32> to vector<512x1024xf32>
    %add3A_1211 = vector.broadcast %slice3A_1188 : vector<1x1024xf32> to vector<512x1024xf32>
    %add3A_1212 = arith.addf %add3A_1210, %add3A_1211 : vector<512x1024xf32>
    %sub3A_1213 = arith.subf %add3A_1212, %mul3A_1209 : vector<512x1024xf32>
    %add3A_1214 = arith.constant 9.99999971E-10 : f32
    %add3A_1215 = vector.broadcast %add3A_1214 : f32 to vector<512x1024xf32>
    %add3A_1216 = arith.addf %sub3A_1213, %add3A_1215 : vector<512x1024xf32>
    %mul3A_1217 = arith.constant 0.699999988 : f32
    %mul3A_1218 = vector.broadcast %mul3A_1217 : f32 to vector<512x1024xf32>
    %mul3A_1219 = arith.mulf %mul3A_1218, %add3A_1216 : vector<512x1024xf32>
    %gt3A_1220 = arith.cmpf ogt, %mul3A_1209, %mul3A_1219 : vector<512x1024xf32>
    %convert_element_type3A_1221 = arith.extui %gt3A_1220 : vector<512x1024xi1> to vector<512x1024xi32>
    %convert_element_type3A_1222 = arith.sitofp %convert_element_type3A_1221 : vector<512x1024xi32> to vector<512x1024xf32>
    %dot_general3A_1223 = arith.constant dense<0.000000e+00> : vector<1x1024xf32>
    %dot_general3A_1224 = tpu.matmul %sub3A_1183, %convert_element_type3A_1222, %dot_general3A_1223 {dimension_numbers = #tpu.dot_dimension_numbers<[1], [0], [0], [1], [0, 0, 1, 1], [], []>, transpose_lhs_hint = false} : vector<1x512xf32>, vector<512x1024xf32>, vector<1x1024xf32> -> vector<1x1024xf32>
    %gt3A_1225 = arith.constant 0.000000e+00 : f32
    %gt3A_1226 = vector.broadcast %gt3A_1225 : f32 to vector<1x1024xf32>
    %gt3A_1227 = arith.cmpf ogt, %dot_general3A_1224, %gt3A_1226 : vector<1x1024xf32>
    %convert_element_type3A_1228 = arith.extui %gt3A_1227 : vector<1x1024xi1> to vector<1x1024xi32>
    %convert_element_type3A_1229 = arith.sitofp %convert_element_type3A_1228 : vector<1x1024xi32> to vector<1x1024xf32>
    %slice3A_1230 = vector.extract_strided_slice %convert_element_type3A_1229 {offsets = [0, 0], sizes = [1, 512], strides = [1, 1]} : vector<1x1024xf32> to vector<1x512xf32>
    %max3A_1231 = arith.maximumf %max3A_1131, %slice3A_1230 : vector<1x512xf32>
    %slice3A_1232 = vector.extract_strided_slice %convert_element_type3A_1229 {offsets = [0, 512], sizes = [1, 512], strides = [1, 1]} : vector<1x1024xf32> to vector<1x512xf32>
    %max3A_1233 = arith.maximumf %max3A_1133, %slice3A_1232 : vector<1x512xf32>
    %max3A_1234 = vector.broadcast %reshape3A_116 : vector<512x1xf32> to vector<512x512xf32>
    %max3A_1235 = vector.broadcast %slice3A_57 : vector<1x512xf32> to vector<512x512xf32>
    %max3A_1236 = arith.maximumf %max3A_1234, %max3A_1235 : vector<512x512xf32>
    %max3A_1237 = vector.broadcast %reshape3A_117 : vector<512x1xf32> to vector<512x512xf32>
    %max3A_1238 = vector.broadcast %slice3A_58 : vector<1x512xf32> to vector<512x512xf32>
    %max3A_1239 = arith.maximumf %max3A_1237, %max3A_1238 : vector<512x512xf32>
    %min3A_1240 = vector.broadcast %reshape3A_118 : vector<512x1xf32> to vector<512x512xf32>
    %min3A_1241 = vector.broadcast %slice3A_59 : vector<1x512xf32> to vector<512x512xf32>
    %min3A_1242 = arith.minimumf %min3A_1240, %min3A_1241 : vector<512x512xf32>
    %min3A_1243 = vector.broadcast %reshape3A_119 : vector<512x1xf32> to vector<512x512xf32>
    %min3A_1244 = vector.broadcast %slice3A_60 : vector<1x512xf32> to vector<512x512xf32>
    %min3A_1245 = arith.minimumf %min3A_1243, %min3A_1244 : vector<512x512xf32>
    %sub3A_1246 = arith.subf %min3A_1242, %max3A_1236 : vector<512x512xf32>
    %max3A_1247 = arith.constant 0.000000e+00 : f32
    %max3A_1248 = vector.broadcast %max3A_1247 : f32 to vector<512x512xf32>
    %max3A_1249 = arith.maximumf %sub3A_1246, %max3A_1248 : vector<512x512xf32>
    %sub3A_1250 = arith.subf %min3A_1245, %max3A_1239 : vector<512x512xf32>
    %max3A_1251 = arith.constant 0.000000e+00 : f32
    %max3A_1252 = vector.broadcast %max3A_1251 : f32 to vector<512x512xf32>
    %max3A_1253 = arith.maximumf %sub3A_1250, %max3A_1252 : vector<512x512xf32>
    %mul3A_1254 = arith.mulf %max3A_1249, %max3A_1253 : vector<512x512xf32>
    %add3A_1255 = vector.broadcast %reshape3A_120 : vector<512x1xf32> to vector<512x512xf32>
    %add3A_1256 = vector.broadcast %slice3A_61 : vector<1x512xf32> to vector<512x512xf32>
    %add3A_1257 = arith.addf %add3A_1255, %add3A_1256 : vector<512x512xf32>
    %sub3A_1258 = arith.subf %add3A_1257, %mul3A_1254 : vector<512x512xf32>
    %add3A_1259 = arith.constant 9.99999971E-10 : f32
    %add3A_1260 = vector.broadcast %add3A_1259 : f32 to vector<512x512xf32>
    %add3A_1261 = arith.addf %sub3A_1258, %add3A_1260 : vector<512x512xf32>
    %mul3A_1262 = arith.constant 0.699999988 : f32
    %mul3A_1263 = vector.broadcast %mul3A_1262 : f32 to vector<512x512xf32>
    %mul3A_1264 = arith.mulf %mul3A_1263, %add3A_1261 : vector<512x512xf32>
    %gt3A_1265 = arith.cmpf ogt, %mul3A_1254, %mul3A_1264 : vector<512x512xf32>
    %convert_element_type3A_1266 = arith.extui %gt3A_1265 : vector<512x512xi1> to vector<512x512xi32>
    %convert_element_type3A_1267 = arith.sitofp %convert_element_type3A_1266 : vector<512x512xi32> to vector<512x512xf32>
    %mul3A_1268 = arith.mulf %convert_element_type3A_1267, %convert_element_type3A_150 : vector<512x512xf32>
    %sub3A_1269 = arith.constant 1.000000e+00 : f32
    %sub3A_1270 = vector.broadcast %sub3A_1269 : f32 to vector<1x512xf32>
    %sub3A_1271 = arith.subf %sub3A_1270, %max3A_1231 : vector<1x512xf32>
    %dot_general3A_1272 = arith.constant dense<0.000000e+00> : vector<1x512xf32>
    %dot_general3A_1273 = tpu.matmul %sub3A_1271, %mul3A_1268, %dot_general3A_1272 {dimension_numbers = #tpu.dot_dimension_numbers<[1], [0], [0], [1], [0, 0, 1, 1], [], []>, transpose_lhs_hint = false} : vector<1x512xf32>, vector<512x512xf32>, vector<1x512xf32> -> vector<1x512xf32>
    %gt3A_1274 = arith.constant 0.000000e+00 : f32
    %gt3A_1275 = vector.broadcast %gt3A_1274 : f32 to vector<1x512xf32>
    %gt3A_1276 = arith.cmpf ogt, %dot_general3A_1273, %gt3A_1275 : vector<1x512xf32>
    %convert_element_type3A_1277 = arith.extui %gt3A_1276 : vector<1x512xi1> to vector<1x512xi32>
    %convert_element_type3A_1278 = arith.sitofp %convert_element_type3A_1277 : vector<1x512xi32> to vector<1x512xf32>
    %max3A_1279 = arith.maximumf %max3A_1231, %convert_element_type3A_1278 : vector<1x512xf32>
    %while3A_1280:2 = scf.while (%while3A_2522 = %max3A_1279, %while3A_2523 = %max3A_1231) : (vector<1x512xf32>, vector<1x512xf32>) -> (vector<1x512xf32>, vector<1x512xf32>) {
      %sub3A_2524 = arith.subf %while3A_2522, %while3A_2523 : vector<1x512xf32>
      %abs3A = math.absf %sub3A_2524 : vector<1x512xf32>
      %reduce_sum3A_2525 = vector.shape_cast %abs3A : vector<1x512xf32> to vector<1x1x512xf32>
      %reduce_sum3A_2526 = arith.constant dense<0.000000e+00> : vector<1xf32>
      %reduce_sum3A_2527 = vector.multi_reduction <add>, %reduce_sum3A_2525, %reduce_sum3A_2526 [1, 2] : vector<1x1x512xf32> to vector<1xf32>
      %reduce_sum3A_2528 = vector.shape_cast %reduce_sum3A_2527 : vector<1xf32> to vector<1x1x1xf32>
      %reduce_sum3A_2529 = vector.extract %reduce_sum3A_2528[0, 0, 0] : f32 from vector<1x1x1xf32>
      %gt3A_2530 = arith.constant 0.000000e+00 : f32
      %gt3A_2531 = arith.cmpf ogt, %reduce_sum3A_2529, %gt3A_2530 : f32
      scf.condition(%gt3A_2531) %while3A_2522, %while3A_2523 : vector<1x512xf32>, vector<1x512xf32>
    } do {
    ^bb0(%while3A_2522: vector<1x512xf32>, %while3A_2523: vector<1x512xf32>):
      %sub3A_2524 = arith.constant 1.000000e+00 : f32
      %sub3A_2525 = vector.broadcast %sub3A_2524 : f32 to vector<1x512xf32>
      %sub3A_2526 = arith.subf %sub3A_2525, %while3A_2522 : vector<1x512xf32>
      %dot_general3A_2527 = arith.constant dense<0.000000e+00> : vector<1x512xf32>
      %dot_general3A_2528 = tpu.matmul %sub3A_2526, %mul3A_1268, %dot_general3A_2527 {dimension_numbers = #tpu.dot_dimension_numbers<[1], [0], [0], [1], [0, 0, 1, 1], [], []>, transpose_lhs_hint = false} : vector<1x512xf32>, vector<512x512xf32>, vector<1x512xf32> -> vector<1x512xf32>
      %gt3A_2529 = arith.constant 0.000000e+00 : f32
      %gt3A_2530 = vector.broadcast %gt3A_2529 : f32 to vector<1x512xf32>
      %gt3A_2531 = arith.cmpf ogt, %dot_general3A_2528, %gt3A_2530 : vector<1x512xf32>
      %convert_element_type3A_2532 = arith.extui %gt3A_2531 : vector<1x512xi1> to vector<1x512xi32>
      %convert_element_type3A_2533 = arith.sitofp %convert_element_type3A_2532 : vector<1x512xi32> to vector<1x512xf32>
      %max3A_2534 = arith.maximumf %max3A_1231, %convert_element_type3A_2533 : vector<1x512xf32>
      scf.yield %max3A_2534, %while3A_2522 : vector<1x512xf32>, vector<1x512xf32>
    }
    %sub3A_1281 = arith.constant 1.000000e+00 : f32
    %sub3A_1282 = vector.broadcast %sub3A_1281 : f32 to vector<1x512xf32>
    %sub3A_1283 = arith.subf %sub3A_1282, %while3A_1280#0 : vector<1x512xf32>
    %slice3A_1284 = vector.extract_strided_slice %slice3A {offsets = [0, 5632], sizes = [1, 512], strides = [1, 1]} : vector<1x6144xf32> to vector<1x512xf32>
    %slice3A_1285 = vector.extract_strided_slice %slice3A_2 {offsets = [0, 5632], sizes = [1, 512], strides = [1, 1]} : vector<1x6144xf32> to vector<1x512xf32>
    %slice3A_1286 = vector.extract_strided_slice %slice3A_3 {offsets = [0, 5632], sizes = [1, 512], strides = [1, 1]} : vector<1x6144xf32> to vector<1x512xf32>
    %slice3A_1287 = vector.extract_strided_slice %slice3A_4 {offsets = [0, 5632], sizes = [1, 512], strides = [1, 1]} : vector<1x6144xf32> to vector<1x512xf32>
    %slice3A_1288 = vector.extract_strided_slice %slice3A_5 {offsets = [0, 5632], sizes = [1, 512], strides = [1, 1]} : vector<1x6144xf32> to vector<1x512xf32>
    %max3A_1289 = vector.broadcast %reshape3A_116 : vector<512x1xf32> to vector<512x512xf32>
    %max3A_1290 = vector.broadcast %slice3A_1284 : vector<1x512xf32> to vector<512x512xf32>
    %max3A_1291 = arith.maximumf %max3A_1289, %max3A_1290 : vector<512x512xf32>
    %max3A_1292 = vector.broadcast %reshape3A_117 : vector<512x1xf32> to vector<512x512xf32>
    %max3A_1293 = vector.broadcast %slice3A_1285 : vector<1x512xf32> to vector<512x512xf32>
    %max3A_1294 = arith.maximumf %max3A_1292, %max3A_1293 : vector<512x512xf32>
    %min3A_1295 = vector.broadcast %reshape3A_118 : vector<512x1xf32> to vector<512x512xf32>
    %min3A_1296 = vector.broadcast %slice3A_1286 : vector<1x512xf32> to vector<512x512xf32>
    %min3A_1297 = arith.minimumf %min3A_1295, %min3A_1296 : vector<512x512xf32>
    %min3A_1298 = vector.broadcast %reshape3A_119 : vector<512x1xf32> to vector<512x512xf32>
    %min3A_1299 = vector.broadcast %slice3A_1287 : vector<1x512xf32> to vector<512x512xf32>
    %min3A_1300 = arith.minimumf %min3A_1298, %min3A_1299 : vector<512x512xf32>
    %sub3A_1301 = arith.subf %min3A_1297, %max3A_1291 : vector<512x512xf32>
    %max3A_1302 = arith.constant 0.000000e+00 : f32
    %max3A_1303 = vector.broadcast %max3A_1302 : f32 to vector<512x512xf32>
    %max3A_1304 = arith.maximumf %sub3A_1301, %max3A_1303 : vector<512x512xf32>
    %sub3A_1305 = arith.subf %min3A_1300, %max3A_1294 : vector<512x512xf32>
    %max3A_1306 = arith.constant 0.000000e+00 : f32
    %max3A_1307 = vector.broadcast %max3A_1306 : f32 to vector<512x512xf32>
    %max3A_1308 = arith.maximumf %sub3A_1305, %max3A_1307 : vector<512x512xf32>
    %mul3A_1309 = arith.mulf %max3A_1304, %max3A_1308 : vector<512x512xf32>
    %add3A_1310 = vector.broadcast %reshape3A_120 : vector<512x1xf32> to vector<512x512xf32>
    %add3A_1311 = vector.broadcast %slice3A_1288 : vector<1x512xf32> to vector<512x512xf32>
    %add3A_1312 = arith.addf %add3A_1310, %add3A_1311 : vector<512x512xf32>
    %sub3A_1313 = arith.subf %add3A_1312, %mul3A_1309 : vector<512x512xf32>
    %add3A_1314 = arith.constant 9.99999971E-10 : f32
    %add3A_1315 = vector.broadcast %add3A_1314 : f32 to vector<512x512xf32>
    %add3A_1316 = arith.addf %sub3A_1313, %add3A_1315 : vector<512x512xf32>
    %mul3A_1317 = arith.constant 0.699999988 : f32
    %mul3A_1318 = vector.broadcast %mul3A_1317 : f32 to vector<512x512xf32>
    %mul3A_1319 = arith.mulf %mul3A_1318, %add3A_1316 : vector<512x512xf32>
    %gt3A_1320 = arith.cmpf ogt, %mul3A_1309, %mul3A_1319 : vector<512x512xf32>
    %convert_element_type3A_1321 = arith.extui %gt3A_1320 : vector<512x512xi1> to vector<512x512xi32>
    %convert_element_type3A_1322 = arith.sitofp %convert_element_type3A_1321 : vector<512x512xi32> to vector<512x512xf32>
    %dot_general3A_1323 = arith.constant dense<0.000000e+00> : vector<1x512xf32>
    %dot_general3A_1324 = tpu.matmul %sub3A_1283, %convert_element_type3A_1322, %dot_general3A_1323 {dimension_numbers = #tpu.dot_dimension_numbers<[1], [0], [0], [1], [0, 0, 1, 1], [], []>, transpose_lhs_hint = false} : vector<1x512xf32>, vector<512x512xf32>, vector<1x512xf32> -> vector<1x512xf32>
    %gt3A_1325 = arith.constant 0.000000e+00 : f32
    %gt3A_1326 = vector.broadcast %gt3A_1325 : f32 to vector<1x512xf32>
    %gt3A_1327 = arith.cmpf ogt, %dot_general3A_1324, %gt3A_1326 : vector<1x512xf32>
    %convert_element_type3A_1328 = arith.extui %gt3A_1327 : vector<1x512xi1> to vector<1x512xi32>
    %convert_element_type3A_1329 = arith.sitofp %convert_element_type3A_1328 : vector<1x512xi32> to vector<1x512xf32>
    %max3A_1330 = arith.maximumf %max3A_1233, %convert_element_type3A_1329 : vector<1x512xf32>
    %max3A_1331 = vector.broadcast %reshape3A_121 : vector<512x1xf32> to vector<512x512xf32>
    %max3A_1332 = vector.broadcast %slice3A_62 : vector<1x512xf32> to vector<512x512xf32>
    %max3A_1333 = arith.maximumf %max3A_1331, %max3A_1332 : vector<512x512xf32>
    %max3A_1334 = vector.broadcast %reshape3A_122 : vector<512x1xf32> to vector<512x512xf32>
    %max3A_1335 = vector.broadcast %slice3A_63 : vector<1x512xf32> to vector<512x512xf32>
    %max3A_1336 = arith.maximumf %max3A_1334, %max3A_1335 : vector<512x512xf32>
    %min3A_1337 = vector.broadcast %reshape3A_123 : vector<512x1xf32> to vector<512x512xf32>
    %min3A_1338 = vector.broadcast %slice3A_64 : vector<1x512xf32> to vector<512x512xf32>
    %min3A_1339 = arith.minimumf %min3A_1337, %min3A_1338 : vector<512x512xf32>
    %min3A_1340 = vector.broadcast %reshape3A_124 : vector<512x1xf32> to vector<512x512xf32>
    %min3A_1341 = vector.broadcast %slice3A_65 : vector<1x512xf32> to vector<512x512xf32>
    %min3A_1342 = arith.minimumf %min3A_1340, %min3A_1341 : vector<512x512xf32>
    %sub3A_1343 = arith.subf %min3A_1339, %max3A_1333 : vector<512x512xf32>
    %max3A_1344 = arith.constant 0.000000e+00 : f32
    %max3A_1345 = vector.broadcast %max3A_1344 : f32 to vector<512x512xf32>
    %max3A_1346 = arith.maximumf %sub3A_1343, %max3A_1345 : vector<512x512xf32>
    %sub3A_1347 = arith.subf %min3A_1342, %max3A_1336 : vector<512x512xf32>
    %max3A_1348 = arith.constant 0.000000e+00 : f32
    %max3A_1349 = vector.broadcast %max3A_1348 : f32 to vector<512x512xf32>
    %max3A_1350 = arith.maximumf %sub3A_1347, %max3A_1349 : vector<512x512xf32>
    %mul3A_1351 = arith.mulf %max3A_1346, %max3A_1350 : vector<512x512xf32>
    %add3A_1352 = vector.broadcast %reshape3A_125 : vector<512x1xf32> to vector<512x512xf32>
    %add3A_1353 = vector.broadcast %slice3A_66 : vector<1x512xf32> to vector<512x512xf32>
    %add3A_1354 = arith.addf %add3A_1352, %add3A_1353 : vector<512x512xf32>
    %sub3A_1355 = arith.subf %add3A_1354, %mul3A_1351 : vector<512x512xf32>
    %add3A_1356 = arith.constant 9.99999971E-10 : f32
    %add3A_1357 = vector.broadcast %add3A_1356 : f32 to vector<512x512xf32>
    %add3A_1358 = arith.addf %sub3A_1355, %add3A_1357 : vector<512x512xf32>
    %mul3A_1359 = arith.constant 0.699999988 : f32
    %mul3A_1360 = vector.broadcast %mul3A_1359 : f32 to vector<512x512xf32>
    %mul3A_1361 = arith.mulf %mul3A_1360, %add3A_1358 : vector<512x512xf32>
    %gt3A_1362 = arith.cmpf ogt, %mul3A_1351, %mul3A_1361 : vector<512x512xf32>
    %convert_element_type3A_1363 = arith.extui %gt3A_1362 : vector<512x512xi1> to vector<512x512xi32>
    %convert_element_type3A_1364 = arith.sitofp %convert_element_type3A_1363 : vector<512x512xi32> to vector<512x512xf32>
    %mul3A_1365 = arith.mulf %convert_element_type3A_1364, %convert_element_type3A_150 : vector<512x512xf32>
    %sub3A_1366 = arith.constant 1.000000e+00 : f32
    %sub3A_1367 = vector.broadcast %sub3A_1366 : f32 to vector<1x512xf32>
    %sub3A_1368 = arith.subf %sub3A_1367, %max3A_1330 : vector<1x512xf32>
    %dot_general3A_1369 = arith.constant dense<0.000000e+00> : vector<1x512xf32>
    %dot_general3A_1370 = tpu.matmul %sub3A_1368, %mul3A_1365, %dot_general3A_1369 {dimension_numbers = #tpu.dot_dimension_numbers<[1], [0], [0], [1], [0, 0, 1, 1], [], []>, transpose_lhs_hint = false} : vector<1x512xf32>, vector<512x512xf32>, vector<1x512xf32> -> vector<1x512xf32>
    %gt3A_1371 = arith.constant 0.000000e+00 : f32
    %gt3A_1372 = vector.broadcast %gt3A_1371 : f32 to vector<1x512xf32>
    %gt3A_1373 = arith.cmpf ogt, %dot_general3A_1370, %gt3A_1372 : vector<1x512xf32>
    %convert_element_type3A_1374 = arith.extui %gt3A_1373 : vector<1x512xi1> to vector<1x512xi32>
    %convert_element_type3A_1375 = arith.sitofp %convert_element_type3A_1374 : vector<1x512xi32> to vector<1x512xf32>
    %max3A_1376 = arith.maximumf %max3A_1330, %convert_element_type3A_1375 : vector<1x512xf32>
    %while3A_1377:2 = scf.while (%while3A_2522 = %max3A_1376, %while3A_2523 = %max3A_1330) : (vector<1x512xf32>, vector<1x512xf32>) -> (vector<1x512xf32>, vector<1x512xf32>) {
      %sub3A_2524 = arith.subf %while3A_2522, %while3A_2523 : vector<1x512xf32>
      %abs3A = math.absf %sub3A_2524 : vector<1x512xf32>
      %reduce_sum3A_2525 = vector.shape_cast %abs3A : vector<1x512xf32> to vector<1x1x512xf32>
      %reduce_sum3A_2526 = arith.constant dense<0.000000e+00> : vector<1xf32>
      %reduce_sum3A_2527 = vector.multi_reduction <add>, %reduce_sum3A_2525, %reduce_sum3A_2526 [1, 2] : vector<1x1x512xf32> to vector<1xf32>
      %reduce_sum3A_2528 = vector.shape_cast %reduce_sum3A_2527 : vector<1xf32> to vector<1x1x1xf32>
      %reduce_sum3A_2529 = vector.extract %reduce_sum3A_2528[0, 0, 0] : f32 from vector<1x1x1xf32>
      %gt3A_2530 = arith.constant 0.000000e+00 : f32
      %gt3A_2531 = arith.cmpf ogt, %reduce_sum3A_2529, %gt3A_2530 : f32
      scf.condition(%gt3A_2531) %while3A_2522, %while3A_2523 : vector<1x512xf32>, vector<1x512xf32>
    } do {
    ^bb0(%while3A_2522: vector<1x512xf32>, %while3A_2523: vector<1x512xf32>):
      %sub3A_2524 = arith.constant 1.000000e+00 : f32
      %sub3A_2525 = vector.broadcast %sub3A_2524 : f32 to vector<1x512xf32>
      %sub3A_2526 = arith.subf %sub3A_2525, %while3A_2522 : vector<1x512xf32>
      %dot_general3A_2527 = arith.constant dense<0.000000e+00> : vector<1x512xf32>
      %dot_general3A_2528 = tpu.matmul %sub3A_2526, %mul3A_1365, %dot_general3A_2527 {dimension_numbers = #tpu.dot_dimension_numbers<[1], [0], [0], [1], [0, 0, 1, 1], [], []>, transpose_lhs_hint = false} : vector<1x512xf32>, vector<512x512xf32>, vector<1x512xf32> -> vector<1x512xf32>
      %gt3A_2529 = arith.constant 0.000000e+00 : f32
      %gt3A_2530 = vector.broadcast %gt3A_2529 : f32 to vector<1x512xf32>
      %gt3A_2531 = arith.cmpf ogt, %dot_general3A_2528, %gt3A_2530 : vector<1x512xf32>
      %convert_element_type3A_2532 = arith.extui %gt3A_2531 : vector<1x512xi1> to vector<1x512xi32>
      %convert_element_type3A_2533 = arith.sitofp %convert_element_type3A_2532 : vector<1x512xi32> to vector<1x512xf32>
      %max3A_2534 = arith.maximumf %max3A_1330, %convert_element_type3A_2533 : vector<1x512xf32>
      scf.yield %max3A_2534, %while3A_2522 : vector<1x512xf32>, vector<1x512xf32>
    }
    %sub3A_1378 = arith.constant 1.000000e+00 : f32
    %sub3A_1379 = vector.broadcast %sub3A_1378 : f32 to vector<1x512xf32>
    %sub3A_1380 = arith.subf %sub3A_1379, %while3A_1377#0 : vector<1x512xf32>
    %concatenate3A = tpu.concatenate %sub3A_193, %sub3A_311, %sub3A_427, %sub3A_541, %sub3A_653, %sub3A_763, %sub3A_871, %sub3A_977, %sub3A_1081, %sub3A_1183, %sub3A_1283, %sub3A_1380 in 0 : vector<1x512xf32>, vector<1x512xf32>, vector<1x512xf32>, vector<1x512xf32>, vector<1x512xf32>, vector<1x512xf32>, vector<1x512xf32>, vector<1x512xf32>, vector<1x512xf32>, vector<1x512xf32>, vector<1x512xf32>, vector<1x512xf32> -> vector<12x512xf32>
    %iota3A_1381 = tpu.iota {dimensions = array<i32: 0>} : vector<12x512xi32>
    %mul3A_1382 = arith.constant 512 : i32
    %mul3A_1383 = vector.broadcast %mul3A_1382 : i32 to vector<12x512xi32>
    %mul3A_1384 = arith.muli %iota3A_1381, %mul3A_1383 : vector<12x512xi32>
    %iota3A_1385 = tpu.iota {dimensions = array<i32: 1>} : vector<12x512xi32>
    %add3A_1386 = arith.addi %mul3A_1384, %iota3A_1385 : vector<12x512xi32>
    %lt3A = arith.constant 6000 : i32
    %lt3A_1387 = vector.broadcast %lt3A : i32 to vector<12x512xi32>
    %lt3A_1388 = arith.cmpi slt, %add3A_1386, %lt3A_1387 : vector<12x512xi32>
    %convert_element_type3A_1389 = arith.extui %lt3A_1388 : vector<12x512xi1> to vector<12x512xi32>
    %convert_element_type3A_1390 = arith.sitofp %convert_element_type3A_1389 : vector<12x512xi32> to vector<12x512xf32>
    %mul3A_1391 = arith.mulf %concatenate3A, %convert_element_type3A_1390 : vector<12x512xf32>
    %sub3A_1392 = arith.constant 1.000000e+00 : f32
    %sub3A_1393 = vector.broadcast %sub3A_1392 : f32 to vector<12x512xf32>
    %sub3A_1394 = arith.subf %sub3A_1393, %concatenate3A : vector<12x512xf32>
    %mul3A_1395 = arith.mulf %sub3A_1394, %convert_element_type3A_1390 : vector<12x512xf32>
    %le3A = arith.cmpi sle, %iota3A, %iota3A_149 : vector<512x512xi32>
    %convert_element_type3A_1396 = arith.extui %le3A : vector<512x512xi1> to vector<512x512xi32>
    %convert_element_type3A_1397 = arith.sitofp %convert_element_type3A_1396 : vector<512x512xi32> to vector<512x512xf32>
    %dot_general3A_1398 = arith.constant dense<0.000000e+00> : vector<12x512xf32>
    %dot_general3A_1399 = tpu.matmul %mul3A_1391, %convert_element_type3A_1397, %dot_general3A_1398 {dimension_numbers = #tpu.dot_dimension_numbers<[1], [0], [0], [1], [0, 0, 1, 1], [], []>, transpose_lhs_hint = false} : vector<12x512xf32>, vector<512x512xf32>, vector<12x512xf32> -> vector<12x512xf32>
    %dot_general3A_1400 = arith.constant dense<0.000000e+00> : vector<12x512xf32>
    %dot_general3A_1401 = tpu.matmul %mul3A_1395, %convert_element_type3A_1397, %dot_general3A_1400 {dimension_numbers = #tpu.dot_dimension_numbers<[1], [0], [0], [1], [0, 0, 1, 1], [], []>, transpose_lhs_hint = false} : vector<12x512xf32>, vector<512x512xf32>, vector<12x512xf32> -> vector<12x512xf32>
    %reduce_sum3A = arith.constant dense<0.000000e+00> : vector<12xf32>
    %reduce_sum3A_1402 = vector.multi_reduction <add>, %mul3A_1391, %reduce_sum3A [1] : vector<12x512xf32> to vector<12xf32>
    %broadcast_in_dim3A_1403 = vector.shape_cast %reduce_sum3A_1402 : vector<12xf32> to vector<12x1xf32>
    %reduce_sum3A_1404 = arith.constant dense<0.000000e+00> : vector<12xf32>
    %reduce_sum3A_1405 = vector.multi_reduction <add>, %mul3A_1395, %reduce_sum3A_1404 [1] : vector<12x512xf32> to vector<12xf32>
    %broadcast_in_dim3A_1406 = vector.shape_cast %reduce_sum3A_1405 : vector<12xf32> to vector<12x1xf32>
    %broadcast_in_dim3A_1407 = arith.constant 0.000000e+00 : f32
    %broadcast_in_dim3A_1408 = vector.broadcast %broadcast_in_dim3A_1407 : f32 to vector<1x1xf32>
    %broadcast_in_dim3A_1409 = arith.constant 0.000000e+00 : f32
    %broadcast_in_dim3A_1410 = vector.broadcast %broadcast_in_dim3A_1409 : f32 to vector<1x1xf32>
    %slice3A_1411 = vector.extract_strided_slice %broadcast_in_dim3A_1403 {offsets = [0, 0], sizes = [1, 1], strides = [1, 1]} : vector<12x1xf32> to vector<1x1xf32>
    %add3A_1412 = arith.addf %broadcast_in_dim3A_1408, %slice3A_1411 : vector<1x1xf32>
    %slice3A_1413 = vector.extract_strided_slice %broadcast_in_dim3A_1406 {offsets = [0, 0], sizes = [1, 1], strides = [1, 1]} : vector<12x1xf32> to vector<1x1xf32>
    %add3A_1414 = arith.addf %broadcast_in_dim3A_1410, %slice3A_1413 : vector<1x1xf32>
    %slice3A_1415 = vector.extract_strided_slice %broadcast_in_dim3A_1403 {offsets = [1, 0], sizes = [1, 1], strides = [1, 1]} : vector<12x1xf32> to vector<1x1xf32>
    %add3A_1416 = arith.addf %add3A_1412, %slice3A_1415 : vector<1x1xf32>
    %slice3A_1417 = vector.extract_strided_slice %broadcast_in_dim3A_1406 {offsets = [1, 0], sizes = [1, 1], strides = [1, 1]} : vector<12x1xf32> to vector<1x1xf32>
    %add3A_1418 = arith.addf %add3A_1414, %slice3A_1417 : vector<1x1xf32>
    %slice3A_1419 = vector.extract_strided_slice %broadcast_in_dim3A_1403 {offsets = [2, 0], sizes = [1, 1], strides = [1, 1]} : vector<12x1xf32> to vector<1x1xf32>
    %add3A_1420 = arith.addf %add3A_1416, %slice3A_1419 : vector<1x1xf32>
    %slice3A_1421 = vector.extract_strided_slice %broadcast_in_dim3A_1406 {offsets = [2, 0], sizes = [1, 1], strides = [1, 1]} : vector<12x1xf32> to vector<1x1xf32>
    %add3A_1422 = arith.addf %add3A_1418, %slice3A_1421 : vector<1x1xf32>
    %slice3A_1423 = vector.extract_strided_slice %broadcast_in_dim3A_1403 {offsets = [3, 0], sizes = [1, 1], strides = [1, 1]} : vector<12x1xf32> to vector<1x1xf32>
    %add3A_1424 = arith.addf %add3A_1420, %slice3A_1423 : vector<1x1xf32>
    %slice3A_1425 = vector.extract_strided_slice %broadcast_in_dim3A_1406 {offsets = [3, 0], sizes = [1, 1], strides = [1, 1]} : vector<12x1xf32> to vector<1x1xf32>
    %add3A_1426 = arith.addf %add3A_1422, %slice3A_1425 : vector<1x1xf32>
    %slice3A_1427 = vector.extract_strided_slice %broadcast_in_dim3A_1403 {offsets = [4, 0], sizes = [1, 1], strides = [1, 1]} : vector<12x1xf32> to vector<1x1xf32>
    %add3A_1428 = arith.addf %add3A_1424, %slice3A_1427 : vector<1x1xf32>
    %slice3A_1429 = vector.extract_strided_slice %broadcast_in_dim3A_1406 {offsets = [4, 0], sizes = [1, 1], strides = [1, 1]} : vector<12x1xf32> to vector<1x1xf32>
    %add3A_1430 = arith.addf %add3A_1426, %slice3A_1429 : vector<1x1xf32>
    %slice3A_1431 = vector.extract_strided_slice %broadcast_in_dim3A_1403 {offsets = [5, 0], sizes = [1, 1], strides = [1, 1]} : vector<12x1xf32> to vector<1x1xf32>
    %add3A_1432 = arith.addf %add3A_1428, %slice3A_1431 : vector<1x1xf32>
    %slice3A_1433 = vector.extract_strided_slice %broadcast_in_dim3A_1406 {offsets = [5, 0], sizes = [1, 1], strides = [1, 1]} : vector<12x1xf32> to vector<1x1xf32>
    %add3A_1434 = arith.addf %add3A_1430, %slice3A_1433 : vector<1x1xf32>
    %slice3A_1435 = vector.extract_strided_slice %broadcast_in_dim3A_1403 {offsets = [6, 0], sizes = [1, 1], strides = [1, 1]} : vector<12x1xf32> to vector<1x1xf32>
    %add3A_1436 = arith.addf %add3A_1432, %slice3A_1435 : vector<1x1xf32>
    %slice3A_1437 = vector.extract_strided_slice %broadcast_in_dim3A_1406 {offsets = [6, 0], sizes = [1, 1], strides = [1, 1]} : vector<12x1xf32> to vector<1x1xf32>
    %add3A_1438 = arith.addf %add3A_1434, %slice3A_1437 : vector<1x1xf32>
    %slice3A_1439 = vector.extract_strided_slice %broadcast_in_dim3A_1403 {offsets = [7, 0], sizes = [1, 1], strides = [1, 1]} : vector<12x1xf32> to vector<1x1xf32>
    %add3A_1440 = arith.addf %add3A_1436, %slice3A_1439 : vector<1x1xf32>
    %slice3A_1441 = vector.extract_strided_slice %broadcast_in_dim3A_1406 {offsets = [7, 0], sizes = [1, 1], strides = [1, 1]} : vector<12x1xf32> to vector<1x1xf32>
    %add3A_1442 = arith.addf %add3A_1438, %slice3A_1441 : vector<1x1xf32>
    %slice3A_1443 = vector.extract_strided_slice %broadcast_in_dim3A_1403 {offsets = [8, 0], sizes = [1, 1], strides = [1, 1]} : vector<12x1xf32> to vector<1x1xf32>
    %add3A_1444 = arith.addf %add3A_1440, %slice3A_1443 : vector<1x1xf32>
    %slice3A_1445 = vector.extract_strided_slice %broadcast_in_dim3A_1406 {offsets = [8, 0], sizes = [1, 1], strides = [1, 1]} : vector<12x1xf32> to vector<1x1xf32>
    %add3A_1446 = arith.addf %add3A_1442, %slice3A_1445 : vector<1x1xf32>
    %slice3A_1447 = vector.extract_strided_slice %broadcast_in_dim3A_1403 {offsets = [9, 0], sizes = [1, 1], strides = [1, 1]} : vector<12x1xf32> to vector<1x1xf32>
    %add3A_1448 = arith.addf %add3A_1444, %slice3A_1447 : vector<1x1xf32>
    %slice3A_1449 = vector.extract_strided_slice %broadcast_in_dim3A_1406 {offsets = [9, 0], sizes = [1, 1], strides = [1, 1]} : vector<12x1xf32> to vector<1x1xf32>
    %add3A_1450 = arith.addf %add3A_1446, %slice3A_1449 : vector<1x1xf32>
    %slice3A_1451 = vector.extract_strided_slice %broadcast_in_dim3A_1403 {offsets = [10, 0], sizes = [1, 1], strides = [1, 1]} : vector<12x1xf32> to vector<1x1xf32>
    %add3A_1452 = arith.addf %add3A_1448, %slice3A_1451 : vector<1x1xf32>
    %slice3A_1453 = vector.extract_strided_slice %broadcast_in_dim3A_1406 {offsets = [10, 0], sizes = [1, 1], strides = [1, 1]} : vector<12x1xf32> to vector<1x1xf32>
    %add3A_1454 = arith.addf %add3A_1450, %slice3A_1453 : vector<1x1xf32>
    %slice3A_1455 = vector.extract_strided_slice %broadcast_in_dim3A_1403 {offsets = [11, 0], sizes = [1, 1], strides = [1, 1]} : vector<12x1xf32> to vector<1x1xf32>
    %add3A_1456 = arith.addf %add3A_1452, %slice3A_1455 : vector<1x1xf32>
    %concatenate3A_1457 = tpu.concatenate %broadcast_in_dim3A_1408, %add3A_1412, %add3A_1416, %add3A_1420, %add3A_1424, %add3A_1428, %add3A_1432, %add3A_1436, %add3A_1440, %add3A_1444, %add3A_1448, %add3A_1452 in 0 : vector<1x1xf32>, vector<1x1xf32>, vector<1x1xf32>, vector<1x1xf32>, vector<1x1xf32>, vector<1x1xf32>, vector<1x1xf32>, vector<1x1xf32>, vector<1x1xf32>, vector<1x1xf32>, vector<1x1xf32>, vector<1x1xf32> -> vector<12x1xf32>
    %concatenate3A_1458 = tpu.concatenate %broadcast_in_dim3A_1410, %add3A_1414, %add3A_1418, %add3A_1422, %add3A_1426, %add3A_1430, %add3A_1434, %add3A_1438, %add3A_1442, %add3A_1446, %add3A_1450, %add3A_1454 in 0 : vector<1x1xf32>, vector<1x1xf32>, vector<1x1xf32>, vector<1x1xf32>, vector<1x1xf32>, vector<1x1xf32>, vector<1x1xf32>, vector<1x1xf32>, vector<1x1xf32>, vector<1x1xf32>, vector<1x1xf32>, vector<1x1xf32> -> vector<12x1xf32>
    %sub3A_1459 = arith.subf %dot_general3A_1399, %mul3A_1391 : vector<12x512xf32>
    %add3A_1460 = vector.broadcast %concatenate3A_1457 : vector<12x1xf32> to vector<12x512xf32>
    %add3A_1461 = arith.addf %sub3A_1459, %add3A_1460 : vector<12x512xf32>
    %sub3A_1462 = arith.subf %dot_general3A_1401, %mul3A_1395 : vector<12x512xf32>
    %add3A_1463 = vector.broadcast %concatenate3A_1458 : vector<12x1xf32> to vector<12x512xf32>
    %add3A_1464 = arith.addf %sub3A_1462, %add3A_1463 : vector<12x512xf32>
    %gt3A_1465 = arith.constant 5.000000e-01 : f32
    %gt3A_1466 = vector.broadcast %gt3A_1465 : f32 to vector<12x512xf32>
    %gt3A_1467 = arith.cmpf ogt, %mul3A_1391, %gt3A_1466 : vector<12x512xf32>
    %gt3A_1468 = arith.constant 5.000000e-01 : f32
    %gt3A_1469 = vector.broadcast %gt3A_1468 : f32 to vector<12x512xf32>
    %gt3A_1470 = arith.cmpf ogt, %mul3A_1395, %gt3A_1469 : vector<12x512xf32>
    %add3A_1471 = vector.broadcast %add3A_1456 : vector<1x1xf32> to vector<12x512xf32>
    %add3A_1472 = arith.addf %add3A_1471, %add3A_1464 : vector<12x512xf32>
    %jit3A = arith.constant 1.000000e+09 : f32
    %broadcast_in_dim3A_1473 = vector.broadcast %jit3A : f32 to vector<12x512xf32>
    %select_n3A = arith.select %gt3A_1470, %add3A_1472, %broadcast_in_dim3A_1473 : vector<12x512xi1>, vector<12x512xf32>
    %select_n3A_1474 = arith.select %gt3A_1467, %add3A_1461, %select_n3A : vector<12x512xi1>, vector<12x512xf32>
    %broadcast_in_dim3A_1475 = arith.constant 0.000000e+00 : f32
    %broadcast_in_dim3A_1476 = vector.broadcast %broadcast_in_dim3A_1475 : f32 to vector<3x6144xf32>
    %concatenate3A_1477 = tpu.concatenate %slice3A, %slice3A_2, %slice3A_3, %slice3A_4, %slice3A_6, %broadcast_in_dim3A_1476 in 0 : vector<1x6144xf32>, vector<1x6144xf32>, vector<1x6144xf32>, vector<1x6144xf32>, vector<1x6144xf32>, vector<3x6144xf32> -> vector<8x6144xf32>
    %broadcast_in_dim3A_1478 = arith.constant 0.000000e+00 : f32
    %broadcast_in_dim3A_1479 = vector.broadcast %broadcast_in_dim3A_1478 : f32 to vector<8x512xf32>
    %iota3A_1480 = tpu.iota {dimensions = array<i32: 1>} : vector<1x512xi32>
    %add3A_1481 = arith.constant 0 : i32
    %add3A_1482 = vector.broadcast %add3A_1481 : i32 to vector<1x512xi32>
    %add3A_1483 = arith.addi %iota3A_1480, %add3A_1482 : vector<1x512xi32>
    %convert_element_type3A_1484 = arith.sitofp %add3A_1483 : vector<1x512xi32> to vector<1x512xf32>
    %slice3A_1485 = vector.extract_strided_slice %select_n3A_1474 {offsets = [0, 0], sizes = [1, 512], strides = [1, 1]} : vector<12x512xf32> to vector<1x512xf32>
    %ge3A = arith.constant 0.000000e+00 : f32
    %ge3A_1486 = vector.broadcast %ge3A : f32 to vector<1x512xf32>
    %ge3A_1487 = arith.cmpf oge, %slice3A_1485, %ge3A_1486 : vector<1x512xf32>
    %lt3A_1488 = arith.constant 5.120000e+02 : f32
    %lt3A_1489 = vector.broadcast %lt3A_1488 : f32 to vector<1x512xf32>
    %lt3A_1490 = arith.cmpf olt, %slice3A_1485, %lt3A_1489 : vector<1x512xf32>
    %and3A = arith.andi %ge3A_1487, %lt3A_1490 : vector<1x512xi1>
    %convert_element_type3A_1491 = arith.extui %and3A : vector<1x512xi1> to vector<1x512xi32>
    %convert_element_type3A_1492 = arith.sitofp %convert_element_type3A_1491 : vector<1x512xi32> to vector<1x512xf32>
    %reduce_sum3A_1493 = vector.shape_cast %convert_element_type3A_1492 : vector<1x512xf32> to vector<1x1x512xf32>
    %reduce_sum3A_1494 = arith.constant dense<0.000000e+00> : vector<1xf32>
    %reduce_sum3A_1495 = vector.multi_reduction <add>, %reduce_sum3A_1493, %reduce_sum3A_1494 [1, 2] : vector<1x1x512xf32> to vector<1xf32>
    %reduce_sum3A_1496 = vector.shape_cast %reduce_sum3A_1495 : vector<1xf32> to vector<1x1x1xf32>
    %reduce_sum3A_1497 = vector.extract %reduce_sum3A_1496[0, 0, 0] : f32 from vector<1x1x1xf32>
    %gt3A_1498 = arith.constant 0.000000e+00 : f32
    %gt3A_1499 = arith.cmpf ogt, %reduce_sum3A_1497, %gt3A_1498 : f32
    %convert_element_type3A_1500 = arith.extui %gt3A_1499 : i1 to i32
    %cond3A = arith.constant 0 : i32
    %cond3A_1501 = arith.cmpi ne, %convert_element_type3A_1500, %cond3A : i32
    %cond3A_1502 = scf.if %cond3A_1501 -> (vector<8x512xf32>) {
      %reshape3A_2522 = vector.shape_cast %slice3A_1485 : vector<1x512xf32> to vector<512x1xf32>
      %eq3A = vector.broadcast %reshape3A_2522 : vector<512x1xf32> to vector<512x512xf32>
      %eq3A_2523 = vector.broadcast %convert_element_type3A_1484 : vector<1x512xf32> to vector<512x512xf32>
      %eq3A_2524 = arith.cmpf oeq, %eq3A, %eq3A_2523 : vector<512x512xf32>
      %convert_element_type3A_2525 = arith.extui %eq3A_2524 : vector<512x512xi1> to vector<512x512xi32>
      %convert_element_type3A_2526 = arith.sitofp %convert_element_type3A_2525 : vector<512x512xi32> to vector<512x512xf32>
      %slice3A_2527 = vector.extract_strided_slice %concatenate3A_1477 {offsets = [0, 0], sizes = [8, 512], strides = [1, 1]} : vector<8x6144xf32> to vector<8x512xf32>
      %convert_element_type3A_2528 = arith.truncf %slice3A_2527 : vector<8x512xf32> to vector<8x512xbf16>
      %convert_element_type3A_2529 = arith.extf %convert_element_type3A_2528 : vector<8x512xbf16> to vector<8x512xf32>
      %sub3A_2530 = arith.subf %slice3A_2527, %convert_element_type3A_2529 : vector<8x512xf32>
      %dot_general3A_2531 = arith.constant dense<0.000000e+00> : vector<8x512xf32>
      %dot_general3A_2532 = tpu.matmul %convert_element_type3A_2529, %convert_element_type3A_2526, %dot_general3A_2531 {dimension_numbers = #tpu.dot_dimension_numbers<[1], [0], [0], [1], [0, 0, 1, 1], [], []>, transpose_lhs_hint = false} : vector<8x512xf32>, vector<512x512xf32>, vector<8x512xf32> -> vector<8x512xf32>
      %add3A_2533 = arith.addf %broadcast_in_dim3A_1479, %dot_general3A_2532 : vector<8x512xf32>
      %dot_general3A_2534 = arith.constant dense<0.000000e+00> : vector<8x512xf32>
      %dot_general3A_2535 = tpu.matmul %sub3A_2530, %convert_element_type3A_2526, %dot_general3A_2534 {dimension_numbers = #tpu.dot_dimension_numbers<[1], [0], [0], [1], [0, 0, 1, 1], [], []>, transpose_lhs_hint = false} : vector<8x512xf32>, vector<512x512xf32>, vector<8x512xf32> -> vector<8x512xf32>
      %add3A_2536 = arith.addf %add3A_2533, %dot_general3A_2535 : vector<8x512xf32>
      scf.yield %add3A_2536 : vector<8x512xf32>
    } else {
      scf.yield %broadcast_in_dim3A_1479 : vector<8x512xf32>
    }
    %slice3A_1503 = vector.extract_strided_slice %select_n3A_1474 {offsets = [1, 0], sizes = [1, 512], strides = [1, 1]} : vector<12x512xf32> to vector<1x512xf32>
    %ge3A_1504 = arith.constant 0.000000e+00 : f32
    %ge3A_1505 = vector.broadcast %ge3A_1504 : f32 to vector<1x512xf32>
    %ge3A_1506 = arith.cmpf oge, %slice3A_1503, %ge3A_1505 : vector<1x512xf32>
    %lt3A_1507 = arith.constant 5.120000e+02 : f32
    %lt3A_1508 = vector.broadcast %lt3A_1507 : f32 to vector<1x512xf32>
    %lt3A_1509 = arith.cmpf olt, %slice3A_1503, %lt3A_1508 : vector<1x512xf32>
    %and3A_1510 = arith.andi %ge3A_1506, %lt3A_1509 : vector<1x512xi1>
    %convert_element_type3A_1511 = arith.extui %and3A_1510 : vector<1x512xi1> to vector<1x512xi32>
    %convert_element_type3A_1512 = arith.sitofp %convert_element_type3A_1511 : vector<1x512xi32> to vector<1x512xf32>
    %reduce_sum3A_1513 = vector.shape_cast %convert_element_type3A_1512 : vector<1x512xf32> to vector<1x1x512xf32>
    %reduce_sum3A_1514 = arith.constant dense<0.000000e+00> : vector<1xf32>
    %reduce_sum3A_1515 = vector.multi_reduction <add>, %reduce_sum3A_1513, %reduce_sum3A_1514 [1, 2] : vector<1x1x512xf32> to vector<1xf32>
    %reduce_sum3A_1516 = vector.shape_cast %reduce_sum3A_1515 : vector<1xf32> to vector<1x1x1xf32>
    %reduce_sum3A_1517 = vector.extract %reduce_sum3A_1516[0, 0, 0] : f32 from vector<1x1x1xf32>
    %gt3A_1518 = arith.constant 0.000000e+00 : f32
    %gt3A_1519 = arith.cmpf ogt, %reduce_sum3A_1517, %gt3A_1518 : f32
    %convert_element_type3A_1520 = arith.extui %gt3A_1519 : i1 to i32
    %cond3A_1521 = arith.constant 0 : i32
    %cond3A_1522 = arith.cmpi ne, %convert_element_type3A_1520, %cond3A_1521 : i32
    %cond3A_1523 = scf.if %cond3A_1522 -> (vector<8x512xf32>) {
      %reshape3A_2522 = vector.shape_cast %slice3A_1503 : vector<1x512xf32> to vector<512x1xf32>
      %eq3A = vector.broadcast %reshape3A_2522 : vector<512x1xf32> to vector<512x512xf32>
      %eq3A_2523 = vector.broadcast %convert_element_type3A_1484 : vector<1x512xf32> to vector<512x512xf32>
      %eq3A_2524 = arith.cmpf oeq, %eq3A, %eq3A_2523 : vector<512x512xf32>
      %convert_element_type3A_2525 = arith.extui %eq3A_2524 : vector<512x512xi1> to vector<512x512xi32>
      %convert_element_type3A_2526 = arith.sitofp %convert_element_type3A_2525 : vector<512x512xi32> to vector<512x512xf32>
      %slice3A_2527 = vector.extract_strided_slice %concatenate3A_1477 {offsets = [0, 512], sizes = [8, 512], strides = [1, 1]} : vector<8x6144xf32> to vector<8x512xf32>
      %convert_element_type3A_2528 = arith.truncf %slice3A_2527 : vector<8x512xf32> to vector<8x512xbf16>
      %convert_element_type3A_2529 = arith.extf %convert_element_type3A_2528 : vector<8x512xbf16> to vector<8x512xf32>
      %sub3A_2530 = arith.subf %slice3A_2527, %convert_element_type3A_2529 : vector<8x512xf32>
      %dot_general3A_2531 = arith.constant dense<0.000000e+00> : vector<8x512xf32>
      %dot_general3A_2532 = tpu.matmul %convert_element_type3A_2529, %convert_element_type3A_2526, %dot_general3A_2531 {dimension_numbers = #tpu.dot_dimension_numbers<[1], [0], [0], [1], [0, 0, 1, 1], [], []>, transpose_lhs_hint = false} : vector<8x512xf32>, vector<512x512xf32>, vector<8x512xf32> -> vector<8x512xf32>
      %add3A_2533 = arith.addf %cond3A_1502, %dot_general3A_2532 : vector<8x512xf32>
      %dot_general3A_2534 = arith.constant dense<0.000000e+00> : vector<8x512xf32>
      %dot_general3A_2535 = tpu.matmul %sub3A_2530, %convert_element_type3A_2526, %dot_general3A_2534 {dimension_numbers = #tpu.dot_dimension_numbers<[1], [0], [0], [1], [0, 0, 1, 1], [], []>, transpose_lhs_hint = false} : vector<8x512xf32>, vector<512x512xf32>, vector<8x512xf32> -> vector<8x512xf32>
      %add3A_2536 = arith.addf %add3A_2533, %dot_general3A_2535 : vector<8x512xf32>
      scf.yield %add3A_2536 : vector<8x512xf32>
    } else {
      scf.yield %cond3A_1502 : vector<8x512xf32>
    }
    %slice3A_1524 = vector.extract_strided_slice %select_n3A_1474 {offsets = [2, 0], sizes = [1, 512], strides = [1, 1]} : vector<12x512xf32> to vector<1x512xf32>
    %ge3A_1525 = arith.constant 0.000000e+00 : f32
    %ge3A_1526 = vector.broadcast %ge3A_1525 : f32 to vector<1x512xf32>
    %ge3A_1527 = arith.cmpf oge, %slice3A_1524, %ge3A_1526 : vector<1x512xf32>
    %lt3A_1528 = arith.constant 5.120000e+02 : f32
    %lt3A_1529 = vector.broadcast %lt3A_1528 : f32 to vector<1x512xf32>
    %lt3A_1530 = arith.cmpf olt, %slice3A_1524, %lt3A_1529 : vector<1x512xf32>
    %and3A_1531 = arith.andi %ge3A_1527, %lt3A_1530 : vector<1x512xi1>
    %convert_element_type3A_1532 = arith.extui %and3A_1531 : vector<1x512xi1> to vector<1x512xi32>
    %convert_element_type3A_1533 = arith.sitofp %convert_element_type3A_1532 : vector<1x512xi32> to vector<1x512xf32>
    %reduce_sum3A_1534 = vector.shape_cast %convert_element_type3A_1533 : vector<1x512xf32> to vector<1x1x512xf32>
    %reduce_sum3A_1535 = arith.constant dense<0.000000e+00> : vector<1xf32>
    %reduce_sum3A_1536 = vector.multi_reduction <add>, %reduce_sum3A_1534, %reduce_sum3A_1535 [1, 2] : vector<1x1x512xf32> to vector<1xf32>
    %reduce_sum3A_1537 = vector.shape_cast %reduce_sum3A_1536 : vector<1xf32> to vector<1x1x1xf32>
    %reduce_sum3A_1538 = vector.extract %reduce_sum3A_1537[0, 0, 0] : f32 from vector<1x1x1xf32>
    %gt3A_1539 = arith.constant 0.000000e+00 : f32
    %gt3A_1540 = arith.cmpf ogt, %reduce_sum3A_1538, %gt3A_1539 : f32
    %convert_element_type3A_1541 = arith.extui %gt3A_1540 : i1 to i32
    %cond3A_1542 = arith.constant 0 : i32
    %cond3A_1543 = arith.cmpi ne, %convert_element_type3A_1541, %cond3A_1542 : i32
    %cond3A_1544 = scf.if %cond3A_1543 -> (vector<8x512xf32>) {
      %reshape3A_2522 = vector.shape_cast %slice3A_1524 : vector<1x512xf32> to vector<512x1xf32>
      %eq3A = vector.broadcast %reshape3A_2522 : vector<512x1xf32> to vector<512x512xf32>
      %eq3A_2523 = vector.broadcast %convert_element_type3A_1484 : vector<1x512xf32> to vector<512x512xf32>
      %eq3A_2524 = arith.cmpf oeq, %eq3A, %eq3A_2523 : vector<512x512xf32>
      %convert_element_type3A_2525 = arith.extui %eq3A_2524 : vector<512x512xi1> to vector<512x512xi32>
      %convert_element_type3A_2526 = arith.sitofp %convert_element_type3A_2525 : vector<512x512xi32> to vector<512x512xf32>
      %slice3A_2527 = vector.extract_strided_slice %concatenate3A_1477 {offsets = [0, 1024], sizes = [8, 512], strides = [1, 1]} : vector<8x6144xf32> to vector<8x512xf32>
      %convert_element_type3A_2528 = arith.truncf %slice3A_2527 : vector<8x512xf32> to vector<8x512xbf16>
      %convert_element_type3A_2529 = arith.extf %convert_element_type3A_2528 : vector<8x512xbf16> to vector<8x512xf32>
      %sub3A_2530 = arith.subf %slice3A_2527, %convert_element_type3A_2529 : vector<8x512xf32>
      %dot_general3A_2531 = arith.constant dense<0.000000e+00> : vector<8x512xf32>
      %dot_general3A_2532 = tpu.matmul %convert_element_type3A_2529, %convert_element_type3A_2526, %dot_general3A_2531 {dimension_numbers = #tpu.dot_dimension_numbers<[1], [0], [0], [1], [0, 0, 1, 1], [], []>, transpose_lhs_hint = false} : vector<8x512xf32>, vector<512x512xf32>, vector<8x512xf32> -> vector<8x512xf32>
      %add3A_2533 = arith.addf %cond3A_1523, %dot_general3A_2532 : vector<8x512xf32>
      %dot_general3A_2534 = arith.constant dense<0.000000e+00> : vector<8x512xf32>
      %dot_general3A_2535 = tpu.matmul %sub3A_2530, %convert_element_type3A_2526, %dot_general3A_2534 {dimension_numbers = #tpu.dot_dimension_numbers<[1], [0], [0], [1], [0, 0, 1, 1], [], []>, transpose_lhs_hint = false} : vector<8x512xf32>, vector<512x512xf32>, vector<8x512xf32> -> vector<8x512xf32>
      %add3A_2536 = arith.addf %add3A_2533, %dot_general3A_2535 : vector<8x512xf32>
      scf.yield %add3A_2536 : vector<8x512xf32>
    } else {
      scf.yield %cond3A_1523 : vector<8x512xf32>
    }
    %slice3A_1545 = vector.extract_strided_slice %select_n3A_1474 {offsets = [3, 0], sizes = [1, 512], strides = [1, 1]} : vector<12x512xf32> to vector<1x512xf32>
    %ge3A_1546 = arith.constant 0.000000e+00 : f32
    %ge3A_1547 = vector.broadcast %ge3A_1546 : f32 to vector<1x512xf32>
    %ge3A_1548 = arith.cmpf oge, %slice3A_1545, %ge3A_1547 : vector<1x512xf32>
    %lt3A_1549 = arith.constant 5.120000e+02 : f32
    %lt3A_1550 = vector.broadcast %lt3A_1549 : f32 to vector<1x512xf32>
    %lt3A_1551 = arith.cmpf olt, %slice3A_1545, %lt3A_1550 : vector<1x512xf32>
    %and3A_1552 = arith.andi %ge3A_1548, %lt3A_1551 : vector<1x512xi1>
    %convert_element_type3A_1553 = arith.extui %and3A_1552 : vector<1x512xi1> to vector<1x512xi32>
    %convert_element_type3A_1554 = arith.sitofp %convert_element_type3A_1553 : vector<1x512xi32> to vector<1x512xf32>
    %reduce_sum3A_1555 = vector.shape_cast %convert_element_type3A_1554 : vector<1x512xf32> to vector<1x1x512xf32>
    %reduce_sum3A_1556 = arith.constant dense<0.000000e+00> : vector<1xf32>
    %reduce_sum3A_1557 = vector.multi_reduction <add>, %reduce_sum3A_1555, %reduce_sum3A_1556 [1, 2] : vector<1x1x512xf32> to vector<1xf32>
    %reduce_sum3A_1558 = vector.shape_cast %reduce_sum3A_1557 : vector<1xf32> to vector<1x1x1xf32>
    %reduce_sum3A_1559 = vector.extract %reduce_sum3A_1558[0, 0, 0] : f32 from vector<1x1x1xf32>
    %gt3A_1560 = arith.constant 0.000000e+00 : f32
    %gt3A_1561 = arith.cmpf ogt, %reduce_sum3A_1559, %gt3A_1560 : f32
    %convert_element_type3A_1562 = arith.extui %gt3A_1561 : i1 to i32
    %cond3A_1563 = arith.constant 0 : i32
    %cond3A_1564 = arith.cmpi ne, %convert_element_type3A_1562, %cond3A_1563 : i32
    %cond3A_1565 = scf.if %cond3A_1564 -> (vector<8x512xf32>) {
      %reshape3A_2522 = vector.shape_cast %slice3A_1545 : vector<1x512xf32> to vector<512x1xf32>
      %eq3A = vector.broadcast %reshape3A_2522 : vector<512x1xf32> to vector<512x512xf32>
      %eq3A_2523 = vector.broadcast %convert_element_type3A_1484 : vector<1x512xf32> to vector<512x512xf32>
      %eq3A_2524 = arith.cmpf oeq, %eq3A, %eq3A_2523 : vector<512x512xf32>
      %convert_element_type3A_2525 = arith.extui %eq3A_2524 : vector<512x512xi1> to vector<512x512xi32>
      %convert_element_type3A_2526 = arith.sitofp %convert_element_type3A_2525 : vector<512x512xi32> to vector<512x512xf32>
      %slice3A_2527 = vector.extract_strided_slice %concatenate3A_1477 {offsets = [0, 1536], sizes = [8, 512], strides = [1, 1]} : vector<8x6144xf32> to vector<8x512xf32>
      %convert_element_type3A_2528 = arith.truncf %slice3A_2527 : vector<8x512xf32> to vector<8x512xbf16>
      %convert_element_type3A_2529 = arith.extf %convert_element_type3A_2528 : vector<8x512xbf16> to vector<8x512xf32>
      %sub3A_2530 = arith.subf %slice3A_2527, %convert_element_type3A_2529 : vector<8x512xf32>
      %dot_general3A_2531 = arith.constant dense<0.000000e+00> : vector<8x512xf32>
      %dot_general3A_2532 = tpu.matmul %convert_element_type3A_2529, %convert_element_type3A_2526, %dot_general3A_2531 {dimension_numbers = #tpu.dot_dimension_numbers<[1], [0], [0], [1], [0, 0, 1, 1], [], []>, transpose_lhs_hint = false} : vector<8x512xf32>, vector<512x512xf32>, vector<8x512xf32> -> vector<8x512xf32>
      %add3A_2533 = arith.addf %cond3A_1544, %dot_general3A_2532 : vector<8x512xf32>
      %dot_general3A_2534 = arith.constant dense<0.000000e+00> : vector<8x512xf32>
      %dot_general3A_2535 = tpu.matmul %sub3A_2530, %convert_element_type3A_2526, %dot_general3A_2534 {dimension_numbers = #tpu.dot_dimension_numbers<[1], [0], [0], [1], [0, 0, 1, 1], [], []>, transpose_lhs_hint = false} : vector<8x512xf32>, vector<512x512xf32>, vector<8x512xf32> -> vector<8x512xf32>
      %add3A_2536 = arith.addf %add3A_2533, %dot_general3A_2535 : vector<8x512xf32>
      scf.yield %add3A_2536 : vector<8x512xf32>
    } else {
      scf.yield %cond3A_1544 : vector<8x512xf32>
    }
    %slice3A_1566 = vector.extract_strided_slice %select_n3A_1474 {offsets = [4, 0], sizes = [1, 512], strides = [1, 1]} : vector<12x512xf32> to vector<1x512xf32>
    %ge3A_1567 = arith.constant 0.000000e+00 : f32
    %ge3A_1568 = vector.broadcast %ge3A_1567 : f32 to vector<1x512xf32>
    %ge3A_1569 = arith.cmpf oge, %slice3A_1566, %ge3A_1568 : vector<1x512xf32>
    %lt3A_1570 = arith.constant 5.120000e+02 : f32
    %lt3A_1571 = vector.broadcast %lt3A_1570 : f32 to vector<1x512xf32>
    %lt3A_1572 = arith.cmpf olt, %slice3A_1566, %lt3A_1571 : vector<1x512xf32>
    %and3A_1573 = arith.andi %ge3A_1569, %lt3A_1572 : vector<1x512xi1>
    %convert_element_type3A_1574 = arith.extui %and3A_1573 : vector<1x512xi1> to vector<1x512xi32>
    %convert_element_type3A_1575 = arith.sitofp %convert_element_type3A_1574 : vector<1x512xi32> to vector<1x512xf32>
    %reduce_sum3A_1576 = vector.shape_cast %convert_element_type3A_1575 : vector<1x512xf32> to vector<1x1x512xf32>
    %reduce_sum3A_1577 = arith.constant dense<0.000000e+00> : vector<1xf32>
    %reduce_sum3A_1578 = vector.multi_reduction <add>, %reduce_sum3A_1576, %reduce_sum3A_1577 [1, 2] : vector<1x1x512xf32> to vector<1xf32>
    %reduce_sum3A_1579 = vector.shape_cast %reduce_sum3A_1578 : vector<1xf32> to vector<1x1x1xf32>
    %reduce_sum3A_1580 = vector.extract %reduce_sum3A_1579[0, 0, 0] : f32 from vector<1x1x1xf32>
    %gt3A_1581 = arith.constant 0.000000e+00 : f32
    %gt3A_1582 = arith.cmpf ogt, %reduce_sum3A_1580, %gt3A_1581 : f32
    %convert_element_type3A_1583 = arith.extui %gt3A_1582 : i1 to i32
    %cond3A_1584 = arith.constant 0 : i32
    %cond3A_1585 = arith.cmpi ne, %convert_element_type3A_1583, %cond3A_1584 : i32
    %cond3A_1586 = scf.if %cond3A_1585 -> (vector<8x512xf32>) {
      %reshape3A_2522 = vector.shape_cast %slice3A_1566 : vector<1x512xf32> to vector<512x1xf32>
      %eq3A = vector.broadcast %reshape3A_2522 : vector<512x1xf32> to vector<512x512xf32>
      %eq3A_2523 = vector.broadcast %convert_element_type3A_1484 : vector<1x512xf32> to vector<512x512xf32>
      %eq3A_2524 = arith.cmpf oeq, %eq3A, %eq3A_2523 : vector<512x512xf32>
      %convert_element_type3A_2525 = arith.extui %eq3A_2524 : vector<512x512xi1> to vector<512x512xi32>
      %convert_element_type3A_2526 = arith.sitofp %convert_element_type3A_2525 : vector<512x512xi32> to vector<512x512xf32>
      %slice3A_2527 = vector.extract_strided_slice %concatenate3A_1477 {offsets = [0, 2048], sizes = [8, 512], strides = [1, 1]} : vector<8x6144xf32> to vector<8x512xf32>
      %convert_element_type3A_2528 = arith.truncf %slice3A_2527 : vector<8x512xf32> to vector<8x512xbf16>
      %convert_element_type3A_2529 = arith.extf %convert_element_type3A_2528 : vector<8x512xbf16> to vector<8x512xf32>
      %sub3A_2530 = arith.subf %slice3A_2527, %convert_element_type3A_2529 : vector<8x512xf32>
      %dot_general3A_2531 = arith.constant dense<0.000000e+00> : vector<8x512xf32>
      %dot_general3A_2532 = tpu.matmul %convert_element_type3A_2529, %convert_element_type3A_2526, %dot_general3A_2531 {dimension_numbers = #tpu.dot_dimension_numbers<[1], [0], [0], [1], [0, 0, 1, 1], [], []>, transpose_lhs_hint = false} : vector<8x512xf32>, vector<512x512xf32>, vector<8x512xf32> -> vector<8x512xf32>
      %add3A_2533 = arith.addf %cond3A_1565, %dot_general3A_2532 : vector<8x512xf32>
      %dot_general3A_2534 = arith.constant dense<0.000000e+00> : vector<8x512xf32>
      %dot_general3A_2535 = tpu.matmul %sub3A_2530, %convert_element_type3A_2526, %dot_general3A_2534 {dimension_numbers = #tpu.dot_dimension_numbers<[1], [0], [0], [1], [0, 0, 1, 1], [], []>, transpose_lhs_hint = false} : vector<8x512xf32>, vector<512x512xf32>, vector<8x512xf32> -> vector<8x512xf32>
      %add3A_2536 = arith.addf %add3A_2533, %dot_general3A_2535 : vector<8x512xf32>
      scf.yield %add3A_2536 : vector<8x512xf32>
    } else {
      scf.yield %cond3A_1565 : vector<8x512xf32>
    }
    %slice3A_1587 = vector.extract_strided_slice %select_n3A_1474 {offsets = [5, 0], sizes = [1, 512], strides = [1, 1]} : vector<12x512xf32> to vector<1x512xf32>
    %ge3A_1588 = arith.constant 0.000000e+00 : f32
    %ge3A_1589 = vector.broadcast %ge3A_1588 : f32 to vector<1x512xf32>
    %ge3A_1590 = arith.cmpf oge, %slice3A_1587, %ge3A_1589 : vector<1x512xf32>
    %lt3A_1591 = arith.constant 5.120000e+02 : f32
    %lt3A_1592 = vector.broadcast %lt3A_1591 : f32 to vector<1x512xf32>
    %lt3A_1593 = arith.cmpf olt, %slice3A_1587, %lt3A_1592 : vector<1x512xf32>
    %and3A_1594 = arith.andi %ge3A_1590, %lt3A_1593 : vector<1x512xi1>
    %convert_element_type3A_1595 = arith.extui %and3A_1594 : vector<1x512xi1> to vector<1x512xi32>
    %convert_element_type3A_1596 = arith.sitofp %convert_element_type3A_1595 : vector<1x512xi32> to vector<1x512xf32>
    %reduce_sum3A_1597 = vector.shape_cast %convert_element_type3A_1596 : vector<1x512xf32> to vector<1x1x512xf32>
    %reduce_sum3A_1598 = arith.constant dense<0.000000e+00> : vector<1xf32>
    %reduce_sum3A_1599 = vector.multi_reduction <add>, %reduce_sum3A_1597, %reduce_sum3A_1598 [1, 2] : vector<1x1x512xf32> to vector<1xf32>
    %reduce_sum3A_1600 = vector.shape_cast %reduce_sum3A_1599 : vector<1xf32> to vector<1x1x1xf32>
    %reduce_sum3A_1601 = vector.extract %reduce_sum3A_1600[0, 0, 0] : f32 from vector<1x1x1xf32>
    %gt3A_1602 = arith.constant 0.000000e+00 : f32
    %gt3A_1603 = arith.cmpf ogt, %reduce_sum3A_1601, %gt3A_1602 : f32
    %convert_element_type3A_1604 = arith.extui %gt3A_1603 : i1 to i32
    %cond3A_1605 = arith.constant 0 : i32
    %cond3A_1606 = arith.cmpi ne, %convert_element_type3A_1604, %cond3A_1605 : i32
    %cond3A_1607 = scf.if %cond3A_1606 -> (vector<8x512xf32>) {
      %reshape3A_2522 = vector.shape_cast %slice3A_1587 : vector<1x512xf32> to vector<512x1xf32>
      %eq3A = vector.broadcast %reshape3A_2522 : vector<512x1xf32> to vector<512x512xf32>
      %eq3A_2523 = vector.broadcast %convert_element_type3A_1484 : vector<1x512xf32> to vector<512x512xf32>
      %eq3A_2524 = arith.cmpf oeq, %eq3A, %eq3A_2523 : vector<512x512xf32>
      %convert_element_type3A_2525 = arith.extui %eq3A_2524 : vector<512x512xi1> to vector<512x512xi32>
      %convert_element_type3A_2526 = arith.sitofp %convert_element_type3A_2525 : vector<512x512xi32> to vector<512x512xf32>
      %slice3A_2527 = vector.extract_strided_slice %concatenate3A_1477 {offsets = [0, 2560], sizes = [8, 512], strides = [1, 1]} : vector<8x6144xf32> to vector<8x512xf32>
      %convert_element_type3A_2528 = arith.truncf %slice3A_2527 : vector<8x512xf32> to vector<8x512xbf16>
      %convert_element_type3A_2529 = arith.extf %convert_element_type3A_2528 : vector<8x512xbf16> to vector<8x512xf32>
      %sub3A_2530 = arith.subf %slice3A_2527, %convert_element_type3A_2529 : vector<8x512xf32>
      %dot_general3A_2531 = arith.constant dense<0.000000e+00> : vector<8x512xf32>
      %dot_general3A_2532 = tpu.matmul %convert_element_type3A_2529, %convert_element_type3A_2526, %dot_general3A_2531 {dimension_numbers = #tpu.dot_dimension_numbers<[1], [0], [0], [1], [0, 0, 1, 1], [], []>, transpose_lhs_hint = false} : vector<8x512xf32>, vector<512x512xf32>, vector<8x512xf32> -> vector<8x512xf32>
      %add3A_2533 = arith.addf %cond3A_1586, %dot_general3A_2532 : vector<8x512xf32>
      %dot_general3A_2534 = arith.constant dense<0.000000e+00> : vector<8x512xf32>
      %dot_general3A_2535 = tpu.matmul %sub3A_2530, %convert_element_type3A_2526, %dot_general3A_2534 {dimension_numbers = #tpu.dot_dimension_numbers<[1], [0], [0], [1], [0, 0, 1, 1], [], []>, transpose_lhs_hint = false} : vector<8x512xf32>, vector<512x512xf32>, vector<8x512xf32> -> vector<8x512xf32>
      %add3A_2536 = arith.addf %add3A_2533, %dot_general3A_2535 : vector<8x512xf32>
      scf.yield %add3A_2536 : vector<8x512xf32>
    } else {
      scf.yield %cond3A_1586 : vector<8x512xf32>
    }
    %slice3A_1608 = vector.extract_strided_slice %select_n3A_1474 {offsets = [6, 0], sizes = [1, 512], strides = [1, 1]} : vector<12x512xf32> to vector<1x512xf32>
    %ge3A_1609 = arith.constant 0.000000e+00 : f32
    %ge3A_1610 = vector.broadcast %ge3A_1609 : f32 to vector<1x512xf32>
    %ge3A_1611 = arith.cmpf oge, %slice3A_1608, %ge3A_1610 : vector<1x512xf32>
    %lt3A_1612 = arith.constant 5.120000e+02 : f32
    %lt3A_1613 = vector.broadcast %lt3A_1612 : f32 to vector<1x512xf32>
    %lt3A_1614 = arith.cmpf olt, %slice3A_1608, %lt3A_1613 : vector<1x512xf32>
    %and3A_1615 = arith.andi %ge3A_1611, %lt3A_1614 : vector<1x512xi1>
    %convert_element_type3A_1616 = arith.extui %and3A_1615 : vector<1x512xi1> to vector<1x512xi32>
    %convert_element_type3A_1617 = arith.sitofp %convert_element_type3A_1616 : vector<1x512xi32> to vector<1x512xf32>
    %reduce_sum3A_1618 = vector.shape_cast %convert_element_type3A_1617 : vector<1x512xf32> to vector<1x1x512xf32>
    %reduce_sum3A_1619 = arith.constant dense<0.000000e+00> : vector<1xf32>
    %reduce_sum3A_1620 = vector.multi_reduction <add>, %reduce_sum3A_1618, %reduce_sum3A_1619 [1, 2] : vector<1x1x512xf32> to vector<1xf32>
    %reduce_sum3A_1621 = vector.shape_cast %reduce_sum3A_1620 : vector<1xf32> to vector<1x1x1xf32>
    %reduce_sum3A_1622 = vector.extract %reduce_sum3A_1621[0, 0, 0] : f32 from vector<1x1x1xf32>
    %gt3A_1623 = arith.constant 0.000000e+00 : f32
    %gt3A_1624 = arith.cmpf ogt, %reduce_sum3A_1622, %gt3A_1623 : f32
    %convert_element_type3A_1625 = arith.extui %gt3A_1624 : i1 to i32
    %cond3A_1626 = arith.constant 0 : i32
    %cond3A_1627 = arith.cmpi ne, %convert_element_type3A_1625, %cond3A_1626 : i32
    %cond3A_1628 = scf.if %cond3A_1627 -> (vector<8x512xf32>) {
      %reshape3A_2522 = vector.shape_cast %slice3A_1608 : vector<1x512xf32> to vector<512x1xf32>
      %eq3A = vector.broadcast %reshape3A_2522 : vector<512x1xf32> to vector<512x512xf32>
      %eq3A_2523 = vector.broadcast %convert_element_type3A_1484 : vector<1x512xf32> to vector<512x512xf32>
      %eq3A_2524 = arith.cmpf oeq, %eq3A, %eq3A_2523 : vector<512x512xf32>
      %convert_element_type3A_2525 = arith.extui %eq3A_2524 : vector<512x512xi1> to vector<512x512xi32>
      %convert_element_type3A_2526 = arith.sitofp %convert_element_type3A_2525 : vector<512x512xi32> to vector<512x512xf32>
      %slice3A_2527 = vector.extract_strided_slice %concatenate3A_1477 {offsets = [0, 3072], sizes = [8, 512], strides = [1, 1]} : vector<8x6144xf32> to vector<8x512xf32>
      %convert_element_type3A_2528 = arith.truncf %slice3A_2527 : vector<8x512xf32> to vector<8x512xbf16>
      %convert_element_type3A_2529 = arith.extf %convert_element_type3A_2528 : vector<8x512xbf16> to vector<8x512xf32>
      %sub3A_2530 = arith.subf %slice3A_2527, %convert_element_type3A_2529 : vector<8x512xf32>
      %dot_general3A_2531 = arith.constant dense<0.000000e+00> : vector<8x512xf32>
      %dot_general3A_2532 = tpu.matmul %convert_element_type3A_2529, %convert_element_type3A_2526, %dot_general3A_2531 {dimension_numbers = #tpu.dot_dimension_numbers<[1], [0], [0], [1], [0, 0, 1, 1], [], []>, transpose_lhs_hint = false} : vector<8x512xf32>, vector<512x512xf32>, vector<8x512xf32> -> vector<8x512xf32>
      %add3A_2533 = arith.addf %cond3A_1607, %dot_general3A_2532 : vector<8x512xf32>
      %dot_general3A_2534 = arith.constant dense<0.000000e+00> : vector<8x512xf32>
      %dot_general3A_2535 = tpu.matmul %sub3A_2530, %convert_element_type3A_2526, %dot_general3A_2534 {dimension_numbers = #tpu.dot_dimension_numbers<[1], [0], [0], [1], [0, 0, 1, 1], [], []>, transpose_lhs_hint = false} : vector<8x512xf32>, vector<512x512xf32>, vector<8x512xf32> -> vector<8x512xf32>
      %add3A_2536 = arith.addf %add3A_2533, %dot_general3A_2535 : vector<8x512xf32>
      scf.yield %add3A_2536 : vector<8x512xf32>
    } else {
      scf.yield %cond3A_1607 : vector<8x512xf32>
    }
    %slice3A_1629 = vector.extract_strided_slice %select_n3A_1474 {offsets = [7, 0], sizes = [1, 512], strides = [1, 1]} : vector<12x512xf32> to vector<1x512xf32>
    %ge3A_1630 = arith.constant 0.000000e+00 : f32
    %ge3A_1631 = vector.broadcast %ge3A_1630 : f32 to vector<1x512xf32>
    %ge3A_1632 = arith.cmpf oge, %slice3A_1629, %ge3A_1631 : vector<1x512xf32>
    %lt3A_1633 = arith.constant 5.120000e+02 : f32
    %lt3A_1634 = vector.broadcast %lt3A_1633 : f32 to vector<1x512xf32>
    %lt3A_1635 = arith.cmpf olt, %slice3A_1629, %lt3A_1634 : vector<1x512xf32>
    %and3A_1636 = arith.andi %ge3A_1632, %lt3A_1635 : vector<1x512xi1>
    %convert_element_type3A_1637 = arith.extui %and3A_1636 : vector<1x512xi1> to vector<1x512xi32>
    %convert_element_type3A_1638 = arith.sitofp %convert_element_type3A_1637 : vector<1x512xi32> to vector<1x512xf32>
    %reduce_sum3A_1639 = vector.shape_cast %convert_element_type3A_1638 : vector<1x512xf32> to vector<1x1x512xf32>
    %reduce_sum3A_1640 = arith.constant dense<0.000000e+00> : vector<1xf32>
    %reduce_sum3A_1641 = vector.multi_reduction <add>, %reduce_sum3A_1639, %reduce_sum3A_1640 [1, 2] : vector<1x1x512xf32> to vector<1xf32>
    %reduce_sum3A_1642 = vector.shape_cast %reduce_sum3A_1641 : vector<1xf32> to vector<1x1x1xf32>
    %reduce_sum3A_1643 = vector.extract %reduce_sum3A_1642[0, 0, 0] : f32 from vector<1x1x1xf32>
    %gt3A_1644 = arith.constant 0.000000e+00 : f32
    %gt3A_1645 = arith.cmpf ogt, %reduce_sum3A_1643, %gt3A_1644 : f32
    %convert_element_type3A_1646 = arith.extui %gt3A_1645 : i1 to i32
    %cond3A_1647 = arith.constant 0 : i32
    %cond3A_1648 = arith.cmpi ne, %convert_element_type3A_1646, %cond3A_1647 : i32
    %cond3A_1649 = scf.if %cond3A_1648 -> (vector<8x512xf32>) {
      %reshape3A_2522 = vector.shape_cast %slice3A_1629 : vector<1x512xf32> to vector<512x1xf32>
      %eq3A = vector.broadcast %reshape3A_2522 : vector<512x1xf32> to vector<512x512xf32>
      %eq3A_2523 = vector.broadcast %convert_element_type3A_1484 : vector<1x512xf32> to vector<512x512xf32>
      %eq3A_2524 = arith.cmpf oeq, %eq3A, %eq3A_2523 : vector<512x512xf32>
      %convert_element_type3A_2525 = arith.extui %eq3A_2524 : vector<512x512xi1> to vector<512x512xi32>
      %convert_element_type3A_2526 = arith.sitofp %convert_element_type3A_2525 : vector<512x512xi32> to vector<512x512xf32>
      %slice3A_2527 = vector.extract_strided_slice %concatenate3A_1477 {offsets = [0, 3584], sizes = [8, 512], strides = [1, 1]} : vector<8x6144xf32> to vector<8x512xf32>
      %convert_element_type3A_2528 = arith.truncf %slice3A_2527 : vector<8x512xf32> to vector<8x512xbf16>
      %convert_element_type3A_2529 = arith.extf %convert_element_type3A_2528 : vector<8x512xbf16> to vector<8x512xf32>
      %sub3A_2530 = arith.subf %slice3A_2527, %convert_element_type3A_2529 : vector<8x512xf32>
      %dot_general3A_2531 = arith.constant dense<0.000000e+00> : vector<8x512xf32>
      %dot_general3A_2532 = tpu.matmul %convert_element_type3A_2529, %convert_element_type3A_2526, %dot_general3A_2531 {dimension_numbers = #tpu.dot_dimension_numbers<[1], [0], [0], [1], [0, 0, 1, 1], [], []>, transpose_lhs_hint = false} : vector<8x512xf32>, vector<512x512xf32>, vector<8x512xf32> -> vector<8x512xf32>
      %add3A_2533 = arith.addf %cond3A_1628, %dot_general3A_2532 : vector<8x512xf32>
      %dot_general3A_2534 = arith.constant dense<0.000000e+00> : vector<8x512xf32>
      %dot_general3A_2535 = tpu.matmul %sub3A_2530, %convert_element_type3A_2526, %dot_general3A_2534 {dimension_numbers = #tpu.dot_dimension_numbers<[1], [0], [0], [1], [0, 0, 1, 1], [], []>, transpose_lhs_hint = false} : vector<8x512xf32>, vector<512x512xf32>, vector<8x512xf32> -> vector<8x512xf32>
      %add3A_2536 = arith.addf %add3A_2533, %dot_general3A_2535 : vector<8x512xf32>
      scf.yield %add3A_2536 : vector<8x512xf32>
    } else {
      scf.yield %cond3A_1628 : vector<8x512xf32>
    }
    %slice3A_1650 = vector.extract_strided_slice %select_n3A_1474 {offsets = [8, 0], sizes = [1, 512], strides = [1, 1]} : vector<12x512xf32> to vector<1x512xf32>
    %ge3A_1651 = arith.constant 0.000000e+00 : f32
    %ge3A_1652 = vector.broadcast %ge3A_1651 : f32 to vector<1x512xf32>
    %ge3A_1653 = arith.cmpf oge, %slice3A_1650, %ge3A_1652 : vector<1x512xf32>
    %lt3A_1654 = arith.constant 5.120000e+02 : f32
    %lt3A_1655 = vector.broadcast %lt3A_1654 : f32 to vector<1x512xf32>
    %lt3A_1656 = arith.cmpf olt, %slice3A_1650, %lt3A_1655 : vector<1x512xf32>
    %and3A_1657 = arith.andi %ge3A_1653, %lt3A_1656 : vector<1x512xi1>
    %convert_element_type3A_1658 = arith.extui %and3A_1657 : vector<1x512xi1> to vector<1x512xi32>
    %convert_element_type3A_1659 = arith.sitofp %convert_element_type3A_1658 : vector<1x512xi32> to vector<1x512xf32>
    %reduce_sum3A_1660 = vector.shape_cast %convert_element_type3A_1659 : vector<1x512xf32> to vector<1x1x512xf32>
    %reduce_sum3A_1661 = arith.constant dense<0.000000e+00> : vector<1xf32>
    %reduce_sum3A_1662 = vector.multi_reduction <add>, %reduce_sum3A_1660, %reduce_sum3A_1661 [1, 2] : vector<1x1x512xf32> to vector<1xf32>
    %reduce_sum3A_1663 = vector.shape_cast %reduce_sum3A_1662 : vector<1xf32> to vector<1x1x1xf32>
    %reduce_sum3A_1664 = vector.extract %reduce_sum3A_1663[0, 0, 0] : f32 from vector<1x1x1xf32>
    %gt3A_1665 = arith.constant 0.000000e+00 : f32
    %gt3A_1666 = arith.cmpf ogt, %reduce_sum3A_1664, %gt3A_1665 : f32
    %convert_element_type3A_1667 = arith.extui %gt3A_1666 : i1 to i32
    %cond3A_1668 = arith.constant 0 : i32
    %cond3A_1669 = arith.cmpi ne, %convert_element_type3A_1667, %cond3A_1668 : i32
    %cond3A_1670 = scf.if %cond3A_1669 -> (vector<8x512xf32>) {
      %reshape3A_2522 = vector.shape_cast %slice3A_1650 : vector<1x512xf32> to vector<512x1xf32>
      %eq3A = vector.broadcast %reshape3A_2522 : vector<512x1xf32> to vector<512x512xf32>
      %eq3A_2523 = vector.broadcast %convert_element_type3A_1484 : vector<1x512xf32> to vector<512x512xf32>
      %eq3A_2524 = arith.cmpf oeq, %eq3A, %eq3A_2523 : vector<512x512xf32>
      %convert_element_type3A_2525 = arith.extui %eq3A_2524 : vector<512x512xi1> to vector<512x512xi32>
      %convert_element_type3A_2526 = arith.sitofp %convert_element_type3A_2525 : vector<512x512xi32> to vector<512x512xf32>
      %slice3A_2527 = vector.extract_strided_slice %concatenate3A_1477 {offsets = [0, 4096], sizes = [8, 512], strides = [1, 1]} : vector<8x6144xf32> to vector<8x512xf32>
      %convert_element_type3A_2528 = arith.truncf %slice3A_2527 : vector<8x512xf32> to vector<8x512xbf16>
      %convert_element_type3A_2529 = arith.extf %convert_element_type3A_2528 : vector<8x512xbf16> to vector<8x512xf32>
      %sub3A_2530 = arith.subf %slice3A_2527, %convert_element_type3A_2529 : vector<8x512xf32>
      %dot_general3A_2531 = arith.constant dense<0.000000e+00> : vector<8x512xf32>
      %dot_general3A_2532 = tpu.matmul %convert_element_type3A_2529, %convert_element_type3A_2526, %dot_general3A_2531 {dimension_numbers = #tpu.dot_dimension_numbers<[1], [0], [0], [1], [0, 0, 1, 1], [], []>, transpose_lhs_hint = false} : vector<8x512xf32>, vector<512x512xf32>, vector<8x512xf32> -> vector<8x512xf32>
      %add3A_2533 = arith.addf %cond3A_1649, %dot_general3A_2532 : vector<8x512xf32>
      %dot_general3A_2534 = arith.constant dense<0.000000e+00> : vector<8x512xf32>
      %dot_general3A_2535 = tpu.matmul %sub3A_2530, %convert_element_type3A_2526, %dot_general3A_2534 {dimension_numbers = #tpu.dot_dimension_numbers<[1], [0], [0], [1], [0, 0, 1, 1], [], []>, transpose_lhs_hint = false} : vector<8x512xf32>, vector<512x512xf32>, vector<8x512xf32> -> vector<8x512xf32>
      %add3A_2536 = arith.addf %add3A_2533, %dot_general3A_2535 : vector<8x512xf32>
      scf.yield %add3A_2536 : vector<8x512xf32>
    } else {
      scf.yield %cond3A_1649 : vector<8x512xf32>
    }
    %slice3A_1671 = vector.extract_strided_slice %select_n3A_1474 {offsets = [9, 0], sizes = [1, 512], strides = [1, 1]} : vector<12x512xf32> to vector<1x512xf32>
    %ge3A_1672 = arith.constant 0.000000e+00 : f32
    %ge3A_1673 = vector.broadcast %ge3A_1672 : f32 to vector<1x512xf32>
    %ge3A_1674 = arith.cmpf oge, %slice3A_1671, %ge3A_1673 : vector<1x512xf32>
    %lt3A_1675 = arith.constant 5.120000e+02 : f32
    %lt3A_1676 = vector.broadcast %lt3A_1675 : f32 to vector<1x512xf32>
    %lt3A_1677 = arith.cmpf olt, %slice3A_1671, %lt3A_1676 : vector<1x512xf32>
    %and3A_1678 = arith.andi %ge3A_1674, %lt3A_1677 : vector<1x512xi1>
    %convert_element_type3A_1679 = arith.extui %and3A_1678 : vector<1x512xi1> to vector<1x512xi32>
    %convert_element_type3A_1680 = arith.sitofp %convert_element_type3A_1679 : vector<1x512xi32> to vector<1x512xf32>
    %reduce_sum3A_1681 = vector.shape_cast %convert_element_type3A_1680 : vector<1x512xf32> to vector<1x1x512xf32>
    %reduce_sum3A_1682 = arith.constant dense<0.000000e+00> : vector<1xf32>
    %reduce_sum3A_1683 = vector.multi_reduction <add>, %reduce_sum3A_1681, %reduce_sum3A_1682 [1, 2] : vector<1x1x512xf32> to vector<1xf32>
    %reduce_sum3A_1684 = vector.shape_cast %reduce_sum3A_1683 : vector<1xf32> to vector<1x1x1xf32>
    %reduce_sum3A_1685 = vector.extract %reduce_sum3A_1684[0, 0, 0] : f32 from vector<1x1x1xf32>
    %gt3A_1686 = arith.constant 0.000000e+00 : f32
    %gt3A_1687 = arith.cmpf ogt, %reduce_sum3A_1685, %gt3A_1686 : f32
    %convert_element_type3A_1688 = arith.extui %gt3A_1687 : i1 to i32
    %cond3A_1689 = arith.constant 0 : i32
    %cond3A_1690 = arith.cmpi ne, %convert_element_type3A_1688, %cond3A_1689 : i32
    %cond3A_1691 = scf.if %cond3A_1690 -> (vector<8x512xf32>) {
      %reshape3A_2522 = vector.shape_cast %slice3A_1671 : vector<1x512xf32> to vector<512x1xf32>
      %eq3A = vector.broadcast %reshape3A_2522 : vector<512x1xf32> to vector<512x512xf32>
      %eq3A_2523 = vector.broadcast %convert_element_type3A_1484 : vector<1x512xf32> to vector<512x512xf32>
      %eq3A_2524 = arith.cmpf oeq, %eq3A, %eq3A_2523 : vector<512x512xf32>
      %convert_element_type3A_2525 = arith.extui %eq3A_2524 : vector<512x512xi1> to vector<512x512xi32>
      %convert_element_type3A_2526 = arith.sitofp %convert_element_type3A_2525 : vector<512x512xi32> to vector<512x512xf32>
      %slice3A_2527 = vector.extract_strided_slice %concatenate3A_1477 {offsets = [0, 4608], sizes = [8, 512], strides = [1, 1]} : vector<8x6144xf32> to vector<8x512xf32>
      %convert_element_type3A_2528 = arith.truncf %slice3A_2527 : vector<8x512xf32> to vector<8x512xbf16>
      %convert_element_type3A_2529 = arith.extf %convert_element_type3A_2528 : vector<8x512xbf16> to vector<8x512xf32>
      %sub3A_2530 = arith.subf %slice3A_2527, %convert_element_type3A_2529 : vector<8x512xf32>
      %dot_general3A_2531 = arith.constant dense<0.000000e+00> : vector<8x512xf32>
      %dot_general3A_2532 = tpu.matmul %convert_element_type3A_2529, %convert_element_type3A_2526, %dot_general3A_2531 {dimension_numbers = #tpu.dot_dimension_numbers<[1], [0], [0], [1], [0, 0, 1, 1], [], []>, transpose_lhs_hint = false} : vector<8x512xf32>, vector<512x512xf32>, vector<8x512xf32> -> vector<8x512xf32>
      %add3A_2533 = arith.addf %cond3A_1670, %dot_general3A_2532 : vector<8x512xf32>
      %dot_general3A_2534 = arith.constant dense<0.000000e+00> : vector<8x512xf32>
      %dot_general3A_2535 = tpu.matmul %sub3A_2530, %convert_element_type3A_2526, %dot_general3A_2534 {dimension_numbers = #tpu.dot_dimension_numbers<[1], [0], [0], [1], [0, 0, 1, 1], [], []>, transpose_lhs_hint = false} : vector<8x512xf32>, vector<512x512xf32>, vector<8x512xf32> -> vector<8x512xf32>
      %add3A_2536 = arith.addf %add3A_2533, %dot_general3A_2535 : vector<8x512xf32>
      scf.yield %add3A_2536 : vector<8x512xf32>
    } else {
      scf.yield %cond3A_1670 : vector<8x512xf32>
    }
    %slice3A_1692 = vector.extract_strided_slice %select_n3A_1474 {offsets = [10, 0], sizes = [1, 512], strides = [1, 1]} : vector<12x512xf32> to vector<1x512xf32>
    %ge3A_1693 = arith.constant 0.000000e+00 : f32
    %ge3A_1694 = vector.broadcast %ge3A_1693 : f32 to vector<1x512xf32>
    %ge3A_1695 = arith.cmpf oge, %slice3A_1692, %ge3A_1694 : vector<1x512xf32>
    %lt3A_1696 = arith.constant 5.120000e+02 : f32
    %lt3A_1697 = vector.broadcast %lt3A_1696 : f32 to vector<1x512xf32>
    %lt3A_1698 = arith.cmpf olt, %slice3A_1692, %lt3A_1697 : vector<1x512xf32>
    %and3A_1699 = arith.andi %ge3A_1695, %lt3A_1698 : vector<1x512xi1>
    %convert_element_type3A_1700 = arith.extui %and3A_1699 : vector<1x512xi1> to vector<1x512xi32>
    %convert_element_type3A_1701 = arith.sitofp %convert_element_type3A_1700 : vector<1x512xi32> to vector<1x512xf32>
    %reduce_sum3A_1702 = vector.shape_cast %convert_element_type3A_1701 : vector<1x512xf32> to vector<1x1x512xf32>
    %reduce_sum3A_1703 = arith.constant dense<0.000000e+00> : vector<1xf32>
    %reduce_sum3A_1704 = vector.multi_reduction <add>, %reduce_sum3A_1702, %reduce_sum3A_1703 [1, 2] : vector<1x1x512xf32> to vector<1xf32>
    %reduce_sum3A_1705 = vector.shape_cast %reduce_sum3A_1704 : vector<1xf32> to vector<1x1x1xf32>
    %reduce_sum3A_1706 = vector.extract %reduce_sum3A_1705[0, 0, 0] : f32 from vector<1x1x1xf32>
    %gt3A_1707 = arith.constant 0.000000e+00 : f32
    %gt3A_1708 = arith.cmpf ogt, %reduce_sum3A_1706, %gt3A_1707 : f32
    %convert_element_type3A_1709 = arith.extui %gt3A_1708 : i1 to i32
    %cond3A_1710 = arith.constant 0 : i32
    %cond3A_1711 = arith.cmpi ne, %convert_element_type3A_1709, %cond3A_1710 : i32
    %cond3A_1712 = scf.if %cond3A_1711 -> (vector<8x512xf32>) {
      %reshape3A_2522 = vector.shape_cast %slice3A_1692 : vector<1x512xf32> to vector<512x1xf32>
      %eq3A = vector.broadcast %reshape3A_2522 : vector<512x1xf32> to vector<512x512xf32>
      %eq3A_2523 = vector.broadcast %convert_element_type3A_1484 : vector<1x512xf32> to vector<512x512xf32>
      %eq3A_2524 = arith.cmpf oeq, %eq3A, %eq3A_2523 : vector<512x512xf32>
      %convert_element_type3A_2525 = arith.extui %eq3A_2524 : vector<512x512xi1> to vector<512x512xi32>
      %convert_element_type3A_2526 = arith.sitofp %convert_element_type3A_2525 : vector<512x512xi32> to vector<512x512xf32>
      %slice3A_2527 = vector.extract_strided_slice %concatenate3A_1477 {offsets = [0, 5120], sizes = [8, 512], strides = [1, 1]} : vector<8x6144xf32> to vector<8x512xf32>
      %convert_element_type3A_2528 = arith.truncf %slice3A_2527 : vector<8x512xf32> to vector<8x512xbf16>
      %convert_element_type3A_2529 = arith.extf %convert_element_type3A_2528 : vector<8x512xbf16> to vector<8x512xf32>
      %sub3A_2530 = arith.subf %slice3A_2527, %convert_element_type3A_2529 : vector<8x512xf32>
      %dot_general3A_2531 = arith.constant dense<0.000000e+00> : vector<8x512xf32>
      %dot_general3A_2532 = tpu.matmul %convert_element_type3A_2529, %convert_element_type3A_2526, %dot_general3A_2531 {dimension_numbers = #tpu.dot_dimension_numbers<[1], [0], [0], [1], [0, 0, 1, 1], [], []>, transpose_lhs_hint = false} : vector<8x512xf32>, vector<512x512xf32>, vector<8x512xf32> -> vector<8x512xf32>
      %add3A_2533 = arith.addf %cond3A_1691, %dot_general3A_2532 : vector<8x512xf32>
      %dot_general3A_2534 = arith.constant dense<0.000000e+00> : vector<8x512xf32>
      %dot_general3A_2535 = tpu.matmul %sub3A_2530, %convert_element_type3A_2526, %dot_general3A_2534 {dimension_numbers = #tpu.dot_dimension_numbers<[1], [0], [0], [1], [0, 0, 1, 1], [], []>, transpose_lhs_hint = false} : vector<8x512xf32>, vector<512x512xf32>, vector<8x512xf32> -> vector<8x512xf32>
      %add3A_2536 = arith.addf %add3A_2533, %dot_general3A_2535 : vector<8x512xf32>
      scf.yield %add3A_2536 : vector<8x512xf32>
    } else {
      scf.yield %cond3A_1691 : vector<8x512xf32>
    }
    %slice3A_1713 = vector.extract_strided_slice %select_n3A_1474 {offsets = [11, 0], sizes = [1, 512], strides = [1, 1]} : vector<12x512xf32> to vector<1x512xf32>
    %ge3A_1714 = arith.constant 0.000000e+00 : f32
    %ge3A_1715 = vector.broadcast %ge3A_1714 : f32 to vector<1x512xf32>
    %ge3A_1716 = arith.cmpf oge, %slice3A_1713, %ge3A_1715 : vector<1x512xf32>
    %lt3A_1717 = arith.constant 5.120000e+02 : f32
    %lt3A_1718 = vector.broadcast %lt3A_1717 : f32 to vector<1x512xf32>
    %lt3A_1719 = arith.cmpf olt, %slice3A_1713, %lt3A_1718 : vector<1x512xf32>
    %and3A_1720 = arith.andi %ge3A_1716, %lt3A_1719 : vector<1x512xi1>
    %convert_element_type3A_1721 = arith.extui %and3A_1720 : vector<1x512xi1> to vector<1x512xi32>
    %convert_element_type3A_1722 = arith.sitofp %convert_element_type3A_1721 : vector<1x512xi32> to vector<1x512xf32>
    %reduce_sum3A_1723 = vector.shape_cast %convert_element_type3A_1722 : vector<1x512xf32> to vector<1x1x512xf32>
    %reduce_sum3A_1724 = arith.constant dense<0.000000e+00> : vector<1xf32>
    %reduce_sum3A_1725 = vector.multi_reduction <add>, %reduce_sum3A_1723, %reduce_sum3A_1724 [1, 2] : vector<1x1x512xf32> to vector<1xf32>
    %reduce_sum3A_1726 = vector.shape_cast %reduce_sum3A_1725 : vector<1xf32> to vector<1x1x1xf32>
    %reduce_sum3A_1727 = vector.extract %reduce_sum3A_1726[0, 0, 0] : f32 from vector<1x1x1xf32>
    %gt3A_1728 = arith.constant 0.000000e+00 : f32
    %gt3A_1729 = arith.cmpf ogt, %reduce_sum3A_1727, %gt3A_1728 : f32
    %convert_element_type3A_1730 = arith.extui %gt3A_1729 : i1 to i32
    %cond3A_1731 = arith.constant 0 : i32
    %cond3A_1732 = arith.cmpi ne, %convert_element_type3A_1730, %cond3A_1731 : i32
    %cond3A_1733 = scf.if %cond3A_1732 -> (vector<8x512xf32>) {
      %reshape3A_2522 = vector.shape_cast %slice3A_1713 : vector<1x512xf32> to vector<512x1xf32>
      %eq3A = vector.broadcast %reshape3A_2522 : vector<512x1xf32> to vector<512x512xf32>
      %eq3A_2523 = vector.broadcast %convert_element_type3A_1484 : vector<1x512xf32> to vector<512x512xf32>
      %eq3A_2524 = arith.cmpf oeq, %eq3A, %eq3A_2523 : vector<512x512xf32>
      %convert_element_type3A_2525 = arith.extui %eq3A_2524 : vector<512x512xi1> to vector<512x512xi32>
      %convert_element_type3A_2526 = arith.sitofp %convert_element_type3A_2525 : vector<512x512xi32> to vector<512x512xf32>
      %slice3A_2527 = vector.extract_strided_slice %concatenate3A_1477 {offsets = [0, 5632], sizes = [8, 512], strides = [1, 1]} : vector<8x6144xf32> to vector<8x512xf32>
      %convert_element_type3A_2528 = arith.truncf %slice3A_2527 : vector<8x512xf32> to vector<8x512xbf16>
      %convert_element_type3A_2529 = arith.extf %convert_element_type3A_2528 : vector<8x512xbf16> to vector<8x512xf32>
      %sub3A_2530 = arith.subf %slice3A_2527, %convert_element_type3A_2529 : vector<8x512xf32>
      %dot_general3A_2531 = arith.constant dense<0.000000e+00> : vector<8x512xf32>
      %dot_general3A_2532 = tpu.matmul %convert_element_type3A_2529, %convert_element_type3A_2526, %dot_general3A_2531 {dimension_numbers = #tpu.dot_dimension_numbers<[1], [0], [0], [1], [0, 0, 1, 1], [], []>, transpose_lhs_hint = false} : vector<8x512xf32>, vector<512x512xf32>, vector<8x512xf32> -> vector<8x512xf32>
      %add3A_2533 = arith.addf %cond3A_1712, %dot_general3A_2532 : vector<8x512xf32>
      %dot_general3A_2534 = arith.constant dense<0.000000e+00> : vector<8x512xf32>
      %dot_general3A_2535 = tpu.matmul %sub3A_2530, %convert_element_type3A_2526, %dot_general3A_2534 {dimension_numbers = #tpu.dot_dimension_numbers<[1], [0], [0], [1], [0, 0, 1, 1], [], []>, transpose_lhs_hint = false} : vector<8x512xf32>, vector<512x512xf32>, vector<8x512xf32> -> vector<8x512xf32>
      %add3A_2536 = arith.addf %add3A_2533, %dot_general3A_2535 : vector<8x512xf32>
      scf.yield %add3A_2536 : vector<8x512xf32>
    } else {
      scf.yield %cond3A_1712 : vector<8x512xf32>
    }
    %swap3A = arith.constant 0 : index
    %swap3A_1734 = arith.constant 0 : index
    %swap3A_1735 = vector.load %arg1[%swap3A, %swap3A_1734] : memref<8x2048xf32, #tpu.memory_space<vmem>>, vector<8x512xf32>
    tpu.vector_store %arg1[%swap3A, %swap3A_1734], %cond3A_1733 {strides = array<i32>} : memref<8x2048xf32, #tpu.memory_space<vmem>>, vector<8x512xf32>,
    %broadcast_in_dim3A_1736 = arith.constant 0.000000e+00 : f32
    %broadcast_in_dim3A_1737 = vector.broadcast %broadcast_in_dim3A_1736 : f32 to vector<8x512xf32>
    %iota3A_1738 = tpu.iota {dimensions = array<i32: 1>} : vector<1x512xi32>
    %add3A_1739 = arith.constant 512 : i32
    %add3A_1740 = vector.broadcast %add3A_1739 : i32 to vector<1x512xi32>
    %add3A_1741 = arith.addi %iota3A_1738, %add3A_1740 : vector<1x512xi32>
    %convert_element_type3A_1742 = arith.sitofp %add3A_1741 : vector<1x512xi32> to vector<1x512xf32>
    %slice3A_1743 = vector.extract_strided_slice %select_n3A_1474 {offsets = [0, 0], sizes = [1, 512], strides = [1, 1]} : vector<12x512xf32> to vector<1x512xf32>
    %ge3A_1744 = arith.constant 5.120000e+02 : f32
    %ge3A_1745 = vector.broadcast %ge3A_1744 : f32 to vector<1x512xf32>
    %ge3A_1746 = arith.cmpf oge, %slice3A_1743, %ge3A_1745 : vector<1x512xf32>
    %lt3A_1747 = arith.constant 1.024000e+03 : f32
    %lt3A_1748 = vector.broadcast %lt3A_1747 : f32 to vector<1x512xf32>
    %lt3A_1749 = arith.cmpf olt, %slice3A_1743, %lt3A_1748 : vector<1x512xf32>
    %and3A_1750 = arith.andi %ge3A_1746, %lt3A_1749 : vector<1x512xi1>
    %convert_element_type3A_1751 = arith.extui %and3A_1750 : vector<1x512xi1> to vector<1x512xi32>
    %convert_element_type3A_1752 = arith.sitofp %convert_element_type3A_1751 : vector<1x512xi32> to vector<1x512xf32>
    %reduce_sum3A_1753 = vector.shape_cast %convert_element_type3A_1752 : vector<1x512xf32> to vector<1x1x512xf32>
    %reduce_sum3A_1754 = arith.constant dense<0.000000e+00> : vector<1xf32>
    %reduce_sum3A_1755 = vector.multi_reduction <add>, %reduce_sum3A_1753, %reduce_sum3A_1754 [1, 2] : vector<1x1x512xf32> to vector<1xf32>
    %reduce_sum3A_1756 = vector.shape_cast %reduce_sum3A_1755 : vector<1xf32> to vector<1x1x1xf32>
    %reduce_sum3A_1757 = vector.extract %reduce_sum3A_1756[0, 0, 0] : f32 from vector<1x1x1xf32>
    %gt3A_1758 = arith.constant 0.000000e+00 : f32
    %gt3A_1759 = arith.cmpf ogt, %reduce_sum3A_1757, %gt3A_1758 : f32
    %convert_element_type3A_1760 = arith.extui %gt3A_1759 : i1 to i32
    %cond3A_1761 = arith.constant 0 : i32
    %cond3A_1762 = arith.cmpi ne, %convert_element_type3A_1760, %cond3A_1761 : i32
    %cond3A_1763 = scf.if %cond3A_1762 -> (vector<8x512xf32>) {
      %reshape3A_2522 = vector.shape_cast %slice3A_1743 : vector<1x512xf32> to vector<512x1xf32>
      %eq3A = vector.broadcast %reshape3A_2522 : vector<512x1xf32> to vector<512x512xf32>
      %eq3A_2523 = vector.broadcast %convert_element_type3A_1742 : vector<1x512xf32> to vector<512x512xf32>
      %eq3A_2524 = arith.cmpf oeq, %eq3A, %eq3A_2523 : vector<512x512xf32>
      %convert_element_type3A_2525 = arith.extui %eq3A_2524 : vector<512x512xi1> to vector<512x512xi32>
      %convert_element_type3A_2526 = arith.sitofp %convert_element_type3A_2525 : vector<512x512xi32> to vector<512x512xf32>
      %slice3A_2527 = vector.extract_strided_slice %concatenate3A_1477 {offsets = [0, 0], sizes = [8, 512], strides = [1, 1]} : vector<8x6144xf32> to vector<8x512xf32>
      %convert_element_type3A_2528 = arith.truncf %slice3A_2527 : vector<8x512xf32> to vector<8x512xbf16>
      %convert_element_type3A_2529 = arith.extf %convert_element_type3A_2528 : vector<8x512xbf16> to vector<8x512xf32>
      %sub3A_2530 = arith.subf %slice3A_2527, %convert_element_type3A_2529 : vector<8x512xf32>
      %dot_general3A_2531 = arith.constant dense<0.000000e+00> : vector<8x512xf32>
      %dot_general3A_2532 = tpu.matmul %convert_element_type3A_2529, %convert_element_type3A_2526, %dot_general3A_2531 {dimension_numbers = #tpu.dot_dimension_numbers<[1], [0], [0], [1], [0, 0, 1, 1], [], []>, transpose_lhs_hint = false} : vector<8x512xf32>, vector<512x512xf32>, vector<8x512xf32> -> vector<8x512xf32>
      %add3A_2533 = arith.addf %broadcast_in_dim3A_1737, %dot_general3A_2532 : vector<8x512xf32>
      %dot_general3A_2534 = arith.constant dense<0.000000e+00> : vector<8x512xf32>
      %dot_general3A_2535 = tpu.matmul %sub3A_2530, %convert_element_type3A_2526, %dot_general3A_2534 {dimension_numbers = #tpu.dot_dimension_numbers<[1], [0], [0], [1], [0, 0, 1, 1], [], []>, transpose_lhs_hint = false} : vector<8x512xf32>, vector<512x512xf32>, vector<8x512xf32> -> vector<8x512xf32>
      %add3A_2536 = arith.addf %add3A_2533, %dot_general3A_2535 : vector<8x512xf32>
      scf.yield %add3A_2536 : vector<8x512xf32>
    } else {
      scf.yield %broadcast_in_dim3A_1737 : vector<8x512xf32>
    }
    %slice3A_1764 = vector.extract_strided_slice %select_n3A_1474 {offsets = [1, 0], sizes = [1, 512], strides = [1, 1]} : vector<12x512xf32> to vector<1x512xf32>
    %ge3A_1765 = arith.constant 5.120000e+02 : f32
    %ge3A_1766 = vector.broadcast %ge3A_1765 : f32 to vector<1x512xf32>
    %ge3A_1767 = arith.cmpf oge, %slice3A_1764, %ge3A_1766 : vector<1x512xf32>
    %lt3A_1768 = arith.constant 1.024000e+03 : f32
    %lt3A_1769 = vector.broadcast %lt3A_1768 : f32 to vector<1x512xf32>
    %lt3A_1770 = arith.cmpf olt, %slice3A_1764, %lt3A_1769 : vector<1x512xf32>
    %and3A_1771 = arith.andi %ge3A_1767, %lt3A_1770 : vector<1x512xi1>
    %convert_element_type3A_1772 = arith.extui %and3A_1771 : vector<1x512xi1> to vector<1x512xi32>
    %convert_element_type3A_1773 = arith.sitofp %convert_element_type3A_1772 : vector<1x512xi32> to vector<1x512xf32>
    %reduce_sum3A_1774 = vector.shape_cast %convert_element_type3A_1773 : vector<1x512xf32> to vector<1x1x512xf32>
    %reduce_sum3A_1775 = arith.constant dense<0.000000e+00> : vector<1xf32>
    %reduce_sum3A_1776 = vector.multi_reduction <add>, %reduce_sum3A_1774, %reduce_sum3A_1775 [1, 2] : vector<1x1x512xf32> to vector<1xf32>
    %reduce_sum3A_1777 = vector.shape_cast %reduce_sum3A_1776 : vector<1xf32> to vector<1x1x1xf32>
    %reduce_sum3A_1778 = vector.extract %reduce_sum3A_1777[0, 0, 0] : f32 from vector<1x1x1xf32>
    %gt3A_1779 = arith.constant 0.000000e+00 : f32
    %gt3A_1780 = arith.cmpf ogt, %reduce_sum3A_1778, %gt3A_1779 : f32
    %convert_element_type3A_1781 = arith.extui %gt3A_1780 : i1 to i32
    %cond3A_1782 = arith.constant 0 : i32
    %cond3A_1783 = arith.cmpi ne, %convert_element_type3A_1781, %cond3A_1782 : i32
    %cond3A_1784 = scf.if %cond3A_1783 -> (vector<8x512xf32>) {
      %reshape3A_2522 = vector.shape_cast %slice3A_1764 : vector<1x512xf32> to vector<512x1xf32>
      %eq3A = vector.broadcast %reshape3A_2522 : vector<512x1xf32> to vector<512x512xf32>
      %eq3A_2523 = vector.broadcast %convert_element_type3A_1742 : vector<1x512xf32> to vector<512x512xf32>
      %eq3A_2524 = arith.cmpf oeq, %eq3A, %eq3A_2523 : vector<512x512xf32>
      %convert_element_type3A_2525 = arith.extui %eq3A_2524 : vector<512x512xi1> to vector<512x512xi32>
      %convert_element_type3A_2526 = arith.sitofp %convert_element_type3A_2525 : vector<512x512xi32> to vector<512x512xf32>
      %slice3A_2527 = vector.extract_strided_slice %concatenate3A_1477 {offsets = [0, 512], sizes = [8, 512], strides = [1, 1]} : vector<8x6144xf32> to vector<8x512xf32>
      %convert_element_type3A_2528 = arith.truncf %slice3A_2527 : vector<8x512xf32> to vector<8x512xbf16>
      %convert_element_type3A_2529 = arith.extf %convert_element_type3A_2528 : vector<8x512xbf16> to vector<8x512xf32>
      %sub3A_2530 = arith.subf %slice3A_2527, %convert_element_type3A_2529 : vector<8x512xf32>
      %dot_general3A_2531 = arith.constant dense<0.000000e+00> : vector<8x512xf32>
      %dot_general3A_2532 = tpu.matmul %convert_element_type3A_2529, %convert_element_type3A_2526, %dot_general3A_2531 {dimension_numbers = #tpu.dot_dimension_numbers<[1], [0], [0], [1], [0, 0, 1, 1], [], []>, transpose_lhs_hint = false} : vector<8x512xf32>, vector<512x512xf32>, vector<8x512xf32> -> vector<8x512xf32>
      %add3A_2533 = arith.addf %cond3A_1763, %dot_general3A_2532 : vector<8x512xf32>
      %dot_general3A_2534 = arith.constant dense<0.000000e+00> : vector<8x512xf32>
      %dot_general3A_2535 = tpu.matmul %sub3A_2530, %convert_element_type3A_2526, %dot_general3A_2534 {dimension_numbers = #tpu.dot_dimension_numbers<[1], [0], [0], [1], [0, 0, 1, 1], [], []>, transpose_lhs_hint = false} : vector<8x512xf32>, vector<512x512xf32>, vector<8x512xf32> -> vector<8x512xf32>
      %add3A_2536 = arith.addf %add3A_2533, %dot_general3A_2535 : vector<8x512xf32>
      scf.yield %add3A_2536 : vector<8x512xf32>
    } else {
      scf.yield %cond3A_1763 : vector<8x512xf32>
    }
    %slice3A_1785 = vector.extract_strided_slice %select_n3A_1474 {offsets = [2, 0], sizes = [1, 512], strides = [1, 1]} : vector<12x512xf32> to vector<1x512xf32>
    %ge3A_1786 = arith.constant 5.120000e+02 : f32
    %ge3A_1787 = vector.broadcast %ge3A_1786 : f32 to vector<1x512xf32>
    %ge3A_1788 = arith.cmpf oge, %slice3A_1785, %ge3A_1787 : vector<1x512xf32>
    %lt3A_1789 = arith.constant 1.024000e+03 : f32
    %lt3A_1790 = vector.broadcast %lt3A_1789 : f32 to vector<1x512xf32>
    %lt3A_1791 = arith.cmpf olt, %slice3A_1785, %lt3A_1790 : vector<1x512xf32>
    %and3A_1792 = arith.andi %ge3A_1788, %lt3A_1791 : vector<1x512xi1>
    %convert_element_type3A_1793 = arith.extui %and3A_1792 : vector<1x512xi1> to vector<1x512xi32>
    %convert_element_type3A_1794 = arith.sitofp %convert_element_type3A_1793 : vector<1x512xi32> to vector<1x512xf32>
    %reduce_sum3A_1795 = vector.shape_cast %convert_element_type3A_1794 : vector<1x512xf32> to vector<1x1x512xf32>
    %reduce_sum3A_1796 = arith.constant dense<0.000000e+00> : vector<1xf32>
    %reduce_sum3A_1797 = vector.multi_reduction <add>, %reduce_sum3A_1795, %reduce_sum3A_1796 [1, 2] : vector<1x1x512xf32> to vector<1xf32>
    %reduce_sum3A_1798 = vector.shape_cast %reduce_sum3A_1797 : vector<1xf32> to vector<1x1x1xf32>
    %reduce_sum3A_1799 = vector.extract %reduce_sum3A_1798[0, 0, 0] : f32 from vector<1x1x1xf32>
    %gt3A_1800 = arith.constant 0.000000e+00 : f32
    %gt3A_1801 = arith.cmpf ogt, %reduce_sum3A_1799, %gt3A_1800 : f32
    %convert_element_type3A_1802 = arith.extui %gt3A_1801 : i1 to i32
    %cond3A_1803 = arith.constant 0 : i32
    %cond3A_1804 = arith.cmpi ne, %convert_element_type3A_1802, %cond3A_1803 : i32
    %cond3A_1805 = scf.if %cond3A_1804 -> (vector<8x512xf32>) {
      %reshape3A_2522 = vector.shape_cast %slice3A_1785 : vector<1x512xf32> to vector<512x1xf32>
      %eq3A = vector.broadcast %reshape3A_2522 : vector<512x1xf32> to vector<512x512xf32>
      %eq3A_2523 = vector.broadcast %convert_element_type3A_1742 : vector<1x512xf32> to vector<512x512xf32>
      %eq3A_2524 = arith.cmpf oeq, %eq3A, %eq3A_2523 : vector<512x512xf32>
      %convert_element_type3A_2525 = arith.extui %eq3A_2524 : vector<512x512xi1> to vector<512x512xi32>
      %convert_element_type3A_2526 = arith.sitofp %convert_element_type3A_2525 : vector<512x512xi32> to vector<512x512xf32>
      %slice3A_2527 = vector.extract_strided_slice %concatenate3A_1477 {offsets = [0, 1024], sizes = [8, 512], strides = [1, 1]} : vector<8x6144xf32> to vector<8x512xf32>
      %convert_element_type3A_2528 = arith.truncf %slice3A_2527 : vector<8x512xf32> to vector<8x512xbf16>
      %convert_element_type3A_2529 = arith.extf %convert_element_type3A_2528 : vector<8x512xbf16> to vector<8x512xf32>
      %sub3A_2530 = arith.subf %slice3A_2527, %convert_element_type3A_2529 : vector<8x512xf32>
      %dot_general3A_2531 = arith.constant dense<0.000000e+00> : vector<8x512xf32>
      %dot_general3A_2532 = tpu.matmul %convert_element_type3A_2529, %convert_element_type3A_2526, %dot_general3A_2531 {dimension_numbers = #tpu.dot_dimension_numbers<[1], [0], [0], [1], [0, 0, 1, 1], [], []>, transpose_lhs_hint = false} : vector<8x512xf32>, vector<512x512xf32>, vector<8x512xf32> -> vector<8x512xf32>
      %add3A_2533 = arith.addf %cond3A_1784, %dot_general3A_2532 : vector<8x512xf32>
      %dot_general3A_2534 = arith.constant dense<0.000000e+00> : vector<8x512xf32>
      %dot_general3A_2535 = tpu.matmul %sub3A_2530, %convert_element_type3A_2526, %dot_general3A_2534 {dimension_numbers = #tpu.dot_dimension_numbers<[1], [0], [0], [1], [0, 0, 1, 1], [], []>, transpose_lhs_hint = false} : vector<8x512xf32>, vector<512x512xf32>, vector<8x512xf32> -> vector<8x512xf32>
      %add3A_2536 = arith.addf %add3A_2533, %dot_general3A_2535 : vector<8x512xf32>
      scf.yield %add3A_2536 : vector<8x512xf32>
    } else {
      scf.yield %cond3A_1784 : vector<8x512xf32>
    }
    %slice3A_1806 = vector.extract_strided_slice %select_n3A_1474 {offsets = [3, 0], sizes = [1, 512], strides = [1, 1]} : vector<12x512xf32> to vector<1x512xf32>
    %ge3A_1807 = arith.constant 5.120000e+02 : f32
    %ge3A_1808 = vector.broadcast %ge3A_1807 : f32 to vector<1x512xf32>
    %ge3A_1809 = arith.cmpf oge, %slice3A_1806, %ge3A_1808 : vector<1x512xf32>
    %lt3A_1810 = arith.constant 1.024000e+03 : f32
    %lt3A_1811 = vector.broadcast %lt3A_1810 : f32 to vector<1x512xf32>
    %lt3A_1812 = arith.cmpf olt, %slice3A_1806, %lt3A_1811 : vector<1x512xf32>
    %and3A_1813 = arith.andi %ge3A_1809, %lt3A_1812 : vector<1x512xi1>
    %convert_element_type3A_1814 = arith.extui %and3A_1813 : vector<1x512xi1> to vector<1x512xi32>
    %convert_element_type3A_1815 = arith.sitofp %convert_element_type3A_1814 : vector<1x512xi32> to vector<1x512xf32>
    %reduce_sum3A_1816 = vector.shape_cast %convert_element_type3A_1815 : vector<1x512xf32> to vector<1x1x512xf32>
    %reduce_sum3A_1817 = arith.constant dense<0.000000e+00> : vector<1xf32>
    %reduce_sum3A_1818 = vector.multi_reduction <add>, %reduce_sum3A_1816, %reduce_sum3A_1817 [1, 2] : vector<1x1x512xf32> to vector<1xf32>
    %reduce_sum3A_1819 = vector.shape_cast %reduce_sum3A_1818 : vector<1xf32> to vector<1x1x1xf32>
    %reduce_sum3A_1820 = vector.extract %reduce_sum3A_1819[0, 0, 0] : f32 from vector<1x1x1xf32>
    %gt3A_1821 = arith.constant 0.000000e+00 : f32
    %gt3A_1822 = arith.cmpf ogt, %reduce_sum3A_1820, %gt3A_1821 : f32
    %convert_element_type3A_1823 = arith.extui %gt3A_1822 : i1 to i32
    %cond3A_1824 = arith.constant 0 : i32
    %cond3A_1825 = arith.cmpi ne, %convert_element_type3A_1823, %cond3A_1824 : i32
    %cond3A_1826 = scf.if %cond3A_1825 -> (vector<8x512xf32>) {
      %reshape3A_2522 = vector.shape_cast %slice3A_1806 : vector<1x512xf32> to vector<512x1xf32>
      %eq3A = vector.broadcast %reshape3A_2522 : vector<512x1xf32> to vector<512x512xf32>
      %eq3A_2523 = vector.broadcast %convert_element_type3A_1742 : vector<1x512xf32> to vector<512x512xf32>
      %eq3A_2524 = arith.cmpf oeq, %eq3A, %eq3A_2523 : vector<512x512xf32>
      %convert_element_type3A_2525 = arith.extui %eq3A_2524 : vector<512x512xi1> to vector<512x512xi32>
      %convert_element_type3A_2526 = arith.sitofp %convert_element_type3A_2525 : vector<512x512xi32> to vector<512x512xf32>
      %slice3A_2527 = vector.extract_strided_slice %concatenate3A_1477 {offsets = [0, 1536], sizes = [8, 512], strides = [1, 1]} : vector<8x6144xf32> to vector<8x512xf32>
      %convert_element_type3A_2528 = arith.truncf %slice3A_2527 : vector<8x512xf32> to vector<8x512xbf16>
      %convert_element_type3A_2529 = arith.extf %convert_element_type3A_2528 : vector<8x512xbf16> to vector<8x512xf32>
      %sub3A_2530 = arith.subf %slice3A_2527, %convert_element_type3A_2529 : vector<8x512xf32>
      %dot_general3A_2531 = arith.constant dense<0.000000e+00> : vector<8x512xf32>
      %dot_general3A_2532 = tpu.matmul %convert_element_type3A_2529, %convert_element_type3A_2526, %dot_general3A_2531 {dimension_numbers = #tpu.dot_dimension_numbers<[1], [0], [0], [1], [0, 0, 1, 1], [], []>, transpose_lhs_hint = false} : vector<8x512xf32>, vector<512x512xf32>, vector<8x512xf32> -> vector<8x512xf32>
      %add3A_2533 = arith.addf %cond3A_1805, %dot_general3A_2532 : vector<8x512xf32>
      %dot_general3A_2534 = arith.constant dense<0.000000e+00> : vector<8x512xf32>
      %dot_general3A_2535 = tpu.matmul %sub3A_2530, %convert_element_type3A_2526, %dot_general3A_2534 {dimension_numbers = #tpu.dot_dimension_numbers<[1], [0], [0], [1], [0, 0, 1, 1], [], []>, transpose_lhs_hint = false} : vector<8x512xf32>, vector<512x512xf32>, vector<8x512xf32> -> vector<8x512xf32>
      %add3A_2536 = arith.addf %add3A_2533, %dot_general3A_2535 : vector<8x512xf32>
      scf.yield %add3A_2536 : vector<8x512xf32>
    } else {
      scf.yield %cond3A_1805 : vector<8x512xf32>
    }
    %slice3A_1827 = vector.extract_strided_slice %select_n3A_1474 {offsets = [4, 0], sizes = [1, 512], strides = [1, 1]} : vector<12x512xf32> to vector<1x512xf32>
    %ge3A_1828 = arith.constant 5.120000e+02 : f32
    %ge3A_1829 = vector.broadcast %ge3A_1828 : f32 to vector<1x512xf32>
    %ge3A_1830 = arith.cmpf oge, %slice3A_1827, %ge3A_1829 : vector<1x512xf32>
    %lt3A_1831 = arith.constant 1.024000e+03 : f32
    %lt3A_1832 = vector.broadcast %lt3A_1831 : f32 to vector<1x512xf32>
    %lt3A_1833 = arith.cmpf olt, %slice3A_1827, %lt3A_1832 : vector<1x512xf32>
    %and3A_1834 = arith.andi %ge3A_1830, %lt3A_1833 : vector<1x512xi1>
    %convert_element_type3A_1835 = arith.extui %and3A_1834 : vector<1x512xi1> to vector<1x512xi32>
    %convert_element_type3A_1836 = arith.sitofp %convert_element_type3A_1835 : vector<1x512xi32> to vector<1x512xf32>
    %reduce_sum3A_1837 = vector.shape_cast %convert_element_type3A_1836 : vector<1x512xf32> to vector<1x1x512xf32>
    %reduce_sum3A_1838 = arith.constant dense<0.000000e+00> : vector<1xf32>
    %reduce_sum3A_1839 = vector.multi_reduction <add>, %reduce_sum3A_1837, %reduce_sum3A_1838 [1, 2] : vector<1x1x512xf32> to vector<1xf32>
    %reduce_sum3A_1840 = vector.shape_cast %reduce_sum3A_1839 : vector<1xf32> to vector<1x1x1xf32>
    %reduce_sum3A_1841 = vector.extract %reduce_sum3A_1840[0, 0, 0] : f32 from vector<1x1x1xf32>
    %gt3A_1842 = arith.constant 0.000000e+00 : f32
    %gt3A_1843 = arith.cmpf ogt, %reduce_sum3A_1841, %gt3A_1842 : f32
    %convert_element_type3A_1844 = arith.extui %gt3A_1843 : i1 to i32
    %cond3A_1845 = arith.constant 0 : i32
    %cond3A_1846 = arith.cmpi ne, %convert_element_type3A_1844, %cond3A_1845 : i32
    %cond3A_1847 = scf.if %cond3A_1846 -> (vector<8x512xf32>) {
      %reshape3A_2522 = vector.shape_cast %slice3A_1827 : vector<1x512xf32> to vector<512x1xf32>
      %eq3A = vector.broadcast %reshape3A_2522 : vector<512x1xf32> to vector<512x512xf32>
      %eq3A_2523 = vector.broadcast %convert_element_type3A_1742 : vector<1x512xf32> to vector<512x512xf32>
      %eq3A_2524 = arith.cmpf oeq, %eq3A, %eq3A_2523 : vector<512x512xf32>
      %convert_element_type3A_2525 = arith.extui %eq3A_2524 : vector<512x512xi1> to vector<512x512xi32>
      %convert_element_type3A_2526 = arith.sitofp %convert_element_type3A_2525 : vector<512x512xi32> to vector<512x512xf32>
      %slice3A_2527 = vector.extract_strided_slice %concatenate3A_1477 {offsets = [0, 2048], sizes = [8, 512], strides = [1, 1]} : vector<8x6144xf32> to vector<8x512xf32>
      %convert_element_type3A_2528 = arith.truncf %slice3A_2527 : vector<8x512xf32> to vector<8x512xbf16>
      %convert_element_type3A_2529 = arith.extf %convert_element_type3A_2528 : vector<8x512xbf16> to vector<8x512xf32>
      %sub3A_2530 = arith.subf %slice3A_2527, %convert_element_type3A_2529 : vector<8x512xf32>
      %dot_general3A_2531 = arith.constant dense<0.000000e+00> : vector<8x512xf32>
      %dot_general3A_2532 = tpu.matmul %convert_element_type3A_2529, %convert_element_type3A_2526, %dot_general3A_2531 {dimension_numbers = #tpu.dot_dimension_numbers<[1], [0], [0], [1], [0, 0, 1, 1], [], []>, transpose_lhs_hint = false} : vector<8x512xf32>, vector<512x512xf32>, vector<8x512xf32> -> vector<8x512xf32>
      %add3A_2533 = arith.addf %cond3A_1826, %dot_general3A_2532 : vector<8x512xf32>
      %dot_general3A_2534 = arith.constant dense<0.000000e+00> : vector<8x512xf32>
      %dot_general3A_2535 = tpu.matmul %sub3A_2530, %convert_element_type3A_2526, %dot_general3A_2534 {dimension_numbers = #tpu.dot_dimension_numbers<[1], [0], [0], [1], [0, 0, 1, 1], [], []>, transpose_lhs_hint = false} : vector<8x512xf32>, vector<512x512xf32>, vector<8x512xf32> -> vector<8x512xf32>
      %add3A_2536 = arith.addf %add3A_2533, %dot_general3A_2535 : vector<8x512xf32>
      scf.yield %add3A_2536 : vector<8x512xf32>
    } else {
      scf.yield %cond3A_1826 : vector<8x512xf32>
    }
    %slice3A_1848 = vector.extract_strided_slice %select_n3A_1474 {offsets = [5, 0], sizes = [1, 512], strides = [1, 1]} : vector<12x512xf32> to vector<1x512xf32>
    %ge3A_1849 = arith.constant 5.120000e+02 : f32
    %ge3A_1850 = vector.broadcast %ge3A_1849 : f32 to vector<1x512xf32>
    %ge3A_1851 = arith.cmpf oge, %slice3A_1848, %ge3A_1850 : vector<1x512xf32>
    %lt3A_1852 = arith.constant 1.024000e+03 : f32
    %lt3A_1853 = vector.broadcast %lt3A_1852 : f32 to vector<1x512xf32>
    %lt3A_1854 = arith.cmpf olt, %slice3A_1848, %lt3A_1853 : vector<1x512xf32>
    %and3A_1855 = arith.andi %ge3A_1851, %lt3A_1854 : vector<1x512xi1>
    %convert_element_type3A_1856 = arith.extui %and3A_1855 : vector<1x512xi1> to vector<1x512xi32>
    %convert_element_type3A_1857 = arith.sitofp %convert_element_type3A_1856 : vector<1x512xi32> to vector<1x512xf32>
    %reduce_sum3A_1858 = vector.shape_cast %convert_element_type3A_1857 : vector<1x512xf32> to vector<1x1x512xf32>
    %reduce_sum3A_1859 = arith.constant dense<0.000000e+00> : vector<1xf32>
    %reduce_sum3A_1860 = vector.multi_reduction <add>, %reduce_sum3A_1858, %reduce_sum3A_1859 [1, 2] : vector<1x1x512xf32> to vector<1xf32>
    %reduce_sum3A_1861 = vector.shape_cast %reduce_sum3A_1860 : vector<1xf32> to vector<1x1x1xf32>
    %reduce_sum3A_1862 = vector.extract %reduce_sum3A_1861[0, 0, 0] : f32 from vector<1x1x1xf32>
    %gt3A_1863 = arith.constant 0.000000e+00 : f32
    %gt3A_1864 = arith.cmpf ogt, %reduce_sum3A_1862, %gt3A_1863 : f32
    %convert_element_type3A_1865 = arith.extui %gt3A_1864 : i1 to i32
    %cond3A_1866 = arith.constant 0 : i32
    %cond3A_1867 = arith.cmpi ne, %convert_element_type3A_1865, %cond3A_1866 : i32
    %cond3A_1868 = scf.if %cond3A_1867 -> (vector<8x512xf32>) {
      %reshape3A_2522 = vector.shape_cast %slice3A_1848 : vector<1x512xf32> to vector<512x1xf32>
      %eq3A = vector.broadcast %reshape3A_2522 : vector<512x1xf32> to vector<512x512xf32>
      %eq3A_2523 = vector.broadcast %convert_element_type3A_1742 : vector<1x512xf32> to vector<512x512xf32>
      %eq3A_2524 = arith.cmpf oeq, %eq3A, %eq3A_2523 : vector<512x512xf32>
      %convert_element_type3A_2525 = arith.extui %eq3A_2524 : vector<512x512xi1> to vector<512x512xi32>
      %convert_element_type3A_2526 = arith.sitofp %convert_element_type3A_2525 : vector<512x512xi32> to vector<512x512xf32>
      %slice3A_2527 = vector.extract_strided_slice %concatenate3A_1477 {offsets = [0, 2560], sizes = [8, 512], strides = [1, 1]} : vector<8x6144xf32> to vector<8x512xf32>
      %convert_element_type3A_2528 = arith.truncf %slice3A_2527 : vector<8x512xf32> to vector<8x512xbf16>
      %convert_element_type3A_2529 = arith.extf %convert_element_type3A_2528 : vector<8x512xbf16> to vector<8x512xf32>
      %sub3A_2530 = arith.subf %slice3A_2527, %convert_element_type3A_2529 : vector<8x512xf32>
      %dot_general3A_2531 = arith.constant dense<0.000000e+00> : vector<8x512xf32>
      %dot_general3A_2532 = tpu.matmul %convert_element_type3A_2529, %convert_element_type3A_2526, %dot_general3A_2531 {dimension_numbers = #tpu.dot_dimension_numbers<[1], [0], [0], [1], [0, 0, 1, 1], [], []>, transpose_lhs_hint = false} : vector<8x512xf32>, vector<512x512xf32>, vector<8x512xf32> -> vector<8x512xf32>
      %add3A_2533 = arith.addf %cond3A_1847, %dot_general3A_2532 : vector<8x512xf32>
      %dot_general3A_2534 = arith.constant dense<0.000000e+00> : vector<8x512xf32>
      %dot_general3A_2535 = tpu.matmul %sub3A_2530, %convert_element_type3A_2526, %dot_general3A_2534 {dimension_numbers = #tpu.dot_dimension_numbers<[1], [0], [0], [1], [0, 0, 1, 1], [], []>, transpose_lhs_hint = false} : vector<8x512xf32>, vector<512x512xf32>, vector<8x512xf32> -> vector<8x512xf32>
      %add3A_2536 = arith.addf %add3A_2533, %dot_general3A_2535 : vector<8x512xf32>
      scf.yield %add3A_2536 : vector<8x512xf32>
    } else {
      scf.yield %cond3A_1847 : vector<8x512xf32>
    }
    %slice3A_1869 = vector.extract_strided_slice %select_n3A_1474 {offsets = [6, 0], sizes = [1, 512], strides = [1, 1]} : vector<12x512xf32> to vector<1x512xf32>
    %ge3A_1870 = arith.constant 5.120000e+02 : f32
    %ge3A_1871 = vector.broadcast %ge3A_1870 : f32 to vector<1x512xf32>
    %ge3A_1872 = arith.cmpf oge, %slice3A_1869, %ge3A_1871 : vector<1x512xf32>
    %lt3A_1873 = arith.constant 1.024000e+03 : f32
    %lt3A_1874 = vector.broadcast %lt3A_1873 : f32 to vector<1x512xf32>
    %lt3A_1875 = arith.cmpf olt, %slice3A_1869, %lt3A_1874 : vector<1x512xf32>
    %and3A_1876 = arith.andi %ge3A_1872, %lt3A_1875 : vector<1x512xi1>
    %convert_element_type3A_1877 = arith.extui %and3A_1876 : vector<1x512xi1> to vector<1x512xi32>
    %convert_element_type3A_1878 = arith.sitofp %convert_element_type3A_1877 : vector<1x512xi32> to vector<1x512xf32>
    %reduce_sum3A_1879 = vector.shape_cast %convert_element_type3A_1878 : vector<1x512xf32> to vector<1x1x512xf32>
    %reduce_sum3A_1880 = arith.constant dense<0.000000e+00> : vector<1xf32>
    %reduce_sum3A_1881 = vector.multi_reduction <add>, %reduce_sum3A_1879, %reduce_sum3A_1880 [1, 2] : vector<1x1x512xf32> to vector<1xf32>
    %reduce_sum3A_1882 = vector.shape_cast %reduce_sum3A_1881 : vector<1xf32> to vector<1x1x1xf32>
    %reduce_sum3A_1883 = vector.extract %reduce_sum3A_1882[0, 0, 0] : f32 from vector<1x1x1xf32>
    %gt3A_1884 = arith.constant 0.000000e+00 : f32
    %gt3A_1885 = arith.cmpf ogt, %reduce_sum3A_1883, %gt3A_1884 : f32
    %convert_element_type3A_1886 = arith.extui %gt3A_1885 : i1 to i32
    %cond3A_1887 = arith.constant 0 : i32
    %cond3A_1888 = arith.cmpi ne, %convert_element_type3A_1886, %cond3A_1887 : i32
    %cond3A_1889 = scf.if %cond3A_1888 -> (vector<8x512xf32>) {
      %reshape3A_2522 = vector.shape_cast %slice3A_1869 : vector<1x512xf32> to vector<512x1xf32>
      %eq3A = vector.broadcast %reshape3A_2522 : vector<512x1xf32> to vector<512x512xf32>
      %eq3A_2523 = vector.broadcast %convert_element_type3A_1742 : vector<1x512xf32> to vector<512x512xf32>
      %eq3A_2524 = arith.cmpf oeq, %eq3A, %eq3A_2523 : vector<512x512xf32>
      %convert_element_type3A_2525 = arith.extui %eq3A_2524 : vector<512x512xi1> to vector<512x512xi32>
      %convert_element_type3A_2526 = arith.sitofp %convert_element_type3A_2525 : vector<512x512xi32> to vector<512x512xf32>
      %slice3A_2527 = vector.extract_strided_slice %concatenate3A_1477 {offsets = [0, 3072], sizes = [8, 512], strides = [1, 1]} : vector<8x6144xf32> to vector<8x512xf32>
      %convert_element_type3A_2528 = arith.truncf %slice3A_2527 : vector<8x512xf32> to vector<8x512xbf16>
      %convert_element_type3A_2529 = arith.extf %convert_element_type3A_2528 : vector<8x512xbf16> to vector<8x512xf32>
      %sub3A_2530 = arith.subf %slice3A_2527, %convert_element_type3A_2529 : vector<8x512xf32>
      %dot_general3A_2531 = arith.constant dense<0.000000e+00> : vector<8x512xf32>
      %dot_general3A_2532 = tpu.matmul %convert_element_type3A_2529, %convert_element_type3A_2526, %dot_general3A_2531 {dimension_numbers = #tpu.dot_dimension_numbers<[1], [0], [0], [1], [0, 0, 1, 1], [], []>, transpose_lhs_hint = false} : vector<8x512xf32>, vector<512x512xf32>, vector<8x512xf32> -> vector<8x512xf32>
      %add3A_2533 = arith.addf %cond3A_1868, %dot_general3A_2532 : vector<8x512xf32>
      %dot_general3A_2534 = arith.constant dense<0.000000e+00> : vector<8x512xf32>
      %dot_general3A_2535 = tpu.matmul %sub3A_2530, %convert_element_type3A_2526, %dot_general3A_2534 {dimension_numbers = #tpu.dot_dimension_numbers<[1], [0], [0], [1], [0, 0, 1, 1], [], []>, transpose_lhs_hint = false} : vector<8x512xf32>, vector<512x512xf32>, vector<8x512xf32> -> vector<8x512xf32>
      %add3A_2536 = arith.addf %add3A_2533, %dot_general3A_2535 : vector<8x512xf32>
      scf.yield %add3A_2536 : vector<8x512xf32>
    } else {
      scf.yield %cond3A_1868 : vector<8x512xf32>
    }
    %slice3A_1890 = vector.extract_strided_slice %select_n3A_1474 {offsets = [7, 0], sizes = [1, 512], strides = [1, 1]} : vector<12x512xf32> to vector<1x512xf32>
    %ge3A_1891 = arith.constant 5.120000e+02 : f32
    %ge3A_1892 = vector.broadcast %ge3A_1891 : f32 to vector<1x512xf32>
    %ge3A_1893 = arith.cmpf oge, %slice3A_1890, %ge3A_1892 : vector<1x512xf32>
    %lt3A_1894 = arith.constant 1.024000e+03 : f32
    %lt3A_1895 = vector.broadcast %lt3A_1894 : f32 to vector<1x512xf32>
    %lt3A_1896 = arith.cmpf olt, %slice3A_1890, %lt3A_1895 : vector<1x512xf32>
    %and3A_1897 = arith.andi %ge3A_1893, %lt3A_1896 : vector<1x512xi1>
    %convert_element_type3A_1898 = arith.extui %and3A_1897 : vector<1x512xi1> to vector<1x512xi32>
    %convert_element_type3A_1899 = arith.sitofp %convert_element_type3A_1898 : vector<1x512xi32> to vector<1x512xf32>
    %reduce_sum3A_1900 = vector.shape_cast %convert_element_type3A_1899 : vector<1x512xf32> to vector<1x1x512xf32>
    %reduce_sum3A_1901 = arith.constant dense<0.000000e+00> : vector<1xf32>
    %reduce_sum3A_1902 = vector.multi_reduction <add>, %reduce_sum3A_1900, %reduce_sum3A_1901 [1, 2] : vector<1x1x512xf32> to vector<1xf32>
    %reduce_sum3A_1903 = vector.shape_cast %reduce_sum3A_1902 : vector<1xf32> to vector<1x1x1xf32>
    %reduce_sum3A_1904 = vector.extract %reduce_sum3A_1903[0, 0, 0] : f32 from vector<1x1x1xf32>
    %gt3A_1905 = arith.constant 0.000000e+00 : f32
    %gt3A_1906 = arith.cmpf ogt, %reduce_sum3A_1904, %gt3A_1905 : f32
    %convert_element_type3A_1907 = arith.extui %gt3A_1906 : i1 to i32
    %cond3A_1908 = arith.constant 0 : i32
    %cond3A_1909 = arith.cmpi ne, %convert_element_type3A_1907, %cond3A_1908 : i32
    %cond3A_1910 = scf.if %cond3A_1909 -> (vector<8x512xf32>) {
      %reshape3A_2522 = vector.shape_cast %slice3A_1890 : vector<1x512xf32> to vector<512x1xf32>
      %eq3A = vector.broadcast %reshape3A_2522 : vector<512x1xf32> to vector<512x512xf32>
      %eq3A_2523 = vector.broadcast %convert_element_type3A_1742 : vector<1x512xf32> to vector<512x512xf32>
      %eq3A_2524 = arith.cmpf oeq, %eq3A, %eq3A_2523 : vector<512x512xf32>
      %convert_element_type3A_2525 = arith.extui %eq3A_2524 : vector<512x512xi1> to vector<512x512xi32>
      %convert_element_type3A_2526 = arith.sitofp %convert_element_type3A_2525 : vector<512x512xi32> to vector<512x512xf32>
      %slice3A_2527 = vector.extract_strided_slice %concatenate3A_1477 {offsets = [0, 3584], sizes = [8, 512], strides = [1, 1]} : vector<8x6144xf32> to vector<8x512xf32>
      %convert_element_type3A_2528 = arith.truncf %slice3A_2527 : vector<8x512xf32> to vector<8x512xbf16>
      %convert_element_type3A_2529 = arith.extf %convert_element_type3A_2528 : vector<8x512xbf16> to vector<8x512xf32>
      %sub3A_2530 = arith.subf %slice3A_2527, %convert_element_type3A_2529 : vector<8x512xf32>
      %dot_general3A_2531 = arith.constant dense<0.000000e+00> : vector<8x512xf32>
      %dot_general3A_2532 = tpu.matmul %convert_element_type3A_2529, %convert_element_type3A_2526, %dot_general3A_2531 {dimension_numbers = #tpu.dot_dimension_numbers<[1], [0], [0], [1], [0, 0, 1, 1], [], []>, transpose_lhs_hint = false} : vector<8x512xf32>, vector<512x512xf32>, vector<8x512xf32> -> vector<8x512xf32>
      %add3A_2533 = arith.addf %cond3A_1889, %dot_general3A_2532 : vector<8x512xf32>
      %dot_general3A_2534 = arith.constant dense<0.000000e+00> : vector<8x512xf32>
      %dot_general3A_2535 = tpu.matmul %sub3A_2530, %convert_element_type3A_2526, %dot_general3A_2534 {dimension_numbers = #tpu.dot_dimension_numbers<[1], [0], [0], [1], [0, 0, 1, 1], [], []>, transpose_lhs_hint = false} : vector<8x512xf32>, vector<512x512xf32>, vector<8x512xf32> -> vector<8x512xf32>
      %add3A_2536 = arith.addf %add3A_2533, %dot_general3A_2535 : vector<8x512xf32>
      scf.yield %add3A_2536 : vector<8x512xf32>
    } else {
      scf.yield %cond3A_1889 : vector<8x512xf32>
    }
    %slice3A_1911 = vector.extract_strided_slice %select_n3A_1474 {offsets = [8, 0], sizes = [1, 512], strides = [1, 1]} : vector<12x512xf32> to vector<1x512xf32>
    %ge3A_1912 = arith.constant 5.120000e+02 : f32
    %ge3A_1913 = vector.broadcast %ge3A_1912 : f32 to vector<1x512xf32>
    %ge3A_1914 = arith.cmpf oge, %slice3A_1911, %ge3A_1913 : vector<1x512xf32>
    %lt3A_1915 = arith.constant 1.024000e+03 : f32
    %lt3A_1916 = vector.broadcast %lt3A_1915 : f32 to vector<1x512xf32>
    %lt3A_1917 = arith.cmpf olt, %slice3A_1911, %lt3A_1916 : vector<1x512xf32>
    %and3A_1918 = arith.andi %ge3A_1914, %lt3A_1917 : vector<1x512xi1>
    %convert_element_type3A_1919 = arith.extui %and3A_1918 : vector<1x512xi1> to vector<1x512xi32>
    %convert_element_type3A_1920 = arith.sitofp %convert_element_type3A_1919 : vector<1x512xi32> to vector<1x512xf32>
    %reduce_sum3A_1921 = vector.shape_cast %convert_element_type3A_1920 : vector<1x512xf32> to vector<1x1x512xf32>
    %reduce_sum3A_1922 = arith.constant dense<0.000000e+00> : vector<1xf32>
    %reduce_sum3A_1923 = vector.multi_reduction <add>, %reduce_sum3A_1921, %reduce_sum3A_1922 [1, 2] : vector<1x1x512xf32> to vector<1xf32>
    %reduce_sum3A_1924 = vector.shape_cast %reduce_sum3A_1923 : vector<1xf32> to vector<1x1x1xf32>
    %reduce_sum3A_1925 = vector.extract %reduce_sum3A_1924[0, 0, 0] : f32 from vector<1x1x1xf32>
    %gt3A_1926 = arith.constant 0.000000e+00 : f32
    %gt3A_1927 = arith.cmpf ogt, %reduce_sum3A_1925, %gt3A_1926 : f32
    %convert_element_type3A_1928 = arith.extui %gt3A_1927 : i1 to i32
    %cond3A_1929 = arith.constant 0 : i32
    %cond3A_1930 = arith.cmpi ne, %convert_element_type3A_1928, %cond3A_1929 : i32
    %cond3A_1931 = scf.if %cond3A_1930 -> (vector<8x512xf32>) {
      %reshape3A_2522 = vector.shape_cast %slice3A_1911 : vector<1x512xf32> to vector<512x1xf32>
      %eq3A = vector.broadcast %reshape3A_2522 : vector<512x1xf32> to vector<512x512xf32>
      %eq3A_2523 = vector.broadcast %convert_element_type3A_1742 : vector<1x512xf32> to vector<512x512xf32>
      %eq3A_2524 = arith.cmpf oeq, %eq3A, %eq3A_2523 : vector<512x512xf32>
      %convert_element_type3A_2525 = arith.extui %eq3A_2524 : vector<512x512xi1> to vector<512x512xi32>
      %convert_element_type3A_2526 = arith.sitofp %convert_element_type3A_2525 : vector<512x512xi32> to vector<512x512xf32>
      %slice3A_2527 = vector.extract_strided_slice %concatenate3A_1477 {offsets = [0, 4096], sizes = [8, 512], strides = [1, 1]} : vector<8x6144xf32> to vector<8x512xf32>
      %convert_element_type3A_2528 = arith.truncf %slice3A_2527 : vector<8x512xf32> to vector<8x512xbf16>
      %convert_element_type3A_2529 = arith.extf %convert_element_type3A_2528 : vector<8x512xbf16> to vector<8x512xf32>
      %sub3A_2530 = arith.subf %slice3A_2527, %convert_element_type3A_2529 : vector<8x512xf32>
      %dot_general3A_2531 = arith.constant dense<0.000000e+00> : vector<8x512xf32>
      %dot_general3A_2532 = tpu.matmul %convert_element_type3A_2529, %convert_element_type3A_2526, %dot_general3A_2531 {dimension_numbers = #tpu.dot_dimension_numbers<[1], [0], [0], [1], [0, 0, 1, 1], [], []>, transpose_lhs_hint = false} : vector<8x512xf32>, vector<512x512xf32>, vector<8x512xf32> -> vector<8x512xf32>
      %add3A_2533 = arith.addf %cond3A_1910, %dot_general3A_2532 : vector<8x512xf32>
      %dot_general3A_2534 = arith.constant dense<0.000000e+00> : vector<8x512xf32>
      %dot_general3A_2535 = tpu.matmul %sub3A_2530, %convert_element_type3A_2526, %dot_general3A_2534 {dimension_numbers = #tpu.dot_dimension_numbers<[1], [0], [0], [1], [0, 0, 1, 1], [], []>, transpose_lhs_hint = false} : vector<8x512xf32>, vector<512x512xf32>, vector<8x512xf32> -> vector<8x512xf32>
      %add3A_2536 = arith.addf %add3A_2533, %dot_general3A_2535 : vector<8x512xf32>
      scf.yield %add3A_2536 : vector<8x512xf32>
    } else {
      scf.yield %cond3A_1910 : vector<8x512xf32>
    }
    %slice3A_1932 = vector.extract_strided_slice %select_n3A_1474 {offsets = [9, 0], sizes = [1, 512], strides = [1, 1]} : vector<12x512xf32> to vector<1x512xf32>
    %ge3A_1933 = arith.constant 5.120000e+02 : f32
    %ge3A_1934 = vector.broadcast %ge3A_1933 : f32 to vector<1x512xf32>
    %ge3A_1935 = arith.cmpf oge, %slice3A_1932, %ge3A_1934 : vector<1x512xf32>
    %lt3A_1936 = arith.constant 1.024000e+03 : f32
    %lt3A_1937 = vector.broadcast %lt3A_1936 : f32 to vector<1x512xf32>
    %lt3A_1938 = arith.cmpf olt, %slice3A_1932, %lt3A_1937 : vector<1x512xf32>
    %and3A_1939 = arith.andi %ge3A_1935, %lt3A_1938 : vector<1x512xi1>
    %convert_element_type3A_1940 = arith.extui %and3A_1939 : vector<1x512xi1> to vector<1x512xi32>
    %convert_element_type3A_1941 = arith.sitofp %convert_element_type3A_1940 : vector<1x512xi32> to vector<1x512xf32>
    %reduce_sum3A_1942 = vector.shape_cast %convert_element_type3A_1941 : vector<1x512xf32> to vector<1x1x512xf32>
    %reduce_sum3A_1943 = arith.constant dense<0.000000e+00> : vector<1xf32>
    %reduce_sum3A_1944 = vector.multi_reduction <add>, %reduce_sum3A_1942, %reduce_sum3A_1943 [1, 2] : vector<1x1x512xf32> to vector<1xf32>
    %reduce_sum3A_1945 = vector.shape_cast %reduce_sum3A_1944 : vector<1xf32> to vector<1x1x1xf32>
    %reduce_sum3A_1946 = vector.extract %reduce_sum3A_1945[0, 0, 0] : f32 from vector<1x1x1xf32>
    %gt3A_1947 = arith.constant 0.000000e+00 : f32
    %gt3A_1948 = arith.cmpf ogt, %reduce_sum3A_1946, %gt3A_1947 : f32
    %convert_element_type3A_1949 = arith.extui %gt3A_1948 : i1 to i32
    %cond3A_1950 = arith.constant 0 : i32
    %cond3A_1951 = arith.cmpi ne, %convert_element_type3A_1949, %cond3A_1950 : i32
    %cond3A_1952 = scf.if %cond3A_1951 -> (vector<8x512xf32>) {
      %reshape3A_2522 = vector.shape_cast %slice3A_1932 : vector<1x512xf32> to vector<512x1xf32>
      %eq3A = vector.broadcast %reshape3A_2522 : vector<512x1xf32> to vector<512x512xf32>
      %eq3A_2523 = vector.broadcast %convert_element_type3A_1742 : vector<1x512xf32> to vector<512x512xf32>
      %eq3A_2524 = arith.cmpf oeq, %eq3A, %eq3A_2523 : vector<512x512xf32>
      %convert_element_type3A_2525 = arith.extui %eq3A_2524 : vector<512x512xi1> to vector<512x512xi32>
      %convert_element_type3A_2526 = arith.sitofp %convert_element_type3A_2525 : vector<512x512xi32> to vector<512x512xf32>
      %slice3A_2527 = vector.extract_strided_slice %concatenate3A_1477 {offsets = [0, 4608], sizes = [8, 512], strides = [1, 1]} : vector<8x6144xf32> to vector<8x512xf32>
      %convert_element_type3A_2528 = arith.truncf %slice3A_2527 : vector<8x512xf32> to vector<8x512xbf16>
      %convert_element_type3A_2529 = arith.extf %convert_element_type3A_2528 : vector<8x512xbf16> to vector<8x512xf32>
      %sub3A_2530 = arith.subf %slice3A_2527, %convert_element_type3A_2529 : vector<8x512xf32>
      %dot_general3A_2531 = arith.constant dense<0.000000e+00> : vector<8x512xf32>
      %dot_general3A_2532 = tpu.matmul %convert_element_type3A_2529, %convert_element_type3A_2526, %dot_general3A_2531 {dimension_numbers = #tpu.dot_dimension_numbers<[1], [0], [0], [1], [0, 0, 1, 1], [], []>, transpose_lhs_hint = false} : vector<8x512xf32>, vector<512x512xf32>, vector<8x512xf32> -> vector<8x512xf32>
      %add3A_2533 = arith.addf %cond3A_1931, %dot_general3A_2532 : vector<8x512xf32>
      %dot_general3A_2534 = arith.constant dense<0.000000e+00> : vector<8x512xf32>
      %dot_general3A_2535 = tpu.matmul %sub3A_2530, %convert_element_type3A_2526, %dot_general3A_2534 {dimension_numbers = #tpu.dot_dimension_numbers<[1], [0], [0], [1], [0, 0, 1, 1], [], []>, transpose_lhs_hint = false} : vector<8x512xf32>, vector<512x512xf32>, vector<8x512xf32> -> vector<8x512xf32>
      %add3A_2536 = arith.addf %add3A_2533, %dot_general3A_2535 : vector<8x512xf32>
      scf.yield %add3A_2536 : vector<8x512xf32>
    } else {
      scf.yield %cond3A_1931 : vector<8x512xf32>
    }
    %slice3A_1953 = vector.extract_strided_slice %select_n3A_1474 {offsets = [10, 0], sizes = [1, 512], strides = [1, 1]} : vector<12x512xf32> to vector<1x512xf32>
    %ge3A_1954 = arith.constant 5.120000e+02 : f32
    %ge3A_1955 = vector.broadcast %ge3A_1954 : f32 to vector<1x512xf32>
    %ge3A_1956 = arith.cmpf oge, %slice3A_1953, %ge3A_1955 : vector<1x512xf32>
    %lt3A_1957 = arith.constant 1.024000e+03 : f32
    %lt3A_1958 = vector.broadcast %lt3A_1957 : f32 to vector<1x512xf32>
    %lt3A_1959 = arith.cmpf olt, %slice3A_1953, %lt3A_1958 : vector<1x512xf32>
    %and3A_1960 = arith.andi %ge3A_1956, %lt3A_1959 : vector<1x512xi1>
    %convert_element_type3A_1961 = arith.extui %and3A_1960 : vector<1x512xi1> to vector<1x512xi32>
    %convert_element_type3A_1962 = arith.sitofp %convert_element_type3A_1961 : vector<1x512xi32> to vector<1x512xf32>
    %reduce_sum3A_1963 = vector.shape_cast %convert_element_type3A_1962 : vector<1x512xf32> to vector<1x1x512xf32>
    %reduce_sum3A_1964 = arith.constant dense<0.000000e+00> : vector<1xf32>
    %reduce_sum3A_1965 = vector.multi_reduction <add>, %reduce_sum3A_1963, %reduce_sum3A_1964 [1, 2] : vector<1x1x512xf32> to vector<1xf32>
    %reduce_sum3A_1966 = vector.shape_cast %reduce_sum3A_1965 : vector<1xf32> to vector<1x1x1xf32>
    %reduce_sum3A_1967 = vector.extract %reduce_sum3A_1966[0, 0, 0] : f32 from vector<1x1x1xf32>
    %gt3A_1968 = arith.constant 0.000000e+00 : f32
    %gt3A_1969 = arith.cmpf ogt, %reduce_sum3A_1967, %gt3A_1968 : f32
    %convert_element_type3A_1970 = arith.extui %gt3A_1969 : i1 to i32
    %cond3A_1971 = arith.constant 0 : i32
    %cond3A_1972 = arith.cmpi ne, %convert_element_type3A_1970, %cond3A_1971 : i32
    %cond3A_1973 = scf.if %cond3A_1972 -> (vector<8x512xf32>) {
      %reshape3A_2522 = vector.shape_cast %slice3A_1953 : vector<1x512xf32> to vector<512x1xf32>
      %eq3A = vector.broadcast %reshape3A_2522 : vector<512x1xf32> to vector<512x512xf32>
      %eq3A_2523 = vector.broadcast %convert_element_type3A_1742 : vector<1x512xf32> to vector<512x512xf32>
      %eq3A_2524 = arith.cmpf oeq, %eq3A, %eq3A_2523 : vector<512x512xf32>
      %convert_element_type3A_2525 = arith.extui %eq3A_2524 : vector<512x512xi1> to vector<512x512xi32>
      %convert_element_type3A_2526 = arith.sitofp %convert_element_type3A_2525 : vector<512x512xi32> to vector<512x512xf32>
      %slice3A_2527 = vector.extract_strided_slice %concatenate3A_1477 {offsets = [0, 5120], sizes = [8, 512], strides = [1, 1]} : vector<8x6144xf32> to vector<8x512xf32>
      %convert_element_type3A_2528 = arith.truncf %slice3A_2527 : vector<8x512xf32> to vector<8x512xbf16>
      %convert_element_type3A_2529 = arith.extf %convert_element_type3A_2528 : vector<8x512xbf16> to vector<8x512xf32>
      %sub3A_2530 = arith.subf %slice3A_2527, %convert_element_type3A_2529 : vector<8x512xf32>
      %dot_general3A_2531 = arith.constant dense<0.000000e+00> : vector<8x512xf32>
      %dot_general3A_2532 = tpu.matmul %convert_element_type3A_2529, %convert_element_type3A_2526, %dot_general3A_2531 {dimension_numbers = #tpu.dot_dimension_numbers<[1], [0], [0], [1], [0, 0, 1, 1], [], []>, transpose_lhs_hint = false} : vector<8x512xf32>, vector<512x512xf32>, vector<8x512xf32> -> vector<8x512xf32>
      %add3A_2533 = arith.addf %cond3A_1952, %dot_general3A_2532 : vector<8x512xf32>
      %dot_general3A_2534 = arith.constant dense<0.000000e+00> : vector<8x512xf32>
      %dot_general3A_2535 = tpu.matmul %sub3A_2530, %convert_element_type3A_2526, %dot_general3A_2534 {dimension_numbers = #tpu.dot_dimension_numbers<[1], [0], [0], [1], [0, 0, 1, 1], [], []>, transpose_lhs_hint = false} : vector<8x512xf32>, vector<512x512xf32>, vector<8x512xf32> -> vector<8x512xf32>
      %add3A_2536 = arith.addf %add3A_2533, %dot_general3A_2535 : vector<8x512xf32>
      scf.yield %add3A_2536 : vector<8x512xf32>
    } else {
      scf.yield %cond3A_1952 : vector<8x512xf32>
    }
    %slice3A_1974 = vector.extract_strided_slice %select_n3A_1474 {offsets = [11, 0], sizes = [1, 512], strides = [1, 1]} : vector<12x512xf32> to vector<1x512xf32>
    %ge3A_1975 = arith.constant 5.120000e+02 : f32
    %ge3A_1976 = vector.broadcast %ge3A_1975 : f32 to vector<1x512xf32>
    %ge3A_1977 = arith.cmpf oge, %slice3A_1974, %ge3A_1976 : vector<1x512xf32>
    %lt3A_1978 = arith.constant 1.024000e+03 : f32
    %lt3A_1979 = vector.broadcast %lt3A_1978 : f32 to vector<1x512xf32>
    %lt3A_1980 = arith.cmpf olt, %slice3A_1974, %lt3A_1979 : vector<1x512xf32>
    %and3A_1981 = arith.andi %ge3A_1977, %lt3A_1980 : vector<1x512xi1>
    %convert_element_type3A_1982 = arith.extui %and3A_1981 : vector<1x512xi1> to vector<1x512xi32>
    %convert_element_type3A_1983 = arith.sitofp %convert_element_type3A_1982 : vector<1x512xi32> to vector<1x512xf32>
    %reduce_sum3A_1984 = vector.shape_cast %convert_element_type3A_1983 : vector<1x512xf32> to vector<1x1x512xf32>
    %reduce_sum3A_1985 = arith.constant dense<0.000000e+00> : vector<1xf32>
    %reduce_sum3A_1986 = vector.multi_reduction <add>, %reduce_sum3A_1984, %reduce_sum3A_1985 [1, 2] : vector<1x1x512xf32> to vector<1xf32>
    %reduce_sum3A_1987 = vector.shape_cast %reduce_sum3A_1986 : vector<1xf32> to vector<1x1x1xf32>
    %reduce_sum3A_1988 = vector.extract %reduce_sum3A_1987[0, 0, 0] : f32 from vector<1x1x1xf32>
    %gt3A_1989 = arith.constant 0.000000e+00 : f32
    %gt3A_1990 = arith.cmpf ogt, %reduce_sum3A_1988, %gt3A_1989 : f32
    %convert_element_type3A_1991 = arith.extui %gt3A_1990 : i1 to i32
    %cond3A_1992 = arith.constant 0 : i32
    %cond3A_1993 = arith.cmpi ne, %convert_element_type3A_1991, %cond3A_1992 : i32
    %cond3A_1994 = scf.if %cond3A_1993 -> (vector<8x512xf32>) {
      %reshape3A_2522 = vector.shape_cast %slice3A_1974 : vector<1x512xf32> to vector<512x1xf32>
      %eq3A = vector.broadcast %reshape3A_2522 : vector<512x1xf32> to vector<512x512xf32>
      %eq3A_2523 = vector.broadcast %convert_element_type3A_1742 : vector<1x512xf32> to vector<512x512xf32>
      %eq3A_2524 = arith.cmpf oeq, %eq3A, %eq3A_2523 : vector<512x512xf32>
      %convert_element_type3A_2525 = arith.extui %eq3A_2524 : vector<512x512xi1> to vector<512x512xi32>
      %convert_element_type3A_2526 = arith.sitofp %convert_element_type3A_2525 : vector<512x512xi32> to vector<512x512xf32>
      %slice3A_2527 = vector.extract_strided_slice %concatenate3A_1477 {offsets = [0, 5632], sizes = [8, 512], strides = [1, 1]} : vector<8x6144xf32> to vector<8x512xf32>
      %convert_element_type3A_2528 = arith.truncf %slice3A_2527 : vector<8x512xf32> to vector<8x512xbf16>
      %convert_element_type3A_2529 = arith.extf %convert_element_type3A_2528 : vector<8x512xbf16> to vector<8x512xf32>
      %sub3A_2530 = arith.subf %slice3A_2527, %convert_element_type3A_2529 : vector<8x512xf32>
      %dot_general3A_2531 = arith.constant dense<0.000000e+00> : vector<8x512xf32>
      %dot_general3A_2532 = tpu.matmul %convert_element_type3A_2529, %convert_element_type3A_2526, %dot_general3A_2531 {dimension_numbers = #tpu.dot_dimension_numbers<[1], [0], [0], [1], [0, 0, 1, 1], [], []>, transpose_lhs_hint = false} : vector<8x512xf32>, vector<512x512xf32>, vector<8x512xf32> -> vector<8x512xf32>
      %add3A_2533 = arith.addf %cond3A_1973, %dot_general3A_2532 : vector<8x512xf32>
      %dot_general3A_2534 = arith.constant dense<0.000000e+00> : vector<8x512xf32>
      %dot_general3A_2535 = tpu.matmul %sub3A_2530, %convert_element_type3A_2526, %dot_general3A_2534 {dimension_numbers = #tpu.dot_dimension_numbers<[1], [0], [0], [1], [0, 0, 1, 1], [], []>, transpose_lhs_hint = false} : vector<8x512xf32>, vector<512x512xf32>, vector<8x512xf32> -> vector<8x512xf32>
      %add3A_2536 = arith.addf %add3A_2533, %dot_general3A_2535 : vector<8x512xf32>
      scf.yield %add3A_2536 : vector<8x512xf32>
    } else {
      scf.yield %cond3A_1973 : vector<8x512xf32>
    }
    %swap3A_1995 = arith.constant 0 : index
    %swap3A_1996 = arith.constant 512 : index
    %swap3A_1997 = vector.load %arg1[%swap3A_1995, %swap3A_1996] : memref<8x2048xf32, #tpu.memory_space<vmem>>, vector<8x512xf32>
    tpu.vector_store %arg1[%swap3A_1995, %swap3A_1996], %cond3A_1994 {strides = array<i32>} : memref<8x2048xf32, #tpu.memory_space<vmem>>, vector<8x512xf32>,
    %broadcast_in_dim3A_1998 = arith.constant 0.000000e+00 : f32
    %broadcast_in_dim3A_1999 = vector.broadcast %broadcast_in_dim3A_1998 : f32 to vector<8x512xf32>
    %iota3A_2000 = tpu.iota {dimensions = array<i32: 1>} : vector<1x512xi32>
    %add3A_2001 = arith.constant 1024 : i32
    %add3A_2002 = vector.broadcast %add3A_2001 : i32 to vector<1x512xi32>
    %add3A_2003 = arith.addi %iota3A_2000, %add3A_2002 : vector<1x512xi32>
    %convert_element_type3A_2004 = arith.sitofp %add3A_2003 : vector<1x512xi32> to vector<1x512xf32>
    %slice3A_2005 = vector.extract_strided_slice %select_n3A_1474 {offsets = [0, 0], sizes = [1, 512], strides = [1, 1]} : vector<12x512xf32> to vector<1x512xf32>
    %ge3A_2006 = arith.constant 1.024000e+03 : f32
    %ge3A_2007 = vector.broadcast %ge3A_2006 : f32 to vector<1x512xf32>
    %ge3A_2008 = arith.cmpf oge, %slice3A_2005, %ge3A_2007 : vector<1x512xf32>
    %lt3A_2009 = arith.constant 1.536000e+03 : f32
    %lt3A_2010 = vector.broadcast %lt3A_2009 : f32 to vector<1x512xf32>
    %lt3A_2011 = arith.cmpf olt, %slice3A_2005, %lt3A_2010 : vector<1x512xf32>
    %and3A_2012 = arith.andi %ge3A_2008, %lt3A_2011 : vector<1x512xi1>
    %convert_element_type3A_2013 = arith.extui %and3A_2012 : vector<1x512xi1> to vector<1x512xi32>
    %convert_element_type3A_2014 = arith.sitofp %convert_element_type3A_2013 : vector<1x512xi32> to vector<1x512xf32>
    %reduce_sum3A_2015 = vector.shape_cast %convert_element_type3A_2014 : vector<1x512xf32> to vector<1x1x512xf32>
    %reduce_sum3A_2016 = arith.constant dense<0.000000e+00> : vector<1xf32>
    %reduce_sum3A_2017 = vector.multi_reduction <add>, %reduce_sum3A_2015, %reduce_sum3A_2016 [1, 2] : vector<1x1x512xf32> to vector<1xf32>
    %reduce_sum3A_2018 = vector.shape_cast %reduce_sum3A_2017 : vector<1xf32> to vector<1x1x1xf32>
    %reduce_sum3A_2019 = vector.extract %reduce_sum3A_2018[0, 0, 0] : f32 from vector<1x1x1xf32>
    %gt3A_2020 = arith.constant 0.000000e+00 : f32
    %gt3A_2021 = arith.cmpf ogt, %reduce_sum3A_2019, %gt3A_2020 : f32
    %convert_element_type3A_2022 = arith.extui %gt3A_2021 : i1 to i32
    %cond3A_2023 = arith.constant 0 : i32
    %cond3A_2024 = arith.cmpi ne, %convert_element_type3A_2022, %cond3A_2023 : i32
    %cond3A_2025 = scf.if %cond3A_2024 -> (vector<8x512xf32>) {
      %reshape3A_2522 = vector.shape_cast %slice3A_2005 : vector<1x512xf32> to vector<512x1xf32>
      %eq3A = vector.broadcast %reshape3A_2522 : vector<512x1xf32> to vector<512x512xf32>
      %eq3A_2523 = vector.broadcast %convert_element_type3A_2004 : vector<1x512xf32> to vector<512x512xf32>
      %eq3A_2524 = arith.cmpf oeq, %eq3A, %eq3A_2523 : vector<512x512xf32>
      %convert_element_type3A_2525 = arith.extui %eq3A_2524 : vector<512x512xi1> to vector<512x512xi32>
      %convert_element_type3A_2526 = arith.sitofp %convert_element_type3A_2525 : vector<512x512xi32> to vector<512x512xf32>
      %slice3A_2527 = vector.extract_strided_slice %concatenate3A_1477 {offsets = [0, 0], sizes = [8, 512], strides = [1, 1]} : vector<8x6144xf32> to vector<8x512xf32>
      %convert_element_type3A_2528 = arith.truncf %slice3A_2527 : vector<8x512xf32> to vector<8x512xbf16>
      %convert_element_type3A_2529 = arith.extf %convert_element_type3A_2528 : vector<8x512xbf16> to vector<8x512xf32>
      %sub3A_2530 = arith.subf %slice3A_2527, %convert_element_type3A_2529 : vector<8x512xf32>
      %dot_general3A_2531 = arith.constant dense<0.000000e+00> : vector<8x512xf32>
      %dot_general3A_2532 = tpu.matmul %convert_element_type3A_2529, %convert_element_type3A_2526, %dot_general3A_2531 {dimension_numbers = #tpu.dot_dimension_numbers<[1], [0], [0], [1], [0, 0, 1, 1], [], []>, transpose_lhs_hint = false} : vector<8x512xf32>, vector<512x512xf32>, vector<8x512xf32> -> vector<8x512xf32>
      %add3A_2533 = arith.addf %broadcast_in_dim3A_1999, %dot_general3A_2532 : vector<8x512xf32>
      %dot_general3A_2534 = arith.constant dense<0.000000e+00> : vector<8x512xf32>
      %dot_general3A_2535 = tpu.matmul %sub3A_2530, %convert_element_type3A_2526, %dot_general3A_2534 {dimension_numbers = #tpu.dot_dimension_numbers<[1], [0], [0], [1], [0, 0, 1, 1], [], []>, transpose_lhs_hint = false} : vector<8x512xf32>, vector<512x512xf32>, vector<8x512xf32> -> vector<8x512xf32>
      %add3A_2536 = arith.addf %add3A_2533, %dot_general3A_2535 : vector<8x512xf32>
      scf.yield %add3A_2536 : vector<8x512xf32>
    } else {
      scf.yield %broadcast_in_dim3A_1999 : vector<8x512xf32>
    }
    %slice3A_2026 = vector.extract_strided_slice %select_n3A_1474 {offsets = [1, 0], sizes = [1, 512], strides = [1, 1]} : vector<12x512xf32> to vector<1x512xf32>
    %ge3A_2027 = arith.constant 1.024000e+03 : f32
    %ge3A_2028 = vector.broadcast %ge3A_2027 : f32 to vector<1x512xf32>
    %ge3A_2029 = arith.cmpf oge, %slice3A_2026, %ge3A_2028 : vector<1x512xf32>
    %lt3A_2030 = arith.constant 1.536000e+03 : f32
    %lt3A_2031 = vector.broadcast %lt3A_2030 : f32 to vector<1x512xf32>
    %lt3A_2032 = arith.cmpf olt, %slice3A_2026, %lt3A_2031 : vector<1x512xf32>
    %and3A_2033 = arith.andi %ge3A_2029, %lt3A_2032 : vector<1x512xi1>
    %convert_element_type3A_2034 = arith.extui %and3A_2033 : vector<1x512xi1> to vector<1x512xi32>
    %convert_element_type3A_2035 = arith.sitofp %convert_element_type3A_2034 : vector<1x512xi32> to vector<1x512xf32>
    %reduce_sum3A_2036 = vector.shape_cast %convert_element_type3A_2035 : vector<1x512xf32> to vector<1x1x512xf32>
    %reduce_sum3A_2037 = arith.constant dense<0.000000e+00> : vector<1xf32>
    %reduce_sum3A_2038 = vector.multi_reduction <add>, %reduce_sum3A_2036, %reduce_sum3A_2037 [1, 2] : vector<1x1x512xf32> to vector<1xf32>
    %reduce_sum3A_2039 = vector.shape_cast %reduce_sum3A_2038 : vector<1xf32> to vector<1x1x1xf32>
    %reduce_sum3A_2040 = vector.extract %reduce_sum3A_2039[0, 0, 0] : f32 from vector<1x1x1xf32>
    %gt3A_2041 = arith.constant 0.000000e+00 : f32
    %gt3A_2042 = arith.cmpf ogt, %reduce_sum3A_2040, %gt3A_2041 : f32
    %convert_element_type3A_2043 = arith.extui %gt3A_2042 : i1 to i32
    %cond3A_2044 = arith.constant 0 : i32
    %cond3A_2045 = arith.cmpi ne, %convert_element_type3A_2043, %cond3A_2044 : i32
    %cond3A_2046 = scf.if %cond3A_2045 -> (vector<8x512xf32>) {
      %reshape3A_2522 = vector.shape_cast %slice3A_2026 : vector<1x512xf32> to vector<512x1xf32>
      %eq3A = vector.broadcast %reshape3A_2522 : vector<512x1xf32> to vector<512x512xf32>
      %eq3A_2523 = vector.broadcast %convert_element_type3A_2004 : vector<1x512xf32> to vector<512x512xf32>
      %eq3A_2524 = arith.cmpf oeq, %eq3A, %eq3A_2523 : vector<512x512xf32>
      %convert_element_type3A_2525 = arith.extui %eq3A_2524 : vector<512x512xi1> to vector<512x512xi32>
      %convert_element_type3A_2526 = arith.sitofp %convert_element_type3A_2525 : vector<512x512xi32> to vector<512x512xf32>
      %slice3A_2527 = vector.extract_strided_slice %concatenate3A_1477 {offsets = [0, 512], sizes = [8, 512], strides = [1, 1]} : vector<8x6144xf32> to vector<8x512xf32>
      %convert_element_type3A_2528 = arith.truncf %slice3A_2527 : vector<8x512xf32> to vector<8x512xbf16>
      %convert_element_type3A_2529 = arith.extf %convert_element_type3A_2528 : vector<8x512xbf16> to vector<8x512xf32>
      %sub3A_2530 = arith.subf %slice3A_2527, %convert_element_type3A_2529 : vector<8x512xf32>
      %dot_general3A_2531 = arith.constant dense<0.000000e+00> : vector<8x512xf32>
      %dot_general3A_2532 = tpu.matmul %convert_element_type3A_2529, %convert_element_type3A_2526, %dot_general3A_2531 {dimension_numbers = #tpu.dot_dimension_numbers<[1], [0], [0], [1], [0, 0, 1, 1], [], []>, transpose_lhs_hint = false} : vector<8x512xf32>, vector<512x512xf32>, vector<8x512xf32> -> vector<8x512xf32>
      %add3A_2533 = arith.addf %cond3A_2025, %dot_general3A_2532 : vector<8x512xf32>
      %dot_general3A_2534 = arith.constant dense<0.000000e+00> : vector<8x512xf32>
      %dot_general3A_2535 = tpu.matmul %sub3A_2530, %convert_element_type3A_2526, %dot_general3A_2534 {dimension_numbers = #tpu.dot_dimension_numbers<[1], [0], [0], [1], [0, 0, 1, 1], [], []>, transpose_lhs_hint = false} : vector<8x512xf32>, vector<512x512xf32>, vector<8x512xf32> -> vector<8x512xf32>
      %add3A_2536 = arith.addf %add3A_2533, %dot_general3A_2535 : vector<8x512xf32>
      scf.yield %add3A_2536 : vector<8x512xf32>
    } else {
      scf.yield %cond3A_2025 : vector<8x512xf32>
    }
    %slice3A_2047 = vector.extract_strided_slice %select_n3A_1474 {offsets = [2, 0], sizes = [1, 512], strides = [1, 1]} : vector<12x512xf32> to vector<1x512xf32>
    %ge3A_2048 = arith.constant 1.024000e+03 : f32
    %ge3A_2049 = vector.broadcast %ge3A_2048 : f32 to vector<1x512xf32>
    %ge3A_2050 = arith.cmpf oge, %slice3A_2047, %ge3A_2049 : vector<1x512xf32>
    %lt3A_2051 = arith.constant 1.536000e+03 : f32
    %lt3A_2052 = vector.broadcast %lt3A_2051 : f32 to vector<1x512xf32>
    %lt3A_2053 = arith.cmpf olt, %slice3A_2047, %lt3A_2052 : vector<1x512xf32>
    %and3A_2054 = arith.andi %ge3A_2050, %lt3A_2053 : vector<1x512xi1>
    %convert_element_type3A_2055 = arith.extui %and3A_2054 : vector<1x512xi1> to vector<1x512xi32>
    %convert_element_type3A_2056 = arith.sitofp %convert_element_type3A_2055 : vector<1x512xi32> to vector<1x512xf32>
    %reduce_sum3A_2057 = vector.shape_cast %convert_element_type3A_2056 : vector<1x512xf32> to vector<1x1x512xf32>
    %reduce_sum3A_2058 = arith.constant dense<0.000000e+00> : vector<1xf32>
    %reduce_sum3A_2059 = vector.multi_reduction <add>, %reduce_sum3A_2057, %reduce_sum3A_2058 [1, 2] : vector<1x1x512xf32> to vector<1xf32>
    %reduce_sum3A_2060 = vector.shape_cast %reduce_sum3A_2059 : vector<1xf32> to vector<1x1x1xf32>
    %reduce_sum3A_2061 = vector.extract %reduce_sum3A_2060[0, 0, 0] : f32 from vector<1x1x1xf32>
    %gt3A_2062 = arith.constant 0.000000e+00 : f32
    %gt3A_2063 = arith.cmpf ogt, %reduce_sum3A_2061, %gt3A_2062 : f32
    %convert_element_type3A_2064 = arith.extui %gt3A_2063 : i1 to i32
    %cond3A_2065 = arith.constant 0 : i32
    %cond3A_2066 = arith.cmpi ne, %convert_element_type3A_2064, %cond3A_2065 : i32
    %cond3A_2067 = scf.if %cond3A_2066 -> (vector<8x512xf32>) {
      %reshape3A_2522 = vector.shape_cast %slice3A_2047 : vector<1x512xf32> to vector<512x1xf32>
      %eq3A = vector.broadcast %reshape3A_2522 : vector<512x1xf32> to vector<512x512xf32>
      %eq3A_2523 = vector.broadcast %convert_element_type3A_2004 : vector<1x512xf32> to vector<512x512xf32>
      %eq3A_2524 = arith.cmpf oeq, %eq3A, %eq3A_2523 : vector<512x512xf32>
      %convert_element_type3A_2525 = arith.extui %eq3A_2524 : vector<512x512xi1> to vector<512x512xi32>
      %convert_element_type3A_2526 = arith.sitofp %convert_element_type3A_2525 : vector<512x512xi32> to vector<512x512xf32>
      %slice3A_2527 = vector.extract_strided_slice %concatenate3A_1477 {offsets = [0, 1024], sizes = [8, 512], strides = [1, 1]} : vector<8x6144xf32> to vector<8x512xf32>
      %convert_element_type3A_2528 = arith.truncf %slice3A_2527 : vector<8x512xf32> to vector<8x512xbf16>
      %convert_element_type3A_2529 = arith.extf %convert_element_type3A_2528 : vector<8x512xbf16> to vector<8x512xf32>
      %sub3A_2530 = arith.subf %slice3A_2527, %convert_element_type3A_2529 : vector<8x512xf32>
      %dot_general3A_2531 = arith.constant dense<0.000000e+00> : vector<8x512xf32>
      %dot_general3A_2532 = tpu.matmul %convert_element_type3A_2529, %convert_element_type3A_2526, %dot_general3A_2531 {dimension_numbers = #tpu.dot_dimension_numbers<[1], [0], [0], [1], [0, 0, 1, 1], [], []>, transpose_lhs_hint = false} : vector<8x512xf32>, vector<512x512xf32>, vector<8x512xf32> -> vector<8x512xf32>
      %add3A_2533 = arith.addf %cond3A_2046, %dot_general3A_2532 : vector<8x512xf32>
      %dot_general3A_2534 = arith.constant dense<0.000000e+00> : vector<8x512xf32>
      %dot_general3A_2535 = tpu.matmul %sub3A_2530, %convert_element_type3A_2526, %dot_general3A_2534 {dimension_numbers = #tpu.dot_dimension_numbers<[1], [0], [0], [1], [0, 0, 1, 1], [], []>, transpose_lhs_hint = false} : vector<8x512xf32>, vector<512x512xf32>, vector<8x512xf32> -> vector<8x512xf32>
      %add3A_2536 = arith.addf %add3A_2533, %dot_general3A_2535 : vector<8x512xf32>
      scf.yield %add3A_2536 : vector<8x512xf32>
    } else {
      scf.yield %cond3A_2046 : vector<8x512xf32>
    }
    %slice3A_2068 = vector.extract_strided_slice %select_n3A_1474 {offsets = [3, 0], sizes = [1, 512], strides = [1, 1]} : vector<12x512xf32> to vector<1x512xf32>
    %ge3A_2069 = arith.constant 1.024000e+03 : f32
    %ge3A_2070 = vector.broadcast %ge3A_2069 : f32 to vector<1x512xf32>
    %ge3A_2071 = arith.cmpf oge, %slice3A_2068, %ge3A_2070 : vector<1x512xf32>
    %lt3A_2072 = arith.constant 1.536000e+03 : f32
    %lt3A_2073 = vector.broadcast %lt3A_2072 : f32 to vector<1x512xf32>
    %lt3A_2074 = arith.cmpf olt, %slice3A_2068, %lt3A_2073 : vector<1x512xf32>
    %and3A_2075 = arith.andi %ge3A_2071, %lt3A_2074 : vector<1x512xi1>
    %convert_element_type3A_2076 = arith.extui %and3A_2075 : vector<1x512xi1> to vector<1x512xi32>
    %convert_element_type3A_2077 = arith.sitofp %convert_element_type3A_2076 : vector<1x512xi32> to vector<1x512xf32>
    %reduce_sum3A_2078 = vector.shape_cast %convert_element_type3A_2077 : vector<1x512xf32> to vector<1x1x512xf32>
    %reduce_sum3A_2079 = arith.constant dense<0.000000e+00> : vector<1xf32>
    %reduce_sum3A_2080 = vector.multi_reduction <add>, %reduce_sum3A_2078, %reduce_sum3A_2079 [1, 2] : vector<1x1x512xf32> to vector<1xf32>
    %reduce_sum3A_2081 = vector.shape_cast %reduce_sum3A_2080 : vector<1xf32> to vector<1x1x1xf32>
    %reduce_sum3A_2082 = vector.extract %reduce_sum3A_2081[0, 0, 0] : f32 from vector<1x1x1xf32>
    %gt3A_2083 = arith.constant 0.000000e+00 : f32
    %gt3A_2084 = arith.cmpf ogt, %reduce_sum3A_2082, %gt3A_2083 : f32
    %convert_element_type3A_2085 = arith.extui %gt3A_2084 : i1 to i32
    %cond3A_2086 = arith.constant 0 : i32
    %cond3A_2087 = arith.cmpi ne, %convert_element_type3A_2085, %cond3A_2086 : i32
    %cond3A_2088 = scf.if %cond3A_2087 -> (vector<8x512xf32>) {
      %reshape3A_2522 = vector.shape_cast %slice3A_2068 : vector<1x512xf32> to vector<512x1xf32>
      %eq3A = vector.broadcast %reshape3A_2522 : vector<512x1xf32> to vector<512x512xf32>
      %eq3A_2523 = vector.broadcast %convert_element_type3A_2004 : vector<1x512xf32> to vector<512x512xf32>
      %eq3A_2524 = arith.cmpf oeq, %eq3A, %eq3A_2523 : vector<512x512xf32>
      %convert_element_type3A_2525 = arith.extui %eq3A_2524 : vector<512x512xi1> to vector<512x512xi32>
      %convert_element_type3A_2526 = arith.sitofp %convert_element_type3A_2525 : vector<512x512xi32> to vector<512x512xf32>
      %slice3A_2527 = vector.extract_strided_slice %concatenate3A_1477 {offsets = [0, 1536], sizes = [8, 512], strides = [1, 1]} : vector<8x6144xf32> to vector<8x512xf32>
      %convert_element_type3A_2528 = arith.truncf %slice3A_2527 : vector<8x512xf32> to vector<8x512xbf16>
      %convert_element_type3A_2529 = arith.extf %convert_element_type3A_2528 : vector<8x512xbf16> to vector<8x512xf32>
      %sub3A_2530 = arith.subf %slice3A_2527, %convert_element_type3A_2529 : vector<8x512xf32>
      %dot_general3A_2531 = arith.constant dense<0.000000e+00> : vector<8x512xf32>
      %dot_general3A_2532 = tpu.matmul %convert_element_type3A_2529, %convert_element_type3A_2526, %dot_general3A_2531 {dimension_numbers = #tpu.dot_dimension_numbers<[1], [0], [0], [1], [0, 0, 1, 1], [], []>, transpose_lhs_hint = false} : vector<8x512xf32>, vector<512x512xf32>, vector<8x512xf32> -> vector<8x512xf32>
      %add3A_2533 = arith.addf %cond3A_2067, %dot_general3A_2532 : vector<8x512xf32>
      %dot_general3A_2534 = arith.constant dense<0.000000e+00> : vector<8x512xf32>
      %dot_general3A_2535 = tpu.matmul %sub3A_2530, %convert_element_type3A_2526, %dot_general3A_2534 {dimension_numbers = #tpu.dot_dimension_numbers<[1], [0], [0], [1], [0, 0, 1, 1], [], []>, transpose_lhs_hint = false} : vector<8x512xf32>, vector<512x512xf32>, vector<8x512xf32> -> vector<8x512xf32>
      %add3A_2536 = arith.addf %add3A_2533, %dot_general3A_2535 : vector<8x512xf32>
      scf.yield %add3A_2536 : vector<8x512xf32>
    } else {
      scf.yield %cond3A_2067 : vector<8x512xf32>
    }
    %slice3A_2089 = vector.extract_strided_slice %select_n3A_1474 {offsets = [4, 0], sizes = [1, 512], strides = [1, 1]} : vector<12x512xf32> to vector<1x512xf32>
    %ge3A_2090 = arith.constant 1.024000e+03 : f32
    %ge3A_2091 = vector.broadcast %ge3A_2090 : f32 to vector<1x512xf32>
    %ge3A_2092 = arith.cmpf oge, %slice3A_2089, %ge3A_2091 : vector<1x512xf32>
    %lt3A_2093 = arith.constant 1.536000e+03 : f32
    %lt3A_2094 = vector.broadcast %lt3A_2093 : f32 to vector<1x512xf32>
    %lt3A_2095 = arith.cmpf olt, %slice3A_2089, %lt3A_2094 : vector<1x512xf32>
    %and3A_2096 = arith.andi %ge3A_2092, %lt3A_2095 : vector<1x512xi1>
    %convert_element_type3A_2097 = arith.extui %and3A_2096 : vector<1x512xi1> to vector<1x512xi32>
    %convert_element_type3A_2098 = arith.sitofp %convert_element_type3A_2097 : vector<1x512xi32> to vector<1x512xf32>
    %reduce_sum3A_2099 = vector.shape_cast %convert_element_type3A_2098 : vector<1x512xf32> to vector<1x1x512xf32>
    %reduce_sum3A_2100 = arith.constant dense<0.000000e+00> : vector<1xf32>
    %reduce_sum3A_2101 = vector.multi_reduction <add>, %reduce_sum3A_2099, %reduce_sum3A_2100 [1, 2] : vector<1x1x512xf32> to vector<1xf32>
    %reduce_sum3A_2102 = vector.shape_cast %reduce_sum3A_2101 : vector<1xf32> to vector<1x1x1xf32>
    %reduce_sum3A_2103 = vector.extract %reduce_sum3A_2102[0, 0, 0] : f32 from vector<1x1x1xf32>
    %gt3A_2104 = arith.constant 0.000000e+00 : f32
    %gt3A_2105 = arith.cmpf ogt, %reduce_sum3A_2103, %gt3A_2104 : f32
    %convert_element_type3A_2106 = arith.extui %gt3A_2105 : i1 to i32
    %cond3A_2107 = arith.constant 0 : i32
    %cond3A_2108 = arith.cmpi ne, %convert_element_type3A_2106, %cond3A_2107 : i32
    %cond3A_2109 = scf.if %cond3A_2108 -> (vector<8x512xf32>) {
      %reshape3A_2522 = vector.shape_cast %slice3A_2089 : vector<1x512xf32> to vector<512x1xf32>
      %eq3A = vector.broadcast %reshape3A_2522 : vector<512x1xf32> to vector<512x512xf32>
      %eq3A_2523 = vector.broadcast %convert_element_type3A_2004 : vector<1x512xf32> to vector<512x512xf32>
      %eq3A_2524 = arith.cmpf oeq, %eq3A, %eq3A_2523 : vector<512x512xf32>
      %convert_element_type3A_2525 = arith.extui %eq3A_2524 : vector<512x512xi1> to vector<512x512xi32>
      %convert_element_type3A_2526 = arith.sitofp %convert_element_type3A_2525 : vector<512x512xi32> to vector<512x512xf32>
      %slice3A_2527 = vector.extract_strided_slice %concatenate3A_1477 {offsets = [0, 2048], sizes = [8, 512], strides = [1, 1]} : vector<8x6144xf32> to vector<8x512xf32>
      %convert_element_type3A_2528 = arith.truncf %slice3A_2527 : vector<8x512xf32> to vector<8x512xbf16>
      %convert_element_type3A_2529 = arith.extf %convert_element_type3A_2528 : vector<8x512xbf16> to vector<8x512xf32>
      %sub3A_2530 = arith.subf %slice3A_2527, %convert_element_type3A_2529 : vector<8x512xf32>
      %dot_general3A_2531 = arith.constant dense<0.000000e+00> : vector<8x512xf32>
      %dot_general3A_2532 = tpu.matmul %convert_element_type3A_2529, %convert_element_type3A_2526, %dot_general3A_2531 {dimension_numbers = #tpu.dot_dimension_numbers<[1], [0], [0], [1], [0, 0, 1, 1], [], []>, transpose_lhs_hint = false} : vector<8x512xf32>, vector<512x512xf32>, vector<8x512xf32> -> vector<8x512xf32>
      %add3A_2533 = arith.addf %cond3A_2088, %dot_general3A_2532 : vector<8x512xf32>
      %dot_general3A_2534 = arith.constant dense<0.000000e+00> : vector<8x512xf32>
      %dot_general3A_2535 = tpu.matmul %sub3A_2530, %convert_element_type3A_2526, %dot_general3A_2534 {dimension_numbers = #tpu.dot_dimension_numbers<[1], [0], [0], [1], [0, 0, 1, 1], [], []>, transpose_lhs_hint = false} : vector<8x512xf32>, vector<512x512xf32>, vector<8x512xf32> -> vector<8x512xf32>
      %add3A_2536 = arith.addf %add3A_2533, %dot_general3A_2535 : vector<8x512xf32>
      scf.yield %add3A_2536 : vector<8x512xf32>
    } else {
      scf.yield %cond3A_2088 : vector<8x512xf32>
    }
    %slice3A_2110 = vector.extract_strided_slice %select_n3A_1474 {offsets = [5, 0], sizes = [1, 512], strides = [1, 1]} : vector<12x512xf32> to vector<1x512xf32>
    %ge3A_2111 = arith.constant 1.024000e+03 : f32
    %ge3A_2112 = vector.broadcast %ge3A_2111 : f32 to vector<1x512xf32>
    %ge3A_2113 = arith.cmpf oge, %slice3A_2110, %ge3A_2112 : vector<1x512xf32>
    %lt3A_2114 = arith.constant 1.536000e+03 : f32
    %lt3A_2115 = vector.broadcast %lt3A_2114 : f32 to vector<1x512xf32>
    %lt3A_2116 = arith.cmpf olt, %slice3A_2110, %lt3A_2115 : vector<1x512xf32>
    %and3A_2117 = arith.andi %ge3A_2113, %lt3A_2116 : vector<1x512xi1>
    %convert_element_type3A_2118 = arith.extui %and3A_2117 : vector<1x512xi1> to vector<1x512xi32>
    %convert_element_type3A_2119 = arith.sitofp %convert_element_type3A_2118 : vector<1x512xi32> to vector<1x512xf32>
    %reduce_sum3A_2120 = vector.shape_cast %convert_element_type3A_2119 : vector<1x512xf32> to vector<1x1x512xf32>
    %reduce_sum3A_2121 = arith.constant dense<0.000000e+00> : vector<1xf32>
    %reduce_sum3A_2122 = vector.multi_reduction <add>, %reduce_sum3A_2120, %reduce_sum3A_2121 [1, 2] : vector<1x1x512xf32> to vector<1xf32>
    %reduce_sum3A_2123 = vector.shape_cast %reduce_sum3A_2122 : vector<1xf32> to vector<1x1x1xf32>
    %reduce_sum3A_2124 = vector.extract %reduce_sum3A_2123[0, 0, 0] : f32 from vector<1x1x1xf32>
    %gt3A_2125 = arith.constant 0.000000e+00 : f32
    %gt3A_2126 = arith.cmpf ogt, %reduce_sum3A_2124, %gt3A_2125 : f32
    %convert_element_type3A_2127 = arith.extui %gt3A_2126 : i1 to i32
    %cond3A_2128 = arith.constant 0 : i32
    %cond3A_2129 = arith.cmpi ne, %convert_element_type3A_2127, %cond3A_2128 : i32
    %cond3A_2130 = scf.if %cond3A_2129 -> (vector<8x512xf32>) {
      %reshape3A_2522 = vector.shape_cast %slice3A_2110 : vector<1x512xf32> to vector<512x1xf32>
      %eq3A = vector.broadcast %reshape3A_2522 : vector<512x1xf32> to vector<512x512xf32>
      %eq3A_2523 = vector.broadcast %convert_element_type3A_2004 : vector<1x512xf32> to vector<512x512xf32>
      %eq3A_2524 = arith.cmpf oeq, %eq3A, %eq3A_2523 : vector<512x512xf32>
      %convert_element_type3A_2525 = arith.extui %eq3A_2524 : vector<512x512xi1> to vector<512x512xi32>
      %convert_element_type3A_2526 = arith.sitofp %convert_element_type3A_2525 : vector<512x512xi32> to vector<512x512xf32>
      %slice3A_2527 = vector.extract_strided_slice %concatenate3A_1477 {offsets = [0, 2560], sizes = [8, 512], strides = [1, 1]} : vector<8x6144xf32> to vector<8x512xf32>
      %convert_element_type3A_2528 = arith.truncf %slice3A_2527 : vector<8x512xf32> to vector<8x512xbf16>
      %convert_element_type3A_2529 = arith.extf %convert_element_type3A_2528 : vector<8x512xbf16> to vector<8x512xf32>
      %sub3A_2530 = arith.subf %slice3A_2527, %convert_element_type3A_2529 : vector<8x512xf32>
      %dot_general3A_2531 = arith.constant dense<0.000000e+00> : vector<8x512xf32>
      %dot_general3A_2532 = tpu.matmul %convert_element_type3A_2529, %convert_element_type3A_2526, %dot_general3A_2531 {dimension_numbers = #tpu.dot_dimension_numbers<[1], [0], [0], [1], [0, 0, 1, 1], [], []>, transpose_lhs_hint = false} : vector<8x512xf32>, vector<512x512xf32>, vector<8x512xf32> -> vector<8x512xf32>
      %add3A_2533 = arith.addf %cond3A_2109, %dot_general3A_2532 : vector<8x512xf32>
      %dot_general3A_2534 = arith.constant dense<0.000000e+00> : vector<8x512xf32>
      %dot_general3A_2535 = tpu.matmul %sub3A_2530, %convert_element_type3A_2526, %dot_general3A_2534 {dimension_numbers = #tpu.dot_dimension_numbers<[1], [0], [0], [1], [0, 0, 1, 1], [], []>, transpose_lhs_hint = false} : vector<8x512xf32>, vector<512x512xf32>, vector<8x512xf32> -> vector<8x512xf32>
      %add3A_2536 = arith.addf %add3A_2533, %dot_general3A_2535 : vector<8x512xf32>
      scf.yield %add3A_2536 : vector<8x512xf32>
    } else {
      scf.yield %cond3A_2109 : vector<8x512xf32>
    }
    %slice3A_2131 = vector.extract_strided_slice %select_n3A_1474 {offsets = [6, 0], sizes = [1, 512], strides = [1, 1]} : vector<12x512xf32> to vector<1x512xf32>
    %ge3A_2132 = arith.constant 1.024000e+03 : f32
    %ge3A_2133 = vector.broadcast %ge3A_2132 : f32 to vector<1x512xf32>
    %ge3A_2134 = arith.cmpf oge, %slice3A_2131, %ge3A_2133 : vector<1x512xf32>
    %lt3A_2135 = arith.constant 1.536000e+03 : f32
    %lt3A_2136 = vector.broadcast %lt3A_2135 : f32 to vector<1x512xf32>
    %lt3A_2137 = arith.cmpf olt, %slice3A_2131, %lt3A_2136 : vector<1x512xf32>
    %and3A_2138 = arith.andi %ge3A_2134, %lt3A_2137 : vector<1x512xi1>
    %convert_element_type3A_2139 = arith.extui %and3A_2138 : vector<1x512xi1> to vector<1x512xi32>
    %convert_element_type3A_2140 = arith.sitofp %convert_element_type3A_2139 : vector<1x512xi32> to vector<1x512xf32>
    %reduce_sum3A_2141 = vector.shape_cast %convert_element_type3A_2140 : vector<1x512xf32> to vector<1x1x512xf32>
    %reduce_sum3A_2142 = arith.constant dense<0.000000e+00> : vector<1xf32>
    %reduce_sum3A_2143 = vector.multi_reduction <add>, %reduce_sum3A_2141, %reduce_sum3A_2142 [1, 2] : vector<1x1x512xf32> to vector<1xf32>
    %reduce_sum3A_2144 = vector.shape_cast %reduce_sum3A_2143 : vector<1xf32> to vector<1x1x1xf32>
    %reduce_sum3A_2145 = vector.extract %reduce_sum3A_2144[0, 0, 0] : f32 from vector<1x1x1xf32>
    %gt3A_2146 = arith.constant 0.000000e+00 : f32
    %gt3A_2147 = arith.cmpf ogt, %reduce_sum3A_2145, %gt3A_2146 : f32
    %convert_element_type3A_2148 = arith.extui %gt3A_2147 : i1 to i32
    %cond3A_2149 = arith.constant 0 : i32
    %cond3A_2150 = arith.cmpi ne, %convert_element_type3A_2148, %cond3A_2149 : i32
    %cond3A_2151 = scf.if %cond3A_2150 -> (vector<8x512xf32>) {
      %reshape3A_2522 = vector.shape_cast %slice3A_2131 : vector<1x512xf32> to vector<512x1xf32>
      %eq3A = vector.broadcast %reshape3A_2522 : vector<512x1xf32> to vector<512x512xf32>
      %eq3A_2523 = vector.broadcast %convert_element_type3A_2004 : vector<1x512xf32> to vector<512x512xf32>
      %eq3A_2524 = arith.cmpf oeq, %eq3A, %eq3A_2523 : vector<512x512xf32>
      %convert_element_type3A_2525 = arith.extui %eq3A_2524 : vector<512x512xi1> to vector<512x512xi32>
      %convert_element_type3A_2526 = arith.sitofp %convert_element_type3A_2525 : vector<512x512xi32> to vector<512x512xf32>
      %slice3A_2527 = vector.extract_strided_slice %concatenate3A_1477 {offsets = [0, 3072], sizes = [8, 512], strides = [1, 1]} : vector<8x6144xf32> to vector<8x512xf32>
      %convert_element_type3A_2528 = arith.truncf %slice3A_2527 : vector<8x512xf32> to vector<8x512xbf16>
      %convert_element_type3A_2529 = arith.extf %convert_element_type3A_2528 : vector<8x512xbf16> to vector<8x512xf32>
      %sub3A_2530 = arith.subf %slice3A_2527, %convert_element_type3A_2529 : vector<8x512xf32>
      %dot_general3A_2531 = arith.constant dense<0.000000e+00> : vector<8x512xf32>
      %dot_general3A_2532 = tpu.matmul %convert_element_type3A_2529, %convert_element_type3A_2526, %dot_general3A_2531 {dimension_numbers = #tpu.dot_dimension_numbers<[1], [0], [0], [1], [0, 0, 1, 1], [], []>, transpose_lhs_hint = false} : vector<8x512xf32>, vector<512x512xf32>, vector<8x512xf32> -> vector<8x512xf32>
      %add3A_2533 = arith.addf %cond3A_2130, %dot_general3A_2532 : vector<8x512xf32>
      %dot_general3A_2534 = arith.constant dense<0.000000e+00> : vector<8x512xf32>
      %dot_general3A_2535 = tpu.matmul %sub3A_2530, %convert_element_type3A_2526, %dot_general3A_2534 {dimension_numbers = #tpu.dot_dimension_numbers<[1], [0], [0], [1], [0, 0, 1, 1], [], []>, transpose_lhs_hint = false} : vector<8x512xf32>, vector<512x512xf32>, vector<8x512xf32> -> vector<8x512xf32>
      %add3A_2536 = arith.addf %add3A_2533, %dot_general3A_2535 : vector<8x512xf32>
      scf.yield %add3A_2536 : vector<8x512xf32>
    } else {
      scf.yield %cond3A_2130 : vector<8x512xf32>
    }
    %slice3A_2152 = vector.extract_strided_slice %select_n3A_1474 {offsets = [7, 0], sizes = [1, 512], strides = [1, 1]} : vector<12x512xf32> to vector<1x512xf32>
    %ge3A_2153 = arith.constant 1.024000e+03 : f32
    %ge3A_2154 = vector.broadcast %ge3A_2153 : f32 to vector<1x512xf32>
    %ge3A_2155 = arith.cmpf oge, %slice3A_2152, %ge3A_2154 : vector<1x512xf32>
    %lt3A_2156 = arith.constant 1.536000e+03 : f32
    %lt3A_2157 = vector.broadcast %lt3A_2156 : f32 to vector<1x512xf32>
    %lt3A_2158 = arith.cmpf olt, %slice3A_2152, %lt3A_2157 : vector<1x512xf32>
    %and3A_2159 = arith.andi %ge3A_2155, %lt3A_2158 : vector<1x512xi1>
    %convert_element_type3A_2160 = arith.extui %and3A_2159 : vector<1x512xi1> to vector<1x512xi32>
    %convert_element_type3A_2161 = arith.sitofp %convert_element_type3A_2160 : vector<1x512xi32> to vector<1x512xf32>
    %reduce_sum3A_2162 = vector.shape_cast %convert_element_type3A_2161 : vector<1x512xf32> to vector<1x1x512xf32>
    %reduce_sum3A_2163 = arith.constant dense<0.000000e+00> : vector<1xf32>
    %reduce_sum3A_2164 = vector.multi_reduction <add>, %reduce_sum3A_2162, %reduce_sum3A_2163 [1, 2] : vector<1x1x512xf32> to vector<1xf32>
    %reduce_sum3A_2165 = vector.shape_cast %reduce_sum3A_2164 : vector<1xf32> to vector<1x1x1xf32>
    %reduce_sum3A_2166 = vector.extract %reduce_sum3A_2165[0, 0, 0] : f32 from vector<1x1x1xf32>
    %gt3A_2167 = arith.constant 0.000000e+00 : f32
    %gt3A_2168 = arith.cmpf ogt, %reduce_sum3A_2166, %gt3A_2167 : f32
    %convert_element_type3A_2169 = arith.extui %gt3A_2168 : i1 to i32
    %cond3A_2170 = arith.constant 0 : i32
    %cond3A_2171 = arith.cmpi ne, %convert_element_type3A_2169, %cond3A_2170 : i32
    %cond3A_2172 = scf.if %cond3A_2171 -> (vector<8x512xf32>) {
      %reshape3A_2522 = vector.shape_cast %slice3A_2152 : vector<1x512xf32> to vector<512x1xf32>
      %eq3A = vector.broadcast %reshape3A_2522 : vector<512x1xf32> to vector<512x512xf32>
      %eq3A_2523 = vector.broadcast %convert_element_type3A_2004 : vector<1x512xf32> to vector<512x512xf32>
      %eq3A_2524 = arith.cmpf oeq, %eq3A, %eq3A_2523 : vector<512x512xf32>
      %convert_element_type3A_2525 = arith.extui %eq3A_2524 : vector<512x512xi1> to vector<512x512xi32>
      %convert_element_type3A_2526 = arith.sitofp %convert_element_type3A_2525 : vector<512x512xi32> to vector<512x512xf32>
      %slice3A_2527 = vector.extract_strided_slice %concatenate3A_1477 {offsets = [0, 3584], sizes = [8, 512], strides = [1, 1]} : vector<8x6144xf32> to vector<8x512xf32>
      %convert_element_type3A_2528 = arith.truncf %slice3A_2527 : vector<8x512xf32> to vector<8x512xbf16>
      %convert_element_type3A_2529 = arith.extf %convert_element_type3A_2528 : vector<8x512xbf16> to vector<8x512xf32>
      %sub3A_2530 = arith.subf %slice3A_2527, %convert_element_type3A_2529 : vector<8x512xf32>
      %dot_general3A_2531 = arith.constant dense<0.000000e+00> : vector<8x512xf32>
      %dot_general3A_2532 = tpu.matmul %convert_element_type3A_2529, %convert_element_type3A_2526, %dot_general3A_2531 {dimension_numbers = #tpu.dot_dimension_numbers<[1], [0], [0], [1], [0, 0, 1, 1], [], []>, transpose_lhs_hint = false} : vector<8x512xf32>, vector<512x512xf32>, vector<8x512xf32> -> vector<8x512xf32>
      %add3A_2533 = arith.addf %cond3A_2151, %dot_general3A_2532 : vector<8x512xf32>
      %dot_general3A_2534 = arith.constant dense<0.000000e+00> : vector<8x512xf32>
      %dot_general3A_2535 = tpu.matmul %sub3A_2530, %convert_element_type3A_2526, %dot_general3A_2534 {dimension_numbers = #tpu.dot_dimension_numbers<[1], [0], [0], [1], [0, 0, 1, 1], [], []>, transpose_lhs_hint = false} : vector<8x512xf32>, vector<512x512xf32>, vector<8x512xf32> -> vector<8x512xf32>
      %add3A_2536 = arith.addf %add3A_2533, %dot_general3A_2535 : vector<8x512xf32>
      scf.yield %add3A_2536 : vector<8x512xf32>
    } else {
      scf.yield %cond3A_2151 : vector<8x512xf32>
    }
    %slice3A_2173 = vector.extract_strided_slice %select_n3A_1474 {offsets = [8, 0], sizes = [1, 512], strides = [1, 1]} : vector<12x512xf32> to vector<1x512xf32>
    %ge3A_2174 = arith.constant 1.024000e+03 : f32
    %ge3A_2175 = vector.broadcast %ge3A_2174 : f32 to vector<1x512xf32>
    %ge3A_2176 = arith.cmpf oge, %slice3A_2173, %ge3A_2175 : vector<1x512xf32>
    %lt3A_2177 = arith.constant 1.536000e+03 : f32
    %lt3A_2178 = vector.broadcast %lt3A_2177 : f32 to vector<1x512xf32>
    %lt3A_2179 = arith.cmpf olt, %slice3A_2173, %lt3A_2178 : vector<1x512xf32>
    %and3A_2180 = arith.andi %ge3A_2176, %lt3A_2179 : vector<1x512xi1>
    %convert_element_type3A_2181 = arith.extui %and3A_2180 : vector<1x512xi1> to vector<1x512xi32>
    %convert_element_type3A_2182 = arith.sitofp %convert_element_type3A_2181 : vector<1x512xi32> to vector<1x512xf32>
    %reduce_sum3A_2183 = vector.shape_cast %convert_element_type3A_2182 : vector<1x512xf32> to vector<1x1x512xf32>
    %reduce_sum3A_2184 = arith.constant dense<0.000000e+00> : vector<1xf32>
    %reduce_sum3A_2185 = vector.multi_reduction <add>, %reduce_sum3A_2183, %reduce_sum3A_2184 [1, 2] : vector<1x1x512xf32> to vector<1xf32>
    %reduce_sum3A_2186 = vector.shape_cast %reduce_sum3A_2185 : vector<1xf32> to vector<1x1x1xf32>
    %reduce_sum3A_2187 = vector.extract %reduce_sum3A_2186[0, 0, 0] : f32 from vector<1x1x1xf32>
    %gt3A_2188 = arith.constant 0.000000e+00 : f32
    %gt3A_2189 = arith.cmpf ogt, %reduce_sum3A_2187, %gt3A_2188 : f32
    %convert_element_type3A_2190 = arith.extui %gt3A_2189 : i1 to i32
    %cond3A_2191 = arith.constant 0 : i32
    %cond3A_2192 = arith.cmpi ne, %convert_element_type3A_2190, %cond3A_2191 : i32
    %cond3A_2193 = scf.if %cond3A_2192 -> (vector<8x512xf32>) {
      %reshape3A_2522 = vector.shape_cast %slice3A_2173 : vector<1x512xf32> to vector<512x1xf32>
      %eq3A = vector.broadcast %reshape3A_2522 : vector<512x1xf32> to vector<512x512xf32>
      %eq3A_2523 = vector.broadcast %convert_element_type3A_2004 : vector<1x512xf32> to vector<512x512xf32>
      %eq3A_2524 = arith.cmpf oeq, %eq3A, %eq3A_2523 : vector<512x512xf32>
      %convert_element_type3A_2525 = arith.extui %eq3A_2524 : vector<512x512xi1> to vector<512x512xi32>
      %convert_element_type3A_2526 = arith.sitofp %convert_element_type3A_2525 : vector<512x512xi32> to vector<512x512xf32>
      %slice3A_2527 = vector.extract_strided_slice %concatenate3A_1477 {offsets = [0, 4096], sizes = [8, 512], strides = [1, 1]} : vector<8x6144xf32> to vector<8x512xf32>
      %convert_element_type3A_2528 = arith.truncf %slice3A_2527 : vector<8x512xf32> to vector<8x512xbf16>
      %convert_element_type3A_2529 = arith.extf %convert_element_type3A_2528 : vector<8x512xbf16> to vector<8x512xf32>
      %sub3A_2530 = arith.subf %slice3A_2527, %convert_element_type3A_2529 : vector<8x512xf32>
      %dot_general3A_2531 = arith.constant dense<0.000000e+00> : vector<8x512xf32>
      %dot_general3A_2532 = tpu.matmul %convert_element_type3A_2529, %convert_element_type3A_2526, %dot_general3A_2531 {dimension_numbers = #tpu.dot_dimension_numbers<[1], [0], [0], [1], [0, 0, 1, 1], [], []>, transpose_lhs_hint = false} : vector<8x512xf32>, vector<512x512xf32>, vector<8x512xf32> -> vector<8x512xf32>
      %add3A_2533 = arith.addf %cond3A_2172, %dot_general3A_2532 : vector<8x512xf32>
      %dot_general3A_2534 = arith.constant dense<0.000000e+00> : vector<8x512xf32>
      %dot_general3A_2535 = tpu.matmul %sub3A_2530, %convert_element_type3A_2526, %dot_general3A_2534 {dimension_numbers = #tpu.dot_dimension_numbers<[1], [0], [0], [1], [0, 0, 1, 1], [], []>, transpose_lhs_hint = false} : vector<8x512xf32>, vector<512x512xf32>, vector<8x512xf32> -> vector<8x512xf32>
      %add3A_2536 = arith.addf %add3A_2533, %dot_general3A_2535 : vector<8x512xf32>
      scf.yield %add3A_2536 : vector<8x512xf32>
    } else {
      scf.yield %cond3A_2172 : vector<8x512xf32>
    }
    %slice3A_2194 = vector.extract_strided_slice %select_n3A_1474 {offsets = [9, 0], sizes = [1, 512], strides = [1, 1]} : vector<12x512xf32> to vector<1x512xf32>
    %ge3A_2195 = arith.constant 1.024000e+03 : f32
    %ge3A_2196 = vector.broadcast %ge3A_2195 : f32 to vector<1x512xf32>
    %ge3A_2197 = arith.cmpf oge, %slice3A_2194, %ge3A_2196 : vector<1x512xf32>
    %lt3A_2198 = arith.constant 1.536000e+03 : f32
    %lt3A_2199 = vector.broadcast %lt3A_2198 : f32 to vector<1x512xf32>
    %lt3A_2200 = arith.cmpf olt, %slice3A_2194, %lt3A_2199 : vector<1x512xf32>
    %and3A_2201 = arith.andi %ge3A_2197, %lt3A_2200 : vector<1x512xi1>
    %convert_element_type3A_2202 = arith.extui %and3A_2201 : vector<1x512xi1> to vector<1x512xi32>
    %convert_element_type3A_2203 = arith.sitofp %convert_element_type3A_2202 : vector<1x512xi32> to vector<1x512xf32>
    %reduce_sum3A_2204 = vector.shape_cast %convert_element_type3A_2203 : vector<1x512xf32> to vector<1x1x512xf32>
    %reduce_sum3A_2205 = arith.constant dense<0.000000e+00> : vector<1xf32>
    %reduce_sum3A_2206 = vector.multi_reduction <add>, %reduce_sum3A_2204, %reduce_sum3A_2205 [1, 2] : vector<1x1x512xf32> to vector<1xf32>
    %reduce_sum3A_2207 = vector.shape_cast %reduce_sum3A_2206 : vector<1xf32> to vector<1x1x1xf32>
    %reduce_sum3A_2208 = vector.extract %reduce_sum3A_2207[0, 0, 0] : f32 from vector<1x1x1xf32>
    %gt3A_2209 = arith.constant 0.000000e+00 : f32
    %gt3A_2210 = arith.cmpf ogt, %reduce_sum3A_2208, %gt3A_2209 : f32
    %convert_element_type3A_2211 = arith.extui %gt3A_2210 : i1 to i32
    %cond3A_2212 = arith.constant 0 : i32
    %cond3A_2213 = arith.cmpi ne, %convert_element_type3A_2211, %cond3A_2212 : i32
    %cond3A_2214 = scf.if %cond3A_2213 -> (vector<8x512xf32>) {
      %reshape3A_2522 = vector.shape_cast %slice3A_2194 : vector<1x512xf32> to vector<512x1xf32>
      %eq3A = vector.broadcast %reshape3A_2522 : vector<512x1xf32> to vector<512x512xf32>
      %eq3A_2523 = vector.broadcast %convert_element_type3A_2004 : vector<1x512xf32> to vector<512x512xf32>
      %eq3A_2524 = arith.cmpf oeq, %eq3A, %eq3A_2523 : vector<512x512xf32>
      %convert_element_type3A_2525 = arith.extui %eq3A_2524 : vector<512x512xi1> to vector<512x512xi32>
      %convert_element_type3A_2526 = arith.sitofp %convert_element_type3A_2525 : vector<512x512xi32> to vector<512x512xf32>
      %slice3A_2527 = vector.extract_strided_slice %concatenate3A_1477 {offsets = [0, 4608], sizes = [8, 512], strides = [1, 1]} : vector<8x6144xf32> to vector<8x512xf32>
      %convert_element_type3A_2528 = arith.truncf %slice3A_2527 : vector<8x512xf32> to vector<8x512xbf16>
      %convert_element_type3A_2529 = arith.extf %convert_element_type3A_2528 : vector<8x512xbf16> to vector<8x512xf32>
      %sub3A_2530 = arith.subf %slice3A_2527, %convert_element_type3A_2529 : vector<8x512xf32>
      %dot_general3A_2531 = arith.constant dense<0.000000e+00> : vector<8x512xf32>
      %dot_general3A_2532 = tpu.matmul %convert_element_type3A_2529, %convert_element_type3A_2526, %dot_general3A_2531 {dimension_numbers = #tpu.dot_dimension_numbers<[1], [0], [0], [1], [0, 0, 1, 1], [], []>, transpose_lhs_hint = false} : vector<8x512xf32>, vector<512x512xf32>, vector<8x512xf32> -> vector<8x512xf32>
      %add3A_2533 = arith.addf %cond3A_2193, %dot_general3A_2532 : vector<8x512xf32>
      %dot_general3A_2534 = arith.constant dense<0.000000e+00> : vector<8x512xf32>
      %dot_general3A_2535 = tpu.matmul %sub3A_2530, %convert_element_type3A_2526, %dot_general3A_2534 {dimension_numbers = #tpu.dot_dimension_numbers<[1], [0], [0], [1], [0, 0, 1, 1], [], []>, transpose_lhs_hint = false} : vector<8x512xf32>, vector<512x512xf32>, vector<8x512xf32> -> vector<8x512xf32>
      %add3A_2536 = arith.addf %add3A_2533, %dot_general3A_2535 : vector<8x512xf32>
      scf.yield %add3A_2536 : vector<8x512xf32>
    } else {
      scf.yield %cond3A_2193 : vector<8x512xf32>
    }
    %slice3A_2215 = vector.extract_strided_slice %select_n3A_1474 {offsets = [10, 0], sizes = [1, 512], strides = [1, 1]} : vector<12x512xf32> to vector<1x512xf32>
    %ge3A_2216 = arith.constant 1.024000e+03 : f32
    %ge3A_2217 = vector.broadcast %ge3A_2216 : f32 to vector<1x512xf32>
    %ge3A_2218 = arith.cmpf oge, %slice3A_2215, %ge3A_2217 : vector<1x512xf32>
    %lt3A_2219 = arith.constant 1.536000e+03 : f32
    %lt3A_2220 = vector.broadcast %lt3A_2219 : f32 to vector<1x512xf32>
    %lt3A_2221 = arith.cmpf olt, %slice3A_2215, %lt3A_2220 : vector<1x512xf32>
    %and3A_2222 = arith.andi %ge3A_2218, %lt3A_2221 : vector<1x512xi1>
    %convert_element_type3A_2223 = arith.extui %and3A_2222 : vector<1x512xi1> to vector<1x512xi32>
    %convert_element_type3A_2224 = arith.sitofp %convert_element_type3A_2223 : vector<1x512xi32> to vector<1x512xf32>
    %reduce_sum3A_2225 = vector.shape_cast %convert_element_type3A_2224 : vector<1x512xf32> to vector<1x1x512xf32>
    %reduce_sum3A_2226 = arith.constant dense<0.000000e+00> : vector<1xf32>
    %reduce_sum3A_2227 = vector.multi_reduction <add>, %reduce_sum3A_2225, %reduce_sum3A_2226 [1, 2] : vector<1x1x512xf32> to vector<1xf32>
    %reduce_sum3A_2228 = vector.shape_cast %reduce_sum3A_2227 : vector<1xf32> to vector<1x1x1xf32>
    %reduce_sum3A_2229 = vector.extract %reduce_sum3A_2228[0, 0, 0] : f32 from vector<1x1x1xf32>
    %gt3A_2230 = arith.constant 0.000000e+00 : f32
    %gt3A_2231 = arith.cmpf ogt, %reduce_sum3A_2229, %gt3A_2230 : f32
    %convert_element_type3A_2232 = arith.extui %gt3A_2231 : i1 to i32
    %cond3A_2233 = arith.constant 0 : i32
    %cond3A_2234 = arith.cmpi ne, %convert_element_type3A_2232, %cond3A_2233 : i32
    %cond3A_2235 = scf.if %cond3A_2234 -> (vector<8x512xf32>) {
      %reshape3A_2522 = vector.shape_cast %slice3A_2215 : vector<1x512xf32> to vector<512x1xf32>
      %eq3A = vector.broadcast %reshape3A_2522 : vector<512x1xf32> to vector<512x512xf32>
      %eq3A_2523 = vector.broadcast %convert_element_type3A_2004 : vector<1x512xf32> to vector<512x512xf32>
      %eq3A_2524 = arith.cmpf oeq, %eq3A, %eq3A_2523 : vector<512x512xf32>
      %convert_element_type3A_2525 = arith.extui %eq3A_2524 : vector<512x512xi1> to vector<512x512xi32>
      %convert_element_type3A_2526 = arith.sitofp %convert_element_type3A_2525 : vector<512x512xi32> to vector<512x512xf32>
      %slice3A_2527 = vector.extract_strided_slice %concatenate3A_1477 {offsets = [0, 5120], sizes = [8, 512], strides = [1, 1]} : vector<8x6144xf32> to vector<8x512xf32>
      %convert_element_type3A_2528 = arith.truncf %slice3A_2527 : vector<8x512xf32> to vector<8x512xbf16>
      %convert_element_type3A_2529 = arith.extf %convert_element_type3A_2528 : vector<8x512xbf16> to vector<8x512xf32>
      %sub3A_2530 = arith.subf %slice3A_2527, %convert_element_type3A_2529 : vector<8x512xf32>
      %dot_general3A_2531 = arith.constant dense<0.000000e+00> : vector<8x512xf32>
      %dot_general3A_2532 = tpu.matmul %convert_element_type3A_2529, %convert_element_type3A_2526, %dot_general3A_2531 {dimension_numbers = #tpu.dot_dimension_numbers<[1], [0], [0], [1], [0, 0, 1, 1], [], []>, transpose_lhs_hint = false} : vector<8x512xf32>, vector<512x512xf32>, vector<8x512xf32> -> vector<8x512xf32>
      %add3A_2533 = arith.addf %cond3A_2214, %dot_general3A_2532 : vector<8x512xf32>
      %dot_general3A_2534 = arith.constant dense<0.000000e+00> : vector<8x512xf32>
      %dot_general3A_2535 = tpu.matmul %sub3A_2530, %convert_element_type3A_2526, %dot_general3A_2534 {dimension_numbers = #tpu.dot_dimension_numbers<[1], [0], [0], [1], [0, 0, 1, 1], [], []>, transpose_lhs_hint = false} : vector<8x512xf32>, vector<512x512xf32>, vector<8x512xf32> -> vector<8x512xf32>
      %add3A_2536 = arith.addf %add3A_2533, %dot_general3A_2535 : vector<8x512xf32>
      scf.yield %add3A_2536 : vector<8x512xf32>
    } else {
      scf.yield %cond3A_2214 : vector<8x512xf32>
    }
    %slice3A_2236 = vector.extract_strided_slice %select_n3A_1474 {offsets = [11, 0], sizes = [1, 512], strides = [1, 1]} : vector<12x512xf32> to vector<1x512xf32>
    %ge3A_2237 = arith.constant 1.024000e+03 : f32
    %ge3A_2238 = vector.broadcast %ge3A_2237 : f32 to vector<1x512xf32>
    %ge3A_2239 = arith.cmpf oge, %slice3A_2236, %ge3A_2238 : vector<1x512xf32>
    %lt3A_2240 = arith.constant 1.536000e+03 : f32
    %lt3A_2241 = vector.broadcast %lt3A_2240 : f32 to vector<1x512xf32>
    %lt3A_2242 = arith.cmpf olt, %slice3A_2236, %lt3A_2241 : vector<1x512xf32>
    %and3A_2243 = arith.andi %ge3A_2239, %lt3A_2242 : vector<1x512xi1>
    %convert_element_type3A_2244 = arith.extui %and3A_2243 : vector<1x512xi1> to vector<1x512xi32>
    %convert_element_type3A_2245 = arith.sitofp %convert_element_type3A_2244 : vector<1x512xi32> to vector<1x512xf32>
    %reduce_sum3A_2246 = vector.shape_cast %convert_element_type3A_2245 : vector<1x512xf32> to vector<1x1x512xf32>
    %reduce_sum3A_2247 = arith.constant dense<0.000000e+00> : vector<1xf32>
    %reduce_sum3A_2248 = vector.multi_reduction <add>, %reduce_sum3A_2246, %reduce_sum3A_2247 [1, 2] : vector<1x1x512xf32> to vector<1xf32>
    %reduce_sum3A_2249 = vector.shape_cast %reduce_sum3A_2248 : vector<1xf32> to vector<1x1x1xf32>
    %reduce_sum3A_2250 = vector.extract %reduce_sum3A_2249[0, 0, 0] : f32 from vector<1x1x1xf32>
    %gt3A_2251 = arith.constant 0.000000e+00 : f32
    %gt3A_2252 = arith.cmpf ogt, %reduce_sum3A_2250, %gt3A_2251 : f32
    %convert_element_type3A_2253 = arith.extui %gt3A_2252 : i1 to i32
    %cond3A_2254 = arith.constant 0 : i32
    %cond3A_2255 = arith.cmpi ne, %convert_element_type3A_2253, %cond3A_2254 : i32
    %cond3A_2256 = scf.if %cond3A_2255 -> (vector<8x512xf32>) {
      %reshape3A_2522 = vector.shape_cast %slice3A_2236 : vector<1x512xf32> to vector<512x1xf32>
      %eq3A = vector.broadcast %reshape3A_2522 : vector<512x1xf32> to vector<512x512xf32>
      %eq3A_2523 = vector.broadcast %convert_element_type3A_2004 : vector<1x512xf32> to vector<512x512xf32>
      %eq3A_2524 = arith.cmpf oeq, %eq3A, %eq3A_2523 : vector<512x512xf32>
      %convert_element_type3A_2525 = arith.extui %eq3A_2524 : vector<512x512xi1> to vector<512x512xi32>
      %convert_element_type3A_2526 = arith.sitofp %convert_element_type3A_2525 : vector<512x512xi32> to vector<512x512xf32>
      %slice3A_2527 = vector.extract_strided_slice %concatenate3A_1477 {offsets = [0, 5632], sizes = [8, 512], strides = [1, 1]} : vector<8x6144xf32> to vector<8x512xf32>
      %convert_element_type3A_2528 = arith.truncf %slice3A_2527 : vector<8x512xf32> to vector<8x512xbf16>
      %convert_element_type3A_2529 = arith.extf %convert_element_type3A_2528 : vector<8x512xbf16> to vector<8x512xf32>
      %sub3A_2530 = arith.subf %slice3A_2527, %convert_element_type3A_2529 : vector<8x512xf32>
      %dot_general3A_2531 = arith.constant dense<0.000000e+00> : vector<8x512xf32>
      %dot_general3A_2532 = tpu.matmul %convert_element_type3A_2529, %convert_element_type3A_2526, %dot_general3A_2531 {dimension_numbers = #tpu.dot_dimension_numbers<[1], [0], [0], [1], [0, 0, 1, 1], [], []>, transpose_lhs_hint = false} : vector<8x512xf32>, vector<512x512xf32>, vector<8x512xf32> -> vector<8x512xf32>
      %add3A_2533 = arith.addf %cond3A_2235, %dot_general3A_2532 : vector<8x512xf32>
      %dot_general3A_2534 = arith.constant dense<0.000000e+00> : vector<8x512xf32>
      %dot_general3A_2535 = tpu.matmul %sub3A_2530, %convert_element_type3A_2526, %dot_general3A_2534 {dimension_numbers = #tpu.dot_dimension_numbers<[1], [0], [0], [1], [0, 0, 1, 1], [], []>, transpose_lhs_hint = false} : vector<8x512xf32>, vector<512x512xf32>, vector<8x512xf32> -> vector<8x512xf32>
      %add3A_2536 = arith.addf %add3A_2533, %dot_general3A_2535 : vector<8x512xf32>
      scf.yield %add3A_2536 : vector<8x512xf32>
    } else {
      scf.yield %cond3A_2235 : vector<8x512xf32>
    }
    %swap3A_2257 = arith.constant 0 : index
    %swap3A_2258 = arith.constant 1024 : index
    %swap3A_2259 = vector.load %arg1[%swap3A_2257, %swap3A_2258] : memref<8x2048xf32, #tpu.memory_space<vmem>>, vector<8x512xf32>
    tpu.vector_store %arg1[%swap3A_2257, %swap3A_2258], %cond3A_2256 {strides = array<i32>} : memref<8x2048xf32, #tpu.memory_space<vmem>>, vector<8x512xf32>,
    %broadcast_in_dim3A_2260 = arith.constant 0.000000e+00 : f32
    %broadcast_in_dim3A_2261 = vector.broadcast %broadcast_in_dim3A_2260 : f32 to vector<8x512xf32>
    %iota3A_2262 = tpu.iota {dimensions = array<i32: 1>} : vector<1x512xi32>
    %add3A_2263 = arith.constant 1536 : i32
    %add3A_2264 = vector.broadcast %add3A_2263 : i32 to vector<1x512xi32>
    %add3A_2265 = arith.addi %iota3A_2262, %add3A_2264 : vector<1x512xi32>
    %convert_element_type3A_2266 = arith.sitofp %add3A_2265 : vector<1x512xi32> to vector<1x512xf32>
    %slice3A_2267 = vector.extract_strided_slice %select_n3A_1474 {offsets = [0, 0], sizes = [1, 512], strides = [1, 1]} : vector<12x512xf32> to vector<1x512xf32>
    %ge3A_2268 = arith.constant 1.536000e+03 : f32
    %ge3A_2269 = vector.broadcast %ge3A_2268 : f32 to vector<1x512xf32>
    %ge3A_2270 = arith.cmpf oge, %slice3A_2267, %ge3A_2269 : vector<1x512xf32>
    %lt3A_2271 = arith.constant 2.048000e+03 : f32
    %lt3A_2272 = vector.broadcast %lt3A_2271 : f32 to vector<1x512xf32>
    %lt3A_2273 = arith.cmpf olt, %slice3A_2267, %lt3A_2272 : vector<1x512xf32>
    %and3A_2274 = arith.andi %ge3A_2270, %lt3A_2273 : vector<1x512xi1>
    %convert_element_type3A_2275 = arith.extui %and3A_2274 : vector<1x512xi1> to vector<1x512xi32>
    %convert_element_type3A_2276 = arith.sitofp %convert_element_type3A_2275 : vector<1x512xi32> to vector<1x512xf32>
    %reduce_sum3A_2277 = vector.shape_cast %convert_element_type3A_2276 : vector<1x512xf32> to vector<1x1x512xf32>
    %reduce_sum3A_2278 = arith.constant dense<0.000000e+00> : vector<1xf32>
    %reduce_sum3A_2279 = vector.multi_reduction <add>, %reduce_sum3A_2277, %reduce_sum3A_2278 [1, 2] : vector<1x1x512xf32> to vector<1xf32>
    %reduce_sum3A_2280 = vector.shape_cast %reduce_sum3A_2279 : vector<1xf32> to vector<1x1x1xf32>
    %reduce_sum3A_2281 = vector.extract %reduce_sum3A_2280[0, 0, 0] : f32 from vector<1x1x1xf32>
    %gt3A_2282 = arith.constant 0.000000e+00 : f32
    %gt3A_2283 = arith.cmpf ogt, %reduce_sum3A_2281, %gt3A_2282 : f32
    %convert_element_type3A_2284 = arith.extui %gt3A_2283 : i1 to i32
    %cond3A_2285 = arith.constant 0 : i32
    %cond3A_2286 = arith.cmpi ne, %convert_element_type3A_2284, %cond3A_2285 : i32
    %cond3A_2287 = scf.if %cond3A_2286 -> (vector<8x512xf32>) {
      %reshape3A_2522 = vector.shape_cast %slice3A_2267 : vector<1x512xf32> to vector<512x1xf32>
      %eq3A = vector.broadcast %reshape3A_2522 : vector<512x1xf32> to vector<512x512xf32>
      %eq3A_2523 = vector.broadcast %convert_element_type3A_2266 : vector<1x512xf32> to vector<512x512xf32>
      %eq3A_2524 = arith.cmpf oeq, %eq3A, %eq3A_2523 : vector<512x512xf32>
      %convert_element_type3A_2525 = arith.extui %eq3A_2524 : vector<512x512xi1> to vector<512x512xi32>
      %convert_element_type3A_2526 = arith.sitofp %convert_element_type3A_2525 : vector<512x512xi32> to vector<512x512xf32>
      %slice3A_2527 = vector.extract_strided_slice %concatenate3A_1477 {offsets = [0, 0], sizes = [8, 512], strides = [1, 1]} : vector<8x6144xf32> to vector<8x512xf32>
      %convert_element_type3A_2528 = arith.truncf %slice3A_2527 : vector<8x512xf32> to vector<8x512xbf16>
      %convert_element_type3A_2529 = arith.extf %convert_element_type3A_2528 : vector<8x512xbf16> to vector<8x512xf32>
      %sub3A_2530 = arith.subf %slice3A_2527, %convert_element_type3A_2529 : vector<8x512xf32>
      %dot_general3A_2531 = arith.constant dense<0.000000e+00> : vector<8x512xf32>
      %dot_general3A_2532 = tpu.matmul %convert_element_type3A_2529, %convert_element_type3A_2526, %dot_general3A_2531 {dimension_numbers = #tpu.dot_dimension_numbers<[1], [0], [0], [1], [0, 0, 1, 1], [], []>, transpose_lhs_hint = false} : vector<8x512xf32>, vector<512x512xf32>, vector<8x512xf32> -> vector<8x512xf32>
      %add3A_2533 = arith.addf %broadcast_in_dim3A_2261, %dot_general3A_2532 : vector<8x512xf32>
      %dot_general3A_2534 = arith.constant dense<0.000000e+00> : vector<8x512xf32>
      %dot_general3A_2535 = tpu.matmul %sub3A_2530, %convert_element_type3A_2526, %dot_general3A_2534 {dimension_numbers = #tpu.dot_dimension_numbers<[1], [0], [0], [1], [0, 0, 1, 1], [], []>, transpose_lhs_hint = false} : vector<8x512xf32>, vector<512x512xf32>, vector<8x512xf32> -> vector<8x512xf32>
      %add3A_2536 = arith.addf %add3A_2533, %dot_general3A_2535 : vector<8x512xf32>
      scf.yield %add3A_2536 : vector<8x512xf32>
    } else {
      scf.yield %broadcast_in_dim3A_2261 : vector<8x512xf32>
    }
    %slice3A_2288 = vector.extract_strided_slice %select_n3A_1474 {offsets = [1, 0], sizes = [1, 512], strides = [1, 1]} : vector<12x512xf32> to vector<1x512xf32>
    %ge3A_2289 = arith.constant 1.536000e+03 : f32
    %ge3A_2290 = vector.broadcast %ge3A_2289 : f32 to vector<1x512xf32>
    %ge3A_2291 = arith.cmpf oge, %slice3A_2288, %ge3A_2290 : vector<1x512xf32>
    %lt3A_2292 = arith.constant 2.048000e+03 : f32
    %lt3A_2293 = vector.broadcast %lt3A_2292 : f32 to vector<1x512xf32>
    %lt3A_2294 = arith.cmpf olt, %slice3A_2288, %lt3A_2293 : vector<1x512xf32>
    %and3A_2295 = arith.andi %ge3A_2291, %lt3A_2294 : vector<1x512xi1>
    %convert_element_type3A_2296 = arith.extui %and3A_2295 : vector<1x512xi1> to vector<1x512xi32>
    %convert_element_type3A_2297 = arith.sitofp %convert_element_type3A_2296 : vector<1x512xi32> to vector<1x512xf32>
    %reduce_sum3A_2298 = vector.shape_cast %convert_element_type3A_2297 : vector<1x512xf32> to vector<1x1x512xf32>
    %reduce_sum3A_2299 = arith.constant dense<0.000000e+00> : vector<1xf32>
    %reduce_sum3A_2300 = vector.multi_reduction <add>, %reduce_sum3A_2298, %reduce_sum3A_2299 [1, 2] : vector<1x1x512xf32> to vector<1xf32>
    %reduce_sum3A_2301 = vector.shape_cast %reduce_sum3A_2300 : vector<1xf32> to vector<1x1x1xf32>
    %reduce_sum3A_2302 = vector.extract %reduce_sum3A_2301[0, 0, 0] : f32 from vector<1x1x1xf32>
    %gt3A_2303 = arith.constant 0.000000e+00 : f32
    %gt3A_2304 = arith.cmpf ogt, %reduce_sum3A_2302, %gt3A_2303 : f32
    %convert_element_type3A_2305 = arith.extui %gt3A_2304 : i1 to i32
    %cond3A_2306 = arith.constant 0 : i32
    %cond3A_2307 = arith.cmpi ne, %convert_element_type3A_2305, %cond3A_2306 : i32
    %cond3A_2308 = scf.if %cond3A_2307 -> (vector<8x512xf32>) {
      %reshape3A_2522 = vector.shape_cast %slice3A_2288 : vector<1x512xf32> to vector<512x1xf32>
      %eq3A = vector.broadcast %reshape3A_2522 : vector<512x1xf32> to vector<512x512xf32>
      %eq3A_2523 = vector.broadcast %convert_element_type3A_2266 : vector<1x512xf32> to vector<512x512xf32>
      %eq3A_2524 = arith.cmpf oeq, %eq3A, %eq3A_2523 : vector<512x512xf32>
      %convert_element_type3A_2525 = arith.extui %eq3A_2524 : vector<512x512xi1> to vector<512x512xi32>
      %convert_element_type3A_2526 = arith.sitofp %convert_element_type3A_2525 : vector<512x512xi32> to vector<512x512xf32>
      %slice3A_2527 = vector.extract_strided_slice %concatenate3A_1477 {offsets = [0, 512], sizes = [8, 512], strides = [1, 1]} : vector<8x6144xf32> to vector<8x512xf32>
      %convert_element_type3A_2528 = arith.truncf %slice3A_2527 : vector<8x512xf32> to vector<8x512xbf16>
      %convert_element_type3A_2529 = arith.extf %convert_element_type3A_2528 : vector<8x512xbf16> to vector<8x512xf32>
      %sub3A_2530 = arith.subf %slice3A_2527, %convert_element_type3A_2529 : vector<8x512xf32>
      %dot_general3A_2531 = arith.constant dense<0.000000e+00> : vector<8x512xf32>
      %dot_general3A_2532 = tpu.matmul %convert_element_type3A_2529, %convert_element_type3A_2526, %dot_general3A_2531 {dimension_numbers = #tpu.dot_dimension_numbers<[1], [0], [0], [1], [0, 0, 1, 1], [], []>, transpose_lhs_hint = false} : vector<8x512xf32>, vector<512x512xf32>, vector<8x512xf32> -> vector<8x512xf32>
      %add3A_2533 = arith.addf %cond3A_2287, %dot_general3A_2532 : vector<8x512xf32>
      %dot_general3A_2534 = arith.constant dense<0.000000e+00> : vector<8x512xf32>
      %dot_general3A_2535 = tpu.matmul %sub3A_2530, %convert_element_type3A_2526, %dot_general3A_2534 {dimension_numbers = #tpu.dot_dimension_numbers<[1], [0], [0], [1], [0, 0, 1, 1], [], []>, transpose_lhs_hint = false} : vector<8x512xf32>, vector<512x512xf32>, vector<8x512xf32> -> vector<8x512xf32>
      %add3A_2536 = arith.addf %add3A_2533, %dot_general3A_2535 : vector<8x512xf32>
      scf.yield %add3A_2536 : vector<8x512xf32>
    } else {
      scf.yield %cond3A_2287 : vector<8x512xf32>
    }
    %slice3A_2309 = vector.extract_strided_slice %select_n3A_1474 {offsets = [2, 0], sizes = [1, 512], strides = [1, 1]} : vector<12x512xf32> to vector<1x512xf32>
    %ge3A_2310 = arith.constant 1.536000e+03 : f32
    %ge3A_2311 = vector.broadcast %ge3A_2310 : f32 to vector<1x512xf32>
    %ge3A_2312 = arith.cmpf oge, %slice3A_2309, %ge3A_2311 : vector<1x512xf32>
    %lt3A_2313 = arith.constant 2.048000e+03 : f32
    %lt3A_2314 = vector.broadcast %lt3A_2313 : f32 to vector<1x512xf32>
    %lt3A_2315 = arith.cmpf olt, %slice3A_2309, %lt3A_2314 : vector<1x512xf32>
    %and3A_2316 = arith.andi %ge3A_2312, %lt3A_2315 : vector<1x512xi1>
    %convert_element_type3A_2317 = arith.extui %and3A_2316 : vector<1x512xi1> to vector<1x512xi32>
    %convert_element_type3A_2318 = arith.sitofp %convert_element_type3A_2317 : vector<1x512xi32> to vector<1x512xf32>
    %reduce_sum3A_2319 = vector.shape_cast %convert_element_type3A_2318 : vector<1x512xf32> to vector<1x1x512xf32>
    %reduce_sum3A_2320 = arith.constant dense<0.000000e+00> : vector<1xf32>
    %reduce_sum3A_2321 = vector.multi_reduction <add>, %reduce_sum3A_2319, %reduce_sum3A_2320 [1, 2] : vector<1x1x512xf32> to vector<1xf32>
    %reduce_sum3A_2322 = vector.shape_cast %reduce_sum3A_2321 : vector<1xf32> to vector<1x1x1xf32>
    %reduce_sum3A_2323 = vector.extract %reduce_sum3A_2322[0, 0, 0] : f32 from vector<1x1x1xf32>
    %gt3A_2324 = arith.constant 0.000000e+00 : f32
    %gt3A_2325 = arith.cmpf ogt, %reduce_sum3A_2323, %gt3A_2324 : f32
    %convert_element_type3A_2326 = arith.extui %gt3A_2325 : i1 to i32
    %cond3A_2327 = arith.constant 0 : i32
    %cond3A_2328 = arith.cmpi ne, %convert_element_type3A_2326, %cond3A_2327 : i32
    %cond3A_2329 = scf.if %cond3A_2328 -> (vector<8x512xf32>) {
      %reshape3A_2522 = vector.shape_cast %slice3A_2309 : vector<1x512xf32> to vector<512x1xf32>
      %eq3A = vector.broadcast %reshape3A_2522 : vector<512x1xf32> to vector<512x512xf32>
      %eq3A_2523 = vector.broadcast %convert_element_type3A_2266 : vector<1x512xf32> to vector<512x512xf32>
      %eq3A_2524 = arith.cmpf oeq, %eq3A, %eq3A_2523 : vector<512x512xf32>
      %convert_element_type3A_2525 = arith.extui %eq3A_2524 : vector<512x512xi1> to vector<512x512xi32>
      %convert_element_type3A_2526 = arith.sitofp %convert_element_type3A_2525 : vector<512x512xi32> to vector<512x512xf32>
      %slice3A_2527 = vector.extract_strided_slice %concatenate3A_1477 {offsets = [0, 1024], sizes = [8, 512], strides = [1, 1]} : vector<8x6144xf32> to vector<8x512xf32>
      %convert_element_type3A_2528 = arith.truncf %slice3A_2527 : vector<8x512xf32> to vector<8x512xbf16>
      %convert_element_type3A_2529 = arith.extf %convert_element_type3A_2528 : vector<8x512xbf16> to vector<8x512xf32>
      %sub3A_2530 = arith.subf %slice3A_2527, %convert_element_type3A_2529 : vector<8x512xf32>
      %dot_general3A_2531 = arith.constant dense<0.000000e+00> : vector<8x512xf32>
      %dot_general3A_2532 = tpu.matmul %convert_element_type3A_2529, %convert_element_type3A_2526, %dot_general3A_2531 {dimension_numbers = #tpu.dot_dimension_numbers<[1], [0], [0], [1], [0, 0, 1, 1], [], []>, transpose_lhs_hint = false} : vector<8x512xf32>, vector<512x512xf32>, vector<8x512xf32> -> vector<8x512xf32>
      %add3A_2533 = arith.addf %cond3A_2308, %dot_general3A_2532 : vector<8x512xf32>
      %dot_general3A_2534 = arith.constant dense<0.000000e+00> : vector<8x512xf32>
      %dot_general3A_2535 = tpu.matmul %sub3A_2530, %convert_element_type3A_2526, %dot_general3A_2534 {dimension_numbers = #tpu.dot_dimension_numbers<[1], [0], [0], [1], [0, 0, 1, 1], [], []>, transpose_lhs_hint = false} : vector<8x512xf32>, vector<512x512xf32>, vector<8x512xf32> -> vector<8x512xf32>
      %add3A_2536 = arith.addf %add3A_2533, %dot_general3A_2535 : vector<8x512xf32>
      scf.yield %add3A_2536 : vector<8x512xf32>
    } else {
      scf.yield %cond3A_2308 : vector<8x512xf32>
    }
    %slice3A_2330 = vector.extract_strided_slice %select_n3A_1474 {offsets = [3, 0], sizes = [1, 512], strides = [1, 1]} : vector<12x512xf32> to vector<1x512xf32>
    %ge3A_2331 = arith.constant 1.536000e+03 : f32
    %ge3A_2332 = vector.broadcast %ge3A_2331 : f32 to vector<1x512xf32>
    %ge3A_2333 = arith.cmpf oge, %slice3A_2330, %ge3A_2332 : vector<1x512xf32>
    %lt3A_2334 = arith.constant 2.048000e+03 : f32
    %lt3A_2335 = vector.broadcast %lt3A_2334 : f32 to vector<1x512xf32>
    %lt3A_2336 = arith.cmpf olt, %slice3A_2330, %lt3A_2335 : vector<1x512xf32>
    %and3A_2337 = arith.andi %ge3A_2333, %lt3A_2336 : vector<1x512xi1>
    %convert_element_type3A_2338 = arith.extui %and3A_2337 : vector<1x512xi1> to vector<1x512xi32>
    %convert_element_type3A_2339 = arith.sitofp %convert_element_type3A_2338 : vector<1x512xi32> to vector<1x512xf32>
    %reduce_sum3A_2340 = vector.shape_cast %convert_element_type3A_2339 : vector<1x512xf32> to vector<1x1x512xf32>
    %reduce_sum3A_2341 = arith.constant dense<0.000000e+00> : vector<1xf32>
    %reduce_sum3A_2342 = vector.multi_reduction <add>, %reduce_sum3A_2340, %reduce_sum3A_2341 [1, 2] : vector<1x1x512xf32> to vector<1xf32>
    %reduce_sum3A_2343 = vector.shape_cast %reduce_sum3A_2342 : vector<1xf32> to vector<1x1x1xf32>
    %reduce_sum3A_2344 = vector.extract %reduce_sum3A_2343[0, 0, 0] : f32 from vector<1x1x1xf32>
    %gt3A_2345 = arith.constant 0.000000e+00 : f32
    %gt3A_2346 = arith.cmpf ogt, %reduce_sum3A_2344, %gt3A_2345 : f32
    %convert_element_type3A_2347 = arith.extui %gt3A_2346 : i1 to i32
    %cond3A_2348 = arith.constant 0 : i32
    %cond3A_2349 = arith.cmpi ne, %convert_element_type3A_2347, %cond3A_2348 : i32
    %cond3A_2350 = scf.if %cond3A_2349 -> (vector<8x512xf32>) {
      %reshape3A_2522 = vector.shape_cast %slice3A_2330 : vector<1x512xf32> to vector<512x1xf32>
      %eq3A = vector.broadcast %reshape3A_2522 : vector<512x1xf32> to vector<512x512xf32>
      %eq3A_2523 = vector.broadcast %convert_element_type3A_2266 : vector<1x512xf32> to vector<512x512xf32>
      %eq3A_2524 = arith.cmpf oeq, %eq3A, %eq3A_2523 : vector<512x512xf32>
      %convert_element_type3A_2525 = arith.extui %eq3A_2524 : vector<512x512xi1> to vector<512x512xi32>
      %convert_element_type3A_2526 = arith.sitofp %convert_element_type3A_2525 : vector<512x512xi32> to vector<512x512xf32>
      %slice3A_2527 = vector.extract_strided_slice %concatenate3A_1477 {offsets = [0, 1536], sizes = [8, 512], strides = [1, 1]} : vector<8x6144xf32> to vector<8x512xf32>
      %convert_element_type3A_2528 = arith.truncf %slice3A_2527 : vector<8x512xf32> to vector<8x512xbf16>
      %convert_element_type3A_2529 = arith.extf %convert_element_type3A_2528 : vector<8x512xbf16> to vector<8x512xf32>
      %sub3A_2530 = arith.subf %slice3A_2527, %convert_element_type3A_2529 : vector<8x512xf32>
      %dot_general3A_2531 = arith.constant dense<0.000000e+00> : vector<8x512xf32>
      %dot_general3A_2532 = tpu.matmul %convert_element_type3A_2529, %convert_element_type3A_2526, %dot_general3A_2531 {dimension_numbers = #tpu.dot_dimension_numbers<[1], [0], [0], [1], [0, 0, 1, 1], [], []>, transpose_lhs_hint = false} : vector<8x512xf32>, vector<512x512xf32>, vector<8x512xf32> -> vector<8x512xf32>
      %add3A_2533 = arith.addf %cond3A_2329, %dot_general3A_2532 : vector<8x512xf32>
      %dot_general3A_2534 = arith.constant dense<0.000000e+00> : vector<8x512xf32>
      %dot_general3A_2535 = tpu.matmul %sub3A_2530, %convert_element_type3A_2526, %dot_general3A_2534 {dimension_numbers = #tpu.dot_dimension_numbers<[1], [0], [0], [1], [0, 0, 1, 1], [], []>, transpose_lhs_hint = false} : vector<8x512xf32>, vector<512x512xf32>, vector<8x512xf32> -> vector<8x512xf32>
      %add3A_2536 = arith.addf %add3A_2533, %dot_general3A_2535 : vector<8x512xf32>
      scf.yield %add3A_2536 : vector<8x512xf32>
    } else {
      scf.yield %cond3A_2329 : vector<8x512xf32>
    }
    %slice3A_2351 = vector.extract_strided_slice %select_n3A_1474 {offsets = [4, 0], sizes = [1, 512], strides = [1, 1]} : vector<12x512xf32> to vector<1x512xf32>
    %ge3A_2352 = arith.constant 1.536000e+03 : f32
    %ge3A_2353 = vector.broadcast %ge3A_2352 : f32 to vector<1x512xf32>
    %ge3A_2354 = arith.cmpf oge, %slice3A_2351, %ge3A_2353 : vector<1x512xf32>
    %lt3A_2355 = arith.constant 2.048000e+03 : f32
    %lt3A_2356 = vector.broadcast %lt3A_2355 : f32 to vector<1x512xf32>
    %lt3A_2357 = arith.cmpf olt, %slice3A_2351, %lt3A_2356 : vector<1x512xf32>
    %and3A_2358 = arith.andi %ge3A_2354, %lt3A_2357 : vector<1x512xi1>
    %convert_element_type3A_2359 = arith.extui %and3A_2358 : vector<1x512xi1> to vector<1x512xi32>
    %convert_element_type3A_2360 = arith.sitofp %convert_element_type3A_2359 : vector<1x512xi32> to vector<1x512xf32>
    %reduce_sum3A_2361 = vector.shape_cast %convert_element_type3A_2360 : vector<1x512xf32> to vector<1x1x512xf32>
    %reduce_sum3A_2362 = arith.constant dense<0.000000e+00> : vector<1xf32>
    %reduce_sum3A_2363 = vector.multi_reduction <add>, %reduce_sum3A_2361, %reduce_sum3A_2362 [1, 2] : vector<1x1x512xf32> to vector<1xf32>
    %reduce_sum3A_2364 = vector.shape_cast %reduce_sum3A_2363 : vector<1xf32> to vector<1x1x1xf32>
    %reduce_sum3A_2365 = vector.extract %reduce_sum3A_2364[0, 0, 0] : f32 from vector<1x1x1xf32>
    %gt3A_2366 = arith.constant 0.000000e+00 : f32
    %gt3A_2367 = arith.cmpf ogt, %reduce_sum3A_2365, %gt3A_2366 : f32
    %convert_element_type3A_2368 = arith.extui %gt3A_2367 : i1 to i32
    %cond3A_2369 = arith.constant 0 : i32
    %cond3A_2370 = arith.cmpi ne, %convert_element_type3A_2368, %cond3A_2369 : i32
    %cond3A_2371 = scf.if %cond3A_2370 -> (vector<8x512xf32>) {
      %reshape3A_2522 = vector.shape_cast %slice3A_2351 : vector<1x512xf32> to vector<512x1xf32>
      %eq3A = vector.broadcast %reshape3A_2522 : vector<512x1xf32> to vector<512x512xf32>
      %eq3A_2523 = vector.broadcast %convert_element_type3A_2266 : vector<1x512xf32> to vector<512x512xf32>
      %eq3A_2524 = arith.cmpf oeq, %eq3A, %eq3A_2523 : vector<512x512xf32>
      %convert_element_type3A_2525 = arith.extui %eq3A_2524 : vector<512x512xi1> to vector<512x512xi32>
      %convert_element_type3A_2526 = arith.sitofp %convert_element_type3A_2525 : vector<512x512xi32> to vector<512x512xf32>
      %slice3A_2527 = vector.extract_strided_slice %concatenate3A_1477 {offsets = [0, 2048], sizes = [8, 512], strides = [1, 1]} : vector<8x6144xf32> to vector<8x512xf32>
      %convert_element_type3A_2528 = arith.truncf %slice3A_2527 : vector<8x512xf32> to vector<8x512xbf16>
      %convert_element_type3A_2529 = arith.extf %convert_element_type3A_2528 : vector<8x512xbf16> to vector<8x512xf32>
      %sub3A_2530 = arith.subf %slice3A_2527, %convert_element_type3A_2529 : vector<8x512xf32>
      %dot_general3A_2531 = arith.constant dense<0.000000e+00> : vector<8x512xf32>
      %dot_general3A_2532 = tpu.matmul %convert_element_type3A_2529, %convert_element_type3A_2526, %dot_general3A_2531 {dimension_numbers = #tpu.dot_dimension_numbers<[1], [0], [0], [1], [0, 0, 1, 1], [], []>, transpose_lhs_hint = false} : vector<8x512xf32>, vector<512x512xf32>, vector<8x512xf32> -> vector<8x512xf32>
      %add3A_2533 = arith.addf %cond3A_2350, %dot_general3A_2532 : vector<8x512xf32>
      %dot_general3A_2534 = arith.constant dense<0.000000e+00> : vector<8x512xf32>
      %dot_general3A_2535 = tpu.matmul %sub3A_2530, %convert_element_type3A_2526, %dot_general3A_2534 {dimension_numbers = #tpu.dot_dimension_numbers<[1], [0], [0], [1], [0, 0, 1, 1], [], []>, transpose_lhs_hint = false} : vector<8x512xf32>, vector<512x512xf32>, vector<8x512xf32> -> vector<8x512xf32>
      %add3A_2536 = arith.addf %add3A_2533, %dot_general3A_2535 : vector<8x512xf32>
      scf.yield %add3A_2536 : vector<8x512xf32>
    } else {
      scf.yield %cond3A_2350 : vector<8x512xf32>
    }
    %slice3A_2372 = vector.extract_strided_slice %select_n3A_1474 {offsets = [5, 0], sizes = [1, 512], strides = [1, 1]} : vector<12x512xf32> to vector<1x512xf32>
    %ge3A_2373 = arith.constant 1.536000e+03 : f32
    %ge3A_2374 = vector.broadcast %ge3A_2373 : f32 to vector<1x512xf32>
    %ge3A_2375 = arith.cmpf oge, %slice3A_2372, %ge3A_2374 : vector<1x512xf32>
    %lt3A_2376 = arith.constant 2.048000e+03 : f32
    %lt3A_2377 = vector.broadcast %lt3A_2376 : f32 to vector<1x512xf32>
    %lt3A_2378 = arith.cmpf olt, %slice3A_2372, %lt3A_2377 : vector<1x512xf32>
    %and3A_2379 = arith.andi %ge3A_2375, %lt3A_2378 : vector<1x512xi1>
    %convert_element_type3A_2380 = arith.extui %and3A_2379 : vector<1x512xi1> to vector<1x512xi32>
    %convert_element_type3A_2381 = arith.sitofp %convert_element_type3A_2380 : vector<1x512xi32> to vector<1x512xf32>
    %reduce_sum3A_2382 = vector.shape_cast %convert_element_type3A_2381 : vector<1x512xf32> to vector<1x1x512xf32>
    %reduce_sum3A_2383 = arith.constant dense<0.000000e+00> : vector<1xf32>
    %reduce_sum3A_2384 = vector.multi_reduction <add>, %reduce_sum3A_2382, %reduce_sum3A_2383 [1, 2] : vector<1x1x512xf32> to vector<1xf32>
    %reduce_sum3A_2385 = vector.shape_cast %reduce_sum3A_2384 : vector<1xf32> to vector<1x1x1xf32>
    %reduce_sum3A_2386 = vector.extract %reduce_sum3A_2385[0, 0, 0] : f32 from vector<1x1x1xf32>
    %gt3A_2387 = arith.constant 0.000000e+00 : f32
    %gt3A_2388 = arith.cmpf ogt, %reduce_sum3A_2386, %gt3A_2387 : f32
    %convert_element_type3A_2389 = arith.extui %gt3A_2388 : i1 to i32
    %cond3A_2390 = arith.constant 0 : i32
    %cond3A_2391 = arith.cmpi ne, %convert_element_type3A_2389, %cond3A_2390 : i32
    %cond3A_2392 = scf.if %cond3A_2391 -> (vector<8x512xf32>) {
      %reshape3A_2522 = vector.shape_cast %slice3A_2372 : vector<1x512xf32> to vector<512x1xf32>
      %eq3A = vector.broadcast %reshape3A_2522 : vector<512x1xf32> to vector<512x512xf32>
      %eq3A_2523 = vector.broadcast %convert_element_type3A_2266 : vector<1x512xf32> to vector<512x512xf32>
      %eq3A_2524 = arith.cmpf oeq, %eq3A, %eq3A_2523 : vector<512x512xf32>
      %convert_element_type3A_2525 = arith.extui %eq3A_2524 : vector<512x512xi1> to vector<512x512xi32>
      %convert_element_type3A_2526 = arith.sitofp %convert_element_type3A_2525 : vector<512x512xi32> to vector<512x512xf32>
      %slice3A_2527 = vector.extract_strided_slice %concatenate3A_1477 {offsets = [0, 2560], sizes = [8, 512], strides = [1, 1]} : vector<8x6144xf32> to vector<8x512xf32>
      %convert_element_type3A_2528 = arith.truncf %slice3A_2527 : vector<8x512xf32> to vector<8x512xbf16>
      %convert_element_type3A_2529 = arith.extf %convert_element_type3A_2528 : vector<8x512xbf16> to vector<8x512xf32>
      %sub3A_2530 = arith.subf %slice3A_2527, %convert_element_type3A_2529 : vector<8x512xf32>
      %dot_general3A_2531 = arith.constant dense<0.000000e+00> : vector<8x512xf32>
      %dot_general3A_2532 = tpu.matmul %convert_element_type3A_2529, %convert_element_type3A_2526, %dot_general3A_2531 {dimension_numbers = #tpu.dot_dimension_numbers<[1], [0], [0], [1], [0, 0, 1, 1], [], []>, transpose_lhs_hint = false} : vector<8x512xf32>, vector<512x512xf32>, vector<8x512xf32> -> vector<8x512xf32>
      %add3A_2533 = arith.addf %cond3A_2371, %dot_general3A_2532 : vector<8x512xf32>
      %dot_general3A_2534 = arith.constant dense<0.000000e+00> : vector<8x512xf32>
      %dot_general3A_2535 = tpu.matmul %sub3A_2530, %convert_element_type3A_2526, %dot_general3A_2534 {dimension_numbers = #tpu.dot_dimension_numbers<[1], [0], [0], [1], [0, 0, 1, 1], [], []>, transpose_lhs_hint = false} : vector<8x512xf32>, vector<512x512xf32>, vector<8x512xf32> -> vector<8x512xf32>
      %add3A_2536 = arith.addf %add3A_2533, %dot_general3A_2535 : vector<8x512xf32>
      scf.yield %add3A_2536 : vector<8x512xf32>
    } else {
      scf.yield %cond3A_2371 : vector<8x512xf32>
    }
    %slice3A_2393 = vector.extract_strided_slice %select_n3A_1474 {offsets = [6, 0], sizes = [1, 512], strides = [1, 1]} : vector<12x512xf32> to vector<1x512xf32>
    %ge3A_2394 = arith.constant 1.536000e+03 : f32
    %ge3A_2395 = vector.broadcast %ge3A_2394 : f32 to vector<1x512xf32>
    %ge3A_2396 = arith.cmpf oge, %slice3A_2393, %ge3A_2395 : vector<1x512xf32>
    %lt3A_2397 = arith.constant 2.048000e+03 : f32
    %lt3A_2398 = vector.broadcast %lt3A_2397 : f32 to vector<1x512xf32>
    %lt3A_2399 = arith.cmpf olt, %slice3A_2393, %lt3A_2398 : vector<1x512xf32>
    %and3A_2400 = arith.andi %ge3A_2396, %lt3A_2399 : vector<1x512xi1>
    %convert_element_type3A_2401 = arith.extui %and3A_2400 : vector<1x512xi1> to vector<1x512xi32>
    %convert_element_type3A_2402 = arith.sitofp %convert_element_type3A_2401 : vector<1x512xi32> to vector<1x512xf32>
    %reduce_sum3A_2403 = vector.shape_cast %convert_element_type3A_2402 : vector<1x512xf32> to vector<1x1x512xf32>
    %reduce_sum3A_2404 = arith.constant dense<0.000000e+00> : vector<1xf32>
    %reduce_sum3A_2405 = vector.multi_reduction <add>, %reduce_sum3A_2403, %reduce_sum3A_2404 [1, 2] : vector<1x1x512xf32> to vector<1xf32>
    %reduce_sum3A_2406 = vector.shape_cast %reduce_sum3A_2405 : vector<1xf32> to vector<1x1x1xf32>
    %reduce_sum3A_2407 = vector.extract %reduce_sum3A_2406[0, 0, 0] : f32 from vector<1x1x1xf32>
    %gt3A_2408 = arith.constant 0.000000e+00 : f32
    %gt3A_2409 = arith.cmpf ogt, %reduce_sum3A_2407, %gt3A_2408 : f32
    %convert_element_type3A_2410 = arith.extui %gt3A_2409 : i1 to i32
    %cond3A_2411 = arith.constant 0 : i32
    %cond3A_2412 = arith.cmpi ne, %convert_element_type3A_2410, %cond3A_2411 : i32
    %cond3A_2413 = scf.if %cond3A_2412 -> (vector<8x512xf32>) {
      %reshape3A_2522 = vector.shape_cast %slice3A_2393 : vector<1x512xf32> to vector<512x1xf32>
      %eq3A = vector.broadcast %reshape3A_2522 : vector<512x1xf32> to vector<512x512xf32>
      %eq3A_2523 = vector.broadcast %convert_element_type3A_2266 : vector<1x512xf32> to vector<512x512xf32>
      %eq3A_2524 = arith.cmpf oeq, %eq3A, %eq3A_2523 : vector<512x512xf32>
      %convert_element_type3A_2525 = arith.extui %eq3A_2524 : vector<512x512xi1> to vector<512x512xi32>
      %convert_element_type3A_2526 = arith.sitofp %convert_element_type3A_2525 : vector<512x512xi32> to vector<512x512xf32>
      %slice3A_2527 = vector.extract_strided_slice %concatenate3A_1477 {offsets = [0, 3072], sizes = [8, 512], strides = [1, 1]} : vector<8x6144xf32> to vector<8x512xf32>
      %convert_element_type3A_2528 = arith.truncf %slice3A_2527 : vector<8x512xf32> to vector<8x512xbf16>
      %convert_element_type3A_2529 = arith.extf %convert_element_type3A_2528 : vector<8x512xbf16> to vector<8x512xf32>
      %sub3A_2530 = arith.subf %slice3A_2527, %convert_element_type3A_2529 : vector<8x512xf32>
      %dot_general3A_2531 = arith.constant dense<0.000000e+00> : vector<8x512xf32>
      %dot_general3A_2532 = tpu.matmul %convert_element_type3A_2529, %convert_element_type3A_2526, %dot_general3A_2531 {dimension_numbers = #tpu.dot_dimension_numbers<[1], [0], [0], [1], [0, 0, 1, 1], [], []>, transpose_lhs_hint = false} : vector<8x512xf32>, vector<512x512xf32>, vector<8x512xf32> -> vector<8x512xf32>
      %add3A_2533 = arith.addf %cond3A_2392, %dot_general3A_2532 : vector<8x512xf32>
      %dot_general3A_2534 = arith.constant dense<0.000000e+00> : vector<8x512xf32>
      %dot_general3A_2535 = tpu.matmul %sub3A_2530, %convert_element_type3A_2526, %dot_general3A_2534 {dimension_numbers = #tpu.dot_dimension_numbers<[1], [0], [0], [1], [0, 0, 1, 1], [], []>, transpose_lhs_hint = false} : vector<8x512xf32>, vector<512x512xf32>, vector<8x512xf32> -> vector<8x512xf32>
      %add3A_2536 = arith.addf %add3A_2533, %dot_general3A_2535 : vector<8x512xf32>
      scf.yield %add3A_2536 : vector<8x512xf32>
    } else {
      scf.yield %cond3A_2392 : vector<8x512xf32>
    }
    %slice3A_2414 = vector.extract_strided_slice %select_n3A_1474 {offsets = [7, 0], sizes = [1, 512], strides = [1, 1]} : vector<12x512xf32> to vector<1x512xf32>
    %ge3A_2415 = arith.constant 1.536000e+03 : f32
    %ge3A_2416 = vector.broadcast %ge3A_2415 : f32 to vector<1x512xf32>
    %ge3A_2417 = arith.cmpf oge, %slice3A_2414, %ge3A_2416 : vector<1x512xf32>
    %lt3A_2418 = arith.constant 2.048000e+03 : f32
    %lt3A_2419 = vector.broadcast %lt3A_2418 : f32 to vector<1x512xf32>
    %lt3A_2420 = arith.cmpf olt, %slice3A_2414, %lt3A_2419 : vector<1x512xf32>
    %and3A_2421 = arith.andi %ge3A_2417, %lt3A_2420 : vector<1x512xi1>
    %convert_element_type3A_2422 = arith.extui %and3A_2421 : vector<1x512xi1> to vector<1x512xi32>
    %convert_element_type3A_2423 = arith.sitofp %convert_element_type3A_2422 : vector<1x512xi32> to vector<1x512xf32>
    %reduce_sum3A_2424 = vector.shape_cast %convert_element_type3A_2423 : vector<1x512xf32> to vector<1x1x512xf32>
    %reduce_sum3A_2425 = arith.constant dense<0.000000e+00> : vector<1xf32>
    %reduce_sum3A_2426 = vector.multi_reduction <add>, %reduce_sum3A_2424, %reduce_sum3A_2425 [1, 2] : vector<1x1x512xf32> to vector<1xf32>
    %reduce_sum3A_2427 = vector.shape_cast %reduce_sum3A_2426 : vector<1xf32> to vector<1x1x1xf32>
    %reduce_sum3A_2428 = vector.extract %reduce_sum3A_2427[0, 0, 0] : f32 from vector<1x1x1xf32>
    %gt3A_2429 = arith.constant 0.000000e+00 : f32
    %gt3A_2430 = arith.cmpf ogt, %reduce_sum3A_2428, %gt3A_2429 : f32
    %convert_element_type3A_2431 = arith.extui %gt3A_2430 : i1 to i32
    %cond3A_2432 = arith.constant 0 : i32
    %cond3A_2433 = arith.cmpi ne, %convert_element_type3A_2431, %cond3A_2432 : i32
    %cond3A_2434 = scf.if %cond3A_2433 -> (vector<8x512xf32>) {
      %reshape3A_2522 = vector.shape_cast %slice3A_2414 : vector<1x512xf32> to vector<512x1xf32>
      %eq3A = vector.broadcast %reshape3A_2522 : vector<512x1xf32> to vector<512x512xf32>
      %eq3A_2523 = vector.broadcast %convert_element_type3A_2266 : vector<1x512xf32> to vector<512x512xf32>
      %eq3A_2524 = arith.cmpf oeq, %eq3A, %eq3A_2523 : vector<512x512xf32>
      %convert_element_type3A_2525 = arith.extui %eq3A_2524 : vector<512x512xi1> to vector<512x512xi32>
      %convert_element_type3A_2526 = arith.sitofp %convert_element_type3A_2525 : vector<512x512xi32> to vector<512x512xf32>
      %slice3A_2527 = vector.extract_strided_slice %concatenate3A_1477 {offsets = [0, 3584], sizes = [8, 512], strides = [1, 1]} : vector<8x6144xf32> to vector<8x512xf32>
      %convert_element_type3A_2528 = arith.truncf %slice3A_2527 : vector<8x512xf32> to vector<8x512xbf16>
      %convert_element_type3A_2529 = arith.extf %convert_element_type3A_2528 : vector<8x512xbf16> to vector<8x512xf32>
      %sub3A_2530 = arith.subf %slice3A_2527, %convert_element_type3A_2529 : vector<8x512xf32>
      %dot_general3A_2531 = arith.constant dense<0.000000e+00> : vector<8x512xf32>
      %dot_general3A_2532 = tpu.matmul %convert_element_type3A_2529, %convert_element_type3A_2526, %dot_general3A_2531 {dimension_numbers = #tpu.dot_dimension_numbers<[1], [0], [0], [1], [0, 0, 1, 1], [], []>, transpose_lhs_hint = false} : vector<8x512xf32>, vector<512x512xf32>, vector<8x512xf32> -> vector<8x512xf32>
      %add3A_2533 = arith.addf %cond3A_2413, %dot_general3A_2532 : vector<8x512xf32>
      %dot_general3A_2534 = arith.constant dense<0.000000e+00> : vector<8x512xf32>
      %dot_general3A_2535 = tpu.matmul %sub3A_2530, %convert_element_type3A_2526, %dot_general3A_2534 {dimension_numbers = #tpu.dot_dimension_numbers<[1], [0], [0], [1], [0, 0, 1, 1], [], []>, transpose_lhs_hint = false} : vector<8x512xf32>, vector<512x512xf32>, vector<8x512xf32> -> vector<8x512xf32>
      %add3A_2536 = arith.addf %add3A_2533, %dot_general3A_2535 : vector<8x512xf32>
      scf.yield %add3A_2536 : vector<8x512xf32>
    } else {
      scf.yield %cond3A_2413 : vector<8x512xf32>
    }
    %slice3A_2435 = vector.extract_strided_slice %select_n3A_1474 {offsets = [8, 0], sizes = [1, 512], strides = [1, 1]} : vector<12x512xf32> to vector<1x512xf32>
    %ge3A_2436 = arith.constant 1.536000e+03 : f32
    %ge3A_2437 = vector.broadcast %ge3A_2436 : f32 to vector<1x512xf32>
    %ge3A_2438 = arith.cmpf oge, %slice3A_2435, %ge3A_2437 : vector<1x512xf32>
    %lt3A_2439 = arith.constant 2.048000e+03 : f32
    %lt3A_2440 = vector.broadcast %lt3A_2439 : f32 to vector<1x512xf32>
    %lt3A_2441 = arith.cmpf olt, %slice3A_2435, %lt3A_2440 : vector<1x512xf32>
    %and3A_2442 = arith.andi %ge3A_2438, %lt3A_2441 : vector<1x512xi1>
    %convert_element_type3A_2443 = arith.extui %and3A_2442 : vector<1x512xi1> to vector<1x512xi32>
    %convert_element_type3A_2444 = arith.sitofp %convert_element_type3A_2443 : vector<1x512xi32> to vector<1x512xf32>
    %reduce_sum3A_2445 = vector.shape_cast %convert_element_type3A_2444 : vector<1x512xf32> to vector<1x1x512xf32>
    %reduce_sum3A_2446 = arith.constant dense<0.000000e+00> : vector<1xf32>
    %reduce_sum3A_2447 = vector.multi_reduction <add>, %reduce_sum3A_2445, %reduce_sum3A_2446 [1, 2] : vector<1x1x512xf32> to vector<1xf32>
    %reduce_sum3A_2448 = vector.shape_cast %reduce_sum3A_2447 : vector<1xf32> to vector<1x1x1xf32>
    %reduce_sum3A_2449 = vector.extract %reduce_sum3A_2448[0, 0, 0] : f32 from vector<1x1x1xf32>
    %gt3A_2450 = arith.constant 0.000000e+00 : f32
    %gt3A_2451 = arith.cmpf ogt, %reduce_sum3A_2449, %gt3A_2450 : f32
    %convert_element_type3A_2452 = arith.extui %gt3A_2451 : i1 to i32
    %cond3A_2453 = arith.constant 0 : i32
    %cond3A_2454 = arith.cmpi ne, %convert_element_type3A_2452, %cond3A_2453 : i32
    %cond3A_2455 = scf.if %cond3A_2454 -> (vector<8x512xf32>) {
      %reshape3A_2522 = vector.shape_cast %slice3A_2435 : vector<1x512xf32> to vector<512x1xf32>
      %eq3A = vector.broadcast %reshape3A_2522 : vector<512x1xf32> to vector<512x512xf32>
      %eq3A_2523 = vector.broadcast %convert_element_type3A_2266 : vector<1x512xf32> to vector<512x512xf32>
      %eq3A_2524 = arith.cmpf oeq, %eq3A, %eq3A_2523 : vector<512x512xf32>
      %convert_element_type3A_2525 = arith.extui %eq3A_2524 : vector<512x512xi1> to vector<512x512xi32>
      %convert_element_type3A_2526 = arith.sitofp %convert_element_type3A_2525 : vector<512x512xi32> to vector<512x512xf32>
      %slice3A_2527 = vector.extract_strided_slice %concatenate3A_1477 {offsets = [0, 4096], sizes = [8, 512], strides = [1, 1]} : vector<8x6144xf32> to vector<8x512xf32>
      %convert_element_type3A_2528 = arith.truncf %slice3A_2527 : vector<8x512xf32> to vector<8x512xbf16>
      %convert_element_type3A_2529 = arith.extf %convert_element_type3A_2528 : vector<8x512xbf16> to vector<8x512xf32>
      %sub3A_2530 = arith.subf %slice3A_2527, %convert_element_type3A_2529 : vector<8x512xf32>
      %dot_general3A_2531 = arith.constant dense<0.000000e+00> : vector<8x512xf32>
      %dot_general3A_2532 = tpu.matmul %convert_element_type3A_2529, %convert_element_type3A_2526, %dot_general3A_2531 {dimension_numbers = #tpu.dot_dimension_numbers<[1], [0], [0], [1], [0, 0, 1, 1], [], []>, transpose_lhs_hint = false} : vector<8x512xf32>, vector<512x512xf32>, vector<8x512xf32> -> vector<8x512xf32>
      %add3A_2533 = arith.addf %cond3A_2434, %dot_general3A_2532 : vector<8x512xf32>
      %dot_general3A_2534 = arith.constant dense<0.000000e+00> : vector<8x512xf32>
      %dot_general3A_2535 = tpu.matmul %sub3A_2530, %convert_element_type3A_2526, %dot_general3A_2534 {dimension_numbers = #tpu.dot_dimension_numbers<[1], [0], [0], [1], [0, 0, 1, 1], [], []>, transpose_lhs_hint = false} : vector<8x512xf32>, vector<512x512xf32>, vector<8x512xf32> -> vector<8x512xf32>
      %add3A_2536 = arith.addf %add3A_2533, %dot_general3A_2535 : vector<8x512xf32>
      scf.yield %add3A_2536 : vector<8x512xf32>
    } else {
      scf.yield %cond3A_2434 : vector<8x512xf32>
    }
    %slice3A_2456 = vector.extract_strided_slice %select_n3A_1474 {offsets = [9, 0], sizes = [1, 512], strides = [1, 1]} : vector<12x512xf32> to vector<1x512xf32>
    %ge3A_2457 = arith.constant 1.536000e+03 : f32
    %ge3A_2458 = vector.broadcast %ge3A_2457 : f32 to vector<1x512xf32>
    %ge3A_2459 = arith.cmpf oge, %slice3A_2456, %ge3A_2458 : vector<1x512xf32>
    %lt3A_2460 = arith.constant 2.048000e+03 : f32
    %lt3A_2461 = vector.broadcast %lt3A_2460 : f32 to vector<1x512xf32>
    %lt3A_2462 = arith.cmpf olt, %slice3A_2456, %lt3A_2461 : vector<1x512xf32>
    %and3A_2463 = arith.andi %ge3A_2459, %lt3A_2462 : vector<1x512xi1>
    %convert_element_type3A_2464 = arith.extui %and3A_2463 : vector<1x512xi1> to vector<1x512xi32>
    %convert_element_type3A_2465 = arith.sitofp %convert_element_type3A_2464 : vector<1x512xi32> to vector<1x512xf32>
    %reduce_sum3A_2466 = vector.shape_cast %convert_element_type3A_2465 : vector<1x512xf32> to vector<1x1x512xf32>
    %reduce_sum3A_2467 = arith.constant dense<0.000000e+00> : vector<1xf32>
    %reduce_sum3A_2468 = vector.multi_reduction <add>, %reduce_sum3A_2466, %reduce_sum3A_2467 [1, 2] : vector<1x1x512xf32> to vector<1xf32>
    %reduce_sum3A_2469 = vector.shape_cast %reduce_sum3A_2468 : vector<1xf32> to vector<1x1x1xf32>
    %reduce_sum3A_2470 = vector.extract %reduce_sum3A_2469[0, 0, 0] : f32 from vector<1x1x1xf32>
    %gt3A_2471 = arith.constant 0.000000e+00 : f32
    %gt3A_2472 = arith.cmpf ogt, %reduce_sum3A_2470, %gt3A_2471 : f32
    %convert_element_type3A_2473 = arith.extui %gt3A_2472 : i1 to i32
    %cond3A_2474 = arith.constant 0 : i32
    %cond3A_2475 = arith.cmpi ne, %convert_element_type3A_2473, %cond3A_2474 : i32
    %cond3A_2476 = scf.if %cond3A_2475 -> (vector<8x512xf32>) {
      %reshape3A_2522 = vector.shape_cast %slice3A_2456 : vector<1x512xf32> to vector<512x1xf32>
      %eq3A = vector.broadcast %reshape3A_2522 : vector<512x1xf32> to vector<512x512xf32>
      %eq3A_2523 = vector.broadcast %convert_element_type3A_2266 : vector<1x512xf32> to vector<512x512xf32>
      %eq3A_2524 = arith.cmpf oeq, %eq3A, %eq3A_2523 : vector<512x512xf32>
      %convert_element_type3A_2525 = arith.extui %eq3A_2524 : vector<512x512xi1> to vector<512x512xi32>
      %convert_element_type3A_2526 = arith.sitofp %convert_element_type3A_2525 : vector<512x512xi32> to vector<512x512xf32>
      %slice3A_2527 = vector.extract_strided_slice %concatenate3A_1477 {offsets = [0, 4608], sizes = [8, 512], strides = [1, 1]} : vector<8x6144xf32> to vector<8x512xf32>
      %convert_element_type3A_2528 = arith.truncf %slice3A_2527 : vector<8x512xf32> to vector<8x512xbf16>
      %convert_element_type3A_2529 = arith.extf %convert_element_type3A_2528 : vector<8x512xbf16> to vector<8x512xf32>
      %sub3A_2530 = arith.subf %slice3A_2527, %convert_element_type3A_2529 : vector<8x512xf32>
      %dot_general3A_2531 = arith.constant dense<0.000000e+00> : vector<8x512xf32>
      %dot_general3A_2532 = tpu.matmul %convert_element_type3A_2529, %convert_element_type3A_2526, %dot_general3A_2531 {dimension_numbers = #tpu.dot_dimension_numbers<[1], [0], [0], [1], [0, 0, 1, 1], [], []>, transpose_lhs_hint = false} : vector<8x512xf32>, vector<512x512xf32>, vector<8x512xf32> -> vector<8x512xf32>
      %add3A_2533 = arith.addf %cond3A_2455, %dot_general3A_2532 : vector<8x512xf32>
      %dot_general3A_2534 = arith.constant dense<0.000000e+00> : vector<8x512xf32>
      %dot_general3A_2535 = tpu.matmul %sub3A_2530, %convert_element_type3A_2526, %dot_general3A_2534 {dimension_numbers = #tpu.dot_dimension_numbers<[1], [0], [0], [1], [0, 0, 1, 1], [], []>, transpose_lhs_hint = false} : vector<8x512xf32>, vector<512x512xf32>, vector<8x512xf32> -> vector<8x512xf32>
      %add3A_2536 = arith.addf %add3A_2533, %dot_general3A_2535 : vector<8x512xf32>
      scf.yield %add3A_2536 : vector<8x512xf32>
    } else {
      scf.yield %cond3A_2455 : vector<8x512xf32>
    }
    %slice3A_2477 = vector.extract_strided_slice %select_n3A_1474 {offsets = [10, 0], sizes = [1, 512], strides = [1, 1]} : vector<12x512xf32> to vector<1x512xf32>
    %ge3A_2478 = arith.constant 1.536000e+03 : f32
    %ge3A_2479 = vector.broadcast %ge3A_2478 : f32 to vector<1x512xf32>
    %ge3A_2480 = arith.cmpf oge, %slice3A_2477, %ge3A_2479 : vector<1x512xf32>
    %lt3A_2481 = arith.constant 2.048000e+03 : f32
    %lt3A_2482 = vector.broadcast %lt3A_2481 : f32 to vector<1x512xf32>
    %lt3A_2483 = arith.cmpf olt, %slice3A_2477, %lt3A_2482 : vector<1x512xf32>
    %and3A_2484 = arith.andi %ge3A_2480, %lt3A_2483 : vector<1x512xi1>
    %convert_element_type3A_2485 = arith.extui %and3A_2484 : vector<1x512xi1> to vector<1x512xi32>
    %convert_element_type3A_2486 = arith.sitofp %convert_element_type3A_2485 : vector<1x512xi32> to vector<1x512xf32>
    %reduce_sum3A_2487 = vector.shape_cast %convert_element_type3A_2486 : vector<1x512xf32> to vector<1x1x512xf32>
    %reduce_sum3A_2488 = arith.constant dense<0.000000e+00> : vector<1xf32>
    %reduce_sum3A_2489 = vector.multi_reduction <add>, %reduce_sum3A_2487, %reduce_sum3A_2488 [1, 2] : vector<1x1x512xf32> to vector<1xf32>
    %reduce_sum3A_2490 = vector.shape_cast %reduce_sum3A_2489 : vector<1xf32> to vector<1x1x1xf32>
    %reduce_sum3A_2491 = vector.extract %reduce_sum3A_2490[0, 0, 0] : f32 from vector<1x1x1xf32>
    %gt3A_2492 = arith.constant 0.000000e+00 : f32
    %gt3A_2493 = arith.cmpf ogt, %reduce_sum3A_2491, %gt3A_2492 : f32
    %convert_element_type3A_2494 = arith.extui %gt3A_2493 : i1 to i32
    %cond3A_2495 = arith.constant 0 : i32
    %cond3A_2496 = arith.cmpi ne, %convert_element_type3A_2494, %cond3A_2495 : i32
    %cond3A_2497 = scf.if %cond3A_2496 -> (vector<8x512xf32>) {
      %reshape3A_2522 = vector.shape_cast %slice3A_2477 : vector<1x512xf32> to vector<512x1xf32>
      %eq3A = vector.broadcast %reshape3A_2522 : vector<512x1xf32> to vector<512x512xf32>
      %eq3A_2523 = vector.broadcast %convert_element_type3A_2266 : vector<1x512xf32> to vector<512x512xf32>
      %eq3A_2524 = arith.cmpf oeq, %eq3A, %eq3A_2523 : vector<512x512xf32>
      %convert_element_type3A_2525 = arith.extui %eq3A_2524 : vector<512x512xi1> to vector<512x512xi32>
      %convert_element_type3A_2526 = arith.sitofp %convert_element_type3A_2525 : vector<512x512xi32> to vector<512x512xf32>
      %slice3A_2527 = vector.extract_strided_slice %concatenate3A_1477 {offsets = [0, 5120], sizes = [8, 512], strides = [1, 1]} : vector<8x6144xf32> to vector<8x512xf32>
      %convert_element_type3A_2528 = arith.truncf %slice3A_2527 : vector<8x512xf32> to vector<8x512xbf16>
      %convert_element_type3A_2529 = arith.extf %convert_element_type3A_2528 : vector<8x512xbf16> to vector<8x512xf32>
      %sub3A_2530 = arith.subf %slice3A_2527, %convert_element_type3A_2529 : vector<8x512xf32>
      %dot_general3A_2531 = arith.constant dense<0.000000e+00> : vector<8x512xf32>
      %dot_general3A_2532 = tpu.matmul %convert_element_type3A_2529, %convert_element_type3A_2526, %dot_general3A_2531 {dimension_numbers = #tpu.dot_dimension_numbers<[1], [0], [0], [1], [0, 0, 1, 1], [], []>, transpose_lhs_hint = false} : vector<8x512xf32>, vector<512x512xf32>, vector<8x512xf32> -> vector<8x512xf32>
      %add3A_2533 = arith.addf %cond3A_2476, %dot_general3A_2532 : vector<8x512xf32>
      %dot_general3A_2534 = arith.constant dense<0.000000e+00> : vector<8x512xf32>
      %dot_general3A_2535 = tpu.matmul %sub3A_2530, %convert_element_type3A_2526, %dot_general3A_2534 {dimension_numbers = #tpu.dot_dimension_numbers<[1], [0], [0], [1], [0, 0, 1, 1], [], []>, transpose_lhs_hint = false} : vector<8x512xf32>, vector<512x512xf32>, vector<8x512xf32> -> vector<8x512xf32>
      %add3A_2536 = arith.addf %add3A_2533, %dot_general3A_2535 : vector<8x512xf32>
      scf.yield %add3A_2536 : vector<8x512xf32>
    } else {
      scf.yield %cond3A_2476 : vector<8x512xf32>
    }
    %slice3A_2498 = vector.extract_strided_slice %select_n3A_1474 {offsets = [11, 0], sizes = [1, 512], strides = [1, 1]} : vector<12x512xf32> to vector<1x512xf32>
    %ge3A_2499 = arith.constant 1.536000e+03 : f32
    %ge3A_2500 = vector.broadcast %ge3A_2499 : f32 to vector<1x512xf32>
    %ge3A_2501 = arith.cmpf oge, %slice3A_2498, %ge3A_2500 : vector<1x512xf32>
    %lt3A_2502 = arith.constant 2.048000e+03 : f32
    %lt3A_2503 = vector.broadcast %lt3A_2502 : f32 to vector<1x512xf32>
    %lt3A_2504 = arith.cmpf olt, %slice3A_2498, %lt3A_2503 : vector<1x512xf32>
    %and3A_2505 = arith.andi %ge3A_2501, %lt3A_2504 : vector<1x512xi1>
    %convert_element_type3A_2506 = arith.extui %and3A_2505 : vector<1x512xi1> to vector<1x512xi32>
    %convert_element_type3A_2507 = arith.sitofp %convert_element_type3A_2506 : vector<1x512xi32> to vector<1x512xf32>
    %reduce_sum3A_2508 = vector.shape_cast %convert_element_type3A_2507 : vector<1x512xf32> to vector<1x1x512xf32>
    %reduce_sum3A_2509 = arith.constant dense<0.000000e+00> : vector<1xf32>
    %reduce_sum3A_2510 = vector.multi_reduction <add>, %reduce_sum3A_2508, %reduce_sum3A_2509 [1, 2] : vector<1x1x512xf32> to vector<1xf32>
    %reduce_sum3A_2511 = vector.shape_cast %reduce_sum3A_2510 : vector<1xf32> to vector<1x1x1xf32>
    %reduce_sum3A_2512 = vector.extract %reduce_sum3A_2511[0, 0, 0] : f32 from vector<1x1x1xf32>
    %gt3A_2513 = arith.constant 0.000000e+00 : f32
    %gt3A_2514 = arith.cmpf ogt, %reduce_sum3A_2512, %gt3A_2513 : f32
    %convert_element_type3A_2515 = arith.extui %gt3A_2514 : i1 to i32
    %cond3A_2516 = arith.constant 0 : i32
    %cond3A_2517 = arith.cmpi ne, %convert_element_type3A_2515, %cond3A_2516 : i32
    %cond3A_2518 = scf.if %cond3A_2517 -> (vector<8x512xf32>) {
      %reshape3A_2522 = vector.shape_cast %slice3A_2498 : vector<1x512xf32> to vector<512x1xf32>
      %eq3A = vector.broadcast %reshape3A_2522 : vector<512x1xf32> to vector<512x512xf32>
      %eq3A_2523 = vector.broadcast %convert_element_type3A_2266 : vector<1x512xf32> to vector<512x512xf32>
      %eq3A_2524 = arith.cmpf oeq, %eq3A, %eq3A_2523 : vector<512x512xf32>
      %convert_element_type3A_2525 = arith.extui %eq3A_2524 : vector<512x512xi1> to vector<512x512xi32>
      %convert_element_type3A_2526 = arith.sitofp %convert_element_type3A_2525 : vector<512x512xi32> to vector<512x512xf32>
      %slice3A_2527 = vector.extract_strided_slice %concatenate3A_1477 {offsets = [0, 5632], sizes = [8, 512], strides = [1, 1]} : vector<8x6144xf32> to vector<8x512xf32>
      %convert_element_type3A_2528 = arith.truncf %slice3A_2527 : vector<8x512xf32> to vector<8x512xbf16>
      %convert_element_type3A_2529 = arith.extf %convert_element_type3A_2528 : vector<8x512xbf16> to vector<8x512xf32>
      %sub3A_2530 = arith.subf %slice3A_2527, %convert_element_type3A_2529 : vector<8x512xf32>
      %dot_general3A_2531 = arith.constant dense<0.000000e+00> : vector<8x512xf32>
      %dot_general3A_2532 = tpu.matmul %convert_element_type3A_2529, %convert_element_type3A_2526, %dot_general3A_2531 {dimension_numbers = #tpu.dot_dimension_numbers<[1], [0], [0], [1], [0, 0, 1, 1], [], []>, transpose_lhs_hint = false} : vector<8x512xf32>, vector<512x512xf32>, vector<8x512xf32> -> vector<8x512xf32>
      %add3A_2533 = arith.addf %cond3A_2497, %dot_general3A_2532 : vector<8x512xf32>
      %dot_general3A_2534 = arith.constant dense<0.000000e+00> : vector<8x512xf32>
      %dot_general3A_2535 = tpu.matmul %sub3A_2530, %convert_element_type3A_2526, %dot_general3A_2534 {dimension_numbers = #tpu.dot_dimension_numbers<[1], [0], [0], [1], [0, 0, 1, 1], [], []>, transpose_lhs_hint = false} : vector<8x512xf32>, vector<512x512xf32>, vector<8x512xf32> -> vector<8x512xf32>
      %add3A_2536 = arith.addf %add3A_2533, %dot_general3A_2535 : vector<8x512xf32>
      scf.yield %add3A_2536 : vector<8x512xf32>
    } else {
      scf.yield %cond3A_2497 : vector<8x512xf32>
    }
    %swap3A_2519 = arith.constant 0 : index
    %swap3A_2520 = arith.constant 1536 : index
    %swap3A_2521 = vector.load %arg1[%swap3A_2519, %swap3A_2520] : memref<8x2048xf32, #tpu.memory_space<vmem>>, vector<8x512xf32>
    tpu.vector_store %arg1[%swap3A_2519, %swap3A_2520], %cond3A_2518 {strides = array<i32>} : memref<8x2048xf32, #tpu.memory_space<vmem>>, vector<8x512xf32>,
    return
  }
}

</mosaic_0001>

<sc_bundles>
// kernel: gather_offload_async_start.1
scs
__scs_entry_jumppad:
0x0: {  	(pc) =	sbr.rel $0x88, $3  }
0x1: {  	(tag) =	ssettag $0x0;
	lr =	simm.s32 $0x1  }
0x2: {  	[smem:$0x3F9E] =	sst lr;
	_ =	strace $0xD0000000  }
0x3: {  	_ = 	snop  }
0x4: {  	_ = 	snop  }
0x5: {  	_ = 	snop  }
0x6: {  	_ = 	snop  }
0x7: {  	_ = 	snop  }
__scs_overlays_trampoline_lowered:
0x8: {  	[smem:$0x3FAD] =	sst s0  }
0x9: {  	[smem:$0x3FAE] =	sst s1  }
0xa: {  	[smem:$0x3FAF] =	sst s2  }
0xb: {  	[smem:$0x3FB0] =	sst s3  }
0xc: {  	[smem:$0x3FB1] =	sst s4  }
0xd: {  	[smem:$0x3FB2] =	sst s5  }
0xe: {  	[smem:$0x3FB3] =	sst s6  }
0xf: {  	[smem:$0x3FB4] =	sst s7  }
0x10: {  	[smem:$0x3FB5] =	sst s8  }
0x11: {  	[smem:$0x3FB6] =	sst s9;
	s0 =	simm.s32 @!p0 $0x0  }
0x12: {  	s1 =	sld [smem:$0x3F9C];
	s0 =	simm.s32 @p0 $0x1  }
0x13: {  	[smem:$0x3FB7] =	sst s0;
	s0 =	simm.s32 @!p1 $0x0  }
0x14: {  	s2 =	sld [smem:$0x3F9B];
	s0 =	simm.s32 @p1 $0x1  }
0x15: {  	[smem:$0x3FB8] =	sst s0;
	s0 =	simm.s32 @!p2 $0x0  }
0x16: {  	s3 =	sld [smem:$0x3FDB];
	s0 =	simm.s32 @p2 $0x1  }
0x17: {  	s4 =	simm.s32 $0x1BF5;
	[smem:$0x3FBA] =	sst s0  }
0x18: {  	s0 =	sld [smem:$0x3F9D];
	_ =	swait.ge [sflag:s4], $0x0  }
0x19: {  	s7 =	sld [smem:$0x3F9E]  }
0x1a: {  	s8 =	sadd.s32 $0xFFFFE003, lr  }
0x1b: {  	s9 =	sadd.s32 $0xFFFFFEF7, lr;
	s5 =	simm.s32 $0xFFFFFFFF;
	p2 =	slt.u32 s8, $0xFFFFF086  }
0x1c: {  	p1 =	slt.u32 s9, $0xF7A;
	s5 =	simm.s32 @!p2 $0x0  }
0x1d: {  	s5 =	simm.s32 @p1 $0x1;
	p0 =	seq.s32 s7, s2  }
0x1e: {  	s7 =	smul.u32 @!p0 $0xF7A, s2;
	p2 =	seq.s32 @!p0 s5, $0x0  }
0x1f: {  	s9 =	smul.u32 $0xF7A, s1;
	s8 =	simm.s32 @!p0 $0x1BF5;
	p2 =	por !p2, p0  }
0x20: {  	[sflag:s8] =	ssyncset.s32 @!p0 $0xFFFFF086;
	s6 =	sadd.s32 @!p0 s3, s7;
	s7 =	simm.s32 @!p0 $0x108  }
0x21: {  	s3 =	sadd.s32 s3, s9;
	s6 =	sadd.s32 @!p0 $0x88, s6;
	s7 =	simm.s32 @p2 $0x1082  }
0x22: {  	[simem:s7], [sflag:s8] =	dma.local @!p0 [hbm:s6], $0xF7A  }
0x23: {  	s9 =	sor.u32 $0xD0000000, s2;
	s6 =	simm.s32 $0x108;
	_ =	swait.ge @!p0 [sflag:s8], $0x0  }
0x24: {  	s3 =	sadd.s32 $0x88, s3;
	s6 =	simm.s32 @!p1 $0x1082;
	[sflag:s4] =	ssyncset.s32 $0xFFFFF086  }
0x25: {  	[simem:s6], [sflag:s4] =	dma.local [hbm:s3], $0xF7A  }
0x26: {  	[smem:$0x3F9E] =	sst s1;
	(tag) =	ssettag s2;
	_ =	strace s9  }
0x27: {  	s1 =	sld [smem:$0x3FAE]  }
0x28: {  	s2 =	sld [smem:$0x3FAF]  }
0x29: {  	s4 =	sld [smem:$0x3FB1]  }
0x2a: {  	p0 =	seq.s32 s5, $0x0;
	s5 =	sld [smem:$0x3FB2]  }
0x2b: {  	s6 =	sld [smem:$0x3FB3]  }
0x2c: {  	s7 =	sld [smem:$0x3FB4]  }
0x2d: {  	s3 =	simm.s32 $0x108;
	s8 =	sld [smem:$0x3FB5]  }
0x2e: {  	s3 =	simm.s32 @!p0 $0x1082;
	s9 =	sld [smem:$0x3FB6]  }
0x2f: {  	lr =	sadd.s32 s0, s3;
	s0 =	sld [smem:$0x3FAD]  }
0x30: {  	s3 =	sld [smem:$0x3FB0]  }
0x31: {  	[smem:$0x3FB9] =	sst s10  }
0x32: {  	s10 =	sld [smem:$0x3FB7];
	_ =	sdelay $0x3  }
0x33: {  	p0 =	seq.s32 s10, $0x1;
	s10 =	sld [smem:$0x3FB9];
	_ =	sdelay $0x3  }
0x34: {  	[smem:$0x3FB9] =	sst s10  }
0x35: {  	s10 =	sld [smem:$0x3FB8];
	_ =	sdelay $0x3  }
0x36: {  	p1 =	seq.s32 s10, $0x1;
	s10 =	sld [smem:$0x3FB9];
	_ =	sdelay $0x3  }
0x37: {  	[smem:$0x3FB9] =	sst s10  }
0x38: {  	s10 =	sld [smem:$0x3FBA]  }
0x39: {  	_ = 	snop;
	(pc) =	sbr.ind lr, $3  }
0x3a: {  	_ = 	snop  }
0x3b: {  	_ = 	snop  }
0x3c: {  	p2 =	seq.s32 s10, $0x1;
	s10 =	sld [smem:$0x3FB9]  }
0x3d: {  	_ =	shalt  }
0x3e: {  	_ =	shalt  }
0x3f: {  	_ =	shalt  }
0x40: {  	_ =	shalt  }
0x41: {  	_ =	shalt  }
0x42: {  	_ =	shalt  }
0x43: {  	_ =	shalt  }
0x44: {  	_ =	shalt  }
0x45: {  	_ =	shalt  }
0x46: {  	_ =	shalt  }
0x47: {  	_ =	shalt  }
0x48: {  	_ =	shalt  }
0x49: {  	_ =	shalt  }
0x4a: {  	_ =	shalt  }
0x4b: {  	_ =	shalt  }
0x4c: {  	_ =	shalt  }
0x4d: {  	_ =	shalt  }
0x4e: {  	_ =	shalt  }
0x4f: {  	_ =	shalt  }
0x50: {  	_ =	shalt  }
0x51: {  	_ =	shalt  }
0x52: {  	_ =	shalt  }
0x53: {  	_ =	shalt  }
0x54: {  	_ =	shalt  }
0x55: {  	_ =	shalt  }
0x56: {  	_ =	shalt  }
0x57: {  	_ =	shalt  }
0x58: {  	_ =	shalt  }
0x59: {  	_ =	shalt  }
0x5a: {  	_ =	shalt  }
0x5b: {  	_ =	shalt  }
0x5c: {  	_ =	shalt  }
0x5d: {  	_ =	shalt  }
0x5e: {  	_ =	shalt  }
0x5f: {  	_ =	shalt  }
0x60: {  	_ =	shalt  }
0x61: {  	_ =	shalt  }
0x62: {  	_ =	shalt  }
0x63: {  	_ =	shalt  }
0x64: {  	_ =	shalt  }
0x65: {  	_ =	shalt  }
0x66: {  	_ =	shalt  }
0x67: {  	_ =	shalt  }
0x68: {  	_ =	shalt  }
0x69: {  	_ =	shalt  }
0x6a: {  	_ =	shalt  }
0x6b: {  	_ =	shalt  }
0x6c: {  	_ =	shalt  }
0x6d: {  	_ =	shalt  }
0x6e: {  	_ =	shalt  }
0x6f: {  	_ =	shalt  }
0x70: {  	_ =	shalt  }
0x71: {  	_ =	shalt  }
0x72: {  	_ =	shalt  }
0x73: {  	_ =	shalt  }
0x74: {  	_ =	shalt  }
0x75: {  	_ =	shalt  }
0x76: {  	_ =	shalt  }
0x77: {  	_ =	shalt  }
0x78: {  	_ =	shalt  }
0x79: {  	_ =	shalt  }
0x7a: {  	_ =	shalt  }
0x7b: {  	_ =	shalt  }
0x7c: {  	_ =	shalt  }
0x7d: {  	_ =	shalt  }
0x7e: {  	_ =	shalt  }
0x7f: {  	_ =	shalt  }
0x80: {  	_ =	shalt  }
0x81: {  	_ =	shalt  }
0x82: {  	_ =	shalt  }
0x83: {  	_ =	shalt  }
0x84: {  	_ =	shalt  }
0x85: {  	_ =	shalt  }
0x86: {  	_ =	shalt  }
0x87: {  	_ =	shalt  }
.Lfunc_end0:
.L_simem_size_0:
called_computation.1_lowered:
.L_overlay_start_0:
0x88: {  	s0 =	sld [smem:$0x3FD9]  }
0x89: {  	s1 =	sld [smem:$0x3FFE];
	_ =	sdelay $0x3  }
0x8a: {  	s0 =	sadd.s32 s1, s0  }
0x8b: {  	[smem:$0x3FC5] =	sst s0  }
0x8c: {  	_ = 	snop  }
0x8d: {  	s0 =	sld [smem:$0x3FD0];
	_ =	sdelay $0x2  }
0x8e: {  	s2 =	simm.s32 $0xB;
	s3 =	simm.s32 $0x10;
	s13 =	sld [smem:$0x3FC7]  }
0x8f: {  	[smem:s3], [sflag:s2] =	dma.local [hbm:s0], $0x1  }
0x90: {  	_ =	swait.eq [sflag:s2], $0x1  }
0x91: {  	[sflag:s2] =	ssyncset.done $0x0  }
0x92: {  	[sflag:s2] =	ssyncadd.s32 $0xFFFFFFFF  }
0x93: {  	s14 =	sld [smem:$0x10];
	(tm) =	ssettm $0x1  }
0x94: {  	s15 =	sld [smem:$0x3FFB];
	_ =	sdelay $0x3  }
0x95: {  	_ =	strace s15  }
0x96: {  	s2 =	sld [smem:$0x3FFC];
	_ =	sdelay $0x3  }
0x97: {  	_ =	strace s2  }
0x98: {  	s2 =	sld [smem:$0x3FFD];
	_ =	sdelay $0x3  }
0x99: {  	_ =	strace s2  }
0x9a: {  	_ =	strace $0x8FFFFFFF  }
0x9b: {  	s16 =	sld [smem:$0x3FDB];
	_ =	sdelay $0x1  }
0x9c: {  	s17 =	simm.s32 $_scs_section_size  }
0x9d: {  	s4 =	simm.s32 $_size__tile_overlayer_lowered;
	s5 =	simm.s32 $_tile_overlayer_lowered  }
0x9e: {  	s20 =	simm.s32 $0x1BFF;
	s19 =	sshll.u32 s5, $0x1;
	s2 =	sadd.s32 s17, s16  }
0x9f: {  	s6 =	simm.s32 $0x0;
	s18 =	sshll.u32 s4, $0x1;
	s4 =	sadd.s32 s19, s2  }
0xa0: {  	[timem:s6], [sflag:s20] =	dma.local [hbm:s4], s18  }
0xa1: {  	_ =	swait.ge [sflag:s20], s18  }
0xa2: {  	s3 =	ssub.s32 $0x0, s18;
	[sflag:s20] =	ssyncset.done $0x0  }
0xa3: {  	[sflag:s20] =	ssyncadd.s32 s3;
	_ =	sdelay $0x1  }
0xa4: {  	s21 =	simm.s32 $0x1B8B  }
0xa5: {  	_ =	swait.ge [sflag:s21], $0x1  }
0xa6: {  	[sflag:s21] =	ssyncset.done $0x0  }
0xa7: {  	s23 =	simm.s32 $0x1B8E;
	s22 =	sld [smem:$0x3FFE];
	[sflag:s21] =	ssyncadd.s32 $0xFFFFFFFF  }
0xa8: {  	s24 =	simm.s32 $execute0_lowered;
	[smem:$0x3FD2] =	sst s23  }
0xa9: {  	s4 =	sshll.u32 s24, $0x1;
	_ =	strace $0x80000046;
	[dreg:$0x1] =	wrdreg $0xFFFFFFFF  }
0xaa: {  	s25 =	simm.s32 $_size_execute0_lowered;
	s2 =	sadd.s32 s2, s4;
	[dreg:$0x0] =	wrdreg $0x0  }
0xab: {  	s4 =	sshll.u32 s25, $0x1;
	[dreg:$0x2] =	wrdreg s2  }
0xac: {  	[dreg:$0x3] =	wrdreg s4  }
0xad: {  	[dreg:$0x4] =	wrdreg $0xC0  }
0xae: {  	_ =	task [dreg:s6], $0x5FFFF  }
0xaf: {  	[dreg:$0x1] =	wrdreg $0xFFFFFFFF  }
0xb0: {  	[dreg:$0x0] =	wrdreg $0x60  }
0xb1: {  	[dreg:$0x2] =	wrdreg s13  }
0xb2: {  	[dreg:$0x3] =	wrdreg s14  }
0xb3: {  	[dreg:$0x4] =	wrdreg s22  }
0xb4: {  	[dreg:$0x5] =	wrdreg $0xA  }
0xb5: {  	_ =	task.clear_ibuf [dreg:s6], $0x6FFFF;
	_ =	strace $0x90000046  }
0xb6: {  	s26 =	simm.s32 $0xA;
	_ =	strace $0x80000048  }
0xb7: {  	_ =	swait.ge [sflag:s26], $0x1  }
0xb8: {  	[sflag:s26] =	ssyncadd.s32 $0xFFFFFFFF  }
0xb9: {  	_ =	strace $0x90000048  }
0xba: {  	_ =	sfence  }
0xbb: {  	s28 =	sld [smem:$0x0];
	_ =	sdelay $0x1  }
0xbc: {  	s29 =	srdreg.scid  }
0xbd: {  	s30 =	sshll.u32 s29, $0xD;
	s31 =	sshrl.u32 s29, $0x2  }
0xbe: {  	s1 =	sand.u32 $0x1, s29;
	s2 =	sand.u32 $0x4000, s30;
	s0 =	sadd.s32 s31, s28  }
0xbf: {  	s1 =	sor.u32 s2, s1;
	s0 =	sshll.u32 s0, $0x11  }
0xc0: {  	s0 =	sor.u32 s0, s1  }
0xc1: {  	s0 =	sadd.s32 $0x8F2B, s0  }
0xc2: {  	[sflag:s0] =	ssyncadd.remote.s32 $0x1  }
0xc3: {  	_ =	sfence.sel $0xFFFF  }
0xc4: {  	[dreg:$0x0] =	wrdreg $0xFFFFFFFF;
	(pc) =	sbr.abs _section_cstart, $3  }
0xc5: {  	[dreg:$0x1] =	wrdreg $0xFFFFFFFF  }
0xc6: {  	_ =	task.clear_ibuf [dreg:s6], $0x2FFFF;
	_ =	strace $0x9FFFFFFF  }
0xc7: {  	(tm) =	ssettm $0x7FFFFFFF  }
tec
execute0_lowered:
.L_overlay_start_1:
0x0: {  	(tag) =	ssettag $0x1  }
0x1: {  	s2 =	rddreg [dreg:$0x0]  }
0x2: {  	s3 =	rddreg [dreg:$0x1]  }
0x3: {  	s8 =	rddreg [dreg:$0x2]  }
0x4: {  	s0 =	rddreg [dreg:$0x3];
	_ =	strace $0x80000047;
	s4 =	simm.s32 $0x1  }
0x5: {  	s1 =	stileid.u32;
	s7 =	simm.s32 $0x1;
	s9 =	simm.s32 $0x1  }
0x6: {  	s6 =	simm.s32 $0x2;
	s10 =	simm.s32 $0x3;
	s13 =	simm.s32 $0x0  }
.Ltmp0:
0x7: {  	s12 =	simm.s32 $0x0;
	p0 =	slt.u32 s1, $0xA;
	(pc) =	sbr.rel .LBB2_1-.Ltmp0, $4  }
0x8: {  	[sflag:s4] =	ssyncpa.u1 $0x0;
	s7 =	simm.s32 @!p0 $0x0;
	p0 =	sne.s32 s1, $0x9  }
0x9: {  	s5 =	smul.u32 $0xF0, s1;
	[sflag:s6] =	ssyncpa.u1 $0x0;
	s9 =	simm.s32 @!p0 $0x0  }
0xa: {  	s8 =	sadd.s32 $0x4E200, s8;
	[sflag:s10] =	ssyncpa.u1 $0x0;
	s7 =	sadd.s32 s9, s7  }
0xb: {  	vm0 =	vmmov $0xffff;
	s10 =	simm.s32 $0x0;
	s11 =	smov.u32 s5;
	s9 =	sadd.s32 $0x1, s7  }
.LBB2_4:
0xc: {  	v2 =	vnsel vm1, $0x0, v2  }
0xd: {  	vm1 =	vgt.s32 v0, $0x0;
	v2 =	vmin.u32 v2, $0x4E1F  }
0xe: {  	v0 =	vnsel vm1, $0x0, v0  }
0xf: {  	v0 =	vmin.u32 v0, $0x4E1F  }
0x10: {  	[tilespmem:s18], [sflag:$0x1] =	stream.indirect_vreg.gather [hbm4b:s2+s10], $0x1, v1, vm0, $0x4038;
	[tilespmem:$0x3C0] =	vst v63  }
0x11: {  	(ifvalue) =	ssetifvalue $0x7FFFFFFF  }
0x12: {  	[tilespmem:s15], [sflag:$0x1] =	stream.indirect_vreg.gather [hbm4b:s2+s10], $0x1, v2, vm0, $0x4038;
	[tilespmem:$0x3C0] =	vst v63  }
0x13: {  	s29 =	sadd.s32 $0x10, s15;
	(ifvalue) =	ssetifvalue $0x7FFFFFFF  }
0x14: {  	[tilespmem:s29], [sflag:$0x1] =	stream.indirect_vreg.gather [hbm4b:s2+s10], $0x1, v0, vm0, $0x4038;
	[tilespmem:$0x3C0] =	vst v63  }
0x15: {  	_ =	swait.ge [sflag:s4], $0xF0  }
0x16: {  	s30 =	sshrl.u32 s13, $0x3;
	[sflag:s4] =	ssyncset.done $0x0  }
0x17: {  	s31 =	sand.u32 $0x7, s13;
	s15 =	sadd.s32 s8, s30;
	[sflag:s4] =	ssyncadd.s32 $0xFFFFFF10  }
0x18: {  	[hbm4b:s15+s31] =	stream.linear.scatter [tilespmem:s14], [sflag:$0x3], $0xF0, $0x38;
	[tilespmem:$0x3C0] =	vst v63  }
.LBB2_5:
0x19: {  	s15 =	sadd.s32 $0xF00, s11  }
0x1a: {  	p1 =	sgt.s32 s15, $0x176F  }
0x1b: {  	s15 =	smov.u32 @p1 s5;
	p1 =	sne.s32 s12, s9  }
.Ltmp1:
0x1c: {  	p0 =	slt.u32 s12, $0x2;
	(pc) =	sbr.rel @!p1 .LBB2_6-.Ltmp1, $4  }
0x1d: {  	s14 =	simm.s32 @!p0 $0x3  }
0x1e: {  	_ =	swait.ge @!p0 [sflag:s14], $0xF0  }
0x1f: {  	s16 =	sadd.s32 $0x1, s12;
	s13 =	smov.u32 s11;
	[sflag:s14] =	ssyncset.done @!p0 $0x0  }
0x20: {  	s12 =	smov.u32 s16;
	s11 =	smov.u32 s15;
	[sflag:s14] =	ssyncadd.s32 @!p0 $0xFFFFFF10  }
.LBB2_1:
0x21: {  	p0 =	sge.u32 s12, s7  }
0x22: {  	s14 =	sxor.u32 @!p0 $0x1, s12  }
0x23: {  	s14 =	smul.u32 @!p0 $0x3C0, s14  }
0x24: {  	s31 =	sadd.s32 $0xFFFFFFFF, s12;
	s15 =	sshrl.u32 @!p0 s11, $0x3  }
0x25: {  	s16 =	sand.u32 @!p0 $0x7, s11;
	s15 =	sadd.s32 @!p0 s3, s15;
	s14 =	sshra.s32 @!p0 s14, $0x2  }
0x26: {  	[tilespmem:s14], [sflag:$0x2] =	stream.linear.gather @!p0 [hbm4b:s15+s16], $0xF0, $0x38;
	[tilespmem:$0x3C0] =	vst v63  }
0x27: {  	p0 =	sge.u32 s31, s7  }
.Ltmp2:
0x28: {  	_ = 	snop;
	(pc) =	sbr.rel @p0 .LBB2_5-.Ltmp2, $1  }
0x29: {  	_ =	sdelay $0x3  }
0x2a: {  	s14 =	sand.u32 $0x1, s12  }
0x2b: {  	_ =	swait.ge [sflag:s6], $0xF0;
	p0 =	seq.s32 s14, $0x1;
	s14 =	simm.s32 $0xF0  }
0x2c: {  	[sflag:s6] =	ssyncset.done $0x0;
	s14 =	simm.s32 @!p0 $0x0  }
0x2d: {  	[sflag:s6] =	ssyncadd.s32 $0xFFFFFF10;
	(ifvalue) =	ssetifvalue $0x7FFFFFFF;
	v0 =	vld.msk [tilespmem:s14+$0x0 ss:$0x1], $0xffff;
	_ =	sdelay $0x4  }
0x2e: {  	s15 =	sadd.s32 $0x10, s14;
	vm1 =	vgt.s32 v0, $0x0  }
0x2f: {  	v2 =	vld.msk [tilespmem:s15+$0x0 ss:$0x1], $0xffff;
	v1 =	vnsel vm1, $0x0, v0  }
0x30: {  	v1 =	vmin.u32 v1, $0x4E1F;
	_ =	sdelay $0x2  }
0x31: {  	s17 =	simm.s32 $0x20;
	s14 =	sadd.s32 $0x1E0, s14;
	s16 =	sadd.s32 $0x10, s15  }
0x32: {  	s15 =	sadd.s32 $0x10, s14;
	s18 =	smov.u32 s14;
	v0 =	vld.msk [tilespmem:s16+$0x0 ss:$0x1], $0xffff;
	vm1 =	vgt.s32 v2, $0x0;
	(ifvalue) =	ssetifvalue $0x7FFFFFFF  }
.LBB2_3:
0x33: {  	[tilespmem:s18], [sflag:$0x1] =	stream.indirect_vreg.gather [hbm4b:s2+s10], $0x1, v1, vm0, $0x4038;
	[tilespmem:$0x3C0] =	vst v63  }
0x34: {  	s17 =	sadd.s32 $0x10, s17  }
0x35: {  	v2 =	vnsel vm1, $0x0, v2;
	p0 =	slt.u32 s17, $0xE0  }
.Ltmp3:
0x36: {  	s18 =	smov.u32 s15;
	v1 =	vmin.u32 v2, $0x4E1F;
	(pc) =	sbr.rel @p0 .LBB2_3-.Ltmp3, $3  }
0x37: {  	_ =	sdelay $0x1  }
0x38: {  	s16 =	sadd.s32 $0x10, s16  }
0x39: {  	vm1 =	vgt.s32 v0, $0x0;
	s15 =	sadd.s32 $0x10, s15;
	v2 =	vmov v0;
	(ifvalue) =	ssetifvalue $0x7FFFFFFF;
	v0 =	vld.msk [tilespmem:s16+$0x0 ss:$0x1], $0xffff  }
.Ltmp4:
0x3a: {  	_ = 	snop;
	(pc) =	sbr.rel .LBB2_4-.Ltmp4, $1  }
0x3b: {  	_ =	sdelay $0x3  }
.LBB2_6:
0x3c: {  	_ =	sfence.sel $0x180000  }
0x3d: {  	s2 =	simm.s32 $0x2;
	[bflag:$0x0] =	sbarrier.arrive $0xFFFF  }
0x3e: {  	s30 =	simm.s32 $0x3;
	[sflag:s2] =	ssyncpa.u1 $0x1  }
0x3f: {  	s31 =	simm.s32 $0x1;
	[sflag:s30] =	ssyncpa.u1 $0x1  }
0x40: {  	[sflag:s31] =	ssyncpa.u1 $0x1  }
0x41: {  	p0 =	sne.s32 s1, $0x0;
	_ =	strace $0x90000047  }
0x42: {  	s0 =	sadd.s32 @!p0 $0x100000, s0;
	[bflag:$0x2] =	sbarrier.arrive $0xFFFF  }
0x43: {  	[sflag:s0] =	ssyncadd.tile.s32 @!p0 $0x1;
	_ =	shalt  }
.Lfunc_end2:
_tile_overlayer_lowered:
.L_overlay_start_2:
0x44: {  	(tag) =	ssettag $0x2  }
0x45: {  	s0 =	rddreg [dreg:$0x0];
	s2 =	stileid.u32  }
0x46: {  	s1 =	rddreg [dreg:$0x1];
	p0 =	sne.s32 s2, $0x0  }
0x47: {  	s3 =	rddreg [dreg:$0x2];
	[bflag:$0x3] =	sbarrier.arrive $0xFFFF;
	s2 =	simm.s32 @!p0 $0x1C01  }
0x48: {  	[timem:s3], [sflag:s2] =	dma.local @!p0 [hbm:s0], s1  }
0x49: {  	s0 =	simm.s32 @!p0 $0x1  }
0x4a: {  	_ =	swait.ge @!p0 [sflag:s0], s1  }
0x4b: {  	s1 =	ssub.s32 @!p0 $0x0, s1;
	[sflag:s0] =	ssyncset.done @!p0 $0x0  }
0x4c: {  	[sflag:s0] =	ssyncadd.s32 @!p0 s1  }
0x4d: {  	[bflag:$0x3] =	sbarrier.arrive $0xFFFF  }
0x4e: {  	_ =	shalt  }

// kernel: gather_offload_async_start
scs
__scs_entry_jumppad:
0x0: {  	(pc) =	sbr.rel $0x88, $3  }
0x1: {  	(tag) =	ssettag $0x0;
	lr =	simm.s32 $0x1  }
0x2: {  	[smem:$0x3F9E] =	sst lr;
	_ =	strace $0xD0000000  }
0x3: {  	_ = 	snop  }
0x4: {  	_ = 	snop  }
0x5: {  	_ = 	snop  }
0x6: {  	_ = 	snop  }
0x7: {  	_ = 	snop  }
__scs_overlays_trampoline_lowered:
0x8: {  	[smem:$0x3FAD] =	sst s0  }
0x9: {  	[smem:$0x3FAE] =	sst s1  }
0xa: {  	[smem:$0x3FAF] =	sst s2  }
0xb: {  	[smem:$0x3FB0] =	sst s3  }
0xc: {  	[smem:$0x3FB1] =	sst s4  }
0xd: {  	[smem:$0x3FB2] =	sst s5  }
0xe: {  	[smem:$0x3FB3] =	sst s6  }
0xf: {  	[smem:$0x3FB4] =	sst s7  }
0x10: {  	[smem:$0x3FB5] =	sst s8  }
0x11: {  	[smem:$0x3FB6] =	sst s9;
	s0 =	simm.s32 @!p0 $0x0  }
0x12: {  	s1 =	sld [smem:$0x3F9C];
	s0 =	simm.s32 @p0 $0x1  }
0x13: {  	[smem:$0x3FB7] =	sst s0;
	s0 =	simm.s32 @!p1 $0x0  }
0x14: {  	s2 =	sld [smem:$0x3F9B];
	s0 =	simm.s32 @p1 $0x1  }
0x15: {  	[smem:$0x3FB8] =	sst s0;
	s0 =	simm.s32 @!p2 $0x0  }
0x16: {  	s3 =	sld [smem:$0x3FDB];
	s0 =	simm.s32 @p2 $0x1  }
0x17: {  	s4 =	simm.s32 $0x1BF5;
	[smem:$0x3FBA] =	sst s0  }
0x18: {  	s0 =	sld [smem:$0x3F9D];
	_ =	swait.ge [sflag:s4], $0x0  }
0x19: {  	s7 =	sld [smem:$0x3F9E]  }
0x1a: {  	s8 =	sadd.s32 $0xFFFFE003, lr  }
0x1b: {  	s9 =	sadd.s32 $0xFFFFFEF7, lr;
	s5 =	simm.s32 $0xFFFFFFFF;
	p2 =	slt.u32 s8, $0xFFFFF086  }
0x1c: {  	p1 =	slt.u32 s9, $0xF7A;
	s5 =	simm.s32 @!p2 $0x0  }
0x1d: {  	s5 =	simm.s32 @p1 $0x1;
	p0 =	seq.s32 s7, s2  }
0x1e: {  	s7 =	smul.u32 @!p0 $0xF7A, s2;
	p2 =	seq.s32 @!p0 s5, $0x0  }
0x1f: {  	s9 =	smul.u32 $0xF7A, s1;
	s8 =	simm.s32 @!p0 $0x1BF5;
	p2 =	por !p2, p0  }
0x20: {  	[sflag:s8] =	ssyncset.s32 @!p0 $0xFFFFF086;
	s6 =	sadd.s32 @!p0 s3, s7;
	s7 =	simm.s32 @!p0 $0x108  }
0x21: {  	s3 =	sadd.s32 s3, s9;
	s6 =	sadd.s32 @!p0 $0x88, s6;
	s7 =	simm.s32 @p2 $0x1082  }
0x22: {  	[simem:s7], [sflag:s8] =	dma.local @!p0 [hbm:s6], $0xF7A  }
0x23: {  	s9 =	sor.u32 $0xD0000000, s2;
	s6 =	simm.s32 $0x108;
	_ =	swait.ge @!p0 [sflag:s8], $0x0  }
0x24: {  	s3 =	sadd.s32 $0x88, s3;
	s6 =	simm.s32 @!p1 $0x1082;
	[sflag:s4] =	ssyncset.s32 $0xFFFFF086  }
0x25: {  	[simem:s6], [sflag:s4] =	dma.local [hbm:s3], $0xF7A  }
0x26: {  	[smem:$0x3F9E] =	sst s1;
	(tag) =	ssettag s2;
	_ =	strace s9  }
0x27: {  	s1 =	sld [smem:$0x3FAE]  }
0x28: {  	s2 =	sld [smem:$0x3FAF]  }
0x29: {  	s4 =	sld [smem:$0x3FB1]  }
0x2a: {  	p0 =	seq.s32 s5, $0x0;
	s5 =	sld [smem:$0x3FB2]  }
0x2b: {  	s6 =	sld [smem:$0x3FB3]  }
0x2c: {  	s7 =	sld [smem:$0x3FB4]  }
0x2d: {  	s3 =	simm.s32 $0x108;
	s8 =	sld [smem:$0x3FB5]  }
0x2e: {  	s3 =	simm.s32 @!p0 $0x1082;
	s9 =	sld [smem:$0x3FB6]  }
0x2f: {  	lr =	sadd.s32 s0, s3;
	s0 =	sld [smem:$0x3FAD]  }
0x30: {  	s3 =	sld [smem:$0x3FB0]  }
0x31: {  	[smem:$0x3FB9] =	sst s10  }
0x32: {  	s10 =	sld [smem:$0x3FB7];
	_ =	sdelay $0x3  }
0x33: {  	p0 =	seq.s32 s10, $0x1;
	s10 =	sld [smem:$0x3FB9];
	_ =	sdelay $0x3  }
0x34: {  	[smem:$0x3FB9] =	sst s10  }
0x35: {  	s10 =	sld [smem:$0x3FB8];
	_ =	sdelay $0x3  }
0x36: {  	p1 =	seq.s32 s10, $0x1;
	s10 =	sld [smem:$0x3FB9];
	_ =	sdelay $0x3  }
0x37: {  	[smem:$0x3FB9] =	sst s10  }
0x38: {  	s10 =	sld [smem:$0x3FBA]  }
0x39: {  	_ = 	snop;
	(pc) =	sbr.ind lr, $3  }
0x3a: {  	_ = 	snop  }
0x3b: {  	_ = 	snop  }
0x3c: {  	p2 =	seq.s32 s10, $0x1;
	s10 =	sld [smem:$0x3FB9]  }
0x3d: {  	_ =	shalt  }
0x3e: {  	_ =	shalt  }
0x3f: {  	_ =	shalt  }
0x40: {  	_ =	shalt  }
0x41: {  	_ =	shalt  }
0x42: {  	_ =	shalt  }
0x43: {  	_ =	shalt  }
0x44: {  	_ =	shalt  }
0x45: {  	_ =	shalt  }
0x46: {  	_ =	shalt  }
0x47: {  	_ =	shalt  }
0x48: {  	_ =	shalt  }
0x49: {  	_ =	shalt  }
0x4a: {  	_ =	shalt  }
0x4b: {  	_ =	shalt  }
0x4c: {  	_ =	shalt  }
0x4d: {  	_ =	shalt  }
0x4e: {  	_ =	shalt  }
0x4f: {  	_ =	shalt  }
0x50: {  	_ =	shalt  }
0x51: {  	_ =	shalt  }
0x52: {  	_ =	shalt  }
0x53: {  	_ =	shalt  }
0x54: {  	_ =	shalt  }
0x55: {  	_ =	shalt  }
0x56: {  	_ =	shalt  }
0x57: {  	_ =	shalt  }
0x58: {  	_ =	shalt  }
0x59: {  	_ =	shalt  }
0x5a: {  	_ =	shalt  }
0x5b: {  	_ =	shalt  }
0x5c: {  	_ =	shalt  }
0x5d: {  	_ =	shalt  }
0x5e: {  	_ =	shalt  }
0x5f: {  	_ =	shalt  }
0x60: {  	_ =	shalt  }
0x61: {  	_ =	shalt  }
0x62: {  	_ =	shalt  }
0x63: {  	_ =	shalt  }
0x64: {  	_ =	shalt  }
0x65: {  	_ =	shalt  }
0x66: {  	_ =	shalt  }
0x67: {  	_ =	shalt  }
0x68: {  	_ =	shalt  }
0x69: {  	_ =	shalt  }
0x6a: {  	_ =	shalt  }
0x6b: {  	_ =	shalt  }
0x6c: {  	_ =	shalt  }
0x6d: {  	_ =	shalt  }
0x6e: {  	_ =	shalt  }
0x6f: {  	_ =	shalt  }
0x70: {  	_ =	shalt  }
0x71: {  	_ =	shalt  }
0x72: {  	_ =	shalt  }
0x73: {  	_ =	shalt  }
0x74: {  	_ =	shalt  }
0x75: {  	_ =	shalt  }
0x76: {  	_ =	shalt  }
0x77: {  	_ =	shalt  }
0x78: {  	_ =	shalt  }
0x79: {  	_ =	shalt  }
0x7a: {  	_ =	shalt  }
0x7b: {  	_ =	shalt  }
0x7c: {  	_ =	shalt  }
0x7d: {  	_ =	shalt  }
0x7e: {  	_ =	shalt  }
0x7f: {  	_ =	shalt  }
0x80: {  	_ =	shalt  }
0x81: {  	_ =	shalt  }
0x82: {  	_ =	shalt  }
0x83: {  	_ =	shalt  }
0x84: {  	_ =	shalt  }
0x85: {  	_ =	shalt  }
0x86: {  	_ =	shalt  }
0x87: {  	_ =	shalt  }
.Lfunc_end0:
.L_simem_size_0:
called_computation_lowered:
.L_overlay_start_0:
0x88: {  	s0 =	sld [smem:$0x3FD9]  }
0x89: {  	s1 =	sld [smem:$0x3FFE];
	_ =	sdelay $0x3  }
0x8a: {  	s0 =	sadd.s32 s1, s0  }
0x8b: {  	[smem:$0x3FC5] =	sst s0  }
0x8c: {  	_ = 	snop  }
0x8d: {  	s0 =	sld [smem:$0x3FD0];
	_ =	sdelay $0x2  }
0x8e: {  	s13 =	simm.s32 $0xB;
	s2 =	simm.s32 $0x10  }
0x8f: {  	[smem:s2], [sflag:s13] =	dma.local [hbm:s0], $0x1  }
0x90: {  	_ =	swait.eq [sflag:s13], $0x1  }
0x91: {  	[sflag:s13] =	ssyncset.done $0x0  }
0x92: {  	[sflag:s13] =	ssyncadd.s32 $0xFFFFFFFF  }
0x93: {  	s14 =	sld [smem:$0x10];
	(tm) =	ssettm $0x1  }
0x94: {  	s15 =	sld [smem:$0x3FFB];
	_ =	sdelay $0x3  }
0x95: {  	_ =	strace s15  }
0x96: {  	s1 =	sld [smem:$0x3FFC];
	_ =	sdelay $0x3  }
0x97: {  	_ =	strace s1  }
0x98: {  	s1 =	sld [smem:$0x3FFD];
	_ =	sdelay $0x3  }
0x99: {  	_ =	strace s1  }
0x9a: {  	_ =	strace $0x8FFFFFFF  }
0x9b: {  	s16 =	sld [smem:$0x3FDB];
	_ =	sdelay $0x1  }
0x9c: {  	s17 =	simm.s32 $_scs_section_size  }
0x9d: {  	s3 =	simm.s32 $_size__tile_overlayer_lowered;
	s4 =	simm.s32 $_tile_overlayer_lowered  }
0x9e: {  	s20 =	simm.s32 $0x1BFF;
	s19 =	sshll.u32 s4, $0x1;
	s1 =	sadd.s32 s17, s16  }
0x9f: {  	s5 =	simm.s32 $0x0;
	s18 =	sshll.u32 s3, $0x1;
	s3 =	sadd.s32 s19, s1  }
0xa0: {  	[timem:s5], [sflag:s20] =	dma.local [hbm:s3], s18  }
0xa1: {  	_ =	swait.ge [sflag:s20], s18  }
0xa2: {  	s2 =	ssub.s32 $0x0, s18;
	[sflag:s20] =	ssyncset.done $0x0  }
0xa3: {  	[sflag:s20] =	ssyncadd.s32 s2;
	_ =	sdelay $0x1  }
0xa4: {  	s21 =	simm.s32 $0x1B8B  }
0xa5: {  	_ =	swait.ge [sflag:s21], $0x1  }
0xa6: {  	[sflag:s21] =	ssyncset.done $0x0  }
0xa7: {  	s23 =	simm.s32 $0x1B8E;
	s22 =	sld [smem:$0x3FFE];
	[sflag:s21] =	ssyncadd.s32 $0xFFFFFFFF  }
0xa8: {  	s24 =	simm.s32 $execute0_lowered;
	[smem:$0x3FD2] =	sst s23  }
0xa9: {  	s3 =	sshll.u32 s24, $0x1;
	_ =	strace $0x80000049;
	[dreg:$0x1] =	wrdreg $0xFFFFFFFF  }
0xaa: {  	s25 =	simm.s32 $_size_execute0_lowered;
	s1 =	sadd.s32 s1, s3;
	[dreg:$0x0] =	wrdreg $0x0  }
0xab: {  	s3 =	sshll.u32 s25, $0x1;
	[dreg:$0x2] =	wrdreg s1  }
0xac: {  	[dreg:$0x3] =	wrdreg s3  }
0xad: {  	[dreg:$0x4] =	wrdreg $0xC0  }
0xae: {  	_ =	task [dreg:s5], $0x5FFFF  }
0xaf: {  	[dreg:$0x1] =	wrdreg $0xFFFFFFFF  }
0xb0: {  	[dreg:$0x0] =	wrdreg $0x60  }
0xb1: {  	[dreg:$0x2] =	wrdreg s22  }
0xb2: {  	[dreg:$0x3] =	wrdreg s14  }
0xb3: {  	[dreg:$0x4] =	wrdreg $0x9  }
0xb4: {  	_ =	task.clear_ibuf [dreg:s5], $0x5FFFF;
	_ =	strace $0x90000049  }
0xb5: {  	s26 =	simm.s32 $0x9;
	_ =	strace $0x8000004B  }
0xb6: {  	_ =	swait.ge [sflag:s26], $0x1  }
0xb7: {  	[sflag:s26] =	ssyncadd.s32 $0xFFFFFFFF  }
0xb8: {  	_ =	strace $0x9000004B  }
0xb9: {  	_ =	sfence  }
0xba: {  	s28 =	sld [smem:$0x0];
	_ =	sdelay $0x1  }
0xbb: {  	s29 =	srdreg.scid  }
0xbc: {  	s30 =	sshll.u32 s29, $0xD;
	s31 =	sshrl.u32 s29, $0x2  }
0xbd: {  	s2 =	sand.u32 $0x4000, s30;
	s1 =	sand.u32 $0x1, s29;
	s0 =	sadd.s32 s31, s28  }
0xbe: {  	s1 =	sor.u32 s2, s1;
	s0 =	sshll.u32 s0, $0x11  }
0xbf: {  	s0 =	sor.u32 s0, s1  }
0xc0: {  	s0 =	sadd.s32 $0x8F2B, s0  }
0xc1: {  	[sflag:s0] =	ssyncadd.remote.s32 $0x1  }
0xc2: {  	_ =	sfence.sel $0xFFFF  }
0xc3: {  	[dreg:$0x0] =	wrdreg $0xFFFFFFFF;
	(pc) =	sbr.abs _section_cstart, $3  }
0xc4: {  	[dreg:$0x1] =	wrdreg $0xFFFFFFFF  }
0xc5: {  	_ =	task.clear_ibuf [dreg:s5], $0x2FFFF;
	_ =	strace $0x9FFFFFFF  }
0xc6: {  	(tm) =	ssettm $0x7FFFFFFF  }
0xc7: {  	_ =	shalt  }
tec
execute0_lowered:
.L_overlay_start_1:
0x0: {  	(tag) =	ssettag $0x1  }
0x1: {  	s0 =	stileid.u32  }
0x2: {  	s1 =	smin.u32 s0, $0xE  }
0x3: {  	s1 =	sadd.s32 s0, s1  }
0x4: {  	s2 =	simm.s32 $0x190;
	p0 =	slt.u32 s0, $0xE;
	s1 =	smul.u32 $0xC8, s1  }
0x5: {  	s2 =	simm.s32 @!p0 $0xC8  }
0x6: {  	s2 =	sadd.s32 s2, s1  }
0x7: {  	s3 =	smin.u32 s2, $0x1770  }
0x8: {  	s7 =	ssub.s32 s3, s1  }
0x9: {  	p0 =	sgt.s32 s7, $0x0  }
0xa: {  	s7 =	simm.s32 @!p0 $0x0  }
0xb: {  	s31 =	sand.u32 $0xFFF8, s7  }
0xc: {  	s2 =	sshrl.u32 s31, $0x3  }
0xd: {  	s4 =	rddreg [dreg:$0x0];
	s2 =	smul.u32 $0x147B, s2  }
0xe: {  	s5 =	rddreg [dreg:$0x1]  }
0xf: {  	s6 =	simm.s32 $0x1;
	s10 =	simm.s32 $0x3;
	s8 =	sshrl.u32 s2, $0x11  }
0x10: {  	s13 =	simm.s32 $0x0;
	s12 =	simm.s32 $0x0;
	s9 =	smul.u32 $0xC8, s8  }
.Ltmp0:
0x11: {  	s11 =	smov.u32 s1;
	s2 =	rddreg [dreg:$0x2];
	(pc) =	sbr.rel .LBB2_1-.Ltmp0, $4  }
0x12: {  	_ =	strace $0x8000004A;
	p0 =	sne.s32 s7, s9;
	s9 =	simm.s32 $0x1  }
0x13: {  	[sflag:s6] =	ssyncpa.u1 $0x0;
	s7 =	simm.s32 $0x2;
	s9 =	simm.s32 @!p0 $0x0  }
0x14: {  	[sflag:s7] =	ssyncpa.u1 $0x0;
	p0 =	por $0x0, $0x0;
	s8 =	sadd.s32 s8, s9  }
0x15: {  	vm0 =	vmmov $0xff;
	vm1 =	vcmask $0x3F20;
	s9 =	sadd.s32 $0x4E600, s4;
	[sflag:s10] =	ssyncpa.u1 $0x0;
	s10 =	sadd.s32 $0x1, s8  }
.LBB2_6:
0x16: {  	[hbm:s17] =	stream.linear.scatter [tilespmem:s14], [sflag:$0x3], $0x400, $0x38;
	[tilespmem:$0xC990] =	vst v63  }
.LBB2_7:
0x17: {  	s13 =	sadd.s32 $0xC8, s11  }
0x18: {  	s15 =	smov.u32 s1;
	p2 =	slt.s32 s13, s3  }
0x19: {  	s15 =	smov.u32 @p2 s13;
	p2 =	sne.s32 s12, s10  }
.Ltmp1:
0x1a: {  	p1 =	slt.u32 s12, $0x2;
	(pc) =	sbr.rel @!p2 .LBB2_8-.Ltmp1, $4  }
0x1b: {  	s14 =	simm.s32 @!p1 $0x3  }
0x1c: {  	s16 =	sadd.s32 $0x1, s12;
	_ =	swait.ge @!p1 [sflag:s14], $0x6400  }
0x1d: {  	p0 =	por !p0, !p0;
	s13 =	smov.u32 s11;
	[sflag:s14] =	ssyncset.done @!p1 $0x0  }
0x1e: {  	s12 =	smov.u32 s16;
	s11 =	smov.u32 s15;
	[sflag:s14] =	ssyncadd.s32 @!p1 $0xFFFF9C00  }
.LBB2_1:
0x1f: {  	p1 =	sge.u32 s12, s8  }
0x20: {  	s14 =	sxor.u32 @!p1 $0xFFFFFFFF, s12  }
0x21: {  	s14 =	sand.u32 @!p1 $0x1, s14  }
0x22: {  	s14 =	smul.u32 @!p1 $0x320, s14  }
0x23: {  	s31 =	sadd.s32 $0xFFFFFFFF, s12;
	s15 =	sshrl.u32 @!p1 s11, $0x3  }
0x24: {  	s16 =	sand.u32 @!p1 $0x7, s11;
	s15 =	sadd.s32 @!p1 s5, s15;
	s14 =	sshrl.u32 @!p1 s14, $0x2  }
0x25: {  	[tilespmem:s14], [sflag:$0x2] =	stream.linear.gather @!p1 [hbm4b:s15+s16], $0xC8, $0x38;
	[tilespmem:$0xC990] =	vst v63  }
0x26: {  	p1 =	sge.u32 s31, s8  }
.Ltmp2:
0x27: {  	_ = 	snop;
	(pc) =	sbr.rel @p1 .LBB2_7-.Ltmp2, $1  }
0x28: {  	_ =	sdelay $0x3  }
0x29: {  	s14 =	simm.s32 $0x1  }
0x2a: {  	s14 =	simm.s32 @!p0 $0x0  }
0x2b: {  	s15 =	smul.u32 $0x320, s14  }
0x2c: {  	_ =	swait.ge [sflag:s7], $0xC8  }
0x2d: {  	[sflag:s7] =	ssyncset.done $0x0;
	s16 =	sshrl.u32 s15, $0x2  }
0x2e: {  	[sflag:s7] =	ssyncadd.s32 $0xFFFFFF38;
	s15 =	sadd.s32 $0x0, s16  }
0x2f: {  	v0 =	vld.msk [tilespmem:s15+$0x0 ss:$0x1], $0xffff;
	_ =	sdelay $0x4  }
0x30: {  	vm2 =	vgt.s32 v0, $0x0  }
0x31: {  	v0 =	vnsel vm2, $0x0, v0  }
0x32: {  	v0 =	vmin.u32 v0, $0x4E1F  }
0x33: {  	v0 =	vshll.u32 v0, $0x4  }
0x34: {  	s14 =	smul.u32 $0x19000, s14  }
0x35: {  	s31 =	sand.u32 $0x1, s12  }
0x36: {  	s17 =	smul.u32 $0x320, s31;
	s14 =	sshrl.u32 s14, $0x2  }
0x37: {  	s19 =	smul.u32 $0x19000, s31;
	s14 =	sor.u32 $0x190, s14  }
0x38: {  	[tilespmem:s14], [sflag:$0x1] =	stream.indirect_vreg.gather [hbm:s4], $0x80, v0, vm0, $0x38;
	[tilespmem:$0xC990] =	vst v63  }
0x39: {  	s18 =	sshrl.u32 s17, $0x2;
	s20 =	sadd.s32 $0x10, s16;
	s15 =	sadd.s32 $0x400, s14  }
0x3a: {  	[tilespmem:s15], [sflag:$0x1] =	stream.indirect_vreg.gather [hbm:s4], $0x80, v0, vm1, $0x38;
	[tilespmem:$0xC990] =	vst v63  }
0x3b: {  	s17 =	sshrl.u32 s19, $0x2;
	s19 =	smov.u32 s14;
	v0 =	vld.msk [tilespmem:s20+$0x0 ss:$0x1], $0xffff;
	s20 =	simm.s32 $0x80  }
.LBB2_3:
0x3c: {  	p1 =	sne.s32 s20, $0x2C0;
	_ =	sdelay $0x4  }
0x3d: {  	vm2 =	vgt.s32 v0, $0x0  }
0x3e: {  	v0 =	vnsel vm2, $0x0, v0  }
0x3f: {  	v0 =	vmin.u32 v0, $0x4E1F  }
0x40: {  	v0 =	vshll.u32 v0, $0x4;
	_ =	sdelay $0x3  }
.Ltmp3:
0x41: {  	s21 =	sshra.s32 s20, $0x2;
	s19 =	sadd.s32 $0x800, s19;
	(pc) =	sbr.rel @p1 .LBB2_3-.Ltmp3, $4  }
0x42: {  	[tilespmem:s19], [sflag:$0x1] =	stream.indirect_vreg.gather [hbm:s4], $0x80, v0, vm0, $0x38;
	[tilespmem:$0xC990] =	vst v63  }
0x43: {  	s21 =	sadd.s32 s21, s16;
	s22 =	sadd.s32 $0x400, s19  }
0x44: {  	[tilespmem:s22], [sflag:$0x1] =	stream.indirect_vreg.gather [hbm:s4], $0x80, v0, vm1, $0x38;
	[tilespmem:$0xC990] =	vst v63  }
0x45: {  	s20 =	sadd.s32 $0x40, s20;
	v0 =	vld.msk [tilespmem:s21+$0x0 ss:$0x1], $0xffff  }
0x46: {  	_ =	sdelay $0x3  }
0x47: {  	vm2 =	vgt.s32 v0, $0x0  }
0x48: {  	v0 =	vnsel vm2, $0x0, v0  }
0x49: {  	v0 =	vmin.u32 v0, $0x4E1F  }
0x4a: {  	v0 =	vshll.u32 v0, $0x4;
	_ =	sdelay $0x3  }
0x4b: {  	s16 =	sadd.s32 $0x800, s19  }
0x4c: {  	[tilespmem:s16], [sflag:$0x1] =	stream.indirect_vreg.gather [hbm:s4], $0x80, v0, vm0, $0x38;
	[tilespmem:$0xC990] =	vst v63  }
0x4d: {  	s16 =	sadd.s32 $0x400, s16  }
0x4e: {  	[tilespmem:s16], [sflag:$0x1] =	stream.indirect_vreg.gather [hbm:s4], $0x80, v0, vm1, $0x38;
	[tilespmem:$0xC990] =	vst v63  }
0x4f: {  	v0 =	vld.msk [tilespmem:s18+$0xC0 ss:$0x1], $0xff;
	_ =	sdelay $0x4  }
0x50: {  	vm2 =	vgt.s32 v0, $0x0  }
0x51: {  	v0 =	vnsel vm2, $0x0, v0  }
0x52: {  	v0 =	vmin.u32 v0, $0x4E1F  }
0x53: {  	v0 =	vshll.u32 v0, $0x4;
	_ =	sdelay $0x3  }
0x54: {  	s31 =	sadd.s32 $0x6190, s17  }
0x55: {  	[tilespmem:s31], [sflag:$0x1] =	stream.indirect_vreg.gather [hbm:s4], $0x80, v0, vm0, $0x38;
	[tilespmem:$0xC990] =	vst v63  }
0x56: {  	s13 =	sshll.u32 s13, $0x4;
	_ =	swait.ge [sflag:s6], $0x6400  }
0x57: {  	s13 =	sadd.s32 s13, s9;
	[sflag:s6] =	ssyncset.done $0x0  }
0x58: {  	s17 =	sadd.s32 $0x0, s13;
	s16 =	simm.s32 $0x80;
	[sflag:s6] =	ssyncadd.s32 $0xFFFF9C00  }
.LBB2_5:
0x59: {  	[hbm:s17] =	stream.linear.scatter [tilespmem:s14], [sflag:$0x3], $0x400, $0x38;
	[tilespmem:$0xC990] =	vst v63  }
0x5a: {  	s17 =	smov.u32 s16;
	s14 =	smov.u32 s15;
	p1 =	sne.s32 s16, $0xC00  }
.Ltmp4:
0x5b: {  	s16 =	sadd.s32 $0x80, s16;
	(pc) =	sbr.rel @p1 .LBB2_5-.Ltmp4, $2  }
0x5c: {  	_ =	sdelay $0x2  }
0x5d: {  	s15 =	sadd.s32 $0x400, s15;
	s17 =	sadd.s32 s17, s13  }
.Ltmp5:
0x5e: {  	_ = 	snop;
	(pc) =	sbr.rel .LBB2_6-.Ltmp5, $1  }
0x5f: {  	_ =	sdelay $0x3  }
.LBB2_8:
0x60: {  	_ =	sfence.sel $0x180000  }
0x61: {  	s1 =	simm.s32 $0x2;
	[bflag:$0x0] =	sbarrier.arrive $0xFFFF  }
0x62: {  	s30 =	simm.s32 $0x3;
	[sflag:s1] =	ssyncpa.u1 $0x1  }
0x63: {  	s31 =	simm.s32 $0x1;
	[sflag:s30] =	ssyncpa.u1 $0x1  }
0x64: {  	[sflag:s31] =	ssyncpa.u1 $0x1  }
0x65: {  	p0 =	sne.s32 s0, $0x0;
	_ =	strace $0x9000004A  }
0x66: {  	s0 =	sadd.s32 @!p0 $0x100000, s2;
	[bflag:$0x2] =	sbarrier.arrive $0xFFFF  }
0x67: {  	[sflag:s0] =	ssyncadd.tile.s32 @!p0 $0x1;
	_ =	shalt  }
.Lfunc_end2:
_tile_overlayer_lowered:
.L_overlay_start_2:
0x68: {  	(tag) =	ssettag $0x2  }
0x69: {  	s0 =	rddreg [dreg:$0x0];
	s2 =	stileid.u32  }
0x6a: {  	s1 =	rddreg [dreg:$0x1];
	p0 =	sne.s32 s2, $0x0  }
0x6b: {  	s3 =	rddreg [dreg:$0x2];
	[bflag:$0x3] =	sbarrier.arrive $0xFFFF;
	s2 =	simm.s32 @!p0 $0x1C01  }
0x6c: {  	[timem:s3], [sflag:s2] =	dma.local @!p0 [hbm:s0], s1  }
0x6d: {  	s0 =	simm.s32 @!p0 $0x1  }
0x6e: {  	_ =	swait.ge @!p0 [sflag:s0], s1  }
0x6f: {  	s1 =	ssub.s32 @!p0 $0x0, s1;
	[sflag:s0] =	ssyncset.done @!p0 $0x0  }
0x70: {  	[sflag:s0] =	ssyncadd.s32 @!p0 s1  }
0x71: {  	[bflag:$0x3] =	sbarrier.arrive $0xFFFF  }
0x72: {  	_ =	shalt  }

</sc_bundles>
